<compile_context>
chip_gen: v7x
topology: tpu7x:2x2x1
jax: 0.10.2.dev20260603
libtpu: 0.0.44.dev20260713+nightly
codegen_flags: <defaults>
</compile_context>

<pallas_src>
import functools

import jax
import jax.numpy as jnp
from jax import lax
from jax.experimental import pallas as pl
from jax.experimental.pallas import tpu as pltpu
from jax.experimental.pallas import tpu_sc as plsc

N = 10000
E = 320000
D_IN = 128
D_H = 256

CHUNK = 64
E_PAD = 327680
EROWS = E_PAD // CHUNK
NSUB = 16
NCORE = 2
N_PAD = 10240
STRIPE = N_PAD // NSUB

DH2 = D_H // 2
RING = 4
IB0 = 32
IB1 = 64

_mesh = plsc.VectorSubcoreMesh(core_axis_name="c", subcore_axis_name="s")



_ROWS0 = EROWS // (NCORE * NSUB)


def _zero_fill(buf, nvec):
    zero16 = jnp.zeros((16,), jnp.float32)

    def body(i, _):
        if len(buf.shape) == 2:
            r = i // (buf.shape[1] // 16)
            k = lax.rem(i, buf.shape[1] // 16)
            buf[r, pl.ds(k * 16, 16)] = zero16
        else:
            buf[pl.ds(i * 16, 16)] = zero16
        return ()

    lax.fori_loop(0, nvec, body, (), unroll=False)


def _ring_loop(table, src_v, dst_v, bufs, sems, acc, ib, extra=None):
    for k in range(RING):
        pltpu.async_copy(table.at[src_v.at[k]], bufs[k], sems[k])
    P = ib // RING

    def it(p, _):
        for k in range(RING):
            jk = RING * p + k
            pltpu.make_async_copy(table.at[src_v.at[jk]], bufs[k],
                                  sems[k]).wait()
            pltpu.async_copy(bufs[k], acc.at[dst_v.at[jk]], sems[k],
                             add=True)
            if extra is not None:
                ones_v, dacc, semd = extra
                pltpu.async_copy(ones_v, dacc.at[dst_v.at[jk]], semd,
                                 add=True)

        @pl.when(p + 1 < P)
        def _():
            for k in range(RING):
                jk = RING * p + k
                pltpu.make_async_copy(bufs[k], acc.at[dst_v.at[jk]],
                                      sems[k]).wait()
                pltpu.async_copy(table.at[src_v.at[jk + RING]], bufs[k],
                                 sems[k])
        return ()

    lax.fori_loop(0, P, it, (), unroll=False)
    for k in range(RING):
        pltpu.make_async_copy(bufs[k], acc.at[dst_v.at[k]], sems[k]).wait()


@functools.partial(
    pl.kernel,
    mesh=_mesh,
    out_type=[
        jax.ShapeDtypeStruct((NCORE, N_PAD, D_IN), jnp.float32),
        jax.ShapeDtypeStruct((NCORE, N_PAD), jnp.float32),
    ],
    scratch_types=[
        pltpu.VMEM((IB0, CHUNK), jnp.int32),
        pltpu.VMEM((IB0, CHUNK), jnp.int32),
        pltpu.VMEM((CHUNK, D_IN), jnp.float32),
        pltpu.VMEM((CHUNK, D_IN), jnp.float32),
        pltpu.VMEM((CHUNK, D_IN), jnp.float32),
        pltpu.VMEM((CHUNK, D_IN), jnp.float32),
        pltpu.VMEM((CHUNK,), jnp.float32),
        pltpu.VMEM((STRIPE,), jnp.float32),
        pltpu.VMEM_SHARED((N_PAD, D_IN), jnp.float32),
        pltpu.VMEM_SHARED((N_PAD,), jnp.float32),
        pltpu.SemaphoreType.DMA,
        pltpu.SemaphoreType.DMA,
        pltpu.SemaphoreType.DMA,
        pltpu.SemaphoreType.DMA,
        pltpu.SemaphoreType.DMA,
    ],
)
def _sc_agg0(x_hbm, src_hbm, dst_hbm, out_hbm, deg_hbm,
             src_v, dst_v, r0, r1, r2, r3, ones_v, zbuf, acc, dacc,
             s0, s1, s2, s3, semd):
    c = lax.axis_index("c")
    s = lax.axis_index("s")
    bufs = (r0, r1, r2, r3)
    sems = (s0, s1, s2, s3)
    _zero_fill(r0, CHUNK * D_IN // 16)
    for q in range(STRIPE // CHUNK):
        pltpu.sync_copy(r0, acc.at[pl.ds(s * STRIPE + q * CHUNK, CHUNK)])
    _zero_fill(zbuf, STRIPE // 16)
    pltpu.sync_copy(zbuf, dacc.at[pl.ds(s * STRIPE, STRIPE)])
    base = (c * NSUB + s) * _ROWS0
    one = jnp.ones((16,), jnp.float32)
    for k in range(CHUNK // 16):
        ones_v[pl.ds(k * 16, 16)] = one
    plsc.subcore_barrier()

    def outer(b, _):
        pltpu.sync_copy(src_hbm.at[pl.ds(base + b * IB0, IB0)], src_v)
        pltpu.sync_copy(dst_hbm.at[pl.ds(base + b * IB0, IB0)], dst_v)
        _ring_loop(x_hbm, src_v, dst_v, bufs, sems, acc, IB0,
                   extra=(ones_v, dacc, semd))

        def draind(j, _):
            pltpu.make_async_copy(ones_v, dacc.at[dst_v.at[0]], semd).wait()
            return ()

        lax.fori_loop(0, IB0, draind, (), unroll=False)
        return ()

    lax.fori_loop(0, _ROWS0 // IB0, outer, (), unroll=False)
    plsc.subcore_barrier()
    pltpu.sync_copy(acc.at[pl.ds(s * STRIPE, STRIPE)],
                    out_hbm.at[c, pl.ds(s * STRIPE, STRIPE)])
    pltpu.sync_copy(dacc.at[pl.ds(s * STRIPE, STRIPE)],
                    deg_hbm.at[c, pl.ds(s * STRIPE, STRIPE)])



_ROWS1 = EROWS // NSUB


@functools.partial(
    pl.kernel,
    mesh=_mesh,
    out_type=jax.ShapeDtypeStruct((NCORE, N_PAD, DH2), jnp.float32),
    scratch_types=[
        pltpu.VMEM((IB1, CHUNK), jnp.int32),
        pltpu.VMEM((IB1, CHUNK), jnp.int32),
        pltpu.VMEM((CHUNK, DH2), jnp.float32),
        pltpu.VMEM((CHUNK, DH2), jnp.float32),
        pltpu.VMEM((CHUNK, DH2), jnp.float32),
        pltpu.VMEM((CHUNK, DH2), jnp.float32),
        pltpu.VMEM_SHARED((N_PAD, DH2), jnp.float32),
        pltpu.SemaphoreType.DMA,
        pltpu.SemaphoreType.DMA,
        pltpu.SemaphoreType.DMA,
        pltpu.SemaphoreType.DMA,
    ],
)
def _sc_agg_half(hl_hbm, hr_hbm, src_hbm, dst_hbm, out_hbm,
                 src_v, dst_v, r0, r1, r2, r3, acc,
                 s0, s1, s2, s3):
    c = lax.axis_index("c")
    s = lax.axis_index("s")
    bufs = (r0, r1, r2, r3)
    sems = (s0, s1, s2, s3)
    _zero_fill(r0, CHUNK * DH2 // 16)
    for q in range(STRIPE // CHUNK):
        pltpu.sync_copy(r0, acc.at[pl.ds(s * STRIPE + q * CHUNK, CHUNK)])
    base = s * _ROWS1
    plsc.subcore_barrier()

    def run(table):
        def outer(b, _):
            pltpu.sync_copy(src_hbm.at[pl.ds(base + b * IB1, IB1)], src_v)
            pltpu.sync_copy(dst_hbm.at[pl.ds(base + b * IB1, IB1)], dst_v)
            _ring_loop(table, src_v, dst_v, bufs, sems, acc, IB1)
            return ()

        lax.fori_loop(0, _ROWS1 // IB1, outer, (), unroll=False)

    @pl.when(c == 0)
    def _():
        run(hl_hbm)

    @pl.when(c == 1)
    def _():
        run(hr_hbm)

    plsc.subcore_barrier()
    pltpu.sync_copy(acc.at[pl.ds(s * STRIPE, STRIPE)],
                    out_hbm.at[c, pl.ds(s * STRIPE, STRIPE)])



_R = 1000


def _prelu(o, a):
    return jnp.where(o > 0.0, o, a * o)


def _dot_t(a, w):
    return lax.dot_general(a, w, (((1,), (1,)), ((), ())),
                           precision=lax.Precision.HIGHEST,
                           preferred_element_type=jnp.float32)


def _tc0_body(parts_ref, deg_ref, x_ref, w_ref, b_ref, a_ref,
              hl_ref, hr_ref, invd_ref):
    p = parts_ref[0] + parts_ref[1]
    invd = 1.0 / jnp.maximum(deg_ref[...], 1.0)
    cat = jnp.concatenate([p * invd, x_ref[...]], axis=1)
    out = _dot_t(cat, w_ref[...]) + b_ref[...]
    out = _prelu(out, a_ref[...])
    hl_ref[...] = out[:, :DH2]
    hr_ref[...] = out[:, DH2:]
    invd_ref[...] = invd


def _tc_mid_body(parts_ref, hl_in, hr_in, invd_ref, w_ref, b_ref, a_ref,
                 hl_ref, hr_ref):
    invd = invd_ref[...]
    cat = jnp.concatenate(
        [parts_ref[0] * invd, parts_ref[1] * invd, hl_in[...], hr_in[...]],
        axis=1)
    out = _prelu(_dot_t(cat, w_ref[...]) + b_ref[...], a_ref[...])
    hl_ref[...] = out[:, :DH2]
    hr_ref[...] = out[:, DH2:]


def _tc_last_body(parts_ref, hl_in, hr_in, invd_ref, w_ref, b_ref, a_ref,
                  out_ref):
    invd = invd_ref[...]
    cat = jnp.concatenate(
        [parts_ref[0] * invd, parts_ref[1] * invd, hl_in[...], hr_in[...]],
        axis=1)
    out_ref[...] = _prelu(_dot_t(cat, w_ref[...]) + b_ref[...], a_ref[...])


def _row_spec(d):
    return pl.BlockSpec((_R, d), lambda i: (i, 0))


def _whole_spec(shape):
    return pl.BlockSpec(shape, lambda i: tuple(0 for _ in shape))


def _tc0(parts, deg, x, wcat, b, alpha):
    return pl.pallas_call(
        _tc0_body,
        grid=(N // _R,),
        in_specs=[
            pl.BlockSpec((NCORE, _R, D_IN), lambda i: (0, i, 0)),
            _row_spec(1),
            _row_spec(D_IN),
            _whole_spec((D_H, 2 * D_IN)),
            _whole_spec((1, D_H)),
            _whole_spec((1, D_H)),
        ],
        out_specs=[_row_spec(DH2), _row_spec(DH2), _row_spec(1)],
        out_shape=[
            jax.ShapeDtypeStruct((N, DH2), jnp.float32),
            jax.ShapeDtypeStruct((N, DH2), jnp.float32),
            jax.ShapeDtypeStruct((N, 1), jnp.float32),
        ],
    )(parts, deg, x, wcat, b, alpha)


def _tc_mid(parts, hl, hr, invd, wcat, b, alpha):
    return pl.pallas_call(
        _tc_mid_body,
        grid=(N // _R,),
        in_specs=[
            pl.BlockSpec((NCORE, _R, DH2), lambda i: (0, i, 0)),
            _row_spec(DH2),
            _row_spec(DH2),
            _row_spec(1),
            _whole_spec((D_H, 2 * D_H)),
            _whole_spec((1, D_H)),
            _whole_spec((1, D_H)),
        ],
        out_specs=[_row_spec(DH2), _row_spec(DH2)],
        out_shape=[
            jax.ShapeDtypeStruct((N, DH2), jnp.float32),
            jax.ShapeDtypeStruct((N, DH2), jnp.float32),
        ],
    )(parts, hl, hr, invd, wcat, b, alpha)


def _tc_last(parts, hl, hr, invd, wcat, b, alpha):
    return pl.pallas_call(
        _tc_last_body,
        grid=(N // _R,),
        in_specs=[
            pl.BlockSpec((NCORE, _R, DH2), lambda i: (0, i, 0)),
            _row_spec(DH2),
            _row_spec(DH2),
            _row_spec(1),
            _whole_spec((D_H, 2 * D_H)),
            _whole_spec((1, D_H)),
            _whole_spec((1, D_H)),
        ],
        out_specs=_row_spec(D_H),
        out_shape=jax.ShapeDtypeStruct((N, D_H), jnp.float32),
    )(parts, hl, hr, invd, wcat, b, alpha)



def kernel(x, edge_index, W_l0, b_l0, W_r0, alpha0,
           W_l1, b_l1, W_r1, alpha1, W_l2, b_l2, W_r2, alpha2):
    npad = E_PAD - E
    pad_src = jnp.arange(npad, dtype=jnp.int32) % N
    pad_dst = N + jnp.arange(npad, dtype=jnp.int32) % (N_PAD - N)
    src = jnp.concatenate([edge_index[0], pad_src]).reshape(EROWS, CHUNK)
    dst = jnp.concatenate([edge_index[1], pad_dst]).reshape(EROWS, CHUNK)
    w0 = jnp.concatenate([W_l0, W_r0], axis=1)
    w1 = jnp.concatenate([W_l1, W_r1], axis=1)
    w2 = jnp.concatenate([W_l2, W_r2], axis=1)

    parts0, degp = _sc_agg0(x, src, dst)
    deg = (degp[0] + degp[1])[:N].reshape(N, 1)
    hl, hr, invd = _tc0(parts0, deg, x, w0,
                        b_l0.reshape(1, D_H), alpha0.reshape(1, D_H))

    parts1 = _sc_agg_half(hl, hr, src, dst)
    hl, hr = _tc_mid(parts1, hl, hr, invd, w1,
                     b_l1.reshape(1, D_H), alpha1.reshape(1, D_H))

    parts2 = _sc_agg_half(hl, hr, src, dst)
    return _tc_last(parts2, hl, hr, invd, w2,
                    b_l2.reshape(1, D_H), alpha2.reshape(1, D_H))

# --- scband reference (transcript-rebuilt; emitter-appended) ---
"""Pipeline reference for scband-encoder-34127810134590 (READ-ONLY COPY).

The authoritative reference and input builder live on the scoring server;
editing this copy changes nothing except your own understanding.
"""

import jax, jax.numpy as jnp
import numpy as np

N, E, D_IN, D_H, L = 10000, 320000, 128, 256, 3


def sage_layer(x, src, dst, W_l, b_l, W_r, alpha):
    # PyG SAGEConv with mean aggregation: out = lin_l(mean_j x_j) + lin_r(x_i)
    msgs = x[src]
    agg = jax.ops.segment_sum(msgs, dst, num_segments=N)
    deg = jax.ops.segment_sum(jnp.ones((src.shape[0],), x.dtype), dst, num_segments=N)
    agg = agg / jnp.maximum(deg, 1.0)[:, None]
    out = agg @ W_l.T + b_l[None, :] + x @ W_r.T
    # PReLU with per-channel slope
    return jnp.where(out > 0, out, alpha[None, :] * out)


def setup_inputs(seed: int = 0):
    key = jax.random.key(seed)
    ks = jax.random.split(key, 20)
    inp = {}
    inp['x'] = jax.random.normal(ks[0], (N, D_IN), dtype=jnp.float32)
    inp['edge_index'] = jax.random.randint(ks[1], (2, E), 0, N, dtype=jnp.int32)
    kidx = 2
    for i in range(L):
        fan_in = D_IN if i == 0 else D_H
        s = 1.0 / np.sqrt(fan_in)
        inp[f'W_l{i}'] = jax.random.uniform(ks[kidx], (D_H, fan_in), jnp.float32, -s, s); kidx += 1
        inp[f'b_l{i}'] = jnp.zeros((D_H,), jnp.float32)
        inp[f'W_r{i}'] = jax.random.uniform(ks[kidx], (D_H, fan_in), jnp.float32, -s, s); kidx += 1
        inp[f'alpha{i}'] = jnp.full((D_H,), 0.25, jnp.float32)
    return inp


def reference(x, edge_index, W_l0, b_l0, W_r0, alpha0, W_l1, b_l1, W_r1, alpha1, W_l2, b_l2, W_r2, alpha2):
    src, dst = edge_index[0], edge_index[1]
    h = sage_layer(x, src, dst, W_l0, b_l0, W_r0, alpha0)
    h = sage_layer(h, src, dst, W_l1, b_l1, W_r1, alpha1)
    h = sage_layer(h, src, dst, W_l2, b_l2, W_r2, alpha2)
    return h

if __name__ == "__main__":
    import jax
    _d = setup_inputs()
    print(jax.jit(kernel)(*tuple(_d.values())))

</pallas_src>

<mosaic_0001>
#map = affine_map<(d0, d1) -> (0, 0)>
#map1 = affine_map<(d0, d1) -> (0, 0, 0)>
module attributes {stable_mosaic.version = 14 : i64} {
  func.func @_sc_agg0(%arg0: i32, %arg1: i32, %arg2: memref<10000x128xf32, #tpu.memory_space<hbm>>, %arg3: memref<5120x64xi32, #tpu.memory_space<hbm>>, %arg4: memref<5120x64xi32, #tpu.memory_space<hbm>>, %arg5: memref<2x10240x128xf32, #tpu.memory_space<hbm>>, %arg6: memref<2x10240xf32, #tpu.memory_space<hbm>>, %arg7: memref<32x64xi32, #tpu.memory_space<vmem>>, %arg8: memref<32x64xi32, #tpu.memory_space<vmem>>, %arg9: memref<64x128xf32, #tpu.memory_space<vmem>>, %arg10: memref<64x128xf32, #tpu.memory_space<vmem>>, %arg11: memref<64x128xf32, #tpu.memory_space<vmem>>, %arg12: memref<64x128xf32, #tpu.memory_space<vmem>>, %arg13: memref<64xf32, #tpu.memory_space<vmem>>, %arg14: memref<640xf32, #tpu.memory_space<vmem>>, %arg15: memref<10240x128xf32, #tpu.memory_space<vmem_shared>>, %arg16: memref<10240xf32, #tpu.memory_space<vmem_shared>>, %arg17: memref<!tpu.dma_semaphore, #tpu.memory_space<semaphore_mem>>, %arg18: memref<!tpu.dma_semaphore, #tpu.memory_space<semaphore_mem>>, %arg19: memref<!tpu.dma_semaphore, #tpu.memory_space<semaphore_mem>>, %arg20: memref<!tpu.dma_semaphore, #tpu.memory_space<semaphore_mem>>, %arg21: memref<!tpu.dma_semaphore, #tpu.memory_space<semaphore_mem>>) attributes {dimension_semantics = [#tpu.dimension_semantics<core_parallel>, #tpu.dimension_semantics<subcore_parallel>], iteration_bounds = array<i64: 2, 16>, scalar_prefetch = 0 : i64, scratch_operands = 15 : i64, tpu.core_type = #tpu.core_type<sc_vector_subcore>, window_params = [{transform_indices = #map}, {transform_indices = #map}, {transform_indices = #map}, {transform_indices = #map1}, {transform_indices = #map}]} {
    %broadcast_in_dim3A = arith.constant 0.000000e+00 : f32
    %broadcast_in_dim3A_0 = vector.broadcast %broadcast_in_dim3A : f32 to vector<16xf32>
    %scan3A = arith.constant 0 : i32
    %scan3A_1 = arith.constant 512 : i32
    %scan3A_2 = arith.addi %scan3A, %scan3A_1 : i32
    %scan3A_3 = arith.constant 1 : i32
    scf.for %scan3A_88 = %scan3A to %scan3A_2 step %scan3A_3  : i32 {
      %jit3A = arith.constant 8 : i32
      %div3A = arith.divsi %scan3A_88, %jit3A : i32
      %sign3A = arith.constant 0 : i32
      %sign3A_89 = arith.cmpi sgt, %scan3A_88, %sign3A : i32
      %sign3A_90 = arith.extui %sign3A_89 : i1 to i32
      %sign3A_91 = arith.constant 0 : i32
      %sign3A_92 = arith.cmpi slt, %scan3A_88, %sign3A_91 : i32
      %sign3A_93 = arith.extui %sign3A_92 : i1 to i32
      %sign3A_94 = arith.subi %sign3A_90, %sign3A_93 : i32
      %sign3A_95 = arith.constant 0 : i32
      %sign3A_96 = arith.cmpi sgt, %jit3A, %sign3A_95 : i32
      %sign3A_97 = arith.extui %sign3A_96 : i1 to i32
      %sign3A_98 = arith.constant 0 : i32
      %sign3A_99 = arith.cmpi slt, %jit3A, %sign3A_98 : i32
      %sign3A_100 = arith.extui %sign3A_99 : i1 to i32
      %sign3A_101 = arith.subi %sign3A_97, %sign3A_100 : i32
      %ne3A = arith.cmpi ne, %sign3A_94, %sign3A_101 : i32
      %rem3A = arith.remsi %scan3A_88, %jit3A : i32
      %ne3A_102 = arith.constant 0 : i32
      %ne3A_103 = arith.cmpi ne, %rem3A, %ne3A_102 : i32
      %and3A = arith.andi %ne3A, %ne3A_103 : i1
      %sub3A = arith.constant 1 : i32
      %sub3A_104 = arith.subi %div3A, %sub3A : i32
      %select_n3A = arith.select %and3A, %sub3A_104, %div3A : i32
      %rem3A_105 = arith.constant 8 : i32
      %rem3A_106 = arith.remsi %scan3A_88, %rem3A_105 : i32
      %mul3A_107 = arith.constant 16 : i32
      %mul3A_108 = arith.muli %rem3A_106, %mul3A_107 : i32
      %swap3A_109 = arith.index_cast %select_n3A : i32 to index
      %swap3A_110 = arith.index_cast %mul3A_108 : i32 to index
      %swap3A_111 = tpu.vector_load %arg9[%swap3A_109, %swap3A_110] {strides = array<i32>} : memref<64x128xf32, #tpu.memory_space<vmem>>, vector<1x16xf32>,
      %swap3A_112 = vector.shape_cast %swap3A_111 : vector<1x16xf32> to vector<16xf32>
      %swap3A_113 = vector.shape_cast %broadcast_in_dim3A_0 : vector<16xf32> to vector<1x16xf32>
      tpu.vector_store %arg9[%swap3A_109, %swap3A_110], %swap3A_113 {strides = array<i32>} : memref<64x128xf32, #tpu.memory_space<vmem>>, vector<1x16xf32>,
    }
    %scan3A_4 = arith.constant 512 : i32
    %mul3A = arith.constant 640 : i32
    %mul3A_5 = arith.muli %arg1, %mul3A : i32
    %add3A = arith.constant 0 : i32
    %add3A_6 = arith.addi %mul3A_5, %add3A : i32
    "tpu.region"() ({
      %run_scoped3A = tpu.sem_alloc : memref<!tpu.dma_semaphore, #tpu.memory_space<semaphore_mem>>
      %dma_start3A = arith.constant 0 : i32
      %dma_start3A_88 = tpu.memref_slice %arg15[%add3A_6, %dma_start3A] : memref<10240x128xf32, #tpu.memory_space<vmem_shared>> -> memref<64x128xf32, #tpu.memory_space<vmem_shared>>
      %dma_start3A_89 = arith.constant 0 : i32
      %dma_start3A_90 = tpu.memref_slice %arg15[%add3A_6, %dma_start3A_89] : memref<10240x128xf32, #tpu.memory_space<vmem_shared>> -> memref<64x128xf32, #tpu.memory_space<vmem_shared>>
      tpu.enqueue_dma source(%arg9 : memref<64x128xf32, #tpu.memory_space<vmem>>) target(%dma_start3A_90 : memref<64x128xf32, #tpu.memory_space<vmem_shared>>) target_semaphore(%run_scoped3A : memref<!tpu.dma_semaphore, #tpu.memory_space<semaphore_mem>>)
      %dma_wait3A = arith.constant 0 : i32
      %dma_wait3A_91 = tpu.memref_slice %arg15[%add3A_6, %dma_wait3A] : memref<10240x128xf32, #tpu.memory_space<vmem_shared>> -> memref<64x128xf32, #tpu.memory_space<vmem_shared>>
      %dma_wait3A_92 = arith.constant 0 : i32
      %dma_wait3A_93 = tpu.memref_slice %arg15[%add3A_6, %dma_wait3A_92] : memref<10240x128xf32, #tpu.memory_space<vmem_shared>> -> memref<64x128xf32, #tpu.memory_space<vmem_shared>>
      tpu.wait_dma2 semaphore(%run_scoped3A : memref<!tpu.dma_semaphore, #tpu.memory_space<semaphore_mem>>) src(%arg9 : memref<64x128xf32, #tpu.memory_space<vmem>>) dst(%dma_wait3A_93 : memref<64x128xf32, #tpu.memory_space<vmem_shared>>)
      tpu.yield
    }) : () -> ()
    %mul3A_7 = arith.constant 640 : i32
    %mul3A_8 = arith.muli %arg1, %mul3A_7 : i32
    %add3A_9 = arith.constant 64 : i32
    %add3A_10 = arith.addi %mul3A_8, %add3A_9 : i32
    "tpu.region"() ({
      %run_scoped3A = tpu.sem_alloc : memref<!tpu.dma_semaphore, #tpu.memory_space<semaphore_mem>>
      %dma_start3A = arith.constant 0 : i32
      %dma_start3A_88 = tpu.memref_slice %arg15[%add3A_10, %dma_start3A] : memref<10240x128xf32, #tpu.memory_space<vmem_shared>> -> memref<64x128xf32, #tpu.memory_space<vmem_shared>>
      %dma_start3A_89 = arith.constant 0 : i32
      %dma_start3A_90 = tpu.memref_slice %arg15[%add3A_10, %dma_start3A_89] : memref<10240x128xf32, #tpu.memory_space<vmem_shared>> -> memref<64x128xf32, #tpu.memory_space<vmem_shared>>
      tpu.enqueue_dma source(%arg9 : memref<64x128xf32, #tpu.memory_space<vmem>>) target(%dma_start3A_90 : memref<64x128xf32, #tpu.memory_space<vmem_shared>>) target_semaphore(%run_scoped3A : memref<!tpu.dma_semaphore, #tpu.memory_space<semaphore_mem>>)
      %dma_wait3A = arith.constant 0 : i32
      %dma_wait3A_91 = tpu.memref_slice %arg15[%add3A_10, %dma_wait3A] : memref<10240x128xf32, #tpu.memory_space<vmem_shared>> -> memref<64x128xf32, #tpu.memory_space<vmem_shared>>
      %dma_wait3A_92 = arith.constant 0 : i32
      %dma_wait3A_93 = tpu.memref_slice %arg15[%add3A_10, %dma_wait3A_92] : memref<10240x128xf32, #tpu.memory_space<vmem_shared>> -> memref<64x128xf32, #tpu.memory_space<vmem_shared>>
      tpu.wait_dma2 semaphore(%run_scoped3A : memref<!tpu.dma_semaphore, #tpu.memory_space<semaphore_mem>>) src(%arg9 : memref<64x128xf32, #tpu.memory_space<vmem>>) dst(%dma_wait3A_93 : memref<64x128xf32, #tpu.memory_space<vmem_shared>>)
      tpu.yield
    }) : () -> ()
    %mul3A_11 = arith.constant 640 : i32
    %mul3A_12 = arith.muli %arg1, %mul3A_11 : i32
    %add3A_13 = arith.constant 128 : i32
    %add3A_14 = arith.addi %mul3A_12, %add3A_13 : i32
    "tpu.region"() ({
      %run_scoped3A = tpu.sem_alloc : memref<!tpu.dma_semaphore, #tpu.memory_space<semaphore_mem>>
      %dma_start3A = arith.constant 0 : i32
      %dma_start3A_88 = tpu.memref_slice %arg15[%add3A_14, %dma_start3A] : memref<10240x128xf32, #tpu.memory_space<vmem_shared>> -> memref<64x128xf32, #tpu.memory_space<vmem_shared>>
      %dma_start3A_89 = arith.constant 0 : i32
      %dma_start3A_90 = tpu.memref_slice %arg15[%add3A_14, %dma_start3A_89] : memref<10240x128xf32, #tpu.memory_space<vmem_shared>> -> memref<64x128xf32, #tpu.memory_space<vmem_shared>>
      tpu.enqueue_dma source(%arg9 : memref<64x128xf32, #tpu.memory_space<vmem>>) target(%dma_start3A_90 : memref<64x128xf32, #tpu.memory_space<vmem_shared>>) target_semaphore(%run_scoped3A : memref<!tpu.dma_semaphore, #tpu.memory_space<semaphore_mem>>)
      %dma_wait3A = arith.constant 0 : i32
      %dma_wait3A_91 = tpu.memref_slice %arg15[%add3A_14, %dma_wait3A] : memref<10240x128xf32, #tpu.memory_space<vmem_shared>> -> memref<64x128xf32, #tpu.memory_space<vmem_shared>>
      %dma_wait3A_92 = arith.constant 0 : i32
      %dma_wait3A_93 = tpu.memref_slice %arg15[%add3A_14, %dma_wait3A_92] : memref<10240x128xf32, #tpu.memory_space<vmem_shared>> -> memref<64x128xf32, #tpu.memory_space<vmem_shared>>
      tpu.wait_dma2 semaphore(%run_scoped3A : memref<!tpu.dma_semaphore, #tpu.memory_space<semaphore_mem>>) src(%arg9 : memref<64x128xf32, #tpu.memory_space<vmem>>) dst(%dma_wait3A_93 : memref<64x128xf32, #tpu.memory_space<vmem_shared>>)
      tpu.yield
    }) : () -> ()
    %mul3A_15 = arith.constant 640 : i32
    %mul3A_16 = arith.muli %arg1, %mul3A_15 : i32
    %add3A_17 = arith.constant 192 : i32
    %add3A_18 = arith.addi %mul3A_16, %add3A_17 : i32
    "tpu.region"() ({
      %run_scoped3A = tpu.sem_alloc : memref<!tpu.dma_semaphore, #tpu.memory_space<semaphore_mem>>
      %dma_start3A = arith.constant 0 : i32
      %dma_start3A_88 = tpu.memref_slice %arg15[%add3A_18, %dma_start3A] : memref<10240x128xf32, #tpu.memory_space<vmem_shared>> -> memref<64x128xf32, #tpu.memory_space<vmem_shared>>
      %dma_start3A_89 = arith.constant 0 : i32
      %dma_start3A_90 = tpu.memref_slice %arg15[%add3A_18, %dma_start3A_89] : memref<10240x128xf32, #tpu.memory_space<vmem_shared>> -> memref<64x128xf32, #tpu.memory_space<vmem_shared>>
      tpu.enqueue_dma source(%arg9 : memref<64x128xf32, #tpu.memory_space<vmem>>) target(%dma_start3A_90 : memref<64x128xf32, #tpu.memory_space<vmem_shared>>) target_semaphore(%run_scoped3A : memref<!tpu.dma_semaphore, #tpu.memory_space<semaphore_mem>>)
      %dma_wait3A = arith.constant 0 : i32
      %dma_wait3A_91 = tpu.memref_slice %arg15[%add3A_18, %dma_wait3A] : memref<10240x128xf32, #tpu.memory_space<vmem_shared>> -> memref<64x128xf32, #tpu.memory_space<vmem_shared>>
      %dma_wait3A_92 = arith.constant 0 : i32
      %dma_wait3A_93 = tpu.memref_slice %arg15[%add3A_18, %dma_wait3A_92] : memref<10240x128xf32, #tpu.memory_space<vmem_shared>> -> memref<64x128xf32, #tpu.memory_space<vmem_shared>>
      tpu.wait_dma2 semaphore(%run_scoped3A : memref<!tpu.dma_semaphore, #tpu.memory_space<semaphore_mem>>) src(%arg9 : memref<64x128xf32, #tpu.memory_space<vmem>>) dst(%dma_wait3A_93 : memref<64x128xf32, #tpu.memory_space<vmem_shared>>)
      tpu.yield
    }) : () -> ()
    %mul3A_19 = arith.constant 640 : i32
    %mul3A_20 = arith.muli %arg1, %mul3A_19 : i32
    %add3A_21 = arith.constant 256 : i32
    %add3A_22 = arith.addi %mul3A_20, %add3A_21 : i32
    "tpu.region"() ({
      %run_scoped3A = tpu.sem_alloc : memref<!tpu.dma_semaphore, #tpu.memory_space<semaphore_mem>>
      %dma_start3A = arith.constant 0 : i32
      %dma_start3A_88 = tpu.memref_slice %arg15[%add3A_22, %dma_start3A] : memref<10240x128xf32, #tpu.memory_space<vmem_shared>> -> memref<64x128xf32, #tpu.memory_space<vmem_shared>>
      %dma_start3A_89 = arith.constant 0 : i32
      %dma_start3A_90 = tpu.memref_slice %arg15[%add3A_22, %dma_start3A_89] : memref<10240x128xf32, #tpu.memory_space<vmem_shared>> -> memref<64x128xf32, #tpu.memory_space<vmem_shared>>
      tpu.enqueue_dma source(%arg9 : memref<64x128xf32, #tpu.memory_space<vmem>>) target(%dma_start3A_90 : memref<64x128xf32, #tpu.memory_space<vmem_shared>>) target_semaphore(%run_scoped3A : memref<!tpu.dma_semaphore, #tpu.memory_space<semaphore_mem>>)
      %dma_wait3A = arith.constant 0 : i32
      %dma_wait3A_91 = tpu.memref_slice %arg15[%add3A_22, %dma_wait3A] : memref<10240x128xf32, #tpu.memory_space<vmem_shared>> -> memref<64x128xf32, #tpu.memory_space<vmem_shared>>
      %dma_wait3A_92 = arith.constant 0 : i32
      %dma_wait3A_93 = tpu.memref_slice %arg15[%add3A_22, %dma_wait3A_92] : memref<10240x128xf32, #tpu.memory_space<vmem_shared>> -> memref<64x128xf32, #tpu.memory_space<vmem_shared>>
      tpu.wait_dma2 semaphore(%run_scoped3A : memref<!tpu.dma_semaphore, #tpu.memory_space<semaphore_mem>>) src(%arg9 : memref<64x128xf32, #tpu.memory_space<vmem>>) dst(%dma_wait3A_93 : memref<64x128xf32, #tpu.memory_space<vmem_shared>>)
      tpu.yield
    }) : () -> ()
    %mul3A_23 = arith.constant 640 : i32
    %mul3A_24 = arith.muli %arg1, %mul3A_23 : i32
    %add3A_25 = arith.constant 320 : i32
    %add3A_26 = arith.addi %mul3A_24, %add3A_25 : i32
    "tpu.region"() ({
      %run_scoped3A = tpu.sem_alloc : memref<!tpu.dma_semaphore, #tpu.memory_space<semaphore_mem>>
      %dma_start3A = arith.constant 0 : i32
      %dma_start3A_88 = tpu.memref_slice %arg15[%add3A_26, %dma_start3A] : memref<10240x128xf32, #tpu.memory_space<vmem_shared>> -> memref<64x128xf32, #tpu.memory_space<vmem_shared>>
      %dma_start3A_89 = arith.constant 0 : i32
      %dma_start3A_90 = tpu.memref_slice %arg15[%add3A_26, %dma_start3A_89] : memref<10240x128xf32, #tpu.memory_space<vmem_shared>> -> memref<64x128xf32, #tpu.memory_space<vmem_shared>>
      tpu.enqueue_dma source(%arg9 : memref<64x128xf32, #tpu.memory_space<vmem>>) target(%dma_start3A_90 : memref<64x128xf32, #tpu.memory_space<vmem_shared>>) target_semaphore(%run_scoped3A : memref<!tpu.dma_semaphore, #tpu.memory_space<semaphore_mem>>)
      %dma_wait3A = arith.constant 0 : i32
      %dma_wait3A_91 = tpu.memref_slice %arg15[%add3A_26, %dma_wait3A] : memref<10240x128xf32, #tpu.memory_space<vmem_shared>> -> memref<64x128xf32, #tpu.memory_space<vmem_shared>>
      %dma_wait3A_92 = arith.constant 0 : i32
      %dma_wait3A_93 = tpu.memref_slice %arg15[%add3A_26, %dma_wait3A_92] : memref<10240x128xf32, #tpu.memory_space<vmem_shared>> -> memref<64x128xf32, #tpu.memory_space<vmem_shared>>
      tpu.wait_dma2 semaphore(%run_scoped3A : memref<!tpu.dma_semaphore, #tpu.memory_space<semaphore_mem>>) src(%arg9 : memref<64x128xf32, #tpu.memory_space<vmem>>) dst(%dma_wait3A_93 : memref<64x128xf32, #tpu.memory_space<vmem_shared>>)
      tpu.yield
    }) : () -> ()
    %mul3A_27 = arith.constant 640 : i32
    %mul3A_28 = arith.muli %arg1, %mul3A_27 : i32
    %add3A_29 = arith.constant 384 : i32
    %add3A_30 = arith.addi %mul3A_28, %add3A_29 : i32
    "tpu.region"() ({
      %run_scoped3A = tpu.sem_alloc : memref<!tpu.dma_semaphore, #tpu.memory_space<semaphore_mem>>
      %dma_start3A = arith.constant 0 : i32
      %dma_start3A_88 = tpu.memref_slice %arg15[%add3A_30, %dma_start3A] : memref<10240x128xf32, #tpu.memory_space<vmem_shared>> -> memref<64x128xf32, #tpu.memory_space<vmem_shared>>
      %dma_start3A_89 = arith.constant 0 : i32
      %dma_start3A_90 = tpu.memref_slice %arg15[%add3A_30, %dma_start3A_89] : memref<10240x128xf32, #tpu.memory_space<vmem_shared>> -> memref<64x128xf32, #tpu.memory_space<vmem_shared>>
      tpu.enqueue_dma source(%arg9 : memref<64x128xf32, #tpu.memory_space<vmem>>) target(%dma_start3A_90 : memref<64x128xf32, #tpu.memory_space<vmem_shared>>) target_semaphore(%run_scoped3A : memref<!tpu.dma_semaphore, #tpu.memory_space<semaphore_mem>>)
      %dma_wait3A = arith.constant 0 : i32
      %dma_wait3A_91 = tpu.memref_slice %arg15[%add3A_30, %dma_wait3A] : memref<10240x128xf32, #tpu.memory_space<vmem_shared>> -> memref<64x128xf32, #tpu.memory_space<vmem_shared>>
      %dma_wait3A_92 = arith.constant 0 : i32
      %dma_wait3A_93 = tpu.memref_slice %arg15[%add3A_30, %dma_wait3A_92] : memref<10240x128xf32, #tpu.memory_space<vmem_shared>> -> memref<64x128xf32, #tpu.memory_space<vmem_shared>>
      tpu.wait_dma2 semaphore(%run_scoped3A : memref<!tpu.dma_semaphore, #tpu.memory_space<semaphore_mem>>) src(%arg9 : memref<64x128xf32, #tpu.memory_space<vmem>>) dst(%dma_wait3A_93 : memref<64x128xf32, #tpu.memory_space<vmem_shared>>)
      tpu.yield
    }) : () -> ()
    %mul3A_31 = arith.constant 640 : i32
    %mul3A_32 = arith.muli %arg1, %mul3A_31 : i32
    %add3A_33 = arith.constant 448 : i32
    %add3A_34 = arith.addi %mul3A_32, %add3A_33 : i32
    "tpu.region"() ({
      %run_scoped3A = tpu.sem_alloc : memref<!tpu.dma_semaphore, #tpu.memory_space<semaphore_mem>>
      %dma_start3A = arith.constant 0 : i32
      %dma_start3A_88 = tpu.memref_slice %arg15[%add3A_34, %dma_start3A] : memref<10240x128xf32, #tpu.memory_space<vmem_shared>> -> memref<64x128xf32, #tpu.memory_space<vmem_shared>>
      %dma_start3A_89 = arith.constant 0 : i32
      %dma_start3A_90 = tpu.memref_slice %arg15[%add3A_34, %dma_start3A_89] : memref<10240x128xf32, #tpu.memory_space<vmem_shared>> -> memref<64x128xf32, #tpu.memory_space<vmem_shared>>
      tpu.enqueue_dma source(%arg9 : memref<64x128xf32, #tpu.memory_space<vmem>>) target(%dma_start3A_90 : memref<64x128xf32, #tpu.memory_space<vmem_shared>>) target_semaphore(%run_scoped3A : memref<!tpu.dma_semaphore, #tpu.memory_space<semaphore_mem>>)
      %dma_wait3A = arith.constant 0 : i32
      %dma_wait3A_91 = tpu.memref_slice %arg15[%add3A_34, %dma_wait3A] : memref<10240x128xf32, #tpu.memory_space<vmem_shared>> -> memref<64x128xf32, #tpu.memory_space<vmem_shared>>
      %dma_wait3A_92 = arith.constant 0 : i32
      %dma_wait3A_93 = tpu.memref_slice %arg15[%add3A_34, %dma_wait3A_92] : memref<10240x128xf32, #tpu.memory_space<vmem_shared>> -> memref<64x128xf32, #tpu.memory_space<vmem_shared>>
      tpu.wait_dma2 semaphore(%run_scoped3A : memref<!tpu.dma_semaphore, #tpu.memory_space<semaphore_mem>>) src(%arg9 : memref<64x128xf32, #tpu.memory_space<vmem>>) dst(%dma_wait3A_93 : memref<64x128xf32, #tpu.memory_space<vmem_shared>>)
      tpu.yield
    }) : () -> ()
    %mul3A_35 = arith.constant 640 : i32
    %mul3A_36 = arith.muli %arg1, %mul3A_35 : i32
    %add3A_37 = arith.constant 512 : i32
    %add3A_38 = arith.addi %mul3A_36, %add3A_37 : i32
    "tpu.region"() ({
      %run_scoped3A = tpu.sem_alloc : memref<!tpu.dma_semaphore, #tpu.memory_space<semaphore_mem>>
      %dma_start3A = arith.constant 0 : i32
      %dma_start3A_88 = tpu.memref_slice %arg15[%add3A_38, %dma_start3A] : memref<10240x128xf32, #tpu.memory_space<vmem_shared>> -> memref<64x128xf32, #tpu.memory_space<vmem_shared>>
      %dma_start3A_89 = arith.constant 0 : i32
      %dma_start3A_90 = tpu.memref_slice %arg15[%add3A_38, %dma_start3A_89] : memref<10240x128xf32, #tpu.memory_space<vmem_shared>> -> memref<64x128xf32, #tpu.memory_space<vmem_shared>>
      tpu.enqueue_dma source(%arg9 : memref<64x128xf32, #tpu.memory_space<vmem>>) target(%dma_start3A_90 : memref<64x128xf32, #tpu.memory_space<vmem_shared>>) target_semaphore(%run_scoped3A : memref<!tpu.dma_semaphore, #tpu.memory_space<semaphore_mem>>)
      %dma_wait3A = arith.constant 0 : i32
      %dma_wait3A_91 = tpu.memref_slice %arg15[%add3A_38, %dma_wait3A] : memref<10240x128xf32, #tpu.memory_space<vmem_shared>> -> memref<64x128xf32, #tpu.memory_space<vmem_shared>>
      %dma_wait3A_92 = arith.constant 0 : i32
      %dma_wait3A_93 = tpu.memref_slice %arg15[%add3A_38, %dma_wait3A_92] : memref<10240x128xf32, #tpu.memory_space<vmem_shared>> -> memref<64x128xf32, #tpu.memory_space<vmem_shared>>
      tpu.wait_dma2 semaphore(%run_scoped3A : memref<!tpu.dma_semaphore, #tpu.memory_space<semaphore_mem>>) src(%arg9 : memref<64x128xf32, #tpu.memory_space<vmem>>) dst(%dma_wait3A_93 : memref<64x128xf32, #tpu.memory_space<vmem_shared>>)
      tpu.yield
    }) : () -> ()
    %mul3A_39 = arith.constant 640 : i32
    %mul3A_40 = arith.muli %arg1, %mul3A_39 : i32
    %add3A_41 = arith.constant 576 : i32
    %add3A_42 = arith.addi %mul3A_40, %add3A_41 : i32
    "tpu.region"() ({
      %run_scoped3A = tpu.sem_alloc : memref<!tpu.dma_semaphore, #tpu.memory_space<semaphore_mem>>
      %dma_start3A = arith.constant 0 : i32
      %dma_start3A_88 = tpu.memref_slice %arg15[%add3A_42, %dma_start3A] : memref<10240x128xf32, #tpu.memory_space<vmem_shared>> -> memref<64x128xf32, #tpu.memory_space<vmem_shared>>
      %dma_start3A_89 = arith.constant 0 : i32
      %dma_start3A_90 = tpu.memref_slice %arg15[%add3A_42, %dma_start3A_89] : memref<10240x128xf32, #tpu.memory_space<vmem_shared>> -> memref<64x128xf32, #tpu.memory_space<vmem_shared>>
      tpu.enqueue_dma source(%arg9 : memref<64x128xf32, #tpu.memory_space<vmem>>) target(%dma_start3A_90 : memref<64x128xf32, #tpu.memory_space<vmem_shared>>) target_semaphore(%run_scoped3A : memref<!tpu.dma_semaphore, #tpu.memory_space<semaphore_mem>>)
      %dma_wait3A = arith.constant 0 : i32
      %dma_wait3A_91 = tpu.memref_slice %arg15[%add3A_42, %dma_wait3A] : memref<10240x128xf32, #tpu.memory_space<vmem_shared>> -> memref<64x128xf32, #tpu.memory_space<vmem_shared>>
      %dma_wait3A_92 = arith.constant 0 : i32
      %dma_wait3A_93 = tpu.memref_slice %arg15[%add3A_42, %dma_wait3A_92] : memref<10240x128xf32, #tpu.memory_space<vmem_shared>> -> memref<64x128xf32, #tpu.memory_space<vmem_shared>>
      tpu.wait_dma2 semaphore(%run_scoped3A : memref<!tpu.dma_semaphore, #tpu.memory_space<semaphore_mem>>) src(%arg9 : memref<64x128xf32, #tpu.memory_space<vmem>>) dst(%dma_wait3A_93 : memref<64x128xf32, #tpu.memory_space<vmem_shared>>)
      tpu.yield
    }) : () -> ()
    %broadcast_in_dim3A_43 = arith.constant 0.000000e+00 : f32
    %broadcast_in_dim3A_44 = vector.broadcast %broadcast_in_dim3A_43 : f32 to vector<16xf32>
    %scan3A_45 = arith.constant 0 : i32
    %scan3A_46 = arith.constant 40 : i32
    %scan3A_47 = arith.addi %scan3A_45, %scan3A_46 : i32
    %scan3A_48 = arith.constant 1 : i32
    scf.for %scan3A_88 = %scan3A_45 to %scan3A_47 step %scan3A_48  : i32 {
      %mul3A_89 = arith.constant 16 : i32
      %mul3A_90 = arith.muli %scan3A_88, %mul3A_89 : i32
      %swap3A_91 = arith.index_cast %mul3A_90 : i32 to index
      %swap3A_92 = tpu.vector_load %arg14[%swap3A_91] {strides = array<i32>} : memref<640xf32, #tpu.memory_space<vmem>>, vector<16xf32>,
      %swap3A_93 = vector.shape_cast %swap3A_92 : vector<16xf32> to vector<16xf32>
      %swap3A_94 = vector.shape_cast %broadcast_in_dim3A_44 : vector<16xf32> to vector<16xf32>
      tpu.vector_store %arg14[%swap3A_91], %swap3A_94 {strides = array<i32>} : memref<640xf32, #tpu.memory_space<vmem>>, vector<16xf32>,
    }
    %scan3A_49 = arith.constant 40 : i32
    %mul3A_50 = arith.constant 640 : i32
    %mul3A_51 = arith.muli %arg1, %mul3A_50 : i32
    "tpu.region"() ({
      %run_scoped3A = tpu.sem_alloc : memref<!tpu.dma_semaphore, #tpu.memory_space<semaphore_mem>>
      %dma_start3A = tpu.memref_slice %arg16[%mul3A_51] : memref<10240xf32, #tpu.memory_space<vmem_shared>> -> memref<640xf32, #tpu.memory_space<vmem_shared>>
      %dma_start3A_88 = tpu.memref_slice %arg16[%mul3A_51] : memref<10240xf32, #tpu.memory_space<vmem_shared>> -> memref<640xf32, #tpu.memory_space<vmem_shared>>
      tpu.enqueue_dma source(%arg14 : memref<640xf32, #tpu.memory_space<vmem>>) target(%dma_start3A_88 : memref<640xf32, #tpu.memory_space<vmem_shared>>) target_semaphore(%run_scoped3A : memref<!tpu.dma_semaphore, #tpu.memory_space<semaphore_mem>>)
      %dma_wait3A = tpu.memref_slice %arg16[%mul3A_51] : memref<10240xf32, #tpu.memory_space<vmem_shared>> -> memref<640xf32, #tpu.memory_space<vmem_shared>>
      %dma_wait3A_89 = tpu.memref_slice %arg16[%mul3A_51] : memref<10240xf32, #tpu.memory_space<vmem_shared>> -> memref<640xf32, #tpu.memory_space<vmem_shared>>
      tpu.wait_dma2 semaphore(%run_scoped3A : memref<!tpu.dma_semaphore, #tpu.memory_space<semaphore_mem>>) src(%arg14 : memref<640xf32, #tpu.memory_space<vmem>>) dst(%dma_wait3A_89 : memref<640xf32, #tpu.memory_space<vmem_shared>>)
      tpu.yield
    }) : () -> ()
    %mul3A_52 = arith.constant 16 : i32
    %mul3A_53 = arith.muli %arg0, %mul3A_52 : i32
    %add3A_54 = arith.addi %mul3A_53, %arg1 : i32
    %mul3A_55 = arith.constant 160 : i32
    %mul3A_56 = arith.muli %add3A_54, %mul3A_55 : i32
    %broadcast_in_dim3A_57 = arith.constant 1.000000e+00 : f32
    %broadcast_in_dim3A_58 = vector.broadcast %broadcast_in_dim3A_57 : f32 to vector<16xf32>
    %swap3A = arith.constant 0 : index
    %swap3A_59 = tpu.vector_load %arg13[%swap3A] {strides = array<i32>} : memref<64xf32, #tpu.memory_space<vmem>>, vector<16xf32>,
    %swap3A_60 = vector.shape_cast %swap3A_59 : vector<16xf32> to vector<16xf32>
    %swap3A_61 = vector.shape_cast %broadcast_in_dim3A_58 : vector<16xf32> to vector<16xf32>
    tpu.vector_store %arg13[%swap3A], %swap3A_61 {strides = array<i32>} : memref<64xf32, #tpu.memory_space<vmem>>, vector<16xf32>,
    %swap3A_62 = arith.constant 16 : index
    %swap3A_63 = tpu.vector_load %arg13[%swap3A_62] {strides = array<i32>} : memref<64xf32, #tpu.memory_space<vmem>>, vector<16xf32>,
    %swap3A_64 = vector.shape_cast %swap3A_63 : vector<16xf32> to vector<16xf32>
    %swap3A_65 = vector.shape_cast %broadcast_in_dim3A_58 : vector<16xf32> to vector<16xf32>
    tpu.vector_store %arg13[%swap3A_62], %swap3A_65 {strides = array<i32>} : memref<64xf32, #tpu.memory_space<vmem>>, vector<16xf32>,
    %swap3A_66 = arith.constant 32 : index
    %swap3A_67 = tpu.vector_load %arg13[%swap3A_66] {strides = array<i32>} : memref<64xf32, #tpu.memory_space<vmem>>, vector<16xf32>,
    %swap3A_68 = vector.shape_cast %swap3A_67 : vector<16xf32> to vector<16xf32>
    %swap3A_69 = vector.shape_cast %broadcast_in_dim3A_58 : vector<16xf32> to vector<16xf32>
    tpu.vector_store %arg13[%swap3A_66], %swap3A_69 {strides = array<i32>} : memref<64xf32, #tpu.memory_space<vmem>>, vector<16xf32>,
    %swap3A_70 = arith.constant 48 : index
    %swap3A_71 = tpu.vector_load %arg13[%swap3A_70] {strides = array<i32>} : memref<64xf32, #tpu.memory_space<vmem>>, vector<16xf32>,
    %swap3A_72 = vector.shape_cast %swap3A_71 : vector<16xf32> to vector<16xf32>
    %swap3A_73 = vector.shape_cast %broadcast_in_dim3A_58 : vector<16xf32> to vector<16xf32>
    tpu.vector_store %arg13[%swap3A_70], %swap3A_73 {strides = array<i32>} : memref<64xf32, #tpu.memory_space<vmem>>, vector<16xf32>,
    %barrier3A = arith.constant 0 : index
    tpu.barrier barrier_id(%barrier3A)
    %scan3A_74 = arith.constant 0 : i32
    %scan3A_75 = arith.constant 5 : i32
    %scan3A_76 = arith.addi %scan3A_74, %scan3A_75 : i32
    %scan3A_77 = arith.constant 1 : i32
    scf.for %scan3A_88 = %scan3A_74 to %scan3A_76 step %scan3A_77  : i32 {
      %mul3A_89 = arith.constant 32 : i32
      %mul3A_90 = arith.muli %scan3A_88, %mul3A_89 : i32
      %add3A_91 = arith.addi %mul3A_56, %mul3A_90 : i32
      "tpu.region"() ({
        %run_scoped3A = tpu.sem_alloc : memref<!tpu.dma_semaphore, #tpu.memory_space<semaphore_mem>>
        %dma_start3A_159 = arith.constant 0 : i32
        %dma_start3A_160 = tpu.memref_slice %arg3[%add3A_91, %dma_start3A_159] : memref<5120x64xi32, #tpu.memory_space<hbm>> -> memref<32x64xi32, #tpu.memory_space<hbm>>
        %dma_start3A_161 = arith.constant 0 : i32
        %dma_start3A_162 = tpu.memref_slice %arg3[%add3A_91, %dma_start3A_161] : memref<5120x64xi32, #tpu.memory_space<hbm>> -> memref<32x64xi32, #tpu.memory_space<hbm>>
        tpu.enqueue_dma source(%dma_start3A_162 : memref<32x64xi32, #tpu.memory_space<hbm>>) target(%arg7 : memref<32x64xi32, #tpu.memory_space<vmem>>) target_semaphore(%run_scoped3A : memref<!tpu.dma_semaphore, #tpu.memory_space<semaphore_mem>>)
        %dma_wait3A_163 = arith.constant 0 : i32
        %dma_wait3A_164 = tpu.memref_slice %arg3[%add3A_91, %dma_wait3A_163] : memref<5120x64xi32, #tpu.memory_space<hbm>> -> memref<32x64xi32, #tpu.memory_space<hbm>>
        %dma_wait3A_165 = arith.constant 0 : i32
        %dma_wait3A_166 = tpu.memref_slice %arg3[%add3A_91, %dma_wait3A_165] : memref<5120x64xi32, #tpu.memory_space<hbm>> -> memref<32x64xi32, #tpu.memory_space<hbm>>
        tpu.wait_dma2 semaphore(%run_scoped3A : memref<!tpu.dma_semaphore, #tpu.memory_space<semaphore_mem>>) src(%dma_wait3A_166 : memref<32x64xi32, #tpu.memory_space<hbm>>) dst(%arg7 : memref<32x64xi32, #tpu.memory_space<vmem>>)
        tpu.yield
      }) : () -> ()
      %mul3A_92 = arith.constant 32 : i32
      %mul3A_93 = arith.muli %scan3A_88, %mul3A_92 : i32
      %add3A_94 = arith.addi %mul3A_56, %mul3A_93 : i32
      "tpu.region"() ({
        %run_scoped3A = tpu.sem_alloc : memref<!tpu.dma_semaphore, #tpu.memory_space<semaphore_mem>>
        %dma_start3A_159 = arith.constant 0 : i32
        %dma_start3A_160 = tpu.memref_slice %arg4[%add3A_94, %dma_start3A_159] : memref<5120x64xi32, #tpu.memory_space<hbm>> -> memref<32x64xi32, #tpu.memory_space<hbm>>
        %dma_start3A_161 = arith.constant 0 : i32
        %dma_start3A_162 = tpu.memref_slice %arg4[%add3A_94, %dma_start3A_161] : memref<5120x64xi32, #tpu.memory_space<hbm>> -> memref<32x64xi32, #tpu.memory_space<hbm>>
        tpu.enqueue_dma source(%dma_start3A_162 : memref<32x64xi32, #tpu.memory_space<hbm>>) target(%arg8 : memref<32x64xi32, #tpu.memory_space<vmem>>) target_semaphore(%run_scoped3A : memref<!tpu.dma_semaphore, #tpu.memory_space<semaphore_mem>>)
        %dma_wait3A_163 = arith.constant 0 : i32
        %dma_wait3A_164 = tpu.memref_slice %arg4[%add3A_94, %dma_wait3A_163] : memref<5120x64xi32, #tpu.memory_space<hbm>> -> memref<32x64xi32, #tpu.memory_space<hbm>>
        %dma_wait3A_165 = arith.constant 0 : i32
        %dma_wait3A_166 = tpu.memref_slice %arg4[%add3A_94, %dma_wait3A_165] : memref<5120x64xi32, #tpu.memory_space<hbm>> -> memref<32x64xi32, #tpu.memory_space<hbm>>
        tpu.wait_dma2 semaphore(%run_scoped3A : memref<!tpu.dma_semaphore, #tpu.memory_space<semaphore_mem>>) src(%dma_wait3A_166 : memref<32x64xi32, #tpu.memory_space<hbm>>) dst(%arg8 : memref<32x64xi32, #tpu.memory_space<vmem>>)
        tpu.yield
      }) : () -> ()
      %dma_start3A = arith.constant 0 : i32
      %dma_start3A_95 = arith.constant 0 : i32
      %dma_start3A_96 = tpu.memref_slice %arg7[%dma_start3A, %dma_start3A_95] : memref<32x64xi32, #tpu.memory_space<vmem>> -> memref<1x64xi32, #tpu.memory_space<vmem>>
      %dma_start3A_97 = tpu.memref_squeeze %dma_start3A_96 : memref<1x64xi32, #tpu.memory_space<vmem>> -> memref<64xi32, #tpu.memory_space<vmem>>
      %dma_start3A_98 = arith.constant 0 : i32
      %dma_start3A_99 = arith.constant 0 : i32
      %dma_start3A_100 = tpu.memref_slice %arg2[%dma_start3A_98, %dma_start3A_99] : memref<10000x128xf32, #tpu.memory_space<hbm>> -> memref<10000x128xf32, #tpu.memory_space<hbm>>
      tpu.enqueue_indirect_dma source(%dma_start3A_100 : memref<10000x128xf32, #tpu.memory_space<hbm>>) target(%arg9 : memref<64x128xf32, #tpu.memory_space<vmem>>) offsets(%dma_start3A_97 : memref<64xi32, #tpu.memory_space<vmem>>) semaphore(%arg17 : memref<!tpu.dma_semaphore, #tpu.memory_space<semaphore_mem>>)
      %dma_start3A_101 = arith.constant 1 : i32
      %dma_start3A_102 = arith.constant 0 : i32
      %dma_start3A_103 = tpu.memref_slice %arg7[%dma_start3A_101, %dma_start3A_102] : memref<32x64xi32, #tpu.memory_space<vmem>> -> memref<1x64xi32, #tpu.memory_space<vmem>>
      %dma_start3A_104 = tpu.memref_squeeze %dma_start3A_103 : memref<1x64xi32, #tpu.memory_space<vmem>> -> memref<64xi32, #tpu.memory_space<vmem>>
      %dma_start3A_105 = arith.constant 0 : i32
      %dma_start3A_106 = arith.constant 0 : i32
      %dma_start3A_107 = tpu.memref_slice %arg2[%dma_start3A_105, %dma_start3A_106] : memref<10000x128xf32, #tpu.memory_space<hbm>> -> memref<10000x128xf32, #tpu.memory_space<hbm>>
      tpu.enqueue_indirect_dma source(%dma_start3A_107 : memref<10000x128xf32, #tpu.memory_space<hbm>>) target(%arg10 : memref<64x128xf32, #tpu.memory_space<vmem>>) offsets(%dma_start3A_104 : memref<64xi32, #tpu.memory_space<vmem>>) semaphore(%arg18 : memref<!tpu.dma_semaphore, #tpu.memory_space<semaphore_mem>>)
      %dma_start3A_108 = arith.constant 2 : i32
      %dma_start3A_109 = arith.constant 0 : i32
      %dma_start3A_110 = tpu.memref_slice %arg7[%dma_start3A_108, %dma_start3A_109] : memref<32x64xi32, #tpu.memory_space<vmem>> -> memref<1x64xi32, #tpu.memory_space<vmem>>
      %dma_start3A_111 = tpu.memref_squeeze %dma_start3A_110 : memref<1x64xi32, #tpu.memory_space<vmem>> -> memref<64xi32, #tpu.memory_space<vmem>>
      %dma_start3A_112 = arith.constant 0 : i32
      %dma_start3A_113 = arith.constant 0 : i32
      %dma_start3A_114 = tpu.memref_slice %arg2[%dma_start3A_112, %dma_start3A_113] : memref<10000x128xf32, #tpu.memory_space<hbm>> -> memref<10000x128xf32, #tpu.memory_space<hbm>>
      tpu.enqueue_indirect_dma source(%dma_start3A_114 : memref<10000x128xf32, #tpu.memory_space<hbm>>) target(%arg11 : memref<64x128xf32, #tpu.memory_space<vmem>>) offsets(%dma_start3A_111 : memref<64xi32, #tpu.memory_space<vmem>>) semaphore(%arg19 : memref<!tpu.dma_semaphore, #tpu.memory_space<semaphore_mem>>)
      %dma_start3A_115 = arith.constant 3 : i32
      %dma_start3A_116 = arith.constant 0 : i32
      %dma_start3A_117 = tpu.memref_slice %arg7[%dma_start3A_115, %dma_start3A_116] : memref<32x64xi32, #tpu.memory_space<vmem>> -> memref<1x64xi32, #tpu.memory_space<vmem>>
      %dma_start3A_118 = tpu.memref_squeeze %dma_start3A_117 : memref<1x64xi32, #tpu.memory_space<vmem>> -> memref<64xi32, #tpu.memory_space<vmem>>
      %dma_start3A_119 = arith.constant 0 : i32
      %dma_start3A_120 = arith.constant 0 : i32
      %dma_start3A_121 = tpu.memref_slice %arg2[%dma_start3A_119, %dma_start3A_120] : memref<10000x128xf32, #tpu.memory_space<hbm>> -> memref<10000x128xf32, #tpu.memory_space<hbm>>
      tpu.enqueue_indirect_dma source(%dma_start3A_121 : memref<10000x128xf32, #tpu.memory_space<hbm>>) target(%arg12 : memref<64x128xf32, #tpu.memory_space<vmem>>) offsets(%dma_start3A_118 : memref<64xi32, #tpu.memory_space<vmem>>) semaphore(%arg20 : memref<!tpu.dma_semaphore, #tpu.memory_space<semaphore_mem>>)
      %scan3A_122 = arith.constant 0 : i32
      %scan3A_123 = arith.constant 8 : i32
      %scan3A_124 = arith.addi %scan3A_122, %scan3A_123 : i32
      %scan3A_125 = arith.constant 1 : i32
      scf.for %scan3A_159 = %scan3A_122 to %scan3A_124 step %scan3A_125  : i32 {
        %mul3A_160 = arith.constant 4 : i32
        %mul3A_161 = arith.muli %mul3A_160, %scan3A_159 : i32
        %add3A_162 = arith.constant 0 : i32
        %add3A_163 = arith.addi %mul3A_161, %add3A_162 : i32
        %dma_wait3A_164 = arith.constant 0 : i32
        %dma_wait3A_165 = tpu.memref_slice %arg7[%add3A_163, %dma_wait3A_164] : memref<32x64xi32, #tpu.memory_space<vmem>> -> memref<1x64xi32, #tpu.memory_space<vmem>>
        %dma_wait3A_166 = tpu.memref_squeeze %dma_wait3A_165 : memref<1x64xi32, #tpu.memory_space<vmem>> -> memref<64xi32, #tpu.memory_space<vmem>>
        %dma_wait3A_167 = arith.constant 0 : i32
        %dma_wait3A_168 = arith.constant 0 : i32
        %dma_wait3A_169 = tpu.memref_slice %arg2[%dma_wait3A_167, %dma_wait3A_168] : memref<10000x128xf32, #tpu.memory_space<hbm>> -> memref<10000x128xf32, #tpu.memory_space<hbm>>
        tpu.wait_indirect_dma semaphore(%arg17 : memref<!tpu.dma_semaphore, #tpu.memory_space<semaphore_mem>>) src(%dma_wait3A_169 : memref<10000x128xf32, #tpu.memory_space<hbm>>) dst(%arg9 : memref<64x128xf32, #tpu.memory_space<vmem>>)
        %dma_start3A_170 = arith.constant 0 : i32
        %dma_start3A_171 = tpu.memref_slice %arg8[%add3A_163, %dma_start3A_170] : memref<32x64xi32, #tpu.memory_space<vmem>> -> memref<1x64xi32, #tpu.memory_space<vmem>>
        %dma_start3A_172 = tpu.memref_squeeze %dma_start3A_171 : memref<1x64xi32, #tpu.memory_space<vmem>> -> memref<64xi32, #tpu.memory_space<vmem>>
        %dma_start3A_173 = arith.constant 0 : i32
        %dma_start3A_174 = arith.constant 0 : i32
        %dma_start3A_175 = tpu.memref_slice %arg15[%dma_start3A_173, %dma_start3A_174] : memref<10240x128xf32, #tpu.memory_space<vmem_shared>> -> memref<10240x128xf32, #tpu.memory_space<vmem_shared>>
        tpu.enqueue_indirect_dma source(%arg9 : memref<64x128xf32, #tpu.memory_space<vmem>>) target(%dma_start3A_175 : memref<10240x128xf32, #tpu.memory_space<vmem_shared>>) offsets(%dma_start3A_172 : memref<64xi32, #tpu.memory_space<vmem>>) semaphore(%arg17 : memref<!tpu.dma_semaphore, #tpu.memory_space<semaphore_mem>>) {add = true}
        %dma_start3A_176 = arith.constant 0 : i32
        %dma_start3A_177 = tpu.memref_slice %arg8[%add3A_163, %dma_start3A_176] : memref<32x64xi32, #tpu.memory_space<vmem>> -> memref<1x64xi32, #tpu.memory_space<vmem>>
        %dma_start3A_178 = tpu.memref_squeeze %dma_start3A_177 : memref<1x64xi32, #tpu.memory_space<vmem>> -> memref<64xi32, #tpu.memory_space<vmem>>
        %dma_start3A_179 = arith.constant 0 : i32
        %dma_start3A_180 = tpu.memref_slice %arg16[%dma_start3A_179] : memref<10240xf32, #tpu.memory_space<vmem_shared>> -> memref<10240xf32, #tpu.memory_space<vmem_shared>>
        tpu.enqueue_indirect_dma source(%arg13 : memref<64xf32, #tpu.memory_space<vmem>>) target(%dma_start3A_180 : memref<10240xf32, #tpu.memory_space<vmem_shared>>) offsets(%dma_start3A_178 : memref<64xi32, #tpu.memory_space<vmem>>) semaphore(%arg21 : memref<!tpu.dma_semaphore, #tpu.memory_space<semaphore_mem>>) {add = true}
        %mul3A_181 = arith.constant 4 : i32
        %mul3A_182 = arith.muli %mul3A_181, %scan3A_159 : i32
        %add3A_183 = arith.constant 1 : i32
        %add3A_184 = arith.addi %mul3A_182, %add3A_183 : i32
        %dma_wait3A_185 = arith.constant 0 : i32
        %dma_wait3A_186 = tpu.memref_slice %arg7[%add3A_184, %dma_wait3A_185] : memref<32x64xi32, #tpu.memory_space<vmem>> -> memref<1x64xi32, #tpu.memory_space<vmem>>
        %dma_wait3A_187 = tpu.memref_squeeze %dma_wait3A_186 : memref<1x64xi32, #tpu.memory_space<vmem>> -> memref<64xi32, #tpu.memory_space<vmem>>
        %dma_wait3A_188 = arith.constant 0 : i32
        %dma_wait3A_189 = arith.constant 0 : i32
        %dma_wait3A_190 = tpu.memref_slice %arg2[%dma_wait3A_188, %dma_wait3A_189] : memref<10000x128xf32, #tpu.memory_space<hbm>> -> memref<10000x128xf32, #tpu.memory_space<hbm>>
        tpu.wait_indirect_dma semaphore(%arg18 : memref<!tpu.dma_semaphore, #tpu.memory_space<semaphore_mem>>) src(%dma_wait3A_190 : memref<10000x128xf32, #tpu.memory_space<hbm>>) dst(%arg10 : memref<64x128xf32, #tpu.memory_space<vmem>>)
        %dma_start3A_191 = arith.constant 0 : i32
        %dma_start3A_192 = tpu.memref_slice %arg8[%add3A_184, %dma_start3A_191] : memref<32x64xi32, #tpu.memory_space<vmem>> -> memref<1x64xi32, #tpu.memory_space<vmem>>
        %dma_start3A_193 = tpu.memref_squeeze %dma_start3A_192 : memref<1x64xi32, #tpu.memory_space<vmem>> -> memref<64xi32, #tpu.memory_space<vmem>>
        %dma_start3A_194 = arith.constant 0 : i32
        %dma_start3A_195 = arith.constant 0 : i32
        %dma_start3A_196 = tpu.memref_slice %arg15[%dma_start3A_194, %dma_start3A_195] : memref<10240x128xf32, #tpu.memory_space<vmem_shared>> -> memref<10240x128xf32, #tpu.memory_space<vmem_shared>>
        tpu.enqueue_indirect_dma source(%arg10 : memref<64x128xf32, #tpu.memory_space<vmem>>) target(%dma_start3A_196 : memref<10240x128xf32, #tpu.memory_space<vmem_shared>>) offsets(%dma_start3A_193 : memref<64xi32, #tpu.memory_space<vmem>>) semaphore(%arg18 : memref<!tpu.dma_semaphore, #tpu.memory_space<semaphore_mem>>) {add = true}
        %dma_start3A_197 = arith.constant 0 : i32
        %dma_start3A_198 = tpu.memref_slice %arg8[%add3A_184, %dma_start3A_197] : memref<32x64xi32, #tpu.memory_space<vmem>> -> memref<1x64xi32, #tpu.memory_space<vmem>>
        %dma_start3A_199 = tpu.memref_squeeze %dma_start3A_198 : memref<1x64xi32, #tpu.memory_space<vmem>> -> memref<64xi32, #tpu.memory_space<vmem>>
        %dma_start3A_200 = arith.constant 0 : i32
        %dma_start3A_201 = tpu.memref_slice %arg16[%dma_start3A_200] : memref<10240xf32, #tpu.memory_space<vmem_shared>> -> memref<10240xf32, #tpu.memory_space<vmem_shared>>
        tpu.enqueue_indirect_dma source(%arg13 : memref<64xf32, #tpu.memory_space<vmem>>) target(%dma_start3A_201 : memref<10240xf32, #tpu.memory_space<vmem_shared>>) offsets(%dma_start3A_199 : memref<64xi32, #tpu.memory_space<vmem>>) semaphore(%arg21 : memref<!tpu.dma_semaphore, #tpu.memory_space<semaphore_mem>>) {add = true}
        %mul3A_202 = arith.constant 4 : i32
        %mul3A_203 = arith.muli %mul3A_202, %scan3A_159 : i32
        %add3A_204 = arith.constant 2 : i32
        %add3A_205 = arith.addi %mul3A_203, %add3A_204 : i32
        %dma_wait3A_206 = arith.constant 0 : i32
        %dma_wait3A_207 = tpu.memref_slice %arg7[%add3A_205, %dma_wait3A_206] : memref<32x64xi32, #tpu.memory_space<vmem>> -> memref<1x64xi32, #tpu.memory_space<vmem>>
        %dma_wait3A_208 = tpu.memref_squeeze %dma_wait3A_207 : memref<1x64xi32, #tpu.memory_space<vmem>> -> memref<64xi32, #tpu.memory_space<vmem>>
        %dma_wait3A_209 = arith.constant 0 : i32
        %dma_wait3A_210 = arith.constant 0 : i32
        %dma_wait3A_211 = tpu.memref_slice %arg2[%dma_wait3A_209, %dma_wait3A_210] : memref<10000x128xf32, #tpu.memory_space<hbm>> -> memref<10000x128xf32, #tpu.memory_space<hbm>>
        tpu.wait_indirect_dma semaphore(%arg19 : memref<!tpu.dma_semaphore, #tpu.memory_space<semaphore_mem>>) src(%dma_wait3A_211 : memref<10000x128xf32, #tpu.memory_space<hbm>>) dst(%arg11 : memref<64x128xf32, #tpu.memory_space<vmem>>)
        %dma_start3A_212 = arith.constant 0 : i32
        %dma_start3A_213 = tpu.memref_slice %arg8[%add3A_205, %dma_start3A_212] : memref<32x64xi32, #tpu.memory_space<vmem>> -> memref<1x64xi32, #tpu.memory_space<vmem>>
        %dma_start3A_214 = tpu.memref_squeeze %dma_start3A_213 : memref<1x64xi32, #tpu.memory_space<vmem>> -> memref<64xi32, #tpu.memory_space<vmem>>
        %dma_start3A_215 = arith.constant 0 : i32
        %dma_start3A_216 = arith.constant 0 : i32
        %dma_start3A_217 = tpu.memref_slice %arg15[%dma_start3A_215, %dma_start3A_216] : memref<10240x128xf32, #tpu.memory_space<vmem_shared>> -> memref<10240x128xf32, #tpu.memory_space<vmem_shared>>
        tpu.enqueue_indirect_dma source(%arg11 : memref<64x128xf32, #tpu.memory_space<vmem>>) target(%dma_start3A_217 : memref<10240x128xf32, #tpu.memory_space<vmem_shared>>) offsets(%dma_start3A_214 : memref<64xi32, #tpu.memory_space<vmem>>) semaphore(%arg19 : memref<!tpu.dma_semaphore, #tpu.memory_space<semaphore_mem>>) {add = true}
        %dma_start3A_218 = arith.constant 0 : i32
        %dma_start3A_219 = tpu.memref_slice %arg8[%add3A_205, %dma_start3A_218] : memref<32x64xi32, #tpu.memory_space<vmem>> -> memref<1x64xi32, #tpu.memory_space<vmem>>
        %dma_start3A_220 = tpu.memref_squeeze %dma_start3A_219 : memref<1x64xi32, #tpu.memory_space<vmem>> -> memref<64xi32, #tpu.memory_space<vmem>>
        %dma_start3A_221 = arith.constant 0 : i32
        %dma_start3A_222 = tpu.memref_slice %arg16[%dma_start3A_221] : memref<10240xf32, #tpu.memory_space<vmem_shared>> -> memref<10240xf32, #tpu.memory_space<vmem_shared>>
        tpu.enqueue_indirect_dma source(%arg13 : memref<64xf32, #tpu.memory_space<vmem>>) target(%dma_start3A_222 : memref<10240xf32, #tpu.memory_space<vmem_shared>>) offsets(%dma_start3A_220 : memref<64xi32, #tpu.memory_space<vmem>>) semaphore(%arg21 : memref<!tpu.dma_semaphore, #tpu.memory_space<semaphore_mem>>) {add = true}
        %mul3A_223 = arith.constant 4 : i32
        %mul3A_224 = arith.muli %mul3A_223, %scan3A_159 : i32
        %add3A_225 = arith.constant 3 : i32
        %add3A_226 = arith.addi %mul3A_224, %add3A_225 : i32
        %dma_wait3A_227 = arith.constant 0 : i32
        %dma_wait3A_228 = tpu.memref_slice %arg7[%add3A_226, %dma_wait3A_227] : memref<32x64xi32, #tpu.memory_space<vmem>> -> memref<1x64xi32, #tpu.memory_space<vmem>>
        %dma_wait3A_229 = tpu.memref_squeeze %dma_wait3A_228 : memref<1x64xi32, #tpu.memory_space<vmem>> -> memref<64xi32, #tpu.memory_space<vmem>>
        %dma_wait3A_230 = arith.constant 0 : i32
        %dma_wait3A_231 = arith.constant 0 : i32
        %dma_wait3A_232 = tpu.memref_slice %arg2[%dma_wait3A_230, %dma_wait3A_231] : memref<10000x128xf32, #tpu.memory_space<hbm>> -> memref<10000x128xf32, #tpu.memory_space<hbm>>
        tpu.wait_indirect_dma semaphore(%arg20 : memref<!tpu.dma_semaphore, #tpu.memory_space<semaphore_mem>>) src(%dma_wait3A_232 : memref<10000x128xf32, #tpu.memory_space<hbm>>) dst(%arg12 : memref<64x128xf32, #tpu.memory_space<vmem>>)
        %dma_start3A_233 = arith.constant 0 : i32
        %dma_start3A_234 = tpu.memref_slice %arg8[%add3A_226, %dma_start3A_233] : memref<32x64xi32, #tpu.memory_space<vmem>> -> memref<1x64xi32, #tpu.memory_space<vmem>>
        %dma_start3A_235 = tpu.memref_squeeze %dma_start3A_234 : memref<1x64xi32, #tpu.memory_space<vmem>> -> memref<64xi32, #tpu.memory_space<vmem>>
        %dma_start3A_236 = arith.constant 0 : i32
        %dma_start3A_237 = arith.constant 0 : i32
        %dma_start3A_238 = tpu.memref_slice %arg15[%dma_start3A_236, %dma_start3A_237] : memref<10240x128xf32, #tpu.memory_space<vmem_shared>> -> memref<10240x128xf32, #tpu.memory_space<vmem_shared>>
        tpu.enqueue_indirect_dma source(%arg12 : memref<64x128xf32, #tpu.memory_space<vmem>>) target(%dma_start3A_238 : memref<10240x128xf32, #tpu.memory_space<vmem_shared>>) offsets(%dma_start3A_235 : memref<64xi32, #tpu.memory_space<vmem>>) semaphore(%arg20 : memref<!tpu.dma_semaphore, #tpu.memory_space<semaphore_mem>>) {add = true}
        %dma_start3A_239 = arith.constant 0 : i32
        %dma_start3A_240 = tpu.memref_slice %arg8[%add3A_226, %dma_start3A_239] : memref<32x64xi32, #tpu.memory_space<vmem>> -> memref<1x64xi32, #tpu.memory_space<vmem>>
        %dma_start3A_241 = tpu.memref_squeeze %dma_start3A_240 : memref<1x64xi32, #tpu.memory_space<vmem>> -> memref<64xi32, #tpu.memory_space<vmem>>
        %dma_start3A_242 = arith.constant 0 : i32
        %dma_start3A_243 = tpu.memref_slice %arg16[%dma_start3A_242] : memref<10240xf32, #tpu.memory_space<vmem_shared>> -> memref<10240xf32, #tpu.memory_space<vmem_shared>>
        tpu.enqueue_indirect_dma source(%arg13 : memref<64xf32, #tpu.memory_space<vmem>>) target(%dma_start3A_243 : memref<10240xf32, #tpu.memory_space<vmem_shared>>) offsets(%dma_start3A_241 : memref<64xi32, #tpu.memory_space<vmem>>) semaphore(%arg21 : memref<!tpu.dma_semaphore, #tpu.memory_space<semaphore_mem>>) {add = true}
        %add3A_244 = arith.constant 1 : i32
        %add3A_245 = arith.addi %scan3A_159, %add3A_244 : i32
        %lt3A = arith.constant 8 : i32
        %lt3A_246 = arith.cmpi slt, %add3A_245, %lt3A : i32
        %convert_element_type3A = arith.extui %lt3A_246 : i1 to i32
        %cond3A = arith.constant 0 : i32
        %cond3A_247 = arith.cmpi ne, %convert_element_type3A, %cond3A : i32
        scf.if %cond3A_247 {
          %mul3A_248 = arith.constant 4 : i32
          %mul3A_249 = arith.muli %mul3A_248, %scan3A_159 : i32
          %add3A_250 = arith.constant 0 : i32
          %add3A_251 = arith.addi %mul3A_249, %add3A_250 : i32
          %dma_wait3A_252 = arith.constant 0 : i32
          %dma_wait3A_253 = tpu.memref_slice %arg8[%add3A_251, %dma_wait3A_252] : memref<32x64xi32, #tpu.memory_space<vmem>> -> memref<1x64xi32, #tpu.memory_space<vmem>>
          %dma_wait3A_254 = tpu.memref_squeeze %dma_wait3A_253 : memref<1x64xi32, #tpu.memory_space<vmem>> -> memref<64xi32, #tpu.memory_space<vmem>>
          %dma_wait3A_255 = arith.constant 0 : i32
          %dma_wait3A_256 = arith.constant 0 : i32
          %dma_wait3A_257 = tpu.memref_slice %arg15[%dma_wait3A_255, %dma_wait3A_256] : memref<10240x128xf32, #tpu.memory_space<vmem_shared>> -> memref<10240x128xf32, #tpu.memory_space<vmem_shared>>
          tpu.wait_indirect_dma semaphore(%arg17 : memref<!tpu.dma_semaphore, #tpu.memory_space<semaphore_mem>>) src(%arg9 : memref<64x128xf32, #tpu.memory_space<vmem>>) dst(%dma_wait3A_257 : memref<10240x128xf32, #tpu.memory_space<vmem_shared>>)
          %add3A_258 = arith.constant 4 : i32
          %add3A_259 = arith.addi %add3A_251, %add3A_258 : i32
          %dma_start3A_260 = arith.constant 0 : i32
          %dma_start3A_261 = tpu.memref_slice %arg7[%add3A_259, %dma_start3A_260] : memref<32x64xi32, #tpu.memory_space<vmem>> -> memref<1x64xi32, #tpu.memory_space<vmem>>
          %dma_start3A_262 = tpu.memref_squeeze %dma_start3A_261 : memref<1x64xi32, #tpu.memory_space<vmem>> -> memref<64xi32, #tpu.memory_space<vmem>>
          %dma_start3A_263 = arith.constant 0 : i32
          %dma_start3A_264 = arith.constant 0 : i32
          %dma_start3A_265 = tpu.memref_slice %arg2[%dma_start3A_263, %dma_start3A_264] : memref<10000x128xf32, #tpu.memory_space<hbm>> -> memref<10000x128xf32, #tpu.memory_space<hbm>>
          tpu.enqueue_indirect_dma source(%dma_start3A_265 : memref<10000x128xf32, #tpu.memory_space<hbm>>) target(%arg9 : memref<64x128xf32, #tpu.memory_space<vmem>>) offsets(%dma_start3A_262 : memref<64xi32, #tpu.memory_space<vmem>>) semaphore(%arg17 : memref<!tpu.dma_semaphore, #tpu.memory_space<semaphore_mem>>)
          %mul3A_266 = arith.constant 4 : i32
          %mul3A_267 = arith.muli %mul3A_266, %scan3A_159 : i32
          %add3A_268 = arith.constant 1 : i32
          %add3A_269 = arith.addi %mul3A_267, %add3A_268 : i32
          %dma_wait3A_270 = arith.constant 0 : i32
          %dma_wait3A_271 = tpu.memref_slice %arg8[%add3A_269, %dma_wait3A_270] : memref<32x64xi32, #tpu.memory_space<vmem>> -> memref<1x64xi32, #tpu.memory_space<vmem>>
          %dma_wait3A_272 = tpu.memref_squeeze %dma_wait3A_271 : memref<1x64xi32, #tpu.memory_space<vmem>> -> memref<64xi32, #tpu.memory_space<vmem>>
          %dma_wait3A_273 = arith.constant 0 : i32
          %dma_wait3A_274 = arith.constant 0 : i32
          %dma_wait3A_275 = tpu.memref_slice %arg15[%dma_wait3A_273, %dma_wait3A_274] : memref<10240x128xf32, #tpu.memory_space<vmem_shared>> -> memref<10240x128xf32, #tpu.memory_space<vmem_shared>>
          tpu.wait_indirect_dma semaphore(%arg18 : memref<!tpu.dma_semaphore, #tpu.memory_space<semaphore_mem>>) src(%arg10 : memref<64x128xf32, #tpu.memory_space<vmem>>) dst(%dma_wait3A_275 : memref<10240x128xf32, #tpu.memory_space<vmem_shared>>)
          %add3A_276 = arith.constant 4 : i32
          %add3A_277 = arith.addi %add3A_269, %add3A_276 : i32
          %dma_start3A_278 = arith.constant 0 : i32
          %dma_start3A_279 = tpu.memref_slice %arg7[%add3A_277, %dma_start3A_278] : memref<32x64xi32, #tpu.memory_space<vmem>> -> memref<1x64xi32, #tpu.memory_space<vmem>>
          %dma_start3A_280 = tpu.memref_squeeze %dma_start3A_279 : memref<1x64xi32, #tpu.memory_space<vmem>> -> memref<64xi32, #tpu.memory_space<vmem>>
          %dma_start3A_281 = arith.constant 0 : i32
          %dma_start3A_282 = arith.constant 0 : i32
          %dma_start3A_283 = tpu.memref_slice %arg2[%dma_start3A_281, %dma_start3A_282] : memref<10000x128xf32, #tpu.memory_space<hbm>> -> memref<10000x128xf32, #tpu.memory_space<hbm>>
          tpu.enqueue_indirect_dma source(%dma_start3A_283 : memref<10000x128xf32, #tpu.memory_space<hbm>>) target(%arg10 : memref<64x128xf32, #tpu.memory_space<vmem>>) offsets(%dma_start3A_280 : memref<64xi32, #tpu.memory_space<vmem>>) semaphore(%arg18 : memref<!tpu.dma_semaphore, #tpu.memory_space<semaphore_mem>>)
          %mul3A_284 = arith.constant 4 : i32
          %mul3A_285 = arith.muli %mul3A_284, %scan3A_159 : i32
          %add3A_286 = arith.constant 2 : i32
          %add3A_287 = arith.addi %mul3A_285, %add3A_286 : i32
          %dma_wait3A_288 = arith.constant 0 : i32
          %dma_wait3A_289 = tpu.memref_slice %arg8[%add3A_287, %dma_wait3A_288] : memref<32x64xi32, #tpu.memory_space<vmem>> -> memref<1x64xi32, #tpu.memory_space<vmem>>
          %dma_wait3A_290 = tpu.memref_squeeze %dma_wait3A_289 : memref<1x64xi32, #tpu.memory_space<vmem>> -> memref<64xi32, #tpu.memory_space<vmem>>
          %dma_wait3A_291 = arith.constant 0 : i32
          %dma_wait3A_292 = arith.constant 0 : i32
          %dma_wait3A_293 = tpu.memref_slice %arg15[%dma_wait3A_291, %dma_wait3A_292] : memref<10240x128xf32, #tpu.memory_space<vmem_shared>> -> memref<10240x128xf32, #tpu.memory_space<vmem_shared>>
          tpu.wait_indirect_dma semaphore(%arg19 : memref<!tpu.dma_semaphore, #tpu.memory_space<semaphore_mem>>) src(%arg11 : memref<64x128xf32, #tpu.memory_space<vmem>>) dst(%dma_wait3A_293 : memref<10240x128xf32, #tpu.memory_space<vmem_shared>>)
          %add3A_294 = arith.constant 4 : i32
          %add3A_295 = arith.addi %add3A_287, %add3A_294 : i32
          %dma_start3A_296 = arith.constant 0 : i32
          %dma_start3A_297 = tpu.memref_slice %arg7[%add3A_295, %dma_start3A_296] : memref<32x64xi32, #tpu.memory_space<vmem>> -> memref<1x64xi32, #tpu.memory_space<vmem>>
          %dma_start3A_298 = tpu.memref_squeeze %dma_start3A_297 : memref<1x64xi32, #tpu.memory_space<vmem>> -> memref<64xi32, #tpu.memory_space<vmem>>
          %dma_start3A_299 = arith.constant 0 : i32
          %dma_start3A_300 = arith.constant 0 : i32
          %dma_start3A_301 = tpu.memref_slice %arg2[%dma_start3A_299, %dma_start3A_300] : memref<10000x128xf32, #tpu.memory_space<hbm>> -> memref<10000x128xf32, #tpu.memory_space<hbm>>
          tpu.enqueue_indirect_dma source(%dma_start3A_301 : memref<10000x128xf32, #tpu.memory_space<hbm>>) target(%arg11 : memref<64x128xf32, #tpu.memory_space<vmem>>) offsets(%dma_start3A_298 : memref<64xi32, #tpu.memory_space<vmem>>) semaphore(%arg19 : memref<!tpu.dma_semaphore, #tpu.memory_space<semaphore_mem>>)
          %mul3A_302 = arith.constant 4 : i32
          %mul3A_303 = arith.muli %mul3A_302, %scan3A_159 : i32
          %add3A_304 = arith.constant 3 : i32
          %add3A_305 = arith.addi %mul3A_303, %add3A_304 : i32
          %dma_wait3A_306 = arith.constant 0 : i32
          %dma_wait3A_307 = tpu.memref_slice %arg8[%add3A_305, %dma_wait3A_306] : memref<32x64xi32, #tpu.memory_space<vmem>> -> memref<1x64xi32, #tpu.memory_space<vmem>>
          %dma_wait3A_308 = tpu.memref_squeeze %dma_wait3A_307 : memref<1x64xi32, #tpu.memory_space<vmem>> -> memref<64xi32, #tpu.memory_space<vmem>>
          %dma_wait3A_309 = arith.constant 0 : i32
          %dma_wait3A_310 = arith.constant 0 : i32
          %dma_wait3A_311 = tpu.memref_slice %arg15[%dma_wait3A_309, %dma_wait3A_310] : memref<10240x128xf32, #tpu.memory_space<vmem_shared>> -> memref<10240x128xf32, #tpu.memory_space<vmem_shared>>
          tpu.wait_indirect_dma semaphore(%arg20 : memref<!tpu.dma_semaphore, #tpu.memory_space<semaphore_mem>>) src(%arg12 : memref<64x128xf32, #tpu.memory_space<vmem>>) dst(%dma_wait3A_311 : memref<10240x128xf32, #tpu.memory_space<vmem_shared>>)
          %add3A_312 = arith.constant 4 : i32
          %add3A_313 = arith.addi %add3A_305, %add3A_312 : i32
          %dma_start3A_314 = arith.constant 0 : i32
          %dma_start3A_315 = tpu.memref_slice %arg7[%add3A_313, %dma_start3A_314] : memref<32x64xi32, #tpu.memory_space<vmem>> -> memref<1x64xi32, #tpu.memory_space<vmem>>
          %dma_start3A_316 = tpu.memref_squeeze %dma_start3A_315 : memref<1x64xi32, #tpu.memory_space<vmem>> -> memref<64xi32, #tpu.memory_space<vmem>>
          %dma_start3A_317 = arith.constant 0 : i32
          %dma_start3A_318 = arith.constant 0 : i32
          %dma_start3A_319 = tpu.memref_slice %arg2[%dma_start3A_317, %dma_start3A_318] : memref<10000x128xf32, #tpu.memory_space<hbm>> -> memref<10000x128xf32, #tpu.memory_space<hbm>>
          tpu.enqueue_indirect_dma source(%dma_start3A_319 : memref<10000x128xf32, #tpu.memory_space<hbm>>) target(%arg12 : memref<64x128xf32, #tpu.memory_space<vmem>>) offsets(%dma_start3A_316 : memref<64xi32, #tpu.memory_space<vmem>>) semaphore(%arg20 : memref<!tpu.dma_semaphore, #tpu.memory_space<semaphore_mem>>)
        } else {
        }
      }
      %scan3A_126 = arith.constant 8 : i32
      %dma_wait3A = arith.constant 0 : i32
      %dma_wait3A_127 = arith.constant 0 : i32
      %dma_wait3A_128 = tpu.memref_slice %arg8[%dma_wait3A, %dma_wait3A_127] : memref<32x64xi32, #tpu.memory_space<vmem>> -> memref<1x64xi32, #tpu.memory_space<vmem>>
      %dma_wait3A_129 = tpu.memref_squeeze %dma_wait3A_128 : memref<1x64xi32, #tpu.memory_space<vmem>> -> memref<64xi32, #tpu.memory_space<vmem>>
      %dma_wait3A_130 = arith.constant 0 : i32
      %dma_wait3A_131 = arith.constant 0 : i32
      %dma_wait3A_132 = tpu.memref_slice %arg15[%dma_wait3A_130, %dma_wait3A_131] : memref<10240x128xf32, #tpu.memory_space<vmem_shared>> -> memref<10240x128xf32, #tpu.memory_space<vmem_shared>>
      tpu.wait_indirect_dma semaphore(%arg17 : memref<!tpu.dma_semaphore, #tpu.memory_space<semaphore_mem>>) src(%arg9 : memref<64x128xf32, #tpu.memory_space<vmem>>) dst(%dma_wait3A_132 : memref<10240x128xf32, #tpu.memory_space<vmem_shared>>)
      %dma_wait3A_133 = arith.constant 1 : i32
      %dma_wait3A_134 = arith.constant 0 : i32
      %dma_wait3A_135 = tpu.memref_slice %arg8[%dma_wait3A_133, %dma_wait3A_134] : memref<32x64xi32, #tpu.memory_space<vmem>> -> memref<1x64xi32, #tpu.memory_space<vmem>>
      %dma_wait3A_136 = tpu.memref_squeeze %dma_wait3A_135 : memref<1x64xi32, #tpu.memory_space<vmem>> -> memref<64xi32, #tpu.memory_space<vmem>>
      %dma_wait3A_137 = arith.constant 0 : i32
      %dma_wait3A_138 = arith.constant 0 : i32
      %dma_wait3A_139 = tpu.memref_slice %arg15[%dma_wait3A_137, %dma_wait3A_138] : memref<10240x128xf32, #tpu.memory_space<vmem_shared>> -> memref<10240x128xf32, #tpu.memory_space<vmem_shared>>
      tpu.wait_indirect_dma semaphore(%arg18 : memref<!tpu.dma_semaphore, #tpu.memory_space<semaphore_mem>>) src(%arg10 : memref<64x128xf32, #tpu.memory_space<vmem>>) dst(%dma_wait3A_139 : memref<10240x128xf32, #tpu.memory_space<vmem_shared>>)
      %dma_wait3A_140 = arith.constant 2 : i32
      %dma_wait3A_141 = arith.constant 0 : i32
      %dma_wait3A_142 = tpu.memref_slice %arg8[%dma_wait3A_140, %dma_wait3A_141] : memref<32x64xi32, #tpu.memory_space<vmem>> -> memref<1x64xi32, #tpu.memory_space<vmem>>
      %dma_wait3A_143 = tpu.memref_squeeze %dma_wait3A_142 : memref<1x64xi32, #tpu.memory_space<vmem>> -> memref<64xi32, #tpu.memory_space<vmem>>
      %dma_wait3A_144 = arith.constant 0 : i32
      %dma_wait3A_145 = arith.constant 0 : i32
      %dma_wait3A_146 = tpu.memref_slice %arg15[%dma_wait3A_144, %dma_wait3A_145] : memref<10240x128xf32, #tpu.memory_space<vmem_shared>> -> memref<10240x128xf32, #tpu.memory_space<vmem_shared>>
      tpu.wait_indirect_dma semaphore(%arg19 : memref<!tpu.dma_semaphore, #tpu.memory_space<semaphore_mem>>) src(%arg11 : memref<64x128xf32, #tpu.memory_space<vmem>>) dst(%dma_wait3A_146 : memref<10240x128xf32, #tpu.memory_space<vmem_shared>>)
      %dma_wait3A_147 = arith.constant 3 : i32
      %dma_wait3A_148 = arith.constant 0 : i32
      %dma_wait3A_149 = tpu.memref_slice %arg8[%dma_wait3A_147, %dma_wait3A_148] : memref<32x64xi32, #tpu.memory_space<vmem>> -> memref<1x64xi32, #tpu.memory_space<vmem>>
      %dma_wait3A_150 = tpu.memref_squeeze %dma_wait3A_149 : memref<1x64xi32, #tpu.memory_space<vmem>> -> memref<64xi32, #tpu.memory_space<vmem>>
      %dma_wait3A_151 = arith.constant 0 : i32
      %dma_wait3A_152 = arith.constant 0 : i32
      %dma_wait3A_153 = tpu.memref_slice %arg15[%dma_wait3A_151, %dma_wait3A_152] : memref<10240x128xf32, #tpu.memory_space<vmem_shared>> -> memref<10240x128xf32, #tpu.memory_space<vmem_shared>>
      tpu.wait_indirect_dma semaphore(%arg20 : memref<!tpu.dma_semaphore, #tpu.memory_space<semaphore_mem>>) src(%arg12 : memref<64x128xf32, #tpu.memory_space<vmem>>) dst(%dma_wait3A_153 : memref<10240x128xf32, #tpu.memory_space<vmem_shared>>)
      %scan3A_154 = arith.constant 0 : i32
      %scan3A_155 = arith.constant 32 : i32
      %scan3A_156 = arith.addi %scan3A_154, %scan3A_155 : i32
      %scan3A_157 = arith.constant 1 : i32
      scf.for %scan3A_159 = %scan3A_154 to %scan3A_156 step %scan3A_157  : i32 {
        %dma_wait3A_160 = arith.constant 0 : i32
        %dma_wait3A_161 = arith.constant 0 : i32
        %dma_wait3A_162 = tpu.memref_slice %arg8[%dma_wait3A_160, %dma_wait3A_161] : memref<32x64xi32, #tpu.memory_space<vmem>> -> memref<1x64xi32, #tpu.memory_space<vmem>>
        %dma_wait3A_163 = tpu.memref_squeeze %dma_wait3A_162 : memref<1x64xi32, #tpu.memory_space<vmem>> -> memref<64xi32, #tpu.memory_space<vmem>>
        %dma_wait3A_164 = arith.constant 0 : i32
        %dma_wait3A_165 = tpu.memref_slice %arg16[%dma_wait3A_164] : memref<10240xf32, #tpu.memory_space<vmem_shared>> -> memref<10240xf32, #tpu.memory_space<vmem_shared>>
        tpu.wait_indirect_dma semaphore(%arg21 : memref<!tpu.dma_semaphore, #tpu.memory_space<semaphore_mem>>) src(%arg13 : memref<64xf32, #tpu.memory_space<vmem>>) dst(%dma_wait3A_165 : memref<10240xf32, #tpu.memory_space<vmem_shared>>)
      }
      %scan3A_158 = arith.constant 32 : i32
    }
    %scan3A_78 = arith.constant 5 : i32
    %barrier3A_79 = arith.constant 0 : index
    tpu.barrier barrier_id(%barrier3A_79)
    %mul3A_80 = arith.constant 640 : i32
    %mul3A_81 = arith.muli %arg1, %mul3A_80 : i32
    %mul3A_82 = arith.constant 640 : i32
    %mul3A_83 = arith.muli %arg1, %mul3A_82 : i32
    "tpu.region"() ({
      %run_scoped3A = tpu.sem_alloc : memref<!tpu.dma_semaphore, #tpu.memory_space<semaphore_mem>>
      %dma_start3A = arith.constant 0 : i32
      %dma_start3A_88 = tpu.memref_slice %arg5[%arg0, %mul3A_83, %dma_start3A] : memref<2x10240x128xf32, #tpu.memory_space<hbm>> -> memref<1x640x128xf32, #tpu.memory_space<hbm>>
      %dma_start3A_89 = tpu.memref_squeeze %dma_start3A_88 : memref<1x640x128xf32, #tpu.memory_space<hbm>> -> memref<640x128xf32, #tpu.memory_space<hbm>>
      %dma_start3A_90 = arith.constant 0 : i32
      %dma_start3A_91 = tpu.memref_slice %arg15[%mul3A_81, %dma_start3A_90] : memref<10240x128xf32, #tpu.memory_space<vmem_shared>> -> memref<640x128xf32, #tpu.memory_space<vmem_shared>>
      tpu.enqueue_dma source(%dma_start3A_91 : memref<640x128xf32, #tpu.memory_space<vmem_shared>>) target(%dma_start3A_89 : memref<640x128xf32, #tpu.memory_space<hbm>>) target_semaphore(%run_scoped3A : memref<!tpu.dma_semaphore, #tpu.memory_space<semaphore_mem>>)
      %dma_wait3A = arith.constant 0 : i32
      %dma_wait3A_92 = tpu.memref_slice %arg5[%arg0, %mul3A_83, %dma_wait3A] : memref<2x10240x128xf32, #tpu.memory_space<hbm>> -> memref<1x640x128xf32, #tpu.memory_space<hbm>>
      %dma_wait3A_93 = tpu.memref_squeeze %dma_wait3A_92 : memref<1x640x128xf32, #tpu.memory_space<hbm>> -> memref<640x128xf32, #tpu.memory_space<hbm>>
      %dma_wait3A_94 = arith.constant 0 : i32
      %dma_wait3A_95 = tpu.memref_slice %arg15[%mul3A_81, %dma_wait3A_94] : memref<10240x128xf32, #tpu.memory_space<vmem_shared>> -> memref<640x128xf32, #tpu.memory_space<vmem_shared>>
      tpu.wait_dma2 semaphore(%run_scoped3A : memref<!tpu.dma_semaphore, #tpu.memory_space<semaphore_mem>>) src(%dma_wait3A_95 : memref<640x128xf32, #tpu.memory_space<vmem_shared>>) dst(%dma_wait3A_93 : memref<640x128xf32, #tpu.memory_space<hbm>>)
      tpu.yield
    }) : () -> ()
    %mul3A_84 = arith.constant 640 : i32
    %mul3A_85 = arith.muli %arg1, %mul3A_84 : i32
    %mul3A_86 = arith.constant 640 : i32
    %mul3A_87 = arith.muli %arg1, %mul3A_86 : i32
    "tpu.region"() ({
      %run_scoped3A = tpu.sem_alloc : memref<!tpu.dma_semaphore, #tpu.memory_space<semaphore_mem>>
      %dma_start3A = tpu.memref_slice %arg6[%arg0, %mul3A_87] : memref<2x10240xf32, #tpu.memory_space<hbm>> -> memref<1x640xf32, #tpu.memory_space<hbm>>
      %dma_start3A_88 = tpu.memref_squeeze %dma_start3A : memref<1x640xf32, #tpu.memory_space<hbm>> -> memref<640xf32, #tpu.memory_space<hbm>>
      %dma_start3A_89 = tpu.memref_slice %arg16[%mul3A_85] : memref<10240xf32, #tpu.memory_space<vmem_shared>> -> memref<640xf32, #tpu.memory_space<vmem_shared>>
      tpu.enqueue_dma source(%dma_start3A_89 : memref<640xf32, #tpu.memory_space<vmem_shared>>) target(%dma_start3A_88 : memref<640xf32, #tpu.memory_space<hbm>>) target_semaphore(%run_scoped3A : memref<!tpu.dma_semaphore, #tpu.memory_space<semaphore_mem>>)
      %dma_wait3A = tpu.memref_slice %arg6[%arg0, %mul3A_87] : memref<2x10240xf32, #tpu.memory_space<hbm>> -> memref<1x640xf32, #tpu.memory_space<hbm>>
      %dma_wait3A_90 = tpu.memref_squeeze %dma_wait3A : memref<1x640xf32, #tpu.memory_space<hbm>> -> memref<640xf32, #tpu.memory_space<hbm>>
      %dma_wait3A_91 = tpu.memref_slice %arg16[%mul3A_85] : memref<10240xf32, #tpu.memory_space<vmem_shared>> -> memref<640xf32, #tpu.memory_space<vmem_shared>>
      tpu.wait_dma2 semaphore(%run_scoped3A : memref<!tpu.dma_semaphore, #tpu.memory_space<semaphore_mem>>) src(%dma_wait3A_91 : memref<640xf32, #tpu.memory_space<vmem_shared>>) dst(%dma_wait3A_90 : memref<640xf32, #tpu.memory_space<hbm>>)
      tpu.yield
    }) : () -> ()
    return
  }
}

#map = affine_map<(d0, d1) -> (0, 0)>
#map1 = affine_map<(d0, d1) -> (0, 0, 0)>
module attributes {stable_mosaic.version = 14 : i64} {
  func.func @_sc_agg_half(%arg0: i32, %arg1: i32, %arg2: memref<10000x128xf32, #tpu.memory_space<hbm>>, %arg3: memref<10000x128xf32, #tpu.memory_space<hbm>>, %arg4: memref<5120x64xi32, #tpu.memory_space<hbm>>, %arg5: memref<5120x64xi32, #tpu.memory_space<hbm>>, %arg6: memref<2x10240x128xf32, #tpu.memory_space<hbm>>, %arg7: memref<64x64xi32, #tpu.memory_space<vmem>>, %arg8: memref<64x64xi32, #tpu.memory_space<vmem>>, %arg9: memref<64x128xf32, #tpu.memory_space<vmem>>, %arg10: memref<64x128xf32, #tpu.memory_space<vmem>>, %arg11: memref<64x128xf32, #tpu.memory_space<vmem>>, %arg12: memref<64x128xf32, #tpu.memory_space<vmem>>, %arg13: memref<10240x128xf32, #tpu.memory_space<vmem_shared>>, %arg14: memref<!tpu.dma_semaphore, #tpu.memory_space<semaphore_mem>>, %arg15: memref<!tpu.dma_semaphore, #tpu.memory_space<semaphore_mem>>, %arg16: memref<!tpu.dma_semaphore, #tpu.memory_space<semaphore_mem>>, %arg17: memref<!tpu.dma_semaphore, #tpu.memory_space<semaphore_mem>>) attributes {dimension_semantics = [#tpu.dimension_semantics<core_parallel>, #tpu.dimension_semantics<subcore_parallel>], iteration_bounds = array<i64: 2, 16>, scalar_prefetch = 0 : i64, scratch_operands = 11 : i64, tpu.core_type = #tpu.core_type<sc_vector_subcore>, window_params = [{transform_indices = #map}, {transform_indices = #map}, {transform_indices = #map}, {transform_indices = #map}, {transform_indices = #map1}]} {
    %broadcast_in_dim3A = arith.constant 0.000000e+00 : f32
    %broadcast_in_dim3A_0 = vector.broadcast %broadcast_in_dim3A : f32 to vector<16xf32>
    %scan3A = arith.constant 0 : i32
    %scan3A_1 = arith.constant 512 : i32
    %scan3A_2 = arith.addi %scan3A, %scan3A_1 : i32
    %scan3A_3 = arith.constant 1 : i32
    scf.for %scan3A_57 = %scan3A to %scan3A_2 step %scan3A_3  : i32 {
      %jit3A = arith.constant 8 : i32
      %div3A = arith.divsi %scan3A_57, %jit3A : i32
      %sign3A = arith.constant 0 : i32
      %sign3A_58 = arith.cmpi sgt, %scan3A_57, %sign3A : i32
      %sign3A_59 = arith.extui %sign3A_58 : i1 to i32
      %sign3A_60 = arith.constant 0 : i32
      %sign3A_61 = arith.cmpi slt, %scan3A_57, %sign3A_60 : i32
      %sign3A_62 = arith.extui %sign3A_61 : i1 to i32
      %sign3A_63 = arith.subi %sign3A_59, %sign3A_62 : i32
      %sign3A_64 = arith.constant 0 : i32
      %sign3A_65 = arith.cmpi sgt, %jit3A, %sign3A_64 : i32
      %sign3A_66 = arith.extui %sign3A_65 : i1 to i32
      %sign3A_67 = arith.constant 0 : i32
      %sign3A_68 = arith.cmpi slt, %jit3A, %sign3A_67 : i32
      %sign3A_69 = arith.extui %sign3A_68 : i1 to i32
      %sign3A_70 = arith.subi %sign3A_66, %sign3A_69 : i32
      %ne3A = arith.cmpi ne, %sign3A_63, %sign3A_70 : i32
      %rem3A = arith.remsi %scan3A_57, %jit3A : i32
      %ne3A_71 = arith.constant 0 : i32
      %ne3A_72 = arith.cmpi ne, %rem3A, %ne3A_71 : i32
      %and3A = arith.andi %ne3A, %ne3A_72 : i1
      %sub3A = arith.constant 1 : i32
      %sub3A_73 = arith.subi %div3A, %sub3A : i32
      %select_n3A = arith.select %and3A, %sub3A_73, %div3A : i32
      %rem3A_74 = arith.constant 8 : i32
      %rem3A_75 = arith.remsi %scan3A_57, %rem3A_74 : i32
      %mul3A_76 = arith.constant 16 : i32
      %mul3A_77 = arith.muli %rem3A_75, %mul3A_76 : i32
      %swap3A = arith.index_cast %select_n3A : i32 to index
      %swap3A_78 = arith.index_cast %mul3A_77 : i32 to index
      %swap3A_79 = tpu.vector_load %arg9[%swap3A, %swap3A_78] {strides = array<i32>} : memref<64x128xf32, #tpu.memory_space<vmem>>, vector<1x16xf32>,
      %swap3A_80 = vector.shape_cast %swap3A_79 : vector<1x16xf32> to vector<16xf32>
      %swap3A_81 = vector.shape_cast %broadcast_in_dim3A_0 : vector<16xf32> to vector<1x16xf32>
      tpu.vector_store %arg9[%swap3A, %swap3A_78], %swap3A_81 {strides = array<i32>} : memref<64x128xf32, #tpu.memory_space<vmem>>, vector<1x16xf32>,
    }
    %scan3A_4 = arith.constant 512 : i32
    %mul3A = arith.constant 640 : i32
    %mul3A_5 = arith.muli %arg1, %mul3A : i32
    %add3A = arith.constant 0 : i32
    %add3A_6 = arith.addi %mul3A_5, %add3A : i32
    "tpu.region"() ({
      %run_scoped3A = tpu.sem_alloc : memref<!tpu.dma_semaphore, #tpu.memory_space<semaphore_mem>>
      %dma_start3A = arith.constant 0 : i32
      %dma_start3A_57 = tpu.memref_slice %arg13[%add3A_6, %dma_start3A] : memref<10240x128xf32, #tpu.memory_space<vmem_shared>> -> memref<64x128xf32, #tpu.memory_space<vmem_shared>>
      %dma_start3A_58 = arith.constant 0 : i32
      %dma_start3A_59 = tpu.memref_slice %arg13[%add3A_6, %dma_start3A_58] : memref<10240x128xf32, #tpu.memory_space<vmem_shared>> -> memref<64x128xf32, #tpu.memory_space<vmem_shared>>
      tpu.enqueue_dma source(%arg9 : memref<64x128xf32, #tpu.memory_space<vmem>>) target(%dma_start3A_59 : memref<64x128xf32, #tpu.memory_space<vmem_shared>>) target_semaphore(%run_scoped3A : memref<!tpu.dma_semaphore, #tpu.memory_space<semaphore_mem>>)
      %dma_wait3A = arith.constant 0 : i32
      %dma_wait3A_60 = tpu.memref_slice %arg13[%add3A_6, %dma_wait3A] : memref<10240x128xf32, #tpu.memory_space<vmem_shared>> -> memref<64x128xf32, #tpu.memory_space<vmem_shared>>
      %dma_wait3A_61 = arith.constant 0 : i32
      %dma_wait3A_62 = tpu.memref_slice %arg13[%add3A_6, %dma_wait3A_61] : memref<10240x128xf32, #tpu.memory_space<vmem_shared>> -> memref<64x128xf32, #tpu.memory_space<vmem_shared>>
      tpu.wait_dma2 semaphore(%run_scoped3A : memref<!tpu.dma_semaphore, #tpu.memory_space<semaphore_mem>>) src(%arg9 : memref<64x128xf32, #tpu.memory_space<vmem>>) dst(%dma_wait3A_62 : memref<64x128xf32, #tpu.memory_space<vmem_shared>>)
      tpu.yield
    }) : () -> ()
    %mul3A_7 = arith.constant 640 : i32
    %mul3A_8 = arith.muli %arg1, %mul3A_7 : i32
    %add3A_9 = arith.constant 64 : i32
    %add3A_10 = arith.addi %mul3A_8, %add3A_9 : i32
    "tpu.region"() ({
      %run_scoped3A = tpu.sem_alloc : memref<!tpu.dma_semaphore, #tpu.memory_space<semaphore_mem>>
      %dma_start3A = arith.constant 0 : i32
      %dma_start3A_57 = tpu.memref_slice %arg13[%add3A_10, %dma_start3A] : memref<10240x128xf32, #tpu.memory_space<vmem_shared>> -> memref<64x128xf32, #tpu.memory_space<vmem_shared>>
      %dma_start3A_58 = arith.constant 0 : i32
      %dma_start3A_59 = tpu.memref_slice %arg13[%add3A_10, %dma_start3A_58] : memref<10240x128xf32, #tpu.memory_space<vmem_shared>> -> memref<64x128xf32, #tpu.memory_space<vmem_shared>>
      tpu.enqueue_dma source(%arg9 : memref<64x128xf32, #tpu.memory_space<vmem>>) target(%dma_start3A_59 : memref<64x128xf32, #tpu.memory_space<vmem_shared>>) target_semaphore(%run_scoped3A : memref<!tpu.dma_semaphore, #tpu.memory_space<semaphore_mem>>)
      %dma_wait3A = arith.constant 0 : i32
      %dma_wait3A_60 = tpu.memref_slice %arg13[%add3A_10, %dma_wait3A] : memref<10240x128xf32, #tpu.memory_space<vmem_shared>> -> memref<64x128xf32, #tpu.memory_space<vmem_shared>>
      %dma_wait3A_61 = arith.constant 0 : i32
      %dma_wait3A_62 = tpu.memref_slice %arg13[%add3A_10, %dma_wait3A_61] : memref<10240x128xf32, #tpu.memory_space<vmem_shared>> -> memref<64x128xf32, #tpu.memory_space<vmem_shared>>
      tpu.wait_dma2 semaphore(%run_scoped3A : memref<!tpu.dma_semaphore, #tpu.memory_space<semaphore_mem>>) src(%arg9 : memref<64x128xf32, #tpu.memory_space<vmem>>) dst(%dma_wait3A_62 : memref<64x128xf32, #tpu.memory_space<vmem_shared>>)
      tpu.yield
    }) : () -> ()
    %mul3A_11 = arith.constant 640 : i32
    %mul3A_12 = arith.muli %arg1, %mul3A_11 : i32
    %add3A_13 = arith.constant 128 : i32
    %add3A_14 = arith.addi %mul3A_12, %add3A_13 : i32
    "tpu.region"() ({
      %run_scoped3A = tpu.sem_alloc : memref<!tpu.dma_semaphore, #tpu.memory_space<semaphore_mem>>
      %dma_start3A = arith.constant 0 : i32
      %dma_start3A_57 = tpu.memref_slice %arg13[%add3A_14, %dma_start3A] : memref<10240x128xf32, #tpu.memory_space<vmem_shared>> -> memref<64x128xf32, #tpu.memory_space<vmem_shared>>
      %dma_start3A_58 = arith.constant 0 : i32
      %dma_start3A_59 = tpu.memref_slice %arg13[%add3A_14, %dma_start3A_58] : memref<10240x128xf32, #tpu.memory_space<vmem_shared>> -> memref<64x128xf32, #tpu.memory_space<vmem_shared>>
      tpu.enqueue_dma source(%arg9 : memref<64x128xf32, #tpu.memory_space<vmem>>) target(%dma_start3A_59 : memref<64x128xf32, #tpu.memory_space<vmem_shared>>) target_semaphore(%run_scoped3A : memref<!tpu.dma_semaphore, #tpu.memory_space<semaphore_mem>>)
      %dma_wait3A = arith.constant 0 : i32
      %dma_wait3A_60 = tpu.memref_slice %arg13[%add3A_14, %dma_wait3A] : memref<10240x128xf32, #tpu.memory_space<vmem_shared>> -> memref<64x128xf32, #tpu.memory_space<vmem_shared>>
      %dma_wait3A_61 = arith.constant 0 : i32
      %dma_wait3A_62 = tpu.memref_slice %arg13[%add3A_14, %dma_wait3A_61] : memref<10240x128xf32, #tpu.memory_space<vmem_shared>> -> memref<64x128xf32, #tpu.memory_space<vmem_shared>>
      tpu.wait_dma2 semaphore(%run_scoped3A : memref<!tpu.dma_semaphore, #tpu.memory_space<semaphore_mem>>) src(%arg9 : memref<64x128xf32, #tpu.memory_space<vmem>>) dst(%dma_wait3A_62 : memref<64x128xf32, #tpu.memory_space<vmem_shared>>)
      tpu.yield
    }) : () -> ()
    %mul3A_15 = arith.constant 640 : i32
    %mul3A_16 = arith.muli %arg1, %mul3A_15 : i32
    %add3A_17 = arith.constant 192 : i32
    %add3A_18 = arith.addi %mul3A_16, %add3A_17 : i32
    "tpu.region"() ({
      %run_scoped3A = tpu.sem_alloc : memref<!tpu.dma_semaphore, #tpu.memory_space<semaphore_mem>>
      %dma_start3A = arith.constant 0 : i32
      %dma_start3A_57 = tpu.memref_slice %arg13[%add3A_18, %dma_start3A] : memref<10240x128xf32, #tpu.memory_space<vmem_shared>> -> memref<64x128xf32, #tpu.memory_space<vmem_shared>>
      %dma_start3A_58 = arith.constant 0 : i32
      %dma_start3A_59 = tpu.memref_slice %arg13[%add3A_18, %dma_start3A_58] : memref<10240x128xf32, #tpu.memory_space<vmem_shared>> -> memref<64x128xf32, #tpu.memory_space<vmem_shared>>
      tpu.enqueue_dma source(%arg9 : memref<64x128xf32, #tpu.memory_space<vmem>>) target(%dma_start3A_59 : memref<64x128xf32, #tpu.memory_space<vmem_shared>>) target_semaphore(%run_scoped3A : memref<!tpu.dma_semaphore, #tpu.memory_space<semaphore_mem>>)
      %dma_wait3A = arith.constant 0 : i32
      %dma_wait3A_60 = tpu.memref_slice %arg13[%add3A_18, %dma_wait3A] : memref<10240x128xf32, #tpu.memory_space<vmem_shared>> -> memref<64x128xf32, #tpu.memory_space<vmem_shared>>
      %dma_wait3A_61 = arith.constant 0 : i32
      %dma_wait3A_62 = tpu.memref_slice %arg13[%add3A_18, %dma_wait3A_61] : memref<10240x128xf32, #tpu.memory_space<vmem_shared>> -> memref<64x128xf32, #tpu.memory_space<vmem_shared>>
      tpu.wait_dma2 semaphore(%run_scoped3A : memref<!tpu.dma_semaphore, #tpu.memory_space<semaphore_mem>>) src(%arg9 : memref<64x128xf32, #tpu.memory_space<vmem>>) dst(%dma_wait3A_62 : memref<64x128xf32, #tpu.memory_space<vmem_shared>>)
      tpu.yield
    }) : () -> ()
    %mul3A_19 = arith.constant 640 : i32
    %mul3A_20 = arith.muli %arg1, %mul3A_19 : i32
    %add3A_21 = arith.constant 256 : i32
    %add3A_22 = arith.addi %mul3A_20, %add3A_21 : i32
    "tpu.region"() ({
      %run_scoped3A = tpu.sem_alloc : memref<!tpu.dma_semaphore, #tpu.memory_space<semaphore_mem>>
      %dma_start3A = arith.constant 0 : i32
      %dma_start3A_57 = tpu.memref_slice %arg13[%add3A_22, %dma_start3A] : memref<10240x128xf32, #tpu.memory_space<vmem_shared>> -> memref<64x128xf32, #tpu.memory_space<vmem_shared>>
      %dma_start3A_58 = arith.constant 0 : i32
      %dma_start3A_59 = tpu.memref_slice %arg13[%add3A_22, %dma_start3A_58] : memref<10240x128xf32, #tpu.memory_space<vmem_shared>> -> memref<64x128xf32, #tpu.memory_space<vmem_shared>>
      tpu.enqueue_dma source(%arg9 : memref<64x128xf32, #tpu.memory_space<vmem>>) target(%dma_start3A_59 : memref<64x128xf32, #tpu.memory_space<vmem_shared>>) target_semaphore(%run_scoped3A : memref<!tpu.dma_semaphore, #tpu.memory_space<semaphore_mem>>)
      %dma_wait3A = arith.constant 0 : i32
      %dma_wait3A_60 = tpu.memref_slice %arg13[%add3A_22, %dma_wait3A] : memref<10240x128xf32, #tpu.memory_space<vmem_shared>> -> memref<64x128xf32, #tpu.memory_space<vmem_shared>>
      %dma_wait3A_61 = arith.constant 0 : i32
      %dma_wait3A_62 = tpu.memref_slice %arg13[%add3A_22, %dma_wait3A_61] : memref<10240x128xf32, #tpu.memory_space<vmem_shared>> -> memref<64x128xf32, #tpu.memory_space<vmem_shared>>
      tpu.wait_dma2 semaphore(%run_scoped3A : memref<!tpu.dma_semaphore, #tpu.memory_space<semaphore_mem>>) src(%arg9 : memref<64x128xf32, #tpu.memory_space<vmem>>) dst(%dma_wait3A_62 : memref<64x128xf32, #tpu.memory_space<vmem_shared>>)
      tpu.yield
    }) : () -> ()
    %mul3A_23 = arith.constant 640 : i32
    %mul3A_24 = arith.muli %arg1, %mul3A_23 : i32
    %add3A_25 = arith.constant 320 : i32
    %add3A_26 = arith.addi %mul3A_24, %add3A_25 : i32
    "tpu.region"() ({
      %run_scoped3A = tpu.sem_alloc : memref<!tpu.dma_semaphore, #tpu.memory_space<semaphore_mem>>
      %dma_start3A = arith.constant 0 : i32
      %dma_start3A_57 = tpu.memref_slice %arg13[%add3A_26, %dma_start3A] : memref<10240x128xf32, #tpu.memory_space<vmem_shared>> -> memref<64x128xf32, #tpu.memory_space<vmem_shared>>
      %dma_start3A_58 = arith.constant 0 : i32
      %dma_start3A_59 = tpu.memref_slice %arg13[%add3A_26, %dma_start3A_58] : memref<10240x128xf32, #tpu.memory_space<vmem_shared>> -> memref<64x128xf32, #tpu.memory_space<vmem_shared>>
      tpu.enqueue_dma source(%arg9 : memref<64x128xf32, #tpu.memory_space<vmem>>) target(%dma_start3A_59 : memref<64x128xf32, #tpu.memory_space<vmem_shared>>) target_semaphore(%run_scoped3A : memref<!tpu.dma_semaphore, #tpu.memory_space<semaphore_mem>>)
      %dma_wait3A = arith.constant 0 : i32
      %dma_wait3A_60 = tpu.memref_slice %arg13[%add3A_26, %dma_wait3A] : memref<10240x128xf32, #tpu.memory_space<vmem_shared>> -> memref<64x128xf32, #tpu.memory_space<vmem_shared>>
      %dma_wait3A_61 = arith.constant 0 : i32
      %dma_wait3A_62 = tpu.memref_slice %arg13[%add3A_26, %dma_wait3A_61] : memref<10240x128xf32, #tpu.memory_space<vmem_shared>> -> memref<64x128xf32, #tpu.memory_space<vmem_shared>>
      tpu.wait_dma2 semaphore(%run_scoped3A : memref<!tpu.dma_semaphore, #tpu.memory_space<semaphore_mem>>) src(%arg9 : memref<64x128xf32, #tpu.memory_space<vmem>>) dst(%dma_wait3A_62 : memref<64x128xf32, #tpu.memory_space<vmem_shared>>)
      tpu.yield
    }) : () -> ()
    %mul3A_27 = arith.constant 640 : i32
    %mul3A_28 = arith.muli %arg1, %mul3A_27 : i32
    %add3A_29 = arith.constant 384 : i32
    %add3A_30 = arith.addi %mul3A_28, %add3A_29 : i32
    "tpu.region"() ({
      %run_scoped3A = tpu.sem_alloc : memref<!tpu.dma_semaphore, #tpu.memory_space<semaphore_mem>>
      %dma_start3A = arith.constant 0 : i32
      %dma_start3A_57 = tpu.memref_slice %arg13[%add3A_30, %dma_start3A] : memref<10240x128xf32, #tpu.memory_space<vmem_shared>> -> memref<64x128xf32, #tpu.memory_space<vmem_shared>>
      %dma_start3A_58 = arith.constant 0 : i32
      %dma_start3A_59 = tpu.memref_slice %arg13[%add3A_30, %dma_start3A_58] : memref<10240x128xf32, #tpu.memory_space<vmem_shared>> -> memref<64x128xf32, #tpu.memory_space<vmem_shared>>
      tpu.enqueue_dma source(%arg9 : memref<64x128xf32, #tpu.memory_space<vmem>>) target(%dma_start3A_59 : memref<64x128xf32, #tpu.memory_space<vmem_shared>>) target_semaphore(%run_scoped3A : memref<!tpu.dma_semaphore, #tpu.memory_space<semaphore_mem>>)
      %dma_wait3A = arith.constant 0 : i32
      %dma_wait3A_60 = tpu.memref_slice %arg13[%add3A_30, %dma_wait3A] : memref<10240x128xf32, #tpu.memory_space<vmem_shared>> -> memref<64x128xf32, #tpu.memory_space<vmem_shared>>
      %dma_wait3A_61 = arith.constant 0 : i32
      %dma_wait3A_62 = tpu.memref_slice %arg13[%add3A_30, %dma_wait3A_61] : memref<10240x128xf32, #tpu.memory_space<vmem_shared>> -> memref<64x128xf32, #tpu.memory_space<vmem_shared>>
      tpu.wait_dma2 semaphore(%run_scoped3A : memref<!tpu.dma_semaphore, #tpu.memory_space<semaphore_mem>>) src(%arg9 : memref<64x128xf32, #tpu.memory_space<vmem>>) dst(%dma_wait3A_62 : memref<64x128xf32, #tpu.memory_space<vmem_shared>>)
      tpu.yield
    }) : () -> ()
    %mul3A_31 = arith.constant 640 : i32
    %mul3A_32 = arith.muli %arg1, %mul3A_31 : i32
    %add3A_33 = arith.constant 448 : i32
    %add3A_34 = arith.addi %mul3A_32, %add3A_33 : i32
    "tpu.region"() ({
      %run_scoped3A = tpu.sem_alloc : memref<!tpu.dma_semaphore, #tpu.memory_space<semaphore_mem>>
      %dma_start3A = arith.constant 0 : i32
      %dma_start3A_57 = tpu.memref_slice %arg13[%add3A_34, %dma_start3A] : memref<10240x128xf32, #tpu.memory_space<vmem_shared>> -> memref<64x128xf32, #tpu.memory_space<vmem_shared>>
      %dma_start3A_58 = arith.constant 0 : i32
      %dma_start3A_59 = tpu.memref_slice %arg13[%add3A_34, %dma_start3A_58] : memref<10240x128xf32, #tpu.memory_space<vmem_shared>> -> memref<64x128xf32, #tpu.memory_space<vmem_shared>>
      tpu.enqueue_dma source(%arg9 : memref<64x128xf32, #tpu.memory_space<vmem>>) target(%dma_start3A_59 : memref<64x128xf32, #tpu.memory_space<vmem_shared>>) target_semaphore(%run_scoped3A : memref<!tpu.dma_semaphore, #tpu.memory_space<semaphore_mem>>)
      %dma_wait3A = arith.constant 0 : i32
      %dma_wait3A_60 = tpu.memref_slice %arg13[%add3A_34, %dma_wait3A] : memref<10240x128xf32, #tpu.memory_space<vmem_shared>> -> memref<64x128xf32, #tpu.memory_space<vmem_shared>>
      %dma_wait3A_61 = arith.constant 0 : i32
      %dma_wait3A_62 = tpu.memref_slice %arg13[%add3A_34, %dma_wait3A_61] : memref<10240x128xf32, #tpu.memory_space<vmem_shared>> -> memref<64x128xf32, #tpu.memory_space<vmem_shared>>
      tpu.wait_dma2 semaphore(%run_scoped3A : memref<!tpu.dma_semaphore, #tpu.memory_space<semaphore_mem>>) src(%arg9 : memref<64x128xf32, #tpu.memory_space<vmem>>) dst(%dma_wait3A_62 : memref<64x128xf32, #tpu.memory_space<vmem_shared>>)
      tpu.yield
    }) : () -> ()
    %mul3A_35 = arith.constant 640 : i32
    %mul3A_36 = arith.muli %arg1, %mul3A_35 : i32
    %add3A_37 = arith.constant 512 : i32
    %add3A_38 = arith.addi %mul3A_36, %add3A_37 : i32
    "tpu.region"() ({
      %run_scoped3A = tpu.sem_alloc : memref<!tpu.dma_semaphore, #tpu.memory_space<semaphore_mem>>
      %dma_start3A = arith.constant 0 : i32
      %dma_start3A_57 = tpu.memref_slice %arg13[%add3A_38, %dma_start3A] : memref<10240x128xf32, #tpu.memory_space<vmem_shared>> -> memref<64x128xf32, #tpu.memory_space<vmem_shared>>
      %dma_start3A_58 = arith.constant 0 : i32
      %dma_start3A_59 = tpu.memref_slice %arg13[%add3A_38, %dma_start3A_58] : memref<10240x128xf32, #tpu.memory_space<vmem_shared>> -> memref<64x128xf32, #tpu.memory_space<vmem_shared>>
      tpu.enqueue_dma source(%arg9 : memref<64x128xf32, #tpu.memory_space<vmem>>) target(%dma_start3A_59 : memref<64x128xf32, #tpu.memory_space<vmem_shared>>) target_semaphore(%run_scoped3A : memref<!tpu.dma_semaphore, #tpu.memory_space<semaphore_mem>>)
      %dma_wait3A = arith.constant 0 : i32
      %dma_wait3A_60 = tpu.memref_slice %arg13[%add3A_38, %dma_wait3A] : memref<10240x128xf32, #tpu.memory_space<vmem_shared>> -> memref<64x128xf32, #tpu.memory_space<vmem_shared>>
      %dma_wait3A_61 = arith.constant 0 : i32
      %dma_wait3A_62 = tpu.memref_slice %arg13[%add3A_38, %dma_wait3A_61] : memref<10240x128xf32, #tpu.memory_space<vmem_shared>> -> memref<64x128xf32, #tpu.memory_space<vmem_shared>>
      tpu.wait_dma2 semaphore(%run_scoped3A : memref<!tpu.dma_semaphore, #tpu.memory_space<semaphore_mem>>) src(%arg9 : memref<64x128xf32, #tpu.memory_space<vmem>>) dst(%dma_wait3A_62 : memref<64x128xf32, #tpu.memory_space<vmem_shared>>)
      tpu.yield
    }) : () -> ()
    %mul3A_39 = arith.constant 640 : i32
    %mul3A_40 = arith.muli %arg1, %mul3A_39 : i32
    %add3A_41 = arith.constant 576 : i32
    %add3A_42 = arith.addi %mul3A_40, %add3A_41 : i32
    "tpu.region"() ({
      %run_scoped3A = tpu.sem_alloc : memref<!tpu.dma_semaphore, #tpu.memory_space<semaphore_mem>>
      %dma_start3A = arith.constant 0 : i32
      %dma_start3A_57 = tpu.memref_slice %arg13[%add3A_42, %dma_start3A] : memref<10240x128xf32, #tpu.memory_space<vmem_shared>> -> memref<64x128xf32, #tpu.memory_space<vmem_shared>>
      %dma_start3A_58 = arith.constant 0 : i32
      %dma_start3A_59 = tpu.memref_slice %arg13[%add3A_42, %dma_start3A_58] : memref<10240x128xf32, #tpu.memory_space<vmem_shared>> -> memref<64x128xf32, #tpu.memory_space<vmem_shared>>
      tpu.enqueue_dma source(%arg9 : memref<64x128xf32, #tpu.memory_space<vmem>>) target(%dma_start3A_59 : memref<64x128xf32, #tpu.memory_space<vmem_shared>>) target_semaphore(%run_scoped3A : memref<!tpu.dma_semaphore, #tpu.memory_space<semaphore_mem>>)
      %dma_wait3A = arith.constant 0 : i32
      %dma_wait3A_60 = tpu.memref_slice %arg13[%add3A_42, %dma_wait3A] : memref<10240x128xf32, #tpu.memory_space<vmem_shared>> -> memref<64x128xf32, #tpu.memory_space<vmem_shared>>
      %dma_wait3A_61 = arith.constant 0 : i32
      %dma_wait3A_62 = tpu.memref_slice %arg13[%add3A_42, %dma_wait3A_61] : memref<10240x128xf32, #tpu.memory_space<vmem_shared>> -> memref<64x128xf32, #tpu.memory_space<vmem_shared>>
      tpu.wait_dma2 semaphore(%run_scoped3A : memref<!tpu.dma_semaphore, #tpu.memory_space<semaphore_mem>>) src(%arg9 : memref<64x128xf32, #tpu.memory_space<vmem>>) dst(%dma_wait3A_62 : memref<64x128xf32, #tpu.memory_space<vmem_shared>>)
      tpu.yield
    }) : () -> ()
    %mul3A_43 = arith.constant 320 : i32
    %mul3A_44 = arith.muli %arg1, %mul3A_43 : i32
    %barrier3A = arith.constant 0 : index
    tpu.barrier barrier_id(%barrier3A)
    %eq3A = arith.constant 0 : i32
    %eq3A_45 = arith.cmpi eq, %arg0, %eq3A : i32
    %convert_element_type3A = arith.extui %eq3A_45 : i1 to i32
    %cond3A = arith.constant 0 : i32
    %cond3A_46 = arith.cmpi ne, %convert_element_type3A, %cond3A : i32
    scf.if %cond3A_46 {
      %scan3A_57 = arith.constant 0 : i32
      %scan3A_58 = arith.constant 5 : i32
      %scan3A_59 = arith.addi %scan3A_57, %scan3A_58 : i32
      %scan3A_60 = arith.constant 1 : i32
      scf.for %scan3A_62 = %scan3A_57 to %scan3A_59 step %scan3A_60  : i32 {
        %mul3A_63 = arith.constant 64 : i32
        %mul3A_64 = arith.muli %scan3A_62, %mul3A_63 : i32
        %add3A_65 = arith.addi %mul3A_44, %mul3A_64 : i32
        "tpu.region"() ({
          %run_scoped3A = tpu.sem_alloc : memref<!tpu.dma_semaphore, #tpu.memory_space<semaphore_mem>>
          %dma_start3A_128 = arith.constant 0 : i32
          %dma_start3A_129 = tpu.memref_slice %arg4[%add3A_65, %dma_start3A_128] : memref<5120x64xi32, #tpu.memory_space<hbm>> -> memref<64x64xi32, #tpu.memory_space<hbm>>
          %dma_start3A_130 = arith.constant 0 : i32
          %dma_start3A_131 = tpu.memref_slice %arg4[%add3A_65, %dma_start3A_130] : memref<5120x64xi32, #tpu.memory_space<hbm>> -> memref<64x64xi32, #tpu.memory_space<hbm>>
          tpu.enqueue_dma source(%dma_start3A_131 : memref<64x64xi32, #tpu.memory_space<hbm>>) target(%arg7 : memref<64x64xi32, #tpu.memory_space<vmem>>) target_semaphore(%run_scoped3A : memref<!tpu.dma_semaphore, #tpu.memory_space<semaphore_mem>>)
          %dma_wait3A_132 = arith.constant 0 : i32
          %dma_wait3A_133 = tpu.memref_slice %arg4[%add3A_65, %dma_wait3A_132] : memref<5120x64xi32, #tpu.memory_space<hbm>> -> memref<64x64xi32, #tpu.memory_space<hbm>>
          %dma_wait3A_134 = arith.constant 0 : i32
          %dma_wait3A_135 = tpu.memref_slice %arg4[%add3A_65, %dma_wait3A_134] : memref<5120x64xi32, #tpu.memory_space<hbm>> -> memref<64x64xi32, #tpu.memory_space<hbm>>
          tpu.wait_dma2 semaphore(%run_scoped3A : memref<!tpu.dma_semaphore, #tpu.memory_space<semaphore_mem>>) src(%dma_wait3A_135 : memref<64x64xi32, #tpu.memory_space<hbm>>) dst(%arg7 : memref<64x64xi32, #tpu.memory_space<vmem>>)
          tpu.yield
        }) : () -> ()
        %mul3A_66 = arith.constant 64 : i32
        %mul3A_67 = arith.muli %scan3A_62, %mul3A_66 : i32
        %add3A_68 = arith.addi %mul3A_44, %mul3A_67 : i32
        "tpu.region"() ({
          %run_scoped3A = tpu.sem_alloc : memref<!tpu.dma_semaphore, #tpu.memory_space<semaphore_mem>>
          %dma_start3A_128 = arith.constant 0 : i32
          %dma_start3A_129 = tpu.memref_slice %arg5[%add3A_68, %dma_start3A_128] : memref<5120x64xi32, #tpu.memory_space<hbm>> -> memref<64x64xi32, #tpu.memory_space<hbm>>
          %dma_start3A_130 = arith.constant 0 : i32
          %dma_start3A_131 = tpu.memref_slice %arg5[%add3A_68, %dma_start3A_130] : memref<5120x64xi32, #tpu.memory_space<hbm>> -> memref<64x64xi32, #tpu.memory_space<hbm>>
          tpu.enqueue_dma source(%dma_start3A_131 : memref<64x64xi32, #tpu.memory_space<hbm>>) target(%arg8 : memref<64x64xi32, #tpu.memory_space<vmem>>) target_semaphore(%run_scoped3A : memref<!tpu.dma_semaphore, #tpu.memory_space<semaphore_mem>>)
          %dma_wait3A_132 = arith.constant 0 : i32
          %dma_wait3A_133 = tpu.memref_slice %arg5[%add3A_68, %dma_wait3A_132] : memref<5120x64xi32, #tpu.memory_space<hbm>> -> memref<64x64xi32, #tpu.memory_space<hbm>>
          %dma_wait3A_134 = arith.constant 0 : i32
          %dma_wait3A_135 = tpu.memref_slice %arg5[%add3A_68, %dma_wait3A_134] : memref<5120x64xi32, #tpu.memory_space<hbm>> -> memref<64x64xi32, #tpu.memory_space<hbm>>
          tpu.wait_dma2 semaphore(%run_scoped3A : memref<!tpu.dma_semaphore, #tpu.memory_space<semaphore_mem>>) src(%dma_wait3A_135 : memref<64x64xi32, #tpu.memory_space<hbm>>) dst(%arg8 : memref<64x64xi32, #tpu.memory_space<vmem>>)
          tpu.yield
        }) : () -> ()
        %dma_start3A = arith.constant 0 : i32
        %dma_start3A_69 = arith.constant 0 : i32
        %dma_start3A_70 = tpu.memref_slice %arg7[%dma_start3A, %dma_start3A_69] : memref<64x64xi32, #tpu.memory_space<vmem>> -> memref<1x64xi32, #tpu.memory_space<vmem>>
        %dma_start3A_71 = tpu.memref_squeeze %dma_start3A_70 : memref<1x64xi32, #tpu.memory_space<vmem>> -> memref<64xi32, #tpu.memory_space<vmem>>
        %dma_start3A_72 = arith.constant 0 : i32
        %dma_start3A_73 = arith.constant 0 : i32
        %dma_start3A_74 = tpu.memref_slice %arg2[%dma_start3A_72, %dma_start3A_73] : memref<10000x128xf32, #tpu.memory_space<hbm>> -> memref<10000x128xf32, #tpu.memory_space<hbm>>
        tpu.enqueue_indirect_dma source(%dma_start3A_74 : memref<10000x128xf32, #tpu.memory_space<hbm>>) target(%arg9 : memref<64x128xf32, #tpu.memory_space<vmem>>) offsets(%dma_start3A_71 : memref<64xi32, #tpu.memory_space<vmem>>) semaphore(%arg14 : memref<!tpu.dma_semaphore, #tpu.memory_space<semaphore_mem>>)
        %dma_start3A_75 = arith.constant 1 : i32
        %dma_start3A_76 = arith.constant 0 : i32
        %dma_start3A_77 = tpu.memref_slice %arg7[%dma_start3A_75, %dma_start3A_76] : memref<64x64xi32, #tpu.memory_space<vmem>> -> memref<1x64xi32, #tpu.memory_space<vmem>>
        %dma_start3A_78 = tpu.memref_squeeze %dma_start3A_77 : memref<1x64xi32, #tpu.memory_space<vmem>> -> memref<64xi32, #tpu.memory_space<vmem>>
        %dma_start3A_79 = arith.constant 0 : i32
        %dma_start3A_80 = arith.constant 0 : i32
        %dma_start3A_81 = tpu.memref_slice %arg2[%dma_start3A_79, %dma_start3A_80] : memref<10000x128xf32, #tpu.memory_space<hbm>> -> memref<10000x128xf32, #tpu.memory_space<hbm>>
        tpu.enqueue_indirect_dma source(%dma_start3A_81 : memref<10000x128xf32, #tpu.memory_space<hbm>>) target(%arg10 : memref<64x128xf32, #tpu.memory_space<vmem>>) offsets(%dma_start3A_78 : memref<64xi32, #tpu.memory_space<vmem>>) semaphore(%arg15 : memref<!tpu.dma_semaphore, #tpu.memory_space<semaphore_mem>>)
        %dma_start3A_82 = arith.constant 2 : i32
        %dma_start3A_83 = arith.constant 0 : i32
        %dma_start3A_84 = tpu.memref_slice %arg7[%dma_start3A_82, %dma_start3A_83] : memref<64x64xi32, #tpu.memory_space<vmem>> -> memref<1x64xi32, #tpu.memory_space<vmem>>
        %dma_start3A_85 = tpu.memref_squeeze %dma_start3A_84 : memref<1x64xi32, #tpu.memory_space<vmem>> -> memref<64xi32, #tpu.memory_space<vmem>>
        %dma_start3A_86 = arith.constant 0 : i32
        %dma_start3A_87 = arith.constant 0 : i32
        %dma_start3A_88 = tpu.memref_slice %arg2[%dma_start3A_86, %dma_start3A_87] : memref<10000x128xf32, #tpu.memory_space<hbm>> -> memref<10000x128xf32, #tpu.memory_space<hbm>>
        tpu.enqueue_indirect_dma source(%dma_start3A_88 : memref<10000x128xf32, #tpu.memory_space<hbm>>) target(%arg11 : memref<64x128xf32, #tpu.memory_space<vmem>>) offsets(%dma_start3A_85 : memref<64xi32, #tpu.memory_space<vmem>>) semaphore(%arg16 : memref<!tpu.dma_semaphore, #tpu.memory_space<semaphore_mem>>)
        %dma_start3A_89 = arith.constant 3 : i32
        %dma_start3A_90 = arith.constant 0 : i32
        %dma_start3A_91 = tpu.memref_slice %arg7[%dma_start3A_89, %dma_start3A_90] : memref<64x64xi32, #tpu.memory_space<vmem>> -> memref<1x64xi32, #tpu.memory_space<vmem>>
        %dma_start3A_92 = tpu.memref_squeeze %dma_start3A_91 : memref<1x64xi32, #tpu.memory_space<vmem>> -> memref<64xi32, #tpu.memory_space<vmem>>
        %dma_start3A_93 = arith.constant 0 : i32
        %dma_start3A_94 = arith.constant 0 : i32
        %dma_start3A_95 = tpu.memref_slice %arg2[%dma_start3A_93, %dma_start3A_94] : memref<10000x128xf32, #tpu.memory_space<hbm>> -> memref<10000x128xf32, #tpu.memory_space<hbm>>
        tpu.enqueue_indirect_dma source(%dma_start3A_95 : memref<10000x128xf32, #tpu.memory_space<hbm>>) target(%arg12 : memref<64x128xf32, #tpu.memory_space<vmem>>) offsets(%dma_start3A_92 : memref<64xi32, #tpu.memory_space<vmem>>) semaphore(%arg17 : memref<!tpu.dma_semaphore, #tpu.memory_space<semaphore_mem>>)
        %scan3A_96 = arith.constant 0 : i32
        %scan3A_97 = arith.constant 16 : i32
        %scan3A_98 = arith.addi %scan3A_96, %scan3A_97 : i32
        %scan3A_99 = arith.constant 1 : i32
        scf.for %scan3A_128 = %scan3A_96 to %scan3A_98 step %scan3A_99  : i32 {
          %mul3A_129 = arith.constant 4 : i32
          %mul3A_130 = arith.muli %mul3A_129, %scan3A_128 : i32
          %add3A_131 = arith.constant 0 : i32
          %add3A_132 = arith.addi %mul3A_130, %add3A_131 : i32
          %dma_wait3A_133 = arith.constant 0 : i32
          %dma_wait3A_134 = tpu.memref_slice %arg7[%add3A_132, %dma_wait3A_133] : memref<64x64xi32, #tpu.memory_space<vmem>> -> memref<1x64xi32, #tpu.memory_space<vmem>>
          %dma_wait3A_135 = tpu.memref_squeeze %dma_wait3A_134 : memref<1x64xi32, #tpu.memory_space<vmem>> -> memref<64xi32, #tpu.memory_space<vmem>>
          %dma_wait3A_136 = arith.constant 0 : i32
          %dma_wait3A_137 = arith.constant 0 : i32
          %dma_wait3A_138 = tpu.memref_slice %arg2[%dma_wait3A_136, %dma_wait3A_137] : memref<10000x128xf32, #tpu.memory_space<hbm>> -> memref<10000x128xf32, #tpu.memory_space<hbm>>
          tpu.wait_indirect_dma semaphore(%arg14 : memref<!tpu.dma_semaphore, #tpu.memory_space<semaphore_mem>>) src(%dma_wait3A_138 : memref<10000x128xf32, #tpu.memory_space<hbm>>) dst(%arg9 : memref<64x128xf32, #tpu.memory_space<vmem>>)
          %dma_start3A_139 = arith.constant 0 : i32
          %dma_start3A_140 = tpu.memref_slice %arg8[%add3A_132, %dma_start3A_139] : memref<64x64xi32, #tpu.memory_space<vmem>> -> memref<1x64xi32, #tpu.memory_space<vmem>>
          %dma_start3A_141 = tpu.memref_squeeze %dma_start3A_140 : memref<1x64xi32, #tpu.memory_space<vmem>> -> memref<64xi32, #tpu.memory_space<vmem>>
          %dma_start3A_142 = arith.constant 0 : i32
          %dma_start3A_143 = arith.constant 0 : i32
          %dma_start3A_144 = tpu.memref_slice %arg13[%dma_start3A_142, %dma_start3A_143] : memref<10240x128xf32, #tpu.memory_space<vmem_shared>> -> memref<10240x128xf32, #tpu.memory_space<vmem_shared>>
          tpu.enqueue_indirect_dma source(%arg9 : memref<64x128xf32, #tpu.memory_space<vmem>>) target(%dma_start3A_144 : memref<10240x128xf32, #tpu.memory_space<vmem_shared>>) offsets(%dma_start3A_141 : memref<64xi32, #tpu.memory_space<vmem>>) semaphore(%arg14 : memref<!tpu.dma_semaphore, #tpu.memory_space<semaphore_mem>>) {add = true}
          %mul3A_145 = arith.constant 4 : i32
          %mul3A_146 = arith.muli %mul3A_145, %scan3A_128 : i32
          %add3A_147 = arith.constant 1 : i32
          %add3A_148 = arith.addi %mul3A_146, %add3A_147 : i32
          %dma_wait3A_149 = arith.constant 0 : i32
          %dma_wait3A_150 = tpu.memref_slice %arg7[%add3A_148, %dma_wait3A_149] : memref<64x64xi32, #tpu.memory_space<vmem>> -> memref<1x64xi32, #tpu.memory_space<vmem>>
          %dma_wait3A_151 = tpu.memref_squeeze %dma_wait3A_150 : memref<1x64xi32, #tpu.memory_space<vmem>> -> memref<64xi32, #tpu.memory_space<vmem>>
          %dma_wait3A_152 = arith.constant 0 : i32
          %dma_wait3A_153 = arith.constant 0 : i32
          %dma_wait3A_154 = tpu.memref_slice %arg2[%dma_wait3A_152, %dma_wait3A_153] : memref<10000x128xf32, #tpu.memory_space<hbm>> -> memref<10000x128xf32, #tpu.memory_space<hbm>>
          tpu.wait_indirect_dma semaphore(%arg15 : memref<!tpu.dma_semaphore, #tpu.memory_space<semaphore_mem>>) src(%dma_wait3A_154 : memref<10000x128xf32, #tpu.memory_space<hbm>>) dst(%arg10 : memref<64x128xf32, #tpu.memory_space<vmem>>)
          %dma_start3A_155 = arith.constant 0 : i32
          %dma_start3A_156 = tpu.memref_slice %arg8[%add3A_148, %dma_start3A_155] : memref<64x64xi32, #tpu.memory_space<vmem>> -> memref<1x64xi32, #tpu.memory_space<vmem>>
          %dma_start3A_157 = tpu.memref_squeeze %dma_start3A_156 : memref<1x64xi32, #tpu.memory_space<vmem>> -> memref<64xi32, #tpu.memory_space<vmem>>
          %dma_start3A_158 = arith.constant 0 : i32
          %dma_start3A_159 = arith.constant 0 : i32
          %dma_start3A_160 = tpu.memref_slice %arg13[%dma_start3A_158, %dma_start3A_159] : memref<10240x128xf32, #tpu.memory_space<vmem_shared>> -> memref<10240x128xf32, #tpu.memory_space<vmem_shared>>
          tpu.enqueue_indirect_dma source(%arg10 : memref<64x128xf32, #tpu.memory_space<vmem>>) target(%dma_start3A_160 : memref<10240x128xf32, #tpu.memory_space<vmem_shared>>) offsets(%dma_start3A_157 : memref<64xi32, #tpu.memory_space<vmem>>) semaphore(%arg15 : memref<!tpu.dma_semaphore, #tpu.memory_space<semaphore_mem>>) {add = true}
          %mul3A_161 = arith.constant 4 : i32
          %mul3A_162 = arith.muli %mul3A_161, %scan3A_128 : i32
          %add3A_163 = arith.constant 2 : i32
          %add3A_164 = arith.addi %mul3A_162, %add3A_163 : i32
          %dma_wait3A_165 = arith.constant 0 : i32
          %dma_wait3A_166 = tpu.memref_slice %arg7[%add3A_164, %dma_wait3A_165] : memref<64x64xi32, #tpu.memory_space<vmem>> -> memref<1x64xi32, #tpu.memory_space<vmem>>
          %dma_wait3A_167 = tpu.memref_squeeze %dma_wait3A_166 : memref<1x64xi32, #tpu.memory_space<vmem>> -> memref<64xi32, #tpu.memory_space<vmem>>
          %dma_wait3A_168 = arith.constant 0 : i32
          %dma_wait3A_169 = arith.constant 0 : i32
          %dma_wait3A_170 = tpu.memref_slice %arg2[%dma_wait3A_168, %dma_wait3A_169] : memref<10000x128xf32, #tpu.memory_space<hbm>> -> memref<10000x128xf32, #tpu.memory_space<hbm>>
          tpu.wait_indirect_dma semaphore(%arg16 : memref<!tpu.dma_semaphore, #tpu.memory_space<semaphore_mem>>) src(%dma_wait3A_170 : memref<10000x128xf32, #tpu.memory_space<hbm>>) dst(%arg11 : memref<64x128xf32, #tpu.memory_space<vmem>>)
          %dma_start3A_171 = arith.constant 0 : i32
          %dma_start3A_172 = tpu.memref_slice %arg8[%add3A_164, %dma_start3A_171] : memref<64x64xi32, #tpu.memory_space<vmem>> -> memref<1x64xi32, #tpu.memory_space<vmem>>
          %dma_start3A_173 = tpu.memref_squeeze %dma_start3A_172 : memref<1x64xi32, #tpu.memory_space<vmem>> -> memref<64xi32, #tpu.memory_space<vmem>>
          %dma_start3A_174 = arith.constant 0 : i32
          %dma_start3A_175 = arith.constant 0 : i32
          %dma_start3A_176 = tpu.memref_slice %arg13[%dma_start3A_174, %dma_start3A_175] : memref<10240x128xf32, #tpu.memory_space<vmem_shared>> -> memref<10240x128xf32, #tpu.memory_space<vmem_shared>>
          tpu.enqueue_indirect_dma source(%arg11 : memref<64x128xf32, #tpu.memory_space<vmem>>) target(%dma_start3A_176 : memref<10240x128xf32, #tpu.memory_space<vmem_shared>>) offsets(%dma_start3A_173 : memref<64xi32, #tpu.memory_space<vmem>>) semaphore(%arg16 : memref<!tpu.dma_semaphore, #tpu.memory_space<semaphore_mem>>) {add = true}
          %mul3A_177 = arith.constant 4 : i32
          %mul3A_178 = arith.muli %mul3A_177, %scan3A_128 : i32
          %add3A_179 = arith.constant 3 : i32
          %add3A_180 = arith.addi %mul3A_178, %add3A_179 : i32
          %dma_wait3A_181 = arith.constant 0 : i32
          %dma_wait3A_182 = tpu.memref_slice %arg7[%add3A_180, %dma_wait3A_181] : memref<64x64xi32, #tpu.memory_space<vmem>> -> memref<1x64xi32, #tpu.memory_space<vmem>>
          %dma_wait3A_183 = tpu.memref_squeeze %dma_wait3A_182 : memref<1x64xi32, #tpu.memory_space<vmem>> -> memref<64xi32, #tpu.memory_space<vmem>>
          %dma_wait3A_184 = arith.constant 0 : i32
          %dma_wait3A_185 = arith.constant 0 : i32
          %dma_wait3A_186 = tpu.memref_slice %arg2[%dma_wait3A_184, %dma_wait3A_185] : memref<10000x128xf32, #tpu.memory_space<hbm>> -> memref<10000x128xf32, #tpu.memory_space<hbm>>
          tpu.wait_indirect_dma semaphore(%arg17 : memref<!tpu.dma_semaphore, #tpu.memory_space<semaphore_mem>>) src(%dma_wait3A_186 : memref<10000x128xf32, #tpu.memory_space<hbm>>) dst(%arg12 : memref<64x128xf32, #tpu.memory_space<vmem>>)
          %dma_start3A_187 = arith.constant 0 : i32
          %dma_start3A_188 = tpu.memref_slice %arg8[%add3A_180, %dma_start3A_187] : memref<64x64xi32, #tpu.memory_space<vmem>> -> memref<1x64xi32, #tpu.memory_space<vmem>>
          %dma_start3A_189 = tpu.memref_squeeze %dma_start3A_188 : memref<1x64xi32, #tpu.memory_space<vmem>> -> memref<64xi32, #tpu.memory_space<vmem>>
          %dma_start3A_190 = arith.constant 0 : i32
          %dma_start3A_191 = arith.constant 0 : i32
          %dma_start3A_192 = tpu.memref_slice %arg13[%dma_start3A_190, %dma_start3A_191] : memref<10240x128xf32, #tpu.memory_space<vmem_shared>> -> memref<10240x128xf32, #tpu.memory_space<vmem_shared>>
          tpu.enqueue_indirect_dma source(%arg12 : memref<64x128xf32, #tpu.memory_space<vmem>>) target(%dma_start3A_192 : memref<10240x128xf32, #tpu.memory_space<vmem_shared>>) offsets(%dma_start3A_189 : memref<64xi32, #tpu.memory_space<vmem>>) semaphore(%arg17 : memref<!tpu.dma_semaphore, #tpu.memory_space<semaphore_mem>>) {add = true}
          %add3A_193 = arith.constant 1 : i32
          %add3A_194 = arith.addi %scan3A_128, %add3A_193 : i32
          %lt3A = arith.constant 16 : i32
          %lt3A_195 = arith.cmpi slt, %add3A_194, %lt3A : i32
          %convert_element_type3A_196 = arith.extui %lt3A_195 : i1 to i32
          %cond3A_197 = arith.constant 0 : i32
          %cond3A_198 = arith.cmpi ne, %convert_element_type3A_196, %cond3A_197 : i32
          scf.if %cond3A_198 {
            %mul3A_199 = arith.constant 4 : i32
            %mul3A_200 = arith.muli %mul3A_199, %scan3A_128 : i32
            %add3A_201 = arith.constant 0 : i32
            %add3A_202 = arith.addi %mul3A_200, %add3A_201 : i32
            %dma_wait3A_203 = arith.constant 0 : i32
            %dma_wait3A_204 = tpu.memref_slice %arg8[%add3A_202, %dma_wait3A_203] : memref<64x64xi32, #tpu.memory_space<vmem>> -> memref<1x64xi32, #tpu.memory_space<vmem>>
            %dma_wait3A_205 = tpu.memref_squeeze %dma_wait3A_204 : memref<1x64xi32, #tpu.memory_space<vmem>> -> memref<64xi32, #tpu.memory_space<vmem>>
            %dma_wait3A_206 = arith.constant 0 : i32
            %dma_wait3A_207 = arith.constant 0 : i32
            %dma_wait3A_208 = tpu.memref_slice %arg13[%dma_wait3A_206, %dma_wait3A_207] : memref<10240x128xf32, #tpu.memory_space<vmem_shared>> -> memref<10240x128xf32, #tpu.memory_space<vmem_shared>>
            tpu.wait_indirect_dma semaphore(%arg14 : memref<!tpu.dma_semaphore, #tpu.memory_space<semaphore_mem>>) src(%arg9 : memref<64x128xf32, #tpu.memory_space<vmem>>) dst(%dma_wait3A_208 : memref<10240x128xf32, #tpu.memory_space<vmem_shared>>)
            %add3A_209 = arith.constant 4 : i32
            %add3A_210 = arith.addi %add3A_202, %add3A_209 : i32
            %dma_start3A_211 = arith.constant 0 : i32
            %dma_start3A_212 = tpu.memref_slice %arg7[%add3A_210, %dma_start3A_211] : memref<64x64xi32, #tpu.memory_space<vmem>> -> memref<1x64xi32, #tpu.memory_space<vmem>>
            %dma_start3A_213 = tpu.memref_squeeze %dma_start3A_212 : memref<1x64xi32, #tpu.memory_space<vmem>> -> memref<64xi32, #tpu.memory_space<vmem>>
            %dma_start3A_214 = arith.constant 0 : i32
            %dma_start3A_215 = arith.constant 0 : i32
            %dma_start3A_216 = tpu.memref_slice %arg2[%dma_start3A_214, %dma_start3A_215] : memref<10000x128xf32, #tpu.memory_space<hbm>> -> memref<10000x128xf32, #tpu.memory_space<hbm>>
            tpu.enqueue_indirect_dma source(%dma_start3A_216 : memref<10000x128xf32, #tpu.memory_space<hbm>>) target(%arg9 : memref<64x128xf32, #tpu.memory_space<vmem>>) offsets(%dma_start3A_213 : memref<64xi32, #tpu.memory_space<vmem>>) semaphore(%arg14 : memref<!tpu.dma_semaphore, #tpu.memory_space<semaphore_mem>>)
            %mul3A_217 = arith.constant 4 : i32
            %mul3A_218 = arith.muli %mul3A_217, %scan3A_128 : i32
            %add3A_219 = arith.constant 1 : i32
            %add3A_220 = arith.addi %mul3A_218, %add3A_219 : i32
            %dma_wait3A_221 = arith.constant 0 : i32
            %dma_wait3A_222 = tpu.memref_slice %arg8[%add3A_220, %dma_wait3A_221] : memref<64x64xi32, #tpu.memory_space<vmem>> -> memref<1x64xi32, #tpu.memory_space<vmem>>
            %dma_wait3A_223 = tpu.memref_squeeze %dma_wait3A_222 : memref<1x64xi32, #tpu.memory_space<vmem>> -> memref<64xi32, #tpu.memory_space<vmem>>
            %dma_wait3A_224 = arith.constant 0 : i32
            %dma_wait3A_225 = arith.constant 0 : i32
            %dma_wait3A_226 = tpu.memref_slice %arg13[%dma_wait3A_224, %dma_wait3A_225] : memref<10240x128xf32, #tpu.memory_space<vmem_shared>> -> memref<10240x128xf32, #tpu.memory_space<vmem_shared>>
            tpu.wait_indirect_dma semaphore(%arg15 : memref<!tpu.dma_semaphore, #tpu.memory_space<semaphore_mem>>) src(%arg10 : memref<64x128xf32, #tpu.memory_space<vmem>>) dst(%dma_wait3A_226 : memref<10240x128xf32, #tpu.memory_space<vmem_shared>>)
            %add3A_227 = arith.constant 4 : i32
            %add3A_228 = arith.addi %add3A_220, %add3A_227 : i32
            %dma_start3A_229 = arith.constant 0 : i32
            %dma_start3A_230 = tpu.memref_slice %arg7[%add3A_228, %dma_start3A_229] : memref<64x64xi32, #tpu.memory_space<vmem>> -> memref<1x64xi32, #tpu.memory_space<vmem>>
            %dma_start3A_231 = tpu.memref_squeeze %dma_start3A_230 : memref<1x64xi32, #tpu.memory_space<vmem>> -> memref<64xi32, #tpu.memory_space<vmem>>
            %dma_start3A_232 = arith.constant 0 : i32
            %dma_start3A_233 = arith.constant 0 : i32
            %dma_start3A_234 = tpu.memref_slice %arg2[%dma_start3A_232, %dma_start3A_233] : memref<10000x128xf32, #tpu.memory_space<hbm>> -> memref<10000x128xf32, #tpu.memory_space<hbm>>
            tpu.enqueue_indirect_dma source(%dma_start3A_234 : memref<10000x128xf32, #tpu.memory_space<hbm>>) target(%arg10 : memref<64x128xf32, #tpu.memory_space<vmem>>) offsets(%dma_start3A_231 : memref<64xi32, #tpu.memory_space<vmem>>) semaphore(%arg15 : memref<!tpu.dma_semaphore, #tpu.memory_space<semaphore_mem>>)
            %mul3A_235 = arith.constant 4 : i32
            %mul3A_236 = arith.muli %mul3A_235, %scan3A_128 : i32
            %add3A_237 = arith.constant 2 : i32
            %add3A_238 = arith.addi %mul3A_236, %add3A_237 : i32
            %dma_wait3A_239 = arith.constant 0 : i32
            %dma_wait3A_240 = tpu.memref_slice %arg8[%add3A_238, %dma_wait3A_239] : memref<64x64xi32, #tpu.memory_space<vmem>> -> memref<1x64xi32, #tpu.memory_space<vmem>>
            %dma_wait3A_241 = tpu.memref_squeeze %dma_wait3A_240 : memref<1x64xi32, #tpu.memory_space<vmem>> -> memref<64xi32, #tpu.memory_space<vmem>>
            %dma_wait3A_242 = arith.constant 0 : i32
            %dma_wait3A_243 = arith.constant 0 : i32
            %dma_wait3A_244 = tpu.memref_slice %arg13[%dma_wait3A_242, %dma_wait3A_243] : memref<10240x128xf32, #tpu.memory_space<vmem_shared>> -> memref<10240x128xf32, #tpu.memory_space<vmem_shared>>
            tpu.wait_indirect_dma semaphore(%arg16 : memref<!tpu.dma_semaphore, #tpu.memory_space<semaphore_mem>>) src(%arg11 : memref<64x128xf32, #tpu.memory_space<vmem>>) dst(%dma_wait3A_244 : memref<10240x128xf32, #tpu.memory_space<vmem_shared>>)
            %add3A_245 = arith.constant 4 : i32
            %add3A_246 = arith.addi %add3A_238, %add3A_245 : i32
            %dma_start3A_247 = arith.constant 0 : i32
            %dma_start3A_248 = tpu.memref_slice %arg7[%add3A_246, %dma_start3A_247] : memref<64x64xi32, #tpu.memory_space<vmem>> -> memref<1x64xi32, #tpu.memory_space<vmem>>
            %dma_start3A_249 = tpu.memref_squeeze %dma_start3A_248 : memref<1x64xi32, #tpu.memory_space<vmem>> -> memref<64xi32, #tpu.memory_space<vmem>>
            %dma_start3A_250 = arith.constant 0 : i32
            %dma_start3A_251 = arith.constant 0 : i32
            %dma_start3A_252 = tpu.memref_slice %arg2[%dma_start3A_250, %dma_start3A_251] : memref<10000x128xf32, #tpu.memory_space<hbm>> -> memref<10000x128xf32, #tpu.memory_space<hbm>>
            tpu.enqueue_indirect_dma source(%dma_start3A_252 : memref<10000x128xf32, #tpu.memory_space<hbm>>) target(%arg11 : memref<64x128xf32, #tpu.memory_space<vmem>>) offsets(%dma_start3A_249 : memref<64xi32, #tpu.memory_space<vmem>>) semaphore(%arg16 : memref<!tpu.dma_semaphore, #tpu.memory_space<semaphore_mem>>)
            %mul3A_253 = arith.constant 4 : i32
            %mul3A_254 = arith.muli %mul3A_253, %scan3A_128 : i32
            %add3A_255 = arith.constant 3 : i32
            %add3A_256 = arith.addi %mul3A_254, %add3A_255 : i32
            %dma_wait3A_257 = arith.constant 0 : i32
            %dma_wait3A_258 = tpu.memref_slice %arg8[%add3A_256, %dma_wait3A_257] : memref<64x64xi32, #tpu.memory_space<vmem>> -> memref<1x64xi32, #tpu.memory_space<vmem>>
            %dma_wait3A_259 = tpu.memref_squeeze %dma_wait3A_258 : memref<1x64xi32, #tpu.memory_space<vmem>> -> memref<64xi32, #tpu.memory_space<vmem>>
            %dma_wait3A_260 = arith.constant 0 : i32
            %dma_wait3A_261 = arith.constant 0 : i32
            %dma_wait3A_262 = tpu.memref_slice %arg13[%dma_wait3A_260, %dma_wait3A_261] : memref<10240x128xf32, #tpu.memory_space<vmem_shared>> -> memref<10240x128xf32, #tpu.memory_space<vmem_shared>>
            tpu.wait_indirect_dma semaphore(%arg17 : memref<!tpu.dma_semaphore, #tpu.memory_space<semaphore_mem>>) src(%arg12 : memref<64x128xf32, #tpu.memory_space<vmem>>) dst(%dma_wait3A_262 : memref<10240x128xf32, #tpu.memory_space<vmem_shared>>)
            %add3A_263 = arith.constant 4 : i32
            %add3A_264 = arith.addi %add3A_256, %add3A_263 : i32
            %dma_start3A_265 = arith.constant 0 : i32
            %dma_start3A_266 = tpu.memref_slice %arg7[%add3A_264, %dma_start3A_265] : memref<64x64xi32, #tpu.memory_space<vmem>> -> memref<1x64xi32, #tpu.memory_space<vmem>>
            %dma_start3A_267 = tpu.memref_squeeze %dma_start3A_266 : memref<1x64xi32, #tpu.memory_space<vmem>> -> memref<64xi32, #tpu.memory_space<vmem>>
            %dma_start3A_268 = arith.constant 0 : i32
            %dma_start3A_269 = arith.constant 0 : i32
            %dma_start3A_270 = tpu.memref_slice %arg2[%dma_start3A_268, %dma_start3A_269] : memref<10000x128xf32, #tpu.memory_space<hbm>> -> memref<10000x128xf32, #tpu.memory_space<hbm>>
            tpu.enqueue_indirect_dma source(%dma_start3A_270 : memref<10000x128xf32, #tpu.memory_space<hbm>>) target(%arg12 : memref<64x128xf32, #tpu.memory_space<vmem>>) offsets(%dma_start3A_267 : memref<64xi32, #tpu.memory_space<vmem>>) semaphore(%arg17 : memref<!tpu.dma_semaphore, #tpu.memory_space<semaphore_mem>>)
          } else {
          }
        }
        %scan3A_100 = arith.constant 16 : i32
        %dma_wait3A = arith.constant 0 : i32
        %dma_wait3A_101 = arith.constant 0 : i32
        %dma_wait3A_102 = tpu.memref_slice %arg8[%dma_wait3A, %dma_wait3A_101] : memref<64x64xi32, #tpu.memory_space<vmem>> -> memref<1x64xi32, #tpu.memory_space<vmem>>
        %dma_wait3A_103 = tpu.memref_squeeze %dma_wait3A_102 : memref<1x64xi32, #tpu.memory_space<vmem>> -> memref<64xi32, #tpu.memory_space<vmem>>
        %dma_wait3A_104 = arith.constant 0 : i32
        %dma_wait3A_105 = arith.constant 0 : i32
        %dma_wait3A_106 = tpu.memref_slice %arg13[%dma_wait3A_104, %dma_wait3A_105] : memref<10240x128xf32, #tpu.memory_space<vmem_shared>> -> memref<10240x128xf32, #tpu.memory_space<vmem_shared>>
        tpu.wait_indirect_dma semaphore(%arg14 : memref<!tpu.dma_semaphore, #tpu.memory_space<semaphore_mem>>) src(%arg9 : memref<64x128xf32, #tpu.memory_space<vmem>>) dst(%dma_wait3A_106 : memref<10240x128xf32, #tpu.memory_space<vmem_shared>>)
        %dma_wait3A_107 = arith.constant 1 : i32
        %dma_wait3A_108 = arith.constant 0 : i32
        %dma_wait3A_109 = tpu.memref_slice %arg8[%dma_wait3A_107, %dma_wait3A_108] : memref<64x64xi32, #tpu.memory_space<vmem>> -> memref<1x64xi32, #tpu.memory_space<vmem>>
        %dma_wait3A_110 = tpu.memref_squeeze %dma_wait3A_109 : memref<1x64xi32, #tpu.memory_space<vmem>> -> memref<64xi32, #tpu.memory_space<vmem>>
        %dma_wait3A_111 = arith.constant 0 : i32
        %dma_wait3A_112 = arith.constant 0 : i32
        %dma_wait3A_113 = tpu.memref_slice %arg13[%dma_wait3A_111, %dma_wait3A_112] : memref<10240x128xf32, #tpu.memory_space<vmem_shared>> -> memref<10240x128xf32, #tpu.memory_space<vmem_shared>>
        tpu.wait_indirect_dma semaphore(%arg15 : memref<!tpu.dma_semaphore, #tpu.memory_space<semaphore_mem>>) src(%arg10 : memref<64x128xf32, #tpu.memory_space<vmem>>) dst(%dma_wait3A_113 : memref<10240x128xf32, #tpu.memory_space<vmem_shared>>)
        %dma_wait3A_114 = arith.constant 2 : i32
        %dma_wait3A_115 = arith.constant 0 : i32
        %dma_wait3A_116 = tpu.memref_slice %arg8[%dma_wait3A_114, %dma_wait3A_115] : memref<64x64xi32, #tpu.memory_space<vmem>> -> memref<1x64xi32, #tpu.memory_space<vmem>>
        %dma_wait3A_117 = tpu.memref_squeeze %dma_wait3A_116 : memref<1x64xi32, #tpu.memory_space<vmem>> -> memref<64xi32, #tpu.memory_space<vmem>>
        %dma_wait3A_118 = arith.constant 0 : i32
        %dma_wait3A_119 = arith.constant 0 : i32
        %dma_wait3A_120 = tpu.memref_slice %arg13[%dma_wait3A_118, %dma_wait3A_119] : memref<10240x128xf32, #tpu.memory_space<vmem_shared>> -> memref<10240x128xf32, #tpu.memory_space<vmem_shared>>
        tpu.wait_indirect_dma semaphore(%arg16 : memref<!tpu.dma_semaphore, #tpu.memory_space<semaphore_mem>>) src(%arg11 : memref<64x128xf32, #tpu.memory_space<vmem>>) dst(%dma_wait3A_120 : memref<10240x128xf32, #tpu.memory_space<vmem_shared>>)
        %dma_wait3A_121 = arith.constant 3 : i32
        %dma_wait3A_122 = arith.constant 0 : i32
        %dma_wait3A_123 = tpu.memref_slice %arg8[%dma_wait3A_121, %dma_wait3A_122] : memref<64x64xi32, #tpu.memory_space<vmem>> -> memref<1x64xi32, #tpu.memory_space<vmem>>
        %dma_wait3A_124 = tpu.memref_squeeze %dma_wait3A_123 : memref<1x64xi32, #tpu.memory_space<vmem>> -> memref<64xi32, #tpu.memory_space<vmem>>
        %dma_wait3A_125 = arith.constant 0 : i32
        %dma_wait3A_126 = arith.constant 0 : i32
        %dma_wait3A_127 = tpu.memref_slice %arg13[%dma_wait3A_125, %dma_wait3A_126] : memref<10240x128xf32, #tpu.memory_space<vmem_shared>> -> memref<10240x128xf32, #tpu.memory_space<vmem_shared>>
        tpu.wait_indirect_dma semaphore(%arg17 : memref<!tpu.dma_semaphore, #tpu.memory_space<semaphore_mem>>) src(%arg12 : memref<64x128xf32, #tpu.memory_space<vmem>>) dst(%dma_wait3A_127 : memref<10240x128xf32, #tpu.memory_space<vmem_shared>>)
      }
      %scan3A_61 = arith.constant 5 : i32
    } else {
    }
    %eq3A_47 = arith.constant 1 : i32
    %eq3A_48 = arith.cmpi eq, %arg0, %eq3A_47 : i32
    %convert_element_type3A_49 = arith.extui %eq3A_48 : i1 to i32
    %cond3A_50 = arith.constant 0 : i32
    %cond3A_51 = arith.cmpi ne, %convert_element_type3A_49, %cond3A_50 : i32
    scf.if %cond3A_51 {
      %scan3A_57 = arith.constant 0 : i32
      %scan3A_58 = arith.constant 5 : i32
      %scan3A_59 = arith.addi %scan3A_57, %scan3A_58 : i32
      %scan3A_60 = arith.constant 1 : i32
      scf.for %scan3A_62 = %scan3A_57 to %scan3A_59 step %scan3A_60  : i32 {
        %mul3A_63 = arith.constant 64 : i32
        %mul3A_64 = arith.muli %scan3A_62, %mul3A_63 : i32
        %add3A_65 = arith.addi %mul3A_44, %mul3A_64 : i32
        "tpu.region"() ({
          %run_scoped3A = tpu.sem_alloc : memref<!tpu.dma_semaphore, #tpu.memory_space<semaphore_mem>>
          %dma_start3A_128 = arith.constant 0 : i32
          %dma_start3A_129 = tpu.memref_slice %arg4[%add3A_65, %dma_start3A_128] : memref<5120x64xi32, #tpu.memory_space<hbm>> -> memref<64x64xi32, #tpu.memory_space<hbm>>
          %dma_start3A_130 = arith.constant 0 : i32
          %dma_start3A_131 = tpu.memref_slice %arg4[%add3A_65, %dma_start3A_130] : memref<5120x64xi32, #tpu.memory_space<hbm>> -> memref<64x64xi32, #tpu.memory_space<hbm>>
          tpu.enqueue_dma source(%dma_start3A_131 : memref<64x64xi32, #tpu.memory_space<hbm>>) target(%arg7 : memref<64x64xi32, #tpu.memory_space<vmem>>) target_semaphore(%run_scoped3A : memref<!tpu.dma_semaphore, #tpu.memory_space<semaphore_mem>>)
          %dma_wait3A_132 = arith.constant 0 : i32
          %dma_wait3A_133 = tpu.memref_slice %arg4[%add3A_65, %dma_wait3A_132] : memref<5120x64xi32, #tpu.memory_space<hbm>> -> memref<64x64xi32, #tpu.memory_space<hbm>>
          %dma_wait3A_134 = arith.constant 0 : i32
          %dma_wait3A_135 = tpu.memref_slice %arg4[%add3A_65, %dma_wait3A_134] : memref<5120x64xi32, #tpu.memory_space<hbm>> -> memref<64x64xi32, #tpu.memory_space<hbm>>
          tpu.wait_dma2 semaphore(%run_scoped3A : memref<!tpu.dma_semaphore, #tpu.memory_space<semaphore_mem>>) src(%dma_wait3A_135 : memref<64x64xi32, #tpu.memory_space<hbm>>) dst(%arg7 : memref<64x64xi32, #tpu.memory_space<vmem>>)
          tpu.yield
        }) : () -> ()
        %mul3A_66 = arith.constant 64 : i32
        %mul3A_67 = arith.muli %scan3A_62, %mul3A_66 : i32
        %add3A_68 = arith.addi %mul3A_44, %mul3A_67 : i32
        "tpu.region"() ({
          %run_scoped3A = tpu.sem_alloc : memref<!tpu.dma_semaphore, #tpu.memory_space<semaphore_mem>>
          %dma_start3A_128 = arith.constant 0 : i32
          %dma_start3A_129 = tpu.memref_slice %arg5[%add3A_68, %dma_start3A_128] : memref<5120x64xi32, #tpu.memory_space<hbm>> -> memref<64x64xi32, #tpu.memory_space<hbm>>
          %dma_start3A_130 = arith.constant 0 : i32
          %dma_start3A_131 = tpu.memref_slice %arg5[%add3A_68, %dma_start3A_130] : memref<5120x64xi32, #tpu.memory_space<hbm>> -> memref<64x64xi32, #tpu.memory_space<hbm>>
          tpu.enqueue_dma source(%dma_start3A_131 : memref<64x64xi32, #tpu.memory_space<hbm>>) target(%arg8 : memref<64x64xi32, #tpu.memory_space<vmem>>) target_semaphore(%run_scoped3A : memref<!tpu.dma_semaphore, #tpu.memory_space<semaphore_mem>>)
          %dma_wait3A_132 = arith.constant 0 : i32
          %dma_wait3A_133 = tpu.memref_slice %arg5[%add3A_68, %dma_wait3A_132] : memref<5120x64xi32, #tpu.memory_space<hbm>> -> memref<64x64xi32, #tpu.memory_space<hbm>>
          %dma_wait3A_134 = arith.constant 0 : i32
          %dma_wait3A_135 = tpu.memref_slice %arg5[%add3A_68, %dma_wait3A_134] : memref<5120x64xi32, #tpu.memory_space<hbm>> -> memref<64x64xi32, #tpu.memory_space<hbm>>
          tpu.wait_dma2 semaphore(%run_scoped3A : memref<!tpu.dma_semaphore, #tpu.memory_space<semaphore_mem>>) src(%dma_wait3A_135 : memref<64x64xi32, #tpu.memory_space<hbm>>) dst(%arg8 : memref<64x64xi32, #tpu.memory_space<vmem>>)
          tpu.yield
        }) : () -> ()
        %dma_start3A = arith.constant 0 : i32
        %dma_start3A_69 = arith.constant 0 : i32
        %dma_start3A_70 = tpu.memref_slice %arg7[%dma_start3A, %dma_start3A_69] : memref<64x64xi32, #tpu.memory_space<vmem>> -> memref<1x64xi32, #tpu.memory_space<vmem>>
        %dma_start3A_71 = tpu.memref_squeeze %dma_start3A_70 : memref<1x64xi32, #tpu.memory_space<vmem>> -> memref<64xi32, #tpu.memory_space<vmem>>
        %dma_start3A_72 = arith.constant 0 : i32
        %dma_start3A_73 = arith.constant 0 : i32
        %dma_start3A_74 = tpu.memref_slice %arg3[%dma_start3A_72, %dma_start3A_73] : memref<10000x128xf32, #tpu.memory_space<hbm>> -> memref<10000x128xf32, #tpu.memory_space<hbm>>
        tpu.enqueue_indirect_dma source(%dma_start3A_74 : memref<10000x128xf32, #tpu.memory_space<hbm>>) target(%arg9 : memref<64x128xf32, #tpu.memory_space<vmem>>) offsets(%dma_start3A_71 : memref<64xi32, #tpu.memory_space<vmem>>) semaphore(%arg14 : memref<!tpu.dma_semaphore, #tpu.memory_space<semaphore_mem>>)
        %dma_start3A_75 = arith.constant 1 : i32
        %dma_start3A_76 = arith.constant 0 : i32
        %dma_start3A_77 = tpu.memref_slice %arg7[%dma_start3A_75, %dma_start3A_76] : memref<64x64xi32, #tpu.memory_space<vmem>> -> memref<1x64xi32, #tpu.memory_space<vmem>>
        %dma_start3A_78 = tpu.memref_squeeze %dma_start3A_77 : memref<1x64xi32, #tpu.memory_space<vmem>> -> memref<64xi32, #tpu.memory_space<vmem>>
        %dma_start3A_79 = arith.constant 0 : i32
        %dma_start3A_80 = arith.constant 0 : i32
        %dma_start3A_81 = tpu.memref_slice %arg3[%dma_start3A_79, %dma_start3A_80] : memref<10000x128xf32, #tpu.memory_space<hbm>> -> memref<10000x128xf32, #tpu.memory_space<hbm>>
        tpu.enqueue_indirect_dma source(%dma_start3A_81 : memref<10000x128xf32, #tpu.memory_space<hbm>>) target(%arg10 : memref<64x128xf32, #tpu.memory_space<vmem>>) offsets(%dma_start3A_78 : memref<64xi32, #tpu.memory_space<vmem>>) semaphore(%arg15 : memref<!tpu.dma_semaphore, #tpu.memory_space<semaphore_mem>>)
        %dma_start3A_82 = arith.constant 2 : i32
        %dma_start3A_83 = arith.constant 0 : i32
        %dma_start3A_84 = tpu.memref_slice %arg7[%dma_start3A_82, %dma_start3A_83] : memref<64x64xi32, #tpu.memory_space<vmem>> -> memref<1x64xi32, #tpu.memory_space<vmem>>
        %dma_start3A_85 = tpu.memref_squeeze %dma_start3A_84 : memref<1x64xi32, #tpu.memory_space<vmem>> -> memref<64xi32, #tpu.memory_space<vmem>>
        %dma_start3A_86 = arith.constant 0 : i32
        %dma_start3A_87 = arith.constant 0 : i32
        %dma_start3A_88 = tpu.memref_slice %arg3[%dma_start3A_86, %dma_start3A_87] : memref<10000x128xf32, #tpu.memory_space<hbm>> -> memref<10000x128xf32, #tpu.memory_space<hbm>>
        tpu.enqueue_indirect_dma source(%dma_start3A_88 : memref<10000x128xf32, #tpu.memory_space<hbm>>) target(%arg11 : memref<64x128xf32, #tpu.memory_space<vmem>>) offsets(%dma_start3A_85 : memref<64xi32, #tpu.memory_space<vmem>>) semaphore(%arg16 : memref<!tpu.dma_semaphore, #tpu.memory_space<semaphore_mem>>)
        %dma_start3A_89 = arith.constant 3 : i32
        %dma_start3A_90 = arith.constant 0 : i32
        %dma_start3A_91 = tpu.memref_slice %arg7[%dma_start3A_89, %dma_start3A_90] : memref<64x64xi32, #tpu.memory_space<vmem>> -> memref<1x64xi32, #tpu.memory_space<vmem>>
        %dma_start3A_92 = tpu.memref_squeeze %dma_start3A_91 : memref<1x64xi32, #tpu.memory_space<vmem>> -> memref<64xi32, #tpu.memory_space<vmem>>
        %dma_start3A_93 = arith.constant 0 : i32
        %dma_start3A_94 = arith.constant 0 : i32
        %dma_start3A_95 = tpu.memref_slice %arg3[%dma_start3A_93, %dma_start3A_94] : memref<10000x128xf32, #tpu.memory_space<hbm>> -> memref<10000x128xf32, #tpu.memory_space<hbm>>
        tpu.enqueue_indirect_dma source(%dma_start3A_95 : memref<10000x128xf32, #tpu.memory_space<hbm>>) target(%arg12 : memref<64x128xf32, #tpu.memory_space<vmem>>) offsets(%dma_start3A_92 : memref<64xi32, #tpu.memory_space<vmem>>) semaphore(%arg17 : memref<!tpu.dma_semaphore, #tpu.memory_space<semaphore_mem>>)
        %scan3A_96 = arith.constant 0 : i32
        %scan3A_97 = arith.constant 16 : i32
        %scan3A_98 = arith.addi %scan3A_96, %scan3A_97 : i32
        %scan3A_99 = arith.constant 1 : i32
        scf.for %scan3A_128 = %scan3A_96 to %scan3A_98 step %scan3A_99  : i32 {
          %mul3A_129 = arith.constant 4 : i32
          %mul3A_130 = arith.muli %mul3A_129, %scan3A_128 : i32
          %add3A_131 = arith.constant 0 : i32
          %add3A_132 = arith.addi %mul3A_130, %add3A_131 : i32
          %dma_wait3A_133 = arith.constant 0 : i32
          %dma_wait3A_134 = tpu.memref_slice %arg7[%add3A_132, %dma_wait3A_133] : memref<64x64xi32, #tpu.memory_space<vmem>> -> memref<1x64xi32, #tpu.memory_space<vmem>>
          %dma_wait3A_135 = tpu.memref_squeeze %dma_wait3A_134 : memref<1x64xi32, #tpu.memory_space<vmem>> -> memref<64xi32, #tpu.memory_space<vmem>>
          %dma_wait3A_136 = arith.constant 0 : i32
          %dma_wait3A_137 = arith.constant 0 : i32
          %dma_wait3A_138 = tpu.memref_slice %arg3[%dma_wait3A_136, %dma_wait3A_137] : memref<10000x128xf32, #tpu.memory_space<hbm>> -> memref<10000x128xf32, #tpu.memory_space<hbm>>
          tpu.wait_indirect_dma semaphore(%arg14 : memref<!tpu.dma_semaphore, #tpu.memory_space<semaphore_mem>>) src(%dma_wait3A_138 : memref<10000x128xf32, #tpu.memory_space<hbm>>) dst(%arg9 : memref<64x128xf32, #tpu.memory_space<vmem>>)
          %dma_start3A_139 = arith.constant 0 : i32
          %dma_start3A_140 = tpu.memref_slice %arg8[%add3A_132, %dma_start3A_139] : memref<64x64xi32, #tpu.memory_space<vmem>> -> memref<1x64xi32, #tpu.memory_space<vmem>>
          %dma_start3A_141 = tpu.memref_squeeze %dma_start3A_140 : memref<1x64xi32, #tpu.memory_space<vmem>> -> memref<64xi32, #tpu.memory_space<vmem>>
          %dma_start3A_142 = arith.constant 0 : i32
          %dma_start3A_143 = arith.constant 0 : i32
          %dma_start3A_144 = tpu.memref_slice %arg13[%dma_start3A_142, %dma_start3A_143] : memref<10240x128xf32, #tpu.memory_space<vmem_shared>> -> memref<10240x128xf32, #tpu.memory_space<vmem_shared>>
          tpu.enqueue_indirect_dma source(%arg9 : memref<64x128xf32, #tpu.memory_space<vmem>>) target(%dma_start3A_144 : memref<10240x128xf32, #tpu.memory_space<vmem_shared>>) offsets(%dma_start3A_141 : memref<64xi32, #tpu.memory_space<vmem>>) semaphore(%arg14 : memref<!tpu.dma_semaphore, #tpu.memory_space<semaphore_mem>>) {add = true}
          %mul3A_145 = arith.constant 4 : i32
          %mul3A_146 = arith.muli %mul3A_145, %scan3A_128 : i32
          %add3A_147 = arith.constant 1 : i32
          %add3A_148 = arith.addi %mul3A_146, %add3A_147 : i32
          %dma_wait3A_149 = arith.constant 0 : i32
          %dma_wait3A_150 = tpu.memref_slice %arg7[%add3A_148, %dma_wait3A_149] : memref<64x64xi32, #tpu.memory_space<vmem>> -> memref<1x64xi32, #tpu.memory_space<vmem>>
          %dma_wait3A_151 = tpu.memref_squeeze %dma_wait3A_150 : memref<1x64xi32, #tpu.memory_space<vmem>> -> memref<64xi32, #tpu.memory_space<vmem>>
          %dma_wait3A_152 = arith.constant 0 : i32
          %dma_wait3A_153 = arith.constant 0 : i32
          %dma_wait3A_154 = tpu.memref_slice %arg3[%dma_wait3A_152, %dma_wait3A_153] : memref<10000x128xf32, #tpu.memory_space<hbm>> -> memref<10000x128xf32, #tpu.memory_space<hbm>>
          tpu.wait_indirect_dma semaphore(%arg15 : memref<!tpu.dma_semaphore, #tpu.memory_space<semaphore_mem>>) src(%dma_wait3A_154 : memref<10000x128xf32, #tpu.memory_space<hbm>>) dst(%arg10 : memref<64x128xf32, #tpu.memory_space<vmem>>)
          %dma_start3A_155 = arith.constant 0 : i32
          %dma_start3A_156 = tpu.memref_slice %arg8[%add3A_148, %dma_start3A_155] : memref<64x64xi32, #tpu.memory_space<vmem>> -> memref<1x64xi32, #tpu.memory_space<vmem>>
          %dma_start3A_157 = tpu.memref_squeeze %dma_start3A_156 : memref<1x64xi32, #tpu.memory_space<vmem>> -> memref<64xi32, #tpu.memory_space<vmem>>
          %dma_start3A_158 = arith.constant 0 : i32
          %dma_start3A_159 = arith.constant 0 : i32
          %dma_start3A_160 = tpu.memref_slice %arg13[%dma_start3A_158, %dma_start3A_159] : memref<10240x128xf32, #tpu.memory_space<vmem_shared>> -> memref<10240x128xf32, #tpu.memory_space<vmem_shared>>
          tpu.enqueue_indirect_dma source(%arg10 : memref<64x128xf32, #tpu.memory_space<vmem>>) target(%dma_start3A_160 : memref<10240x128xf32, #tpu.memory_space<vmem_shared>>) offsets(%dma_start3A_157 : memref<64xi32, #tpu.memory_space<vmem>>) semaphore(%arg15 : memref<!tpu.dma_semaphore, #tpu.memory_space<semaphore_mem>>) {add = true}
          %mul3A_161 = arith.constant 4 : i32
          %mul3A_162 = arith.muli %mul3A_161, %scan3A_128 : i32
          %add3A_163 = arith.constant 2 : i32
          %add3A_164 = arith.addi %mul3A_162, %add3A_163 : i32
          %dma_wait3A_165 = arith.constant 0 : i32
          %dma_wait3A_166 = tpu.memref_slice %arg7[%add3A_164, %dma_wait3A_165] : memref<64x64xi32, #tpu.memory_space<vmem>> -> memref<1x64xi32, #tpu.memory_space<vmem>>
          %dma_wait3A_167 = tpu.memref_squeeze %dma_wait3A_166 : memref<1x64xi32, #tpu.memory_space<vmem>> -> memref<64xi32, #tpu.memory_space<vmem>>
          %dma_wait3A_168 = arith.constant 0 : i32
          %dma_wait3A_169 = arith.constant 0 : i32
          %dma_wait3A_170 = tpu.memref_slice %arg3[%dma_wait3A_168, %dma_wait3A_169] : memref<10000x128xf32, #tpu.memory_space<hbm>> -> memref<10000x128xf32, #tpu.memory_space<hbm>>
          tpu.wait_indirect_dma semaphore(%arg16 : memref<!tpu.dma_semaphore, #tpu.memory_space<semaphore_mem>>) src(%dma_wait3A_170 : memref<10000x128xf32, #tpu.memory_space<hbm>>) dst(%arg11 : memref<64x128xf32, #tpu.memory_space<vmem>>)
          %dma_start3A_171 = arith.constant 0 : i32
          %dma_start3A_172 = tpu.memref_slice %arg8[%add3A_164, %dma_start3A_171] : memref<64x64xi32, #tpu.memory_space<vmem>> -> memref<1x64xi32, #tpu.memory_space<vmem>>
          %dma_start3A_173 = tpu.memref_squeeze %dma_start3A_172 : memref<1x64xi32, #tpu.memory_space<vmem>> -> memref<64xi32, #tpu.memory_space<vmem>>
          %dma_start3A_174 = arith.constant 0 : i32
          %dma_start3A_175 = arith.constant 0 : i32
          %dma_start3A_176 = tpu.memref_slice %arg13[%dma_start3A_174, %dma_start3A_175] : memref<10240x128xf32, #tpu.memory_space<vmem_shared>> -> memref<10240x128xf32, #tpu.memory_space<vmem_shared>>
          tpu.enqueue_indirect_dma source(%arg11 : memref<64x128xf32, #tpu.memory_space<vmem>>) target(%dma_start3A_176 : memref<10240x128xf32, #tpu.memory_space<vmem_shared>>) offsets(%dma_start3A_173 : memref<64xi32, #tpu.memory_space<vmem>>) semaphore(%arg16 : memref<!tpu.dma_semaphore, #tpu.memory_space<semaphore_mem>>) {add = true}
          %mul3A_177 = arith.constant 4 : i32
          %mul3A_178 = arith.muli %mul3A_177, %scan3A_128 : i32
          %add3A_179 = arith.constant 3 : i32
          %add3A_180 = arith.addi %mul3A_178, %add3A_179 : i32
          %dma_wait3A_181 = arith.constant 0 : i32
          %dma_wait3A_182 = tpu.memref_slice %arg7[%add3A_180, %dma_wait3A_181] : memref<64x64xi32, #tpu.memory_space<vmem>> -> memref<1x64xi32, #tpu.memory_space<vmem>>
          %dma_wait3A_183 = tpu.memref_squeeze %dma_wait3A_182 : memref<1x64xi32, #tpu.memory_space<vmem>> -> memref<64xi32, #tpu.memory_space<vmem>>
          %dma_wait3A_184 = arith.constant 0 : i32
          %dma_wait3A_185 = arith.constant 0 : i32
          %dma_wait3A_186 = tpu.memref_slice %arg3[%dma_wait3A_184, %dma_wait3A_185] : memref<10000x128xf32, #tpu.memory_space<hbm>> -> memref<10000x128xf32, #tpu.memory_space<hbm>>
          tpu.wait_indirect_dma semaphore(%arg17 : memref<!tpu.dma_semaphore, #tpu.memory_space<semaphore_mem>>) src(%dma_wait3A_186 : memref<10000x128xf32, #tpu.memory_space<hbm>>) dst(%arg12 : memref<64x128xf32, #tpu.memory_space<vmem>>)
          %dma_start3A_187 = arith.constant 0 : i32
          %dma_start3A_188 = tpu.memref_slice %arg8[%add3A_180, %dma_start3A_187] : memref<64x64xi32, #tpu.memory_space<vmem>> -> memref<1x64xi32, #tpu.memory_space<vmem>>
          %dma_start3A_189 = tpu.memref_squeeze %dma_start3A_188 : memref<1x64xi32, #tpu.memory_space<vmem>> -> memref<64xi32, #tpu.memory_space<vmem>>
          %dma_start3A_190 = arith.constant 0 : i32
          %dma_start3A_191 = arith.constant 0 : i32
          %dma_start3A_192 = tpu.memref_slice %arg13[%dma_start3A_190, %dma_start3A_191] : memref<10240x128xf32, #tpu.memory_space<vmem_shared>> -> memref<10240x128xf32, #tpu.memory_space<vmem_shared>>
          tpu.enqueue_indirect_dma source(%arg12 : memref<64x128xf32, #tpu.memory_space<vmem>>) target(%dma_start3A_192 : memref<10240x128xf32, #tpu.memory_space<vmem_shared>>) offsets(%dma_start3A_189 : memref<64xi32, #tpu.memory_space<vmem>>) semaphore(%arg17 : memref<!tpu.dma_semaphore, #tpu.memory_space<semaphore_mem>>) {add = true}
          %add3A_193 = arith.constant 1 : i32
          %add3A_194 = arith.addi %scan3A_128, %add3A_193 : i32
          %lt3A = arith.constant 16 : i32
          %lt3A_195 = arith.cmpi slt, %add3A_194, %lt3A : i32
          %convert_element_type3A_196 = arith.extui %lt3A_195 : i1 to i32
          %cond3A_197 = arith.constant 0 : i32
          %cond3A_198 = arith.cmpi ne, %convert_element_type3A_196, %cond3A_197 : i32
          scf.if %cond3A_198 {
            %mul3A_199 = arith.constant 4 : i32
            %mul3A_200 = arith.muli %mul3A_199, %scan3A_128 : i32
            %add3A_201 = arith.constant 0 : i32
            %add3A_202 = arith.addi %mul3A_200, %add3A_201 : i32
            %dma_wait3A_203 = arith.constant 0 : i32
            %dma_wait3A_204 = tpu.memref_slice %arg8[%add3A_202, %dma_wait3A_203] : memref<64x64xi32, #tpu.memory_space<vmem>> -> memref<1x64xi32, #tpu.memory_space<vmem>>
            %dma_wait3A_205 = tpu.memref_squeeze %dma_wait3A_204 : memref<1x64xi32, #tpu.memory_space<vmem>> -> memref<64xi32, #tpu.memory_space<vmem>>
            %dma_wait3A_206 = arith.constant 0 : i32
            %dma_wait3A_207 = arith.constant 0 : i32
            %dma_wait3A_208 = tpu.memref_slice %arg13[%dma_wait3A_206, %dma_wait3A_207] : memref<10240x128xf32, #tpu.memory_space<vmem_shared>> -> memref<10240x128xf32, #tpu.memory_space<vmem_shared>>
            tpu.wait_indirect_dma semaphore(%arg14 : memref<!tpu.dma_semaphore, #tpu.memory_space<semaphore_mem>>) src(%arg9 : memref<64x128xf32, #tpu.memory_space<vmem>>) dst(%dma_wait3A_208 : memref<10240x128xf32, #tpu.memory_space<vmem_shared>>)
            %add3A_209 = arith.constant 4 : i32
            %add3A_210 = arith.addi %add3A_202, %add3A_209 : i32
            %dma_start3A_211 = arith.constant 0 : i32
            %dma_start3A_212 = tpu.memref_slice %arg7[%add3A_210, %dma_start3A_211] : memref<64x64xi32, #tpu.memory_space<vmem>> -> memref<1x64xi32, #tpu.memory_space<vmem>>
            %dma_start3A_213 = tpu.memref_squeeze %dma_start3A_212 : memref<1x64xi32, #tpu.memory_space<vmem>> -> memref<64xi32, #tpu.memory_space<vmem>>
            %dma_start3A_214 = arith.constant 0 : i32
            %dma_start3A_215 = arith.constant 0 : i32
            %dma_start3A_216 = tpu.memref_slice %arg3[%dma_start3A_214, %dma_start3A_215] : memref<10000x128xf32, #tpu.memory_space<hbm>> -> memref<10000x128xf32, #tpu.memory_space<hbm>>
            tpu.enqueue_indirect_dma source(%dma_start3A_216 : memref<10000x128xf32, #tpu.memory_space<hbm>>) target(%arg9 : memref<64x128xf32, #tpu.memory_space<vmem>>) offsets(%dma_start3A_213 : memref<64xi32, #tpu.memory_space<vmem>>) semaphore(%arg14 : memref<!tpu.dma_semaphore, #tpu.memory_space<semaphore_mem>>)
            %mul3A_217 = arith.constant 4 : i32
            %mul3A_218 = arith.muli %mul3A_217, %scan3A_128 : i32
            %add3A_219 = arith.constant 1 : i32
            %add3A_220 = arith.addi %mul3A_218, %add3A_219 : i32
            %dma_wait3A_221 = arith.constant 0 : i32
            %dma_wait3A_222 = tpu.memref_slice %arg8[%add3A_220, %dma_wait3A_221] : memref<64x64xi32, #tpu.memory_space<vmem>> -> memref<1x64xi32, #tpu.memory_space<vmem>>
            %dma_wait3A_223 = tpu.memref_squeeze %dma_wait3A_222 : memref<1x64xi32, #tpu.memory_space<vmem>> -> memref<64xi32, #tpu.memory_space<vmem>>
            %dma_wait3A_224 = arith.constant 0 : i32
            %dma_wait3A_225 = arith.constant 0 : i32
            %dma_wait3A_226 = tpu.memref_slice %arg13[%dma_wait3A_224, %dma_wait3A_225] : memref<10240x128xf32, #tpu.memory_space<vmem_shared>> -> memref<10240x128xf32, #tpu.memory_space<vmem_shared>>
            tpu.wait_indirect_dma semaphore(%arg15 : memref<!tpu.dma_semaphore, #tpu.memory_space<semaphore_mem>>) src(%arg10 : memref<64x128xf32, #tpu.memory_space<vmem>>) dst(%dma_wait3A_226 : memref<10240x128xf32, #tpu.memory_space<vmem_shared>>)
            %add3A_227 = arith.constant 4 : i32
            %add3A_228 = arith.addi %add3A_220, %add3A_227 : i32
            %dma_start3A_229 = arith.constant 0 : i32
            %dma_start3A_230 = tpu.memref_slice %arg7[%add3A_228, %dma_start3A_229] : memref<64x64xi32, #tpu.memory_space<vmem>> -> memref<1x64xi32, #tpu.memory_space<vmem>>
            %dma_start3A_231 = tpu.memref_squeeze %dma_start3A_230 : memref<1x64xi32, #tpu.memory_space<vmem>> -> memref<64xi32, #tpu.memory_space<vmem>>
            %dma_start3A_232 = arith.constant 0 : i32
            %dma_start3A_233 = arith.constant 0 : i32
            %dma_start3A_234 = tpu.memref_slice %arg3[%dma_start3A_232, %dma_start3A_233] : memref<10000x128xf32, #tpu.memory_space<hbm>> -> memref<10000x128xf32, #tpu.memory_space<hbm>>
            tpu.enqueue_indirect_dma source(%dma_start3A_234 : memref<10000x128xf32, #tpu.memory_space<hbm>>) target(%arg10 : memref<64x128xf32, #tpu.memory_space<vmem>>) offsets(%dma_start3A_231 : memref<64xi32, #tpu.memory_space<vmem>>) semaphore(%arg15 : memref<!tpu.dma_semaphore, #tpu.memory_space<semaphore_mem>>)
            %mul3A_235 = arith.constant 4 : i32
            %mul3A_236 = arith.muli %mul3A_235, %scan3A_128 : i32
            %add3A_237 = arith.constant 2 : i32
            %add3A_238 = arith.addi %mul3A_236, %add3A_237 : i32
            %dma_wait3A_239 = arith.constant 0 : i32
            %dma_wait3A_240 = tpu.memref_slice %arg8[%add3A_238, %dma_wait3A_239] : memref<64x64xi32, #tpu.memory_space<vmem>> -> memref<1x64xi32, #tpu.memory_space<vmem>>
            %dma_wait3A_241 = tpu.memref_squeeze %dma_wait3A_240 : memref<1x64xi32, #tpu.memory_space<vmem>> -> memref<64xi32, #tpu.memory_space<vmem>>
            %dma_wait3A_242 = arith.constant 0 : i32
            %dma_wait3A_243 = arith.constant 0 : i32
            %dma_wait3A_244 = tpu.memref_slice %arg13[%dma_wait3A_242, %dma_wait3A_243] : memref<10240x128xf32, #tpu.memory_space<vmem_shared>> -> memref<10240x128xf32, #tpu.memory_space<vmem_shared>>
            tpu.wait_indirect_dma semaphore(%arg16 : memref<!tpu.dma_semaphore, #tpu.memory_space<semaphore_mem>>) src(%arg11 : memref<64x128xf32, #tpu.memory_space<vmem>>) dst(%dma_wait3A_244 : memref<10240x128xf32, #tpu.memory_space<vmem_shared>>)
            %add3A_245 = arith.constant 4 : i32
            %add3A_246 = arith.addi %add3A_238, %add3A_245 : i32
            %dma_start3A_247 = arith.constant 0 : i32
            %dma_start3A_248 = tpu.memref_slice %arg7[%add3A_246, %dma_start3A_247] : memref<64x64xi32, #tpu.memory_space<vmem>> -> memref<1x64xi32, #tpu.memory_space<vmem>>
            %dma_start3A_249 = tpu.memref_squeeze %dma_start3A_248 : memref<1x64xi32, #tpu.memory_space<vmem>> -> memref<64xi32, #tpu.memory_space<vmem>>
            %dma_start3A_250 = arith.constant 0 : i32
            %dma_start3A_251 = arith.constant 0 : i32
            %dma_start3A_252 = tpu.memref_slice %arg3[%dma_start3A_250, %dma_start3A_251] : memref<10000x128xf32, #tpu.memory_space<hbm>> -> memref<10000x128xf32, #tpu.memory_space<hbm>>
            tpu.enqueue_indirect_dma source(%dma_start3A_252 : memref<10000x128xf32, #tpu.memory_space<hbm>>) target(%arg11 : memref<64x128xf32, #tpu.memory_space<vmem>>) offsets(%dma_start3A_249 : memref<64xi32, #tpu.memory_space<vmem>>) semaphore(%arg16 : memref<!tpu.dma_semaphore, #tpu.memory_space<semaphore_mem>>)
            %mul3A_253 = arith.constant 4 : i32
            %mul3A_254 = arith.muli %mul3A_253, %scan3A_128 : i32
            %add3A_255 = arith.constant 3 : i32
            %add3A_256 = arith.addi %mul3A_254, %add3A_255 : i32
            %dma_wait3A_257 = arith.constant 0 : i32
            %dma_wait3A_258 = tpu.memref_slice %arg8[%add3A_256, %dma_wait3A_257] : memref<64x64xi32, #tpu.memory_space<vmem>> -> memref<1x64xi32, #tpu.memory_space<vmem>>
            %dma_wait3A_259 = tpu.memref_squeeze %dma_wait3A_258 : memref<1x64xi32, #tpu.memory_space<vmem>> -> memref<64xi32, #tpu.memory_space<vmem>>
            %dma_wait3A_260 = arith.constant 0 : i32
            %dma_wait3A_261 = arith.constant 0 : i32
            %dma_wait3A_262 = tpu.memref_slice %arg13[%dma_wait3A_260, %dma_wait3A_261] : memref<10240x128xf32, #tpu.memory_space<vmem_shared>> -> memref<10240x128xf32, #tpu.memory_space<vmem_shared>>
            tpu.wait_indirect_dma semaphore(%arg17 : memref<!tpu.dma_semaphore, #tpu.memory_space<semaphore_mem>>) src(%arg12 : memref<64x128xf32, #tpu.memory_space<vmem>>) dst(%dma_wait3A_262 : memref<10240x128xf32, #tpu.memory_space<vmem_shared>>)
            %add3A_263 = arith.constant 4 : i32
            %add3A_264 = arith.addi %add3A_256, %add3A_263 : i32
            %dma_start3A_265 = arith.constant 0 : i32
            %dma_start3A_266 = tpu.memref_slice %arg7[%add3A_264, %dma_start3A_265] : memref<64x64xi32, #tpu.memory_space<vmem>> -> memref<1x64xi32, #tpu.memory_space<vmem>>
            %dma_start3A_267 = tpu.memref_squeeze %dma_start3A_266 : memref<1x64xi32, #tpu.memory_space<vmem>> -> memref<64xi32, #tpu.memory_space<vmem>>
            %dma_start3A_268 = arith.constant 0 : i32
            %dma_start3A_269 = arith.constant 0 : i32
            %dma_start3A_270 = tpu.memref_slice %arg3[%dma_start3A_268, %dma_start3A_269] : memref<10000x128xf32, #tpu.memory_space<hbm>> -> memref<10000x128xf32, #tpu.memory_space<hbm>>
            tpu.enqueue_indirect_dma source(%dma_start3A_270 : memref<10000x128xf32, #tpu.memory_space<hbm>>) target(%arg12 : memref<64x128xf32, #tpu.memory_space<vmem>>) offsets(%dma_start3A_267 : memref<64xi32, #tpu.memory_space<vmem>>) semaphore(%arg17 : memref<!tpu.dma_semaphore, #tpu.memory_space<semaphore_mem>>)
          } else {
          }
        }
        %scan3A_100 = arith.constant 16 : i32
        %dma_wait3A = arith.constant 0 : i32
        %dma_wait3A_101 = arith.constant 0 : i32
        %dma_wait3A_102 = tpu.memref_slice %arg8[%dma_wait3A, %dma_wait3A_101] : memref<64x64xi32, #tpu.memory_space<vmem>> -> memref<1x64xi32, #tpu.memory_space<vmem>>
        %dma_wait3A_103 = tpu.memref_squeeze %dma_wait3A_102 : memref<1x64xi32, #tpu.memory_space<vmem>> -> memref<64xi32, #tpu.memory_space<vmem>>
        %dma_wait3A_104 = arith.constant 0 : i32
        %dma_wait3A_105 = arith.constant 0 : i32
        %dma_wait3A_106 = tpu.memref_slice %arg13[%dma_wait3A_104, %dma_wait3A_105] : memref<10240x128xf32, #tpu.memory_space<vmem_shared>> -> memref<10240x128xf32, #tpu.memory_space<vmem_shared>>
        tpu.wait_indirect_dma semaphore(%arg14 : memref<!tpu.dma_semaphore, #tpu.memory_space<semaphore_mem>>) src(%arg9 : memref<64x128xf32, #tpu.memory_space<vmem>>) dst(%dma_wait3A_106 : memref<10240x128xf32, #tpu.memory_space<vmem_shared>>)
        %dma_wait3A_107 = arith.constant 1 : i32
        %dma_wait3A_108 = arith.constant 0 : i32
        %dma_wait3A_109 = tpu.memref_slice %arg8[%dma_wait3A_107, %dma_wait3A_108] : memref<64x64xi32, #tpu.memory_space<vmem>> -> memref<1x64xi32, #tpu.memory_space<vmem>>
        %dma_wait3A_110 = tpu.memref_squeeze %dma_wait3A_109 : memref<1x64xi32, #tpu.memory_space<vmem>> -> memref<64xi32, #tpu.memory_space<vmem>>
        %dma_wait3A_111 = arith.constant 0 : i32
        %dma_wait3A_112 = arith.constant 0 : i32
        %dma_wait3A_113 = tpu.memref_slice %arg13[%dma_wait3A_111, %dma_wait3A_112] : memref<10240x128xf32, #tpu.memory_space<vmem_shared>> -> memref<10240x128xf32, #tpu.memory_space<vmem_shared>>
        tpu.wait_indirect_dma semaphore(%arg15 : memref<!tpu.dma_semaphore, #tpu.memory_space<semaphore_mem>>) src(%arg10 : memref<64x128xf32, #tpu.memory_space<vmem>>) dst(%dma_wait3A_113 : memref<10240x128xf32, #tpu.memory_space<vmem_shared>>)
        %dma_wait3A_114 = arith.constant 2 : i32
        %dma_wait3A_115 = arith.constant 0 : i32
        %dma_wait3A_116 = tpu.memref_slice %arg8[%dma_wait3A_114, %dma_wait3A_115] : memref<64x64xi32, #tpu.memory_space<vmem>> -> memref<1x64xi32, #tpu.memory_space<vmem>>
        %dma_wait3A_117 = tpu.memref_squeeze %dma_wait3A_116 : memref<1x64xi32, #tpu.memory_space<vmem>> -> memref<64xi32, #tpu.memory_space<vmem>>
        %dma_wait3A_118 = arith.constant 0 : i32
        %dma_wait3A_119 = arith.constant 0 : i32
        %dma_wait3A_120 = tpu.memref_slice %arg13[%dma_wait3A_118, %dma_wait3A_119] : memref<10240x128xf32, #tpu.memory_space<vmem_shared>> -> memref<10240x128xf32, #tpu.memory_space<vmem_shared>>
        tpu.wait_indirect_dma semaphore(%arg16 : memref<!tpu.dma_semaphore, #tpu.memory_space<semaphore_mem>>) src(%arg11 : memref<64x128xf32, #tpu.memory_space<vmem>>) dst(%dma_wait3A_120 : memref<10240x128xf32, #tpu.memory_space<vmem_shared>>)
        %dma_wait3A_121 = arith.constant 3 : i32
        %dma_wait3A_122 = arith.constant 0 : i32
        %dma_wait3A_123 = tpu.memref_slice %arg8[%dma_wait3A_121, %dma_wait3A_122] : memref<64x64xi32, #tpu.memory_space<vmem>> -> memref<1x64xi32, #tpu.memory_space<vmem>>
        %dma_wait3A_124 = tpu.memref_squeeze %dma_wait3A_123 : memref<1x64xi32, #tpu.memory_space<vmem>> -> memref<64xi32, #tpu.memory_space<vmem>>
        %dma_wait3A_125 = arith.constant 0 : i32
        %dma_wait3A_126 = arith.constant 0 : i32
        %dma_wait3A_127 = tpu.memref_slice %arg13[%dma_wait3A_125, %dma_wait3A_126] : memref<10240x128xf32, #tpu.memory_space<vmem_shared>> -> memref<10240x128xf32, #tpu.memory_space<vmem_shared>>
        tpu.wait_indirect_dma semaphore(%arg17 : memref<!tpu.dma_semaphore, #tpu.memory_space<semaphore_mem>>) src(%arg12 : memref<64x128xf32, #tpu.memory_space<vmem>>) dst(%dma_wait3A_127 : memref<10240x128xf32, #tpu.memory_space<vmem_shared>>)
      }
      %scan3A_61 = arith.constant 5 : i32
    } else {
    }
    %barrier3A_52 = arith.constant 0 : index
    tpu.barrier barrier_id(%barrier3A_52)
    %mul3A_53 = arith.constant 640 : i32
    %mul3A_54 = arith.muli %arg1, %mul3A_53 : i32
    %mul3A_55 = arith.constant 640 : i32
    %mul3A_56 = arith.muli %arg1, %mul3A_55 : i32
    "tpu.region"() ({
      %run_scoped3A = tpu.sem_alloc : memref<!tpu.dma_semaphore, #tpu.memory_space<semaphore_mem>>
      %dma_start3A = arith.constant 0 : i32
      %dma_start3A_57 = tpu.memref_slice %arg6[%arg0, %mul3A_56, %dma_start3A] : memref<2x10240x128xf32, #tpu.memory_space<hbm>> -> memref<1x640x128xf32, #tpu.memory_space<hbm>>
      %dma_start3A_58 = tpu.memref_squeeze %dma_start3A_57 : memref<1x640x128xf32, #tpu.memory_space<hbm>> -> memref<640x128xf32, #tpu.memory_space<hbm>>
      %dma_start3A_59 = arith.constant 0 : i32
      %dma_start3A_60 = tpu.memref_slice %arg13[%mul3A_54, %dma_start3A_59] : memref<10240x128xf32, #tpu.memory_space<vmem_shared>> -> memref<640x128xf32, #tpu.memory_space<vmem_shared>>
      tpu.enqueue_dma source(%dma_start3A_60 : memref<640x128xf32, #tpu.memory_space<vmem_shared>>) target(%dma_start3A_58 : memref<640x128xf32, #tpu.memory_space<hbm>>) target_semaphore(%run_scoped3A : memref<!tpu.dma_semaphore, #tpu.memory_space<semaphore_mem>>)
      %dma_wait3A = arith.constant 0 : i32
      %dma_wait3A_61 = tpu.memref_slice %arg6[%arg0, %mul3A_56, %dma_wait3A] : memref<2x10240x128xf32, #tpu.memory_space<hbm>> -> memref<1x640x128xf32, #tpu.memory_space<hbm>>
      %dma_wait3A_62 = tpu.memref_squeeze %dma_wait3A_61 : memref<1x640x128xf32, #tpu.memory_space<hbm>> -> memref<640x128xf32, #tpu.memory_space<hbm>>
      %dma_wait3A_63 = arith.constant 0 : i32
      %dma_wait3A_64 = tpu.memref_slice %arg13[%mul3A_54, %dma_wait3A_63] : memref<10240x128xf32, #tpu.memory_space<vmem_shared>> -> memref<640x128xf32, #tpu.memory_space<vmem_shared>>
      tpu.wait_dma2 semaphore(%run_scoped3A : memref<!tpu.dma_semaphore, #tpu.memory_space<semaphore_mem>>) src(%dma_wait3A_64 : memref<640x128xf32, #tpu.memory_space<vmem_shared>>) dst(%dma_wait3A_62 : memref<640x128xf32, #tpu.memory_space<hbm>>)
      tpu.yield
    }) : () -> ()
    return
  }
}

#map = affine_map<(d0, d1) -> (0, 0)>
#map1 = affine_map<(d0, d1) -> (0, 0, 0)>
module attributes {stable_mosaic.version = 14 : i64} {
  func.func @_sc_agg_half(%arg0: i32, %arg1: i32, %arg2: memref<10000x128xf32, #tpu.memory_space<hbm>>, %arg3: memref<10000x128xf32, #tpu.memory_space<hbm>>, %arg4: memref<5120x64xi32, #tpu.memory_space<hbm>>, %arg5: memref<5120x64xi32, #tpu.memory_space<hbm>>, %arg6: memref<2x10240x128xf32, #tpu.memory_space<hbm>>, %arg7: memref<64x64xi32, #tpu.memory_space<vmem>>, %arg8: memref<64x64xi32, #tpu.memory_space<vmem>>, %arg9: memref<64x128xf32, #tpu.memory_space<vmem>>, %arg10: memref<64x128xf32, #tpu.memory_space<vmem>>, %arg11: memref<64x128xf32, #tpu.memory_space<vmem>>, %arg12: memref<64x128xf32, #tpu.memory_space<vmem>>, %arg13: memref<10240x128xf32, #tpu.memory_space<vmem_shared>>, %arg14: memref<!tpu.dma_semaphore, #tpu.memory_space<semaphore_mem>>, %arg15: memref<!tpu.dma_semaphore, #tpu.memory_space<semaphore_mem>>, %arg16: memref<!tpu.dma_semaphore, #tpu.memory_space<semaphore_mem>>, %arg17: memref<!tpu.dma_semaphore, #tpu.memory_space<semaphore_mem>>) attributes {dimension_semantics = [#tpu.dimension_semantics<core_parallel>, #tpu.dimension_semantics<subcore_parallel>], iteration_bounds = array<i64: 2, 16>, scalar_prefetch = 0 : i64, scratch_operands = 11 : i64, tpu.core_type = #tpu.core_type<sc_vector_subcore>, window_params = [{transform_indices = #map}, {transform_indices = #map}, {transform_indices = #map}, {transform_indices = #map}, {transform_indices = #map1}]} {
    %broadcast_in_dim3A = arith.constant 0.000000e+00 : f32
    %broadcast_in_dim3A_0 = vector.broadcast %broadcast_in_dim3A : f32 to vector<16xf32>
    %scan3A = arith.constant 0 : i32
    %scan3A_1 = arith.constant 512 : i32
    %scan3A_2 = arith.addi %scan3A, %scan3A_1 : i32
    %scan3A_3 = arith.constant 1 : i32
    scf.for %scan3A_57 = %scan3A to %scan3A_2 step %scan3A_3  : i32 {
      %jit3A = arith.constant 8 : i32
      %div3A = arith.divsi %scan3A_57, %jit3A : i32
      %sign3A = arith.constant 0 : i32
      %sign3A_58 = arith.cmpi sgt, %scan3A_57, %sign3A : i32
      %sign3A_59 = arith.extui %sign3A_58 : i1 to i32
      %sign3A_60 = arith.constant 0 : i32
      %sign3A_61 = arith.cmpi slt, %scan3A_57, %sign3A_60 : i32
      %sign3A_62 = arith.extui %sign3A_61 : i1 to i32
      %sign3A_63 = arith.subi %sign3A_59, %sign3A_62 : i32
      %sign3A_64 = arith.constant 0 : i32
      %sign3A_65 = arith.cmpi sgt, %jit3A, %sign3A_64 : i32
      %sign3A_66 = arith.extui %sign3A_65 : i1 to i32
      %sign3A_67 = arith.constant 0 : i32
      %sign3A_68 = arith.cmpi slt, %jit3A, %sign3A_67 : i32
      %sign3A_69 = arith.extui %sign3A_68 : i1 to i32
      %sign3A_70 = arith.subi %sign3A_66, %sign3A_69 : i32
      %ne3A = arith.cmpi ne, %sign3A_63, %sign3A_70 : i32
      %rem3A = arith.remsi %scan3A_57, %jit3A : i32
      %ne3A_71 = arith.constant 0 : i32
      %ne3A_72 = arith.cmpi ne, %rem3A, %ne3A_71 : i32
      %and3A = arith.andi %ne3A, %ne3A_72 : i1
      %sub3A = arith.constant 1 : i32
      %sub3A_73 = arith.subi %div3A, %sub3A : i32
      %select_n3A = arith.select %and3A, %sub3A_73, %div3A : i32
      %rem3A_74 = arith.constant 8 : i32
      %rem3A_75 = arith.remsi %scan3A_57, %rem3A_74 : i32
      %mul3A_76 = arith.constant 16 : i32
      %mul3A_77 = arith.muli %rem3A_75, %mul3A_76 : i32
      %swap3A = arith.index_cast %select_n3A : i32 to index
      %swap3A_78 = arith.index_cast %mul3A_77 : i32 to index
      %swap3A_79 = tpu.vector_load %arg9[%swap3A, %swap3A_78] {strides = array<i32>} : memref<64x128xf32, #tpu.memory_space<vmem>>, vector<1x16xf32>,
      %swap3A_80 = vector.shape_cast %swap3A_79 : vector<1x16xf32> to vector<16xf32>
      %swap3A_81 = vector.shape_cast %broadcast_in_dim3A_0 : vector<16xf32> to vector<1x16xf32>
      tpu.vector_store %arg9[%swap3A, %swap3A_78], %swap3A_81 {strides = array<i32>} : memref<64x128xf32, #tpu.memory_space<vmem>>, vector<1x16xf32>,
    }
    %scan3A_4 = arith.constant 512 : i32
    %mul3A = arith.constant 640 : i32
    %mul3A_5 = arith.muli %arg1, %mul3A : i32
    %add3A = arith.constant 0 : i32
    %add3A_6 = arith.addi %mul3A_5, %add3A : i32
    "tpu.region"() ({
      %run_scoped3A = tpu.sem_alloc : memref<!tpu.dma_semaphore, #tpu.memory_space<semaphore_mem>>
      %dma_start3A = arith.constant 0 : i32
      %dma_start3A_57 = tpu.memref_slice %arg13[%add3A_6, %dma_start3A] : memref<10240x128xf32, #tpu.memory_space<vmem_shared>> -> memref<64x128xf32, #tpu.memory_space<vmem_shared>>
      %dma_start3A_58 = arith.constant 0 : i32
      %dma_start3A_59 = tpu.memref_slice %arg13[%add3A_6, %dma_start3A_58] : memref<10240x128xf32, #tpu.memory_space<vmem_shared>> -> memref<64x128xf32, #tpu.memory_space<vmem_shared>>
      tpu.enqueue_dma source(%arg9 : memref<64x128xf32, #tpu.memory_space<vmem>>) target(%dma_start3A_59 : memref<64x128xf32, #tpu.memory_space<vmem_shared>>) target_semaphore(%run_scoped3A : memref<!tpu.dma_semaphore, #tpu.memory_space<semaphore_mem>>)
      %dma_wait3A = arith.constant 0 : i32
      %dma_wait3A_60 = tpu.memref_slice %arg13[%add3A_6, %dma_wait3A] : memref<10240x128xf32, #tpu.memory_space<vmem_shared>> -> memref<64x128xf32, #tpu.memory_space<vmem_shared>>
      %dma_wait3A_61 = arith.constant 0 : i32
      %dma_wait3A_62 = tpu.memref_slice %arg13[%add3A_6, %dma_wait3A_61] : memref<10240x128xf32, #tpu.memory_space<vmem_shared>> -> memref<64x128xf32, #tpu.memory_space<vmem_shared>>
      tpu.wait_dma2 semaphore(%run_scoped3A : memref<!tpu.dma_semaphore, #tpu.memory_space<semaphore_mem>>) src(%arg9 : memref<64x128xf32, #tpu.memory_space<vmem>>) dst(%dma_wait3A_62 : memref<64x128xf32, #tpu.memory_space<vmem_shared>>)
      tpu.yield
    }) : () -> ()
    %mul3A_7 = arith.constant 640 : i32
    %mul3A_8 = arith.muli %arg1, %mul3A_7 : i32
    %add3A_9 = arith.constant 64 : i32
    %add3A_10 = arith.addi %mul3A_8, %add3A_9 : i32
    "tpu.region"() ({
      %run_scoped3A = tpu.sem_alloc : memref<!tpu.dma_semaphore, #tpu.memory_space<semaphore_mem>>
      %dma_start3A = arith.constant 0 : i32
      %dma_start3A_57 = tpu.memref_slice %arg13[%add3A_10, %dma_start3A] : memref<10240x128xf32, #tpu.memory_space<vmem_shared>> -> memref<64x128xf32, #tpu.memory_space<vmem_shared>>
      %dma_start3A_58 = arith.constant 0 : i32
      %dma_start3A_59 = tpu.memref_slice %arg13[%add3A_10, %dma_start3A_58] : memref<10240x128xf32, #tpu.memory_space<vmem_shared>> -> memref<64x128xf32, #tpu.memory_space<vmem_shared>>
      tpu.enqueue_dma source(%arg9 : memref<64x128xf32, #tpu.memory_space<vmem>>) target(%dma_start3A_59 : memref<64x128xf32, #tpu.memory_space<vmem_shared>>) target_semaphore(%run_scoped3A : memref<!tpu.dma_semaphore, #tpu.memory_space<semaphore_mem>>)
      %dma_wait3A = arith.constant 0 : i32
      %dma_wait3A_60 = tpu.memref_slice %arg13[%add3A_10, %dma_wait3A] : memref<10240x128xf32, #tpu.memory_space<vmem_shared>> -> memref<64x128xf32, #tpu.memory_space<vmem_shared>>
      %dma_wait3A_61 = arith.constant 0 : i32
      %dma_wait3A_62 = tpu.memref_slice %arg13[%add3A_10, %dma_wait3A_61] : memref<10240x128xf32, #tpu.memory_space<vmem_shared>> -> memref<64x128xf32, #tpu.memory_space<vmem_shared>>
      tpu.wait_dma2 semaphore(%run_scoped3A : memref<!tpu.dma_semaphore, #tpu.memory_space<semaphore_mem>>) src(%arg9 : memref<64x128xf32, #tpu.memory_space<vmem>>) dst(%dma_wait3A_62 : memref<64x128xf32, #tpu.memory_space<vmem_shared>>)
      tpu.yield
    }) : () -> ()
    %mul3A_11 = arith.constant 640 : i32
    %mul3A_12 = arith.muli %arg1, %mul3A_11 : i32
    %add3A_13 = arith.constant 128 : i32
    %add3A_14 = arith.addi %mul3A_12, %add3A_13 : i32
    "tpu.region"() ({
      %run_scoped3A = tpu.sem_alloc : memref<!tpu.dma_semaphore, #tpu.memory_space<semaphore_mem>>
      %dma_start3A = arith.constant 0 : i32
      %dma_start3A_57 = tpu.memref_slice %arg13[%add3A_14, %dma_start3A] : memref<10240x128xf32, #tpu.memory_space<vmem_shared>> -> memref<64x128xf32, #tpu.memory_space<vmem_shared>>
      %dma_start3A_58 = arith.constant 0 : i32
      %dma_start3A_59 = tpu.memref_slice %arg13[%add3A_14, %dma_start3A_58] : memref<10240x128xf32, #tpu.memory_space<vmem_shared>> -> memref<64x128xf32, #tpu.memory_space<vmem_shared>>
      tpu.enqueue_dma source(%arg9 : memref<64x128xf32, #tpu.memory_space<vmem>>) target(%dma_start3A_59 : memref<64x128xf32, #tpu.memory_space<vmem_shared>>) target_semaphore(%run_scoped3A : memref<!tpu.dma_semaphore, #tpu.memory_space<semaphore_mem>>)
      %dma_wait3A = arith.constant 0 : i32
      %dma_wait3A_60 = tpu.memref_slice %arg13[%add3A_14, %dma_wait3A] : memref<10240x128xf32, #tpu.memory_space<vmem_shared>> -> memref<64x128xf32, #tpu.memory_space<vmem_shared>>
      %dma_wait3A_61 = arith.constant 0 : i32
      %dma_wait3A_62 = tpu.memref_slice %arg13[%add3A_14, %dma_wait3A_61] : memref<10240x128xf32, #tpu.memory_space<vmem_shared>> -> memref<64x128xf32, #tpu.memory_space<vmem_shared>>
      tpu.wait_dma2 semaphore(%run_scoped3A : memref<!tpu.dma_semaphore, #tpu.memory_space<semaphore_mem>>) src(%arg9 : memref<64x128xf32, #tpu.memory_space<vmem>>) dst(%dma_wait3A_62 : memref<64x128xf32, #tpu.memory_space<vmem_shared>>)
      tpu.yield
    }) : () -> ()
    %mul3A_15 = arith.constant 640 : i32
    %mul3A_16 = arith.muli %arg1, %mul3A_15 : i32
    %add3A_17 = arith.constant 192 : i32
    %add3A_18 = arith.addi %mul3A_16, %add3A_17 : i32
    "tpu.region"() ({
      %run_scoped3A = tpu.sem_alloc : memref<!tpu.dma_semaphore, #tpu.memory_space<semaphore_mem>>
      %dma_start3A = arith.constant 0 : i32
      %dma_start3A_57 = tpu.memref_slice %arg13[%add3A_18, %dma_start3A] : memref<10240x128xf32, #tpu.memory_space<vmem_shared>> -> memref<64x128xf32, #tpu.memory_space<vmem_shared>>
      %dma_start3A_58 = arith.constant 0 : i32
      %dma_start3A_59 = tpu.memref_slice %arg13[%add3A_18, %dma_start3A_58] : memref<10240x128xf32, #tpu.memory_space<vmem_shared>> -> memref<64x128xf32, #tpu.memory_space<vmem_shared>>
      tpu.enqueue_dma source(%arg9 : memref<64x128xf32, #tpu.memory_space<vmem>>) target(%dma_start3A_59 : memref<64x128xf32, #tpu.memory_space<vmem_shared>>) target_semaphore(%run_scoped3A : memref<!tpu.dma_semaphore, #tpu.memory_space<semaphore_mem>>)
      %dma_wait3A = arith.constant 0 : i32
      %dma_wait3A_60 = tpu.memref_slice %arg13[%add3A_18, %dma_wait3A] : memref<10240x128xf32, #tpu.memory_space<vmem_shared>> -> memref<64x128xf32, #tpu.memory_space<vmem_shared>>
      %dma_wait3A_61 = arith.constant 0 : i32
      %dma_wait3A_62 = tpu.memref_slice %arg13[%add3A_18, %dma_wait3A_61] : memref<10240x128xf32, #tpu.memory_space<vmem_shared>> -> memref<64x128xf32, #tpu.memory_space<vmem_shared>>
      tpu.wait_dma2 semaphore(%run_scoped3A : memref<!tpu.dma_semaphore, #tpu.memory_space<semaphore_mem>>) src(%arg9 : memref<64x128xf32, #tpu.memory_space<vmem>>) dst(%dma_wait3A_62 : memref<64x128xf32, #tpu.memory_space<vmem_shared>>)
      tpu.yield
    }) : () -> ()
    %mul3A_19 = arith.constant 640 : i32
    %mul3A_20 = arith.muli %arg1, %mul3A_19 : i32
    %add3A_21 = arith.constant 256 : i32
    %add3A_22 = arith.addi %mul3A_20, %add3A_21 : i32
    "tpu.region"() ({
      %run_scoped3A = tpu.sem_alloc : memref<!tpu.dma_semaphore, #tpu.memory_space<semaphore_mem>>
      %dma_start3A = arith.constant 0 : i32
      %dma_start3A_57 = tpu.memref_slice %arg13[%add3A_22, %dma_start3A] : memref<10240x128xf32, #tpu.memory_space<vmem_shared>> -> memref<64x128xf32, #tpu.memory_space<vmem_shared>>
      %dma_start3A_58 = arith.constant 0 : i32
      %dma_start3A_59 = tpu.memref_slice %arg13[%add3A_22, %dma_start3A_58] : memref<10240x128xf32, #tpu.memory_space<vmem_shared>> -> memref<64x128xf32, #tpu.memory_space<vmem_shared>>
      tpu.enqueue_dma source(%arg9 : memref<64x128xf32, #tpu.memory_space<vmem>>) target(%dma_start3A_59 : memref<64x128xf32, #tpu.memory_space<vmem_shared>>) target_semaphore(%run_scoped3A : memref<!tpu.dma_semaphore, #tpu.memory_space<semaphore_mem>>)
      %dma_wait3A = arith.constant 0 : i32
      %dma_wait3A_60 = tpu.memref_slice %arg13[%add3A_22, %dma_wait3A] : memref<10240x128xf32, #tpu.memory_space<vmem_shared>> -> memref<64x128xf32, #tpu.memory_space<vmem_shared>>
      %dma_wait3A_61 = arith.constant 0 : i32
      %dma_wait3A_62 = tpu.memref_slice %arg13[%add3A_22, %dma_wait3A_61] : memref<10240x128xf32, #tpu.memory_space<vmem_shared>> -> memref<64x128xf32, #tpu.memory_space<vmem_shared>>
      tpu.wait_dma2 semaphore(%run_scoped3A : memref<!tpu.dma_semaphore, #tpu.memory_space<semaphore_mem>>) src(%arg9 : memref<64x128xf32, #tpu.memory_space<vmem>>) dst(%dma_wait3A_62 : memref<64x128xf32, #tpu.memory_space<vmem_shared>>)
      tpu.yield
    }) : () -> ()
    %mul3A_23 = arith.constant 640 : i32
    %mul3A_24 = arith.muli %arg1, %mul3A_23 : i32
    %add3A_25 = arith.constant 320 : i32
    %add3A_26 = arith.addi %mul3A_24, %add3A_25 : i32
    "tpu.region"() ({
      %run_scoped3A = tpu.sem_alloc : memref<!tpu.dma_semaphore, #tpu.memory_space<semaphore_mem>>
      %dma_start3A = arith.constant 0 : i32
      %dma_start3A_57 = tpu.memref_slice %arg13[%add3A_26, %dma_start3A] : memref<10240x128xf32, #tpu.memory_space<vmem_shared>> -> memref<64x128xf32, #tpu.memory_space<vmem_shared>>
      %dma_start3A_58 = arith.constant 0 : i32
      %dma_start3A_59 = tpu.memref_slice %arg13[%add3A_26, %dma_start3A_58] : memref<10240x128xf32, #tpu.memory_space<vmem_shared>> -> memref<64x128xf32, #tpu.memory_space<vmem_shared>>
      tpu.enqueue_dma source(%arg9 : memref<64x128xf32, #tpu.memory_space<vmem>>) target(%dma_start3A_59 : memref<64x128xf32, #tpu.memory_space<vmem_shared>>) target_semaphore(%run_scoped3A : memref<!tpu.dma_semaphore, #tpu.memory_space<semaphore_mem>>)
      %dma_wait3A = arith.constant 0 : i32
      %dma_wait3A_60 = tpu.memref_slice %arg13[%add3A_26, %dma_wait3A] : memref<10240x128xf32, #tpu.memory_space<vmem_shared>> -> memref<64x128xf32, #tpu.memory_space<vmem_shared>>
      %dma_wait3A_61 = arith.constant 0 : i32
      %dma_wait3A_62 = tpu.memref_slice %arg13[%add3A_26, %dma_wait3A_61] : memref<10240x128xf32, #tpu.memory_space<vmem_shared>> -> memref<64x128xf32, #tpu.memory_space<vmem_shared>>
      tpu.wait_dma2 semaphore(%run_scoped3A : memref<!tpu.dma_semaphore, #tpu.memory_space<semaphore_mem>>) src(%arg9 : memref<64x128xf32, #tpu.memory_space<vmem>>) dst(%dma_wait3A_62 : memref<64x128xf32, #tpu.memory_space<vmem_shared>>)
      tpu.yield
    }) : () -> ()
    %mul3A_27 = arith.constant 640 : i32
    %mul3A_28 = arith.muli %arg1, %mul3A_27 : i32
    %add3A_29 = arith.constant 384 : i32
    %add3A_30 = arith.addi %mul3A_28, %add3A_29 : i32
    "tpu.region"() ({
      %run_scoped3A = tpu.sem_alloc : memref<!tpu.dma_semaphore, #tpu.memory_space<semaphore_mem>>
      %dma_start3A = arith.constant 0 : i32
      %dma_start3A_57 = tpu.memref_slice %arg13[%add3A_30, %dma_start3A] : memref<10240x128xf32, #tpu.memory_space<vmem_shared>> -> memref<64x128xf32, #tpu.memory_space<vmem_shared>>
      %dma_start3A_58 = arith.constant 0 : i32
      %dma_start3A_59 = tpu.memref_slice %arg13[%add3A_30, %dma_start3A_58] : memref<10240x128xf32, #tpu.memory_space<vmem_shared>> -> memref<64x128xf32, #tpu.memory_space<vmem_shared>>
      tpu.enqueue_dma source(%arg9 : memref<64x128xf32, #tpu.memory_space<vmem>>) target(%dma_start3A_59 : memref<64x128xf32, #tpu.memory_space<vmem_shared>>) target_semaphore(%run_scoped3A : memref<!tpu.dma_semaphore, #tpu.memory_space<semaphore_mem>>)
      %dma_wait3A = arith.constant 0 : i32
      %dma_wait3A_60 = tpu.memref_slice %arg13[%add3A_30, %dma_wait3A] : memref<10240x128xf32, #tpu.memory_space<vmem_shared>> -> memref<64x128xf32, #tpu.memory_space<vmem_shared>>
      %dma_wait3A_61 = arith.constant 0 : i32
      %dma_wait3A_62 = tpu.memref_slice %arg13[%add3A_30, %dma_wait3A_61] : memref<10240x128xf32, #tpu.memory_space<vmem_shared>> -> memref<64x128xf32, #tpu.memory_space<vmem_shared>>
      tpu.wait_dma2 semaphore(%run_scoped3A : memref<!tpu.dma_semaphore, #tpu.memory_space<semaphore_mem>>) src(%arg9 : memref<64x128xf32, #tpu.memory_space<vmem>>) dst(%dma_wait3A_62 : memref<64x128xf32, #tpu.memory_space<vmem_shared>>)
      tpu.yield
    }) : () -> ()
    %mul3A_31 = arith.constant 640 : i32
    %mul3A_32 = arith.muli %arg1, %mul3A_31 : i32
    %add3A_33 = arith.constant 448 : i32
    %add3A_34 = arith.addi %mul3A_32, %add3A_33 : i32
    "tpu.region"() ({
      %run_scoped3A = tpu.sem_alloc : memref<!tpu.dma_semaphore, #tpu.memory_space<semaphore_mem>>
      %dma_start3A = arith.constant 0 : i32
      %dma_start3A_57 = tpu.memref_slice %arg13[%add3A_34, %dma_start3A] : memref<10240x128xf32, #tpu.memory_space<vmem_shared>> -> memref<64x128xf32, #tpu.memory_space<vmem_shared>>
      %dma_start3A_58 = arith.constant 0 : i32
      %dma_start3A_59 = tpu.memref_slice %arg13[%add3A_34, %dma_start3A_58] : memref<10240x128xf32, #tpu.memory_space<vmem_shared>> -> memref<64x128xf32, #tpu.memory_space<vmem_shared>>
      tpu.enqueue_dma source(%arg9 : memref<64x128xf32, #tpu.memory_space<vmem>>) target(%dma_start3A_59 : memref<64x128xf32, #tpu.memory_space<vmem_shared>>) target_semaphore(%run_scoped3A : memref<!tpu.dma_semaphore, #tpu.memory_space<semaphore_mem>>)
      %dma_wait3A = arith.constant 0 : i32
      %dma_wait3A_60 = tpu.memref_slice %arg13[%add3A_34, %dma_wait3A] : memref<10240x128xf32, #tpu.memory_space<vmem_shared>> -> memref<64x128xf32, #tpu.memory_space<vmem_shared>>
      %dma_wait3A_61 = arith.constant 0 : i32
      %dma_wait3A_62 = tpu.memref_slice %arg13[%add3A_34, %dma_wait3A_61] : memref<10240x128xf32, #tpu.memory_space<vmem_shared>> -> memref<64x128xf32, #tpu.memory_space<vmem_shared>>
      tpu.wait_dma2 semaphore(%run_scoped3A : memref<!tpu.dma_semaphore, #tpu.memory_space<semaphore_mem>>) src(%arg9 : memref<64x128xf32, #tpu.memory_space<vmem>>) dst(%dma_wait3A_62 : memref<64x128xf32, #tpu.memory_space<vmem_shared>>)
      tpu.yield
    }) : () -> ()
    %mul3A_35 = arith.constant 640 : i32
    %mul3A_36 = arith.muli %arg1, %mul3A_35 : i32
    %add3A_37 = arith.constant 512 : i32
    %add3A_38 = arith.addi %mul3A_36, %add3A_37 : i32
    "tpu.region"() ({
      %run_scoped3A = tpu.sem_alloc : memref<!tpu.dma_semaphore, #tpu.memory_space<semaphore_mem>>
      %dma_start3A = arith.constant 0 : i32
      %dma_start3A_57 = tpu.memref_slice %arg13[%add3A_38, %dma_start3A] : memref<10240x128xf32, #tpu.memory_space<vmem_shared>> -> memref<64x128xf32, #tpu.memory_space<vmem_shared>>
      %dma_start3A_58 = arith.constant 0 : i32
      %dma_start3A_59 = tpu.memref_slice %arg13[%add3A_38, %dma_start3A_58] : memref<10240x128xf32, #tpu.memory_space<vmem_shared>> -> memref<64x128xf32, #tpu.memory_space<vmem_shared>>
      tpu.enqueue_dma source(%arg9 : memref<64x128xf32, #tpu.memory_space<vmem>>) target(%dma_start3A_59 : memref<64x128xf32, #tpu.memory_space<vmem_shared>>) target_semaphore(%run_scoped3A : memref<!tpu.dma_semaphore, #tpu.memory_space<semaphore_mem>>)
      %dma_wait3A = arith.constant 0 : i32
      %dma_wait3A_60 = tpu.memref_slice %arg13[%add3A_38, %dma_wait3A] : memref<10240x128xf32, #tpu.memory_space<vmem_shared>> -> memref<64x128xf32, #tpu.memory_space<vmem_shared>>
      %dma_wait3A_61 = arith.constant 0 : i32
      %dma_wait3A_62 = tpu.memref_slice %arg13[%add3A_38, %dma_wait3A_61] : memref<10240x128xf32, #tpu.memory_space<vmem_shared>> -> memref<64x128xf32, #tpu.memory_space<vmem_shared>>
      tpu.wait_dma2 semaphore(%run_scoped3A : memref<!tpu.dma_semaphore, #tpu.memory_space<semaphore_mem>>) src(%arg9 : memref<64x128xf32, #tpu.memory_space<vmem>>) dst(%dma_wait3A_62 : memref<64x128xf32, #tpu.memory_space<vmem_shared>>)
      tpu.yield
    }) : () -> ()
    %mul3A_39 = arith.constant 640 : i32
    %mul3A_40 = arith.muli %arg1, %mul3A_39 : i32
    %add3A_41 = arith.constant 576 : i32
    %add3A_42 = arith.addi %mul3A_40, %add3A_41 : i32
    "tpu.region"() ({
      %run_scoped3A = tpu.sem_alloc : memref<!tpu.dma_semaphore, #tpu.memory_space<semaphore_mem>>
      %dma_start3A = arith.constant 0 : i32
      %dma_start3A_57 = tpu.memref_slice %arg13[%add3A_42, %dma_start3A] : memref<10240x128xf32, #tpu.memory_space<vmem_shared>> -> memref<64x128xf32, #tpu.memory_space<vmem_shared>>
      %dma_start3A_58 = arith.constant 0 : i32
      %dma_start3A_59 = tpu.memref_slice %arg13[%add3A_42, %dma_start3A_58] : memref<10240x128xf32, #tpu.memory_space<vmem_shared>> -> memref<64x128xf32, #tpu.memory_space<vmem_shared>>
      tpu.enqueue_dma source(%arg9 : memref<64x128xf32, #tpu.memory_space<vmem>>) target(%dma_start3A_59 : memref<64x128xf32, #tpu.memory_space<vmem_shared>>) target_semaphore(%run_scoped3A : memref<!tpu.dma_semaphore, #tpu.memory_space<semaphore_mem>>)
      %dma_wait3A = arith.constant 0 : i32
      %dma_wait3A_60 = tpu.memref_slice %arg13[%add3A_42, %dma_wait3A] : memref<10240x128xf32, #tpu.memory_space<vmem_shared>> -> memref<64x128xf32, #tpu.memory_space<vmem_shared>>
      %dma_wait3A_61 = arith.constant 0 : i32
      %dma_wait3A_62 = tpu.memref_slice %arg13[%add3A_42, %dma_wait3A_61] : memref<10240x128xf32, #tpu.memory_space<vmem_shared>> -> memref<64x128xf32, #tpu.memory_space<vmem_shared>>
      tpu.wait_dma2 semaphore(%run_scoped3A : memref<!tpu.dma_semaphore, #tpu.memory_space<semaphore_mem>>) src(%arg9 : memref<64x128xf32, #tpu.memory_space<vmem>>) dst(%dma_wait3A_62 : memref<64x128xf32, #tpu.memory_space<vmem_shared>>)
      tpu.yield
    }) : () -> ()
    %mul3A_43 = arith.constant 320 : i32
    %mul3A_44 = arith.muli %arg1, %mul3A_43 : i32
    %barrier3A = arith.constant 0 : index
    tpu.barrier barrier_id(%barrier3A)
    %eq3A = arith.constant 0 : i32
    %eq3A_45 = arith.cmpi eq, %arg0, %eq3A : i32
    %convert_element_type3A = arith.extui %eq3A_45 : i1 to i32
    %cond3A = arith.constant 0 : i32
    %cond3A_46 = arith.cmpi ne, %convert_element_type3A, %cond3A : i32
    scf.if %cond3A_46 {
      %scan3A_57 = arith.constant 0 : i32
      %scan3A_58 = arith.constant 5 : i32
      %scan3A_59 = arith.addi %scan3A_57, %scan3A_58 : i32
      %scan3A_60 = arith.constant 1 : i32
      scf.for %scan3A_62 = %scan3A_57 to %scan3A_59 step %scan3A_60  : i32 {
        %mul3A_63 = arith.constant 64 : i32
        %mul3A_64 = arith.muli %scan3A_62, %mul3A_63 : i32
        %add3A_65 = arith.addi %mul3A_44, %mul3A_64 : i32
        "tpu.region"() ({
          %run_scoped3A = tpu.sem_alloc : memref<!tpu.dma_semaphore, #tpu.memory_space<semaphore_mem>>
          %dma_start3A_128 = arith.constant 0 : i32
          %dma_start3A_129 = tpu.memref_slice %arg4[%add3A_65, %dma_start3A_128] : memref<5120x64xi32, #tpu.memory_space<hbm>> -> memref<64x64xi32, #tpu.memory_space<hbm>>
          %dma_start3A_130 = arith.constant 0 : i32
          %dma_start3A_131 = tpu.memref_slice %arg4[%add3A_65, %dma_start3A_130] : memref<5120x64xi32, #tpu.memory_space<hbm>> -> memref<64x64xi32, #tpu.memory_space<hbm>>
          tpu.enqueue_dma source(%dma_start3A_131 : memref<64x64xi32, #tpu.memory_space<hbm>>) target(%arg7 : memref<64x64xi32, #tpu.memory_space<vmem>>) target_semaphore(%run_scoped3A : memref<!tpu.dma_semaphore, #tpu.memory_space<semaphore_mem>>)
          %dma_wait3A_132 = arith.constant 0 : i32
          %dma_wait3A_133 = tpu.memref_slice %arg4[%add3A_65, %dma_wait3A_132] : memref<5120x64xi32, #tpu.memory_space<hbm>> -> memref<64x64xi32, #tpu.memory_space<hbm>>
          %dma_wait3A_134 = arith.constant 0 : i32
          %dma_wait3A_135 = tpu.memref_slice %arg4[%add3A_65, %dma_wait3A_134] : memref<5120x64xi32, #tpu.memory_space<hbm>> -> memref<64x64xi32, #tpu.memory_space<hbm>>
          tpu.wait_dma2 semaphore(%run_scoped3A : memref<!tpu.dma_semaphore, #tpu.memory_space<semaphore_mem>>) src(%dma_wait3A_135 : memref<64x64xi32, #tpu.memory_space<hbm>>) dst(%arg7 : memref<64x64xi32, #tpu.memory_space<vmem>>)
          tpu.yield
        }) : () -> ()
        %mul3A_66 = arith.constant 64 : i32
        %mul3A_67 = arith.muli %scan3A_62, %mul3A_66 : i32
        %add3A_68 = arith.addi %mul3A_44, %mul3A_67 : i32
        "tpu.region"() ({
          %run_scoped3A = tpu.sem_alloc : memref<!tpu.dma_semaphore, #tpu.memory_space<semaphore_mem>>
          %dma_start3A_128 = arith.constant 0 : i32
          %dma_start3A_129 = tpu.memref_slice %arg5[%add3A_68, %dma_start3A_128] : memref<5120x64xi32, #tpu.memory_space<hbm>> -> memref<64x64xi32, #tpu.memory_space<hbm>>
          %dma_start3A_130 = arith.constant 0 : i32
          %dma_start3A_131 = tpu.memref_slice %arg5[%add3A_68, %dma_start3A_130] : memref<5120x64xi32, #tpu.memory_space<hbm>> -> memref<64x64xi32, #tpu.memory_space<hbm>>
          tpu.enqueue_dma source(%dma_start3A_131 : memref<64x64xi32, #tpu.memory_space<hbm>>) target(%arg8 : memref<64x64xi32, #tpu.memory_space<vmem>>) target_semaphore(%run_scoped3A : memref<!tpu.dma_semaphore, #tpu.memory_space<semaphore_mem>>)
          %dma_wait3A_132 = arith.constant 0 : i32
          %dma_wait3A_133 = tpu.memref_slice %arg5[%add3A_68, %dma_wait3A_132] : memref<5120x64xi32, #tpu.memory_space<hbm>> -> memref<64x64xi32, #tpu.memory_space<hbm>>
          %dma_wait3A_134 = arith.constant 0 : i32
          %dma_wait3A_135 = tpu.memref_slice %arg5[%add3A_68, %dma_wait3A_134] : memref<5120x64xi32, #tpu.memory_space<hbm>> -> memref<64x64xi32, #tpu.memory_space<hbm>>
          tpu.wait_dma2 semaphore(%run_scoped3A : memref<!tpu.dma_semaphore, #tpu.memory_space<semaphore_mem>>) src(%dma_wait3A_135 : memref<64x64xi32, #tpu.memory_space<hbm>>) dst(%arg8 : memref<64x64xi32, #tpu.memory_space<vmem>>)
          tpu.yield
        }) : () -> ()
        %dma_start3A = arith.constant 0 : i32
        %dma_start3A_69 = arith.constant 0 : i32
        %dma_start3A_70 = tpu.memref_slice %arg7[%dma_start3A, %dma_start3A_69] : memref<64x64xi32, #tpu.memory_space<vmem>> -> memref<1x64xi32, #tpu.memory_space<vmem>>
        %dma_start3A_71 = tpu.memref_squeeze %dma_start3A_70 : memref<1x64xi32, #tpu.memory_space<vmem>> -> memref<64xi32, #tpu.memory_space<vmem>>
        %dma_start3A_72 = arith.constant 0 : i32
        %dma_start3A_73 = arith.constant 0 : i32
        %dma_start3A_74 = tpu.memref_slice %arg2[%dma_start3A_72, %dma_start3A_73] : memref<10000x128xf32, #tpu.memory_space<hbm>> -> memref<10000x128xf32, #tpu.memory_space<hbm>>
        tpu.enqueue_indirect_dma source(%dma_start3A_74 : memref<10000x128xf32, #tpu.memory_space<hbm>>) target(%arg9 : memref<64x128xf32, #tpu.memory_space<vmem>>) offsets(%dma_start3A_71 : memref<64xi32, #tpu.memory_space<vmem>>) semaphore(%arg14 : memref<!tpu.dma_semaphore, #tpu.memory_space<semaphore_mem>>)
        %dma_start3A_75 = arith.constant 1 : i32
        %dma_start3A_76 = arith.constant 0 : i32
        %dma_start3A_77 = tpu.memref_slice %arg7[%dma_start3A_75, %dma_start3A_76] : memref<64x64xi32, #tpu.memory_space<vmem>> -> memref<1x64xi32, #tpu.memory_space<vmem>>
        %dma_start3A_78 = tpu.memref_squeeze %dma_start3A_77 : memref<1x64xi32, #tpu.memory_space<vmem>> -> memref<64xi32, #tpu.memory_space<vmem>>
        %dma_start3A_79 = arith.constant 0 : i32
        %dma_start3A_80 = arith.constant 0 : i32
        %dma_start3A_81 = tpu.memref_slice %arg2[%dma_start3A_79, %dma_start3A_80] : memref<10000x128xf32, #tpu.memory_space<hbm>> -> memref<10000x128xf32, #tpu.memory_space<hbm>>
        tpu.enqueue_indirect_dma source(%dma_start3A_81 : memref<10000x128xf32, #tpu.memory_space<hbm>>) target(%arg10 : memref<64x128xf32, #tpu.memory_space<vmem>>) offsets(%dma_start3A_78 : memref<64xi32, #tpu.memory_space<vmem>>) semaphore(%arg15 : memref<!tpu.dma_semaphore, #tpu.memory_space<semaphore_mem>>)
        %dma_start3A_82 = arith.constant 2 : i32
        %dma_start3A_83 = arith.constant 0 : i32
        %dma_start3A_84 = tpu.memref_slice %arg7[%dma_start3A_82, %dma_start3A_83] : memref<64x64xi32, #tpu.memory_space<vmem>> -> memref<1x64xi32, #tpu.memory_space<vmem>>
        %dma_start3A_85 = tpu.memref_squeeze %dma_start3A_84 : memref<1x64xi32, #tpu.memory_space<vmem>> -> memref<64xi32, #tpu.memory_space<vmem>>
        %dma_start3A_86 = arith.constant 0 : i32
        %dma_start3A_87 = arith.constant 0 : i32
        %dma_start3A_88 = tpu.memref_slice %arg2[%dma_start3A_86, %dma_start3A_87] : memref<10000x128xf32, #tpu.memory_space<hbm>> -> memref<10000x128xf32, #tpu.memory_space<hbm>>
        tpu.enqueue_indirect_dma source(%dma_start3A_88 : memref<10000x128xf32, #tpu.memory_space<hbm>>) target(%arg11 : memref<64x128xf32, #tpu.memory_space<vmem>>) offsets(%dma_start3A_85 : memref<64xi32, #tpu.memory_space<vmem>>) semaphore(%arg16 : memref<!tpu.dma_semaphore, #tpu.memory_space<semaphore_mem>>)
        %dma_start3A_89 = arith.constant 3 : i32
        %dma_start3A_90 = arith.constant 0 : i32
        %dma_start3A_91 = tpu.memref_slice %arg7[%dma_start3A_89, %dma_start3A_90] : memref<64x64xi32, #tpu.memory_space<vmem>> -> memref<1x64xi32, #tpu.memory_space<vmem>>
        %dma_start3A_92 = tpu.memref_squeeze %dma_start3A_91 : memref<1x64xi32, #tpu.memory_space<vmem>> -> memref<64xi32, #tpu.memory_space<vmem>>
        %dma_start3A_93 = arith.constant 0 : i32
        %dma_start3A_94 = arith.constant 0 : i32
        %dma_start3A_95 = tpu.memref_slice %arg2[%dma_start3A_93, %dma_start3A_94] : memref<10000x128xf32, #tpu.memory_space<hbm>> -> memref<10000x128xf32, #tpu.memory_space<hbm>>
        tpu.enqueue_indirect_dma source(%dma_start3A_95 : memref<10000x128xf32, #tpu.memory_space<hbm>>) target(%arg12 : memref<64x128xf32, #tpu.memory_space<vmem>>) offsets(%dma_start3A_92 : memref<64xi32, #tpu.memory_space<vmem>>) semaphore(%arg17 : memref<!tpu.dma_semaphore, #tpu.memory_space<semaphore_mem>>)
        %scan3A_96 = arith.constant 0 : i32
        %scan3A_97 = arith.constant 16 : i32
        %scan3A_98 = arith.addi %scan3A_96, %scan3A_97 : i32
        %scan3A_99 = arith.constant 1 : i32
        scf.for %scan3A_128 = %scan3A_96 to %scan3A_98 step %scan3A_99  : i32 {
          %mul3A_129 = arith.constant 4 : i32
          %mul3A_130 = arith.muli %mul3A_129, %scan3A_128 : i32
          %add3A_131 = arith.constant 0 : i32
          %add3A_132 = arith.addi %mul3A_130, %add3A_131 : i32
          %dma_wait3A_133 = arith.constant 0 : i32
          %dma_wait3A_134 = tpu.memref_slice %arg7[%add3A_132, %dma_wait3A_133] : memref<64x64xi32, #tpu.memory_space<vmem>> -> memref<1x64xi32, #tpu.memory_space<vmem>>
          %dma_wait3A_135 = tpu.memref_squeeze %dma_wait3A_134 : memref<1x64xi32, #tpu.memory_space<vmem>> -> memref<64xi32, #tpu.memory_space<vmem>>
          %dma_wait3A_136 = arith.constant 0 : i32
          %dma_wait3A_137 = arith.constant 0 : i32
          %dma_wait3A_138 = tpu.memref_slice %arg2[%dma_wait3A_136, %dma_wait3A_137] : memref<10000x128xf32, #tpu.memory_space<hbm>> -> memref<10000x128xf32, #tpu.memory_space<hbm>>
          tpu.wait_indirect_dma semaphore(%arg14 : memref<!tpu.dma_semaphore, #tpu.memory_space<semaphore_mem>>) src(%dma_wait3A_138 : memref<10000x128xf32, #tpu.memory_space<hbm>>) dst(%arg9 : memref<64x128xf32, #tpu.memory_space<vmem>>)
          %dma_start3A_139 = arith.constant 0 : i32
          %dma_start3A_140 = tpu.memref_slice %arg8[%add3A_132, %dma_start3A_139] : memref<64x64xi32, #tpu.memory_space<vmem>> -> memref<1x64xi32, #tpu.memory_space<vmem>>
          %dma_start3A_141 = tpu.memref_squeeze %dma_start3A_140 : memref<1x64xi32, #tpu.memory_space<vmem>> -> memref<64xi32, #tpu.memory_space<vmem>>
          %dma_start3A_142 = arith.constant 0 : i32
          %dma_start3A_143 = arith.constant 0 : i32
          %dma_start3A_144 = tpu.memref_slice %arg13[%dma_start3A_142, %dma_start3A_143] : memref<10240x128xf32, #tpu.memory_space<vmem_shared>> -> memref<10240x128xf32, #tpu.memory_space<vmem_shared>>
          tpu.enqueue_indirect_dma source(%arg9 : memref<64x128xf32, #tpu.memory_space<vmem>>) target(%dma_start3A_144 : memref<10240x128xf32, #tpu.memory_space<vmem_shared>>) offsets(%dma_start3A_141 : memref<64xi32, #tpu.memory_space<vmem>>) semaphore(%arg14 : memref<!tpu.dma_semaphore, #tpu.memory_space<semaphore_mem>>) {add = true}
          %mul3A_145 = arith.constant 4 : i32
          %mul3A_146 = arith.muli %mul3A_145, %scan3A_128 : i32
          %add3A_147 = arith.constant 1 : i32
          %add3A_148 = arith.addi %mul3A_146, %add3A_147 : i32
          %dma_wait3A_149 = arith.constant 0 : i32
          %dma_wait3A_150 = tpu.memref_slice %arg7[%add3A_148, %dma_wait3A_149] : memref<64x64xi32, #tpu.memory_space<vmem>> -> memref<1x64xi32, #tpu.memory_space<vmem>>
          %dma_wait3A_151 = tpu.memref_squeeze %dma_wait3A_150 : memref<1x64xi32, #tpu.memory_space<vmem>> -> memref<64xi32, #tpu.memory_space<vmem>>
          %dma_wait3A_152 = arith.constant 0 : i32
          %dma_wait3A_153 = arith.constant 0 : i32
          %dma_wait3A_154 = tpu.memref_slice %arg2[%dma_wait3A_152, %dma_wait3A_153] : memref<10000x128xf32, #tpu.memory_space<hbm>> -> memref<10000x128xf32, #tpu.memory_space<hbm>>
          tpu.wait_indirect_dma semaphore(%arg15 : memref<!tpu.dma_semaphore, #tpu.memory_space<semaphore_mem>>) src(%dma_wait3A_154 : memref<10000x128xf32, #tpu.memory_space<hbm>>) dst(%arg10 : memref<64x128xf32, #tpu.memory_space<vmem>>)
          %dma_start3A_155 = arith.constant 0 : i32
          %dma_start3A_156 = tpu.memref_slice %arg8[%add3A_148, %dma_start3A_155] : memref<64x64xi32, #tpu.memory_space<vmem>> -> memref<1x64xi32, #tpu.memory_space<vmem>>
          %dma_start3A_157 = tpu.memref_squeeze %dma_start3A_156 : memref<1x64xi32, #tpu.memory_space<vmem>> -> memref<64xi32, #tpu.memory_space<vmem>>
          %dma_start3A_158 = arith.constant 0 : i32
          %dma_start3A_159 = arith.constant 0 : i32
          %dma_start3A_160 = tpu.memref_slice %arg13[%dma_start3A_158, %dma_start3A_159] : memref<10240x128xf32, #tpu.memory_space<vmem_shared>> -> memref<10240x128xf32, #tpu.memory_space<vmem_shared>>
          tpu.enqueue_indirect_dma source(%arg10 : memref<64x128xf32, #tpu.memory_space<vmem>>) target(%dma_start3A_160 : memref<10240x128xf32, #tpu.memory_space<vmem_shared>>) offsets(%dma_start3A_157 : memref<64xi32, #tpu.memory_space<vmem>>) semaphore(%arg15 : memref<!tpu.dma_semaphore, #tpu.memory_space<semaphore_mem>>) {add = true}
          %mul3A_161 = arith.constant 4 : i32
          %mul3A_162 = arith.muli %mul3A_161, %scan3A_128 : i32
          %add3A_163 = arith.constant 2 : i32
          %add3A_164 = arith.addi %mul3A_162, %add3A_163 : i32
          %dma_wait3A_165 = arith.constant 0 : i32
          %dma_wait3A_166 = tpu.memref_slice %arg7[%add3A_164, %dma_wait3A_165] : memref<64x64xi32, #tpu.memory_space<vmem>> -> memref<1x64xi32, #tpu.memory_space<vmem>>
          %dma_wait3A_167 = tpu.memref_squeeze %dma_wait3A_166 : memref<1x64xi32, #tpu.memory_space<vmem>> -> memref<64xi32, #tpu.memory_space<vmem>>
          %dma_wait3A_168 = arith.constant 0 : i32
          %dma_wait3A_169 = arith.constant 0 : i32
          %dma_wait3A_170 = tpu.memref_slice %arg2[%dma_wait3A_168, %dma_wait3A_169] : memref<10000x128xf32, #tpu.memory_space<hbm>> -> memref<10000x128xf32, #tpu.memory_space<hbm>>
          tpu.wait_indirect_dma semaphore(%arg16 : memref<!tpu.dma_semaphore, #tpu.memory_space<semaphore_mem>>) src(%dma_wait3A_170 : memref<10000x128xf32, #tpu.memory_space<hbm>>) dst(%arg11 : memref<64x128xf32, #tpu.memory_space<vmem>>)
          %dma_start3A_171 = arith.constant 0 : i32
          %dma_start3A_172 = tpu.memref_slice %arg8[%add3A_164, %dma_start3A_171] : memref<64x64xi32, #tpu.memory_space<vmem>> -> memref<1x64xi32, #tpu.memory_space<vmem>>
          %dma_start3A_173 = tpu.memref_squeeze %dma_start3A_172 : memref<1x64xi32, #tpu.memory_space<vmem>> -> memref<64xi32, #tpu.memory_space<vmem>>
          %dma_start3A_174 = arith.constant 0 : i32
          %dma_start3A_175 = arith.constant 0 : i32
          %dma_start3A_176 = tpu.memref_slice %arg13[%dma_start3A_174, %dma_start3A_175] : memref<10240x128xf32, #tpu.memory_space<vmem_shared>> -> memref<10240x128xf32, #tpu.memory_space<vmem_shared>>
          tpu.enqueue_indirect_dma source(%arg11 : memref<64x128xf32, #tpu.memory_space<vmem>>) target(%dma_start3A_176 : memref<10240x128xf32, #tpu.memory_space<vmem_shared>>) offsets(%dma_start3A_173 : memref<64xi32, #tpu.memory_space<vmem>>) semaphore(%arg16 : memref<!tpu.dma_semaphore, #tpu.memory_space<semaphore_mem>>) {add = true}
          %mul3A_177 = arith.constant 4 : i32
          %mul3A_178 = arith.muli %mul3A_177, %scan3A_128 : i32
          %add3A_179 = arith.constant 3 : i32
          %add3A_180 = arith.addi %mul3A_178, %add3A_179 : i32
          %dma_wait3A_181 = arith.constant 0 : i32
          %dma_wait3A_182 = tpu.memref_slice %arg7[%add3A_180, %dma_wait3A_181] : memref<64x64xi32, #tpu.memory_space<vmem>> -> memref<1x64xi32, #tpu.memory_space<vmem>>
          %dma_wait3A_183 = tpu.memref_squeeze %dma_wait3A_182 : memref<1x64xi32, #tpu.memory_space<vmem>> -> memref<64xi32, #tpu.memory_space<vmem>>
          %dma_wait3A_184 = arith.constant 0 : i32
          %dma_wait3A_185 = arith.constant 0 : i32
          %dma_wait3A_186 = tpu.memref_slice %arg2[%dma_wait3A_184, %dma_wait3A_185] : memref<10000x128xf32, #tpu.memory_space<hbm>> -> memref<10000x128xf32, #tpu.memory_space<hbm>>
          tpu.wait_indirect_dma semaphore(%arg17 : memref<!tpu.dma_semaphore, #tpu.memory_space<semaphore_mem>>) src(%dma_wait3A_186 : memref<10000x128xf32, #tpu.memory_space<hbm>>) dst(%arg12 : memref<64x128xf32, #tpu.memory_space<vmem>>)
          %dma_start3A_187 = arith.constant 0 : i32
          %dma_start3A_188 = tpu.memref_slice %arg8[%add3A_180, %dma_start3A_187] : memref<64x64xi32, #tpu.memory_space<vmem>> -> memref<1x64xi32, #tpu.memory_space<vmem>>
          %dma_start3A_189 = tpu.memref_squeeze %dma_start3A_188 : memref<1x64xi32, #tpu.memory_space<vmem>> -> memref<64xi32, #tpu.memory_space<vmem>>
          %dma_start3A_190 = arith.constant 0 : i32
          %dma_start3A_191 = arith.constant 0 : i32
          %dma_start3A_192 = tpu.memref_slice %arg13[%dma_start3A_190, %dma_start3A_191] : memref<10240x128xf32, #tpu.memory_space<vmem_shared>> -> memref<10240x128xf32, #tpu.memory_space<vmem_shared>>
          tpu.enqueue_indirect_dma source(%arg12 : memref<64x128xf32, #tpu.memory_space<vmem>>) target(%dma_start3A_192 : memref<10240x128xf32, #tpu.memory_space<vmem_shared>>) offsets(%dma_start3A_189 : memref<64xi32, #tpu.memory_space<vmem>>) semaphore(%arg17 : memref<!tpu.dma_semaphore, #tpu.memory_space<semaphore_mem>>) {add = true}
          %add3A_193 = arith.constant 1 : i32
          %add3A_194 = arith.addi %scan3A_128, %add3A_193 : i32
          %lt3A = arith.constant 16 : i32
          %lt3A_195 = arith.cmpi slt, %add3A_194, %lt3A : i32
          %convert_element_type3A_196 = arith.extui %lt3A_195 : i1 to i32
          %cond3A_197 = arith.constant 0 : i32
          %cond3A_198 = arith.cmpi ne, %convert_element_type3A_196, %cond3A_197 : i32
          scf.if %cond3A_198 {
            %mul3A_199 = arith.constant 4 : i32
            %mul3A_200 = arith.muli %mul3A_199, %scan3A_128 : i32
            %add3A_201 = arith.constant 0 : i32
            %add3A_202 = arith.addi %mul3A_200, %add3A_201 : i32
            %dma_wait3A_203 = arith.constant 0 : i32
            %dma_wait3A_204 = tpu.memref_slice %arg8[%add3A_202, %dma_wait3A_203] : memref<64x64xi32, #tpu.memory_space<vmem>> -> memref<1x64xi32, #tpu.memory_space<vmem>>
            %dma_wait3A_205 = tpu.memref_squeeze %dma_wait3A_204 : memref<1x64xi32, #tpu.memory_space<vmem>> -> memref<64xi32, #tpu.memory_space<vmem>>
            %dma_wait3A_206 = arith.constant 0 : i32
            %dma_wait3A_207 = arith.constant 0 : i32
            %dma_wait3A_208 = tpu.memref_slice %arg13[%dma_wait3A_206, %dma_wait3A_207] : memref<10240x128xf32, #tpu.memory_space<vmem_shared>> -> memref<10240x128xf32, #tpu.memory_space<vmem_shared>>
            tpu.wait_indirect_dma semaphore(%arg14 : memref<!tpu.dma_semaphore, #tpu.memory_space<semaphore_mem>>) src(%arg9 : memref<64x128xf32, #tpu.memory_space<vmem>>) dst(%dma_wait3A_208 : memref<10240x128xf32, #tpu.memory_space<vmem_shared>>)
            %add3A_209 = arith.constant 4 : i32
            %add3A_210 = arith.addi %add3A_202, %add3A_209 : i32
            %dma_start3A_211 = arith.constant 0 : i32
            %dma_start3A_212 = tpu.memref_slice %arg7[%add3A_210, %dma_start3A_211] : memref<64x64xi32, #tpu.memory_space<vmem>> -> memref<1x64xi32, #tpu.memory_space<vmem>>
            %dma_start3A_213 = tpu.memref_squeeze %dma_start3A_212 : memref<1x64xi32, #tpu.memory_space<vmem>> -> memref<64xi32, #tpu.memory_space<vmem>>
            %dma_start3A_214 = arith.constant 0 : i32
            %dma_start3A_215 = arith.constant 0 : i32
            %dma_start3A_216 = tpu.memref_slice %arg2[%dma_start3A_214, %dma_start3A_215] : memref<10000x128xf32, #tpu.memory_space<hbm>> -> memref<10000x128xf32, #tpu.memory_space<hbm>>
            tpu.enqueue_indirect_dma source(%dma_start3A_216 : memref<10000x128xf32, #tpu.memory_space<hbm>>) target(%arg9 : memref<64x128xf32, #tpu.memory_space<vmem>>) offsets(%dma_start3A_213 : memref<64xi32, #tpu.memory_space<vmem>>) semaphore(%arg14 : memref<!tpu.dma_semaphore, #tpu.memory_space<semaphore_mem>>)
            %mul3A_217 = arith.constant 4 : i32
            %mul3A_218 = arith.muli %mul3A_217, %scan3A_128 : i32
            %add3A_219 = arith.constant 1 : i32
            %add3A_220 = arith.addi %mul3A_218, %add3A_219 : i32
            %dma_wait3A_221 = arith.constant 0 : i32
            %dma_wait3A_222 = tpu.memref_slice %arg8[%add3A_220, %dma_wait3A_221] : memref<64x64xi32, #tpu.memory_space<vmem>> -> memref<1x64xi32, #tpu.memory_space<vmem>>
            %dma_wait3A_223 = tpu.memref_squeeze %dma_wait3A_222 : memref<1x64xi32, #tpu.memory_space<vmem>> -> memref<64xi32, #tpu.memory_space<vmem>>
            %dma_wait3A_224 = arith.constant 0 : i32
            %dma_wait3A_225 = arith.constant 0 : i32
            %dma_wait3A_226 = tpu.memref_slice %arg13[%dma_wait3A_224, %dma_wait3A_225] : memref<10240x128xf32, #tpu.memory_space<vmem_shared>> -> memref<10240x128xf32, #tpu.memory_space<vmem_shared>>
            tpu.wait_indirect_dma semaphore(%arg15 : memref<!tpu.dma_semaphore, #tpu.memory_space<semaphore_mem>>) src(%arg10 : memref<64x128xf32, #tpu.memory_space<vmem>>) dst(%dma_wait3A_226 : memref<10240x128xf32, #tpu.memory_space<vmem_shared>>)
            %add3A_227 = arith.constant 4 : i32
            %add3A_228 = arith.addi %add3A_220, %add3A_227 : i32
            %dma_start3A_229 = arith.constant 0 : i32
            %dma_start3A_230 = tpu.memref_slice %arg7[%add3A_228, %dma_start3A_229] : memref<64x64xi32, #tpu.memory_space<vmem>> -> memref<1x64xi32, #tpu.memory_space<vmem>>
            %dma_start3A_231 = tpu.memref_squeeze %dma_start3A_230 : memref<1x64xi32, #tpu.memory_space<vmem>> -> memref<64xi32, #tpu.memory_space<vmem>>
            %dma_start3A_232 = arith.constant 0 : i32
            %dma_start3A_233 = arith.constant 0 : i32
            %dma_start3A_234 = tpu.memref_slice %arg2[%dma_start3A_232, %dma_start3A_233] : memref<10000x128xf32, #tpu.memory_space<hbm>> -> memref<10000x128xf32, #tpu.memory_space<hbm>>
            tpu.enqueue_indirect_dma source(%dma_start3A_234 : memref<10000x128xf32, #tpu.memory_space<hbm>>) target(%arg10 : memref<64x128xf32, #tpu.memory_space<vmem>>) offsets(%dma_start3A_231 : memref<64xi32, #tpu.memory_space<vmem>>) semaphore(%arg15 : memref<!tpu.dma_semaphore, #tpu.memory_space<semaphore_mem>>)
            %mul3A_235 = arith.constant 4 : i32
            %mul3A_236 = arith.muli %mul3A_235, %scan3A_128 : i32
            %add3A_237 = arith.constant 2 : i32
            %add3A_238 = arith.addi %mul3A_236, %add3A_237 : i32
            %dma_wait3A_239 = arith.constant 0 : i32
            %dma_wait3A_240 = tpu.memref_slice %arg8[%add3A_238, %dma_wait3A_239] : memref<64x64xi32, #tpu.memory_space<vmem>> -> memref<1x64xi32, #tpu.memory_space<vmem>>
            %dma_wait3A_241 = tpu.memref_squeeze %dma_wait3A_240 : memref<1x64xi32, #tpu.memory_space<vmem>> -> memref<64xi32, #tpu.memory_space<vmem>>
            %dma_wait3A_242 = arith.constant 0 : i32
            %dma_wait3A_243 = arith.constant 0 : i32
            %dma_wait3A_244 = tpu.memref_slice %arg13[%dma_wait3A_242, %dma_wait3A_243] : memref<10240x128xf32, #tpu.memory_space<vmem_shared>> -> memref<10240x128xf32, #tpu.memory_space<vmem_shared>>
            tpu.wait_indirect_dma semaphore(%arg16 : memref<!tpu.dma_semaphore, #tpu.memory_space<semaphore_mem>>) src(%arg11 : memref<64x128xf32, #tpu.memory_space<vmem>>) dst(%dma_wait3A_244 : memref<10240x128xf32, #tpu.memory_space<vmem_shared>>)
            %add3A_245 = arith.constant 4 : i32
            %add3A_246 = arith.addi %add3A_238, %add3A_245 : i32
            %dma_start3A_247 = arith.constant 0 : i32
            %dma_start3A_248 = tpu.memref_slice %arg7[%add3A_246, %dma_start3A_247] : memref<64x64xi32, #tpu.memory_space<vmem>> -> memref<1x64xi32, #tpu.memory_space<vmem>>
            %dma_start3A_249 = tpu.memref_squeeze %dma_start3A_248 : memref<1x64xi32, #tpu.memory_space<vmem>> -> memref<64xi32, #tpu.memory_space<vmem>>
            %dma_start3A_250 = arith.constant 0 : i32
            %dma_start3A_251 = arith.constant 0 : i32
            %dma_start3A_252 = tpu.memref_slice %arg2[%dma_start3A_250, %dma_start3A_251] : memref<10000x128xf32, #tpu.memory_space<hbm>> -> memref<10000x128xf32, #tpu.memory_space<hbm>>
            tpu.enqueue_indirect_dma source(%dma_start3A_252 : memref<10000x128xf32, #tpu.memory_space<hbm>>) target(%arg11 : memref<64x128xf32, #tpu.memory_space<vmem>>) offsets(%dma_start3A_249 : memref<64xi32, #tpu.memory_space<vmem>>) semaphore(%arg16 : memref<!tpu.dma_semaphore, #tpu.memory_space<semaphore_mem>>)
            %mul3A_253 = arith.constant 4 : i32
            %mul3A_254 = arith.muli %mul3A_253, %scan3A_128 : i32
            %add3A_255 = arith.constant 3 : i32
            %add3A_256 = arith.addi %mul3A_254, %add3A_255 : i32
            %dma_wait3A_257 = arith.constant 0 : i32
            %dma_wait3A_258 = tpu.memref_slice %arg8[%add3A_256, %dma_wait3A_257] : memref<64x64xi32, #tpu.memory_space<vmem>> -> memref<1x64xi32, #tpu.memory_space<vmem>>
            %dma_wait3A_259 = tpu.memref_squeeze %dma_wait3A_258 : memref<1x64xi32, #tpu.memory_space<vmem>> -> memref<64xi32, #tpu.memory_space<vmem>>
            %dma_wait3A_260 = arith.constant 0 : i32
            %dma_wait3A_261 = arith.constant 0 : i32
            %dma_wait3A_262 = tpu.memref_slice %arg13[%dma_wait3A_260, %dma_wait3A_261] : memref<10240x128xf32, #tpu.memory_space<vmem_shared>> -> memref<10240x128xf32, #tpu.memory_space<vmem_shared>>
            tpu.wait_indirect_dma semaphore(%arg17 : memref<!tpu.dma_semaphore, #tpu.memory_space<semaphore_mem>>) src(%arg12 : memref<64x128xf32, #tpu.memory_space<vmem>>) dst(%dma_wait3A_262 : memref<10240x128xf32, #tpu.memory_space<vmem_shared>>)
            %add3A_263 = arith.constant 4 : i32
            %add3A_264 = arith.addi %add3A_256, %add3A_263 : i32
            %dma_start3A_265 = arith.constant 0 : i32
            %dma_start3A_266 = tpu.memref_slice %arg7[%add3A_264, %dma_start3A_265] : memref<64x64xi32, #tpu.memory_space<vmem>> -> memref<1x64xi32, #tpu.memory_space<vmem>>
            %dma_start3A_267 = tpu.memref_squeeze %dma_start3A_266 : memref<1x64xi32, #tpu.memory_space<vmem>> -> memref<64xi32, #tpu.memory_space<vmem>>
            %dma_start3A_268 = arith.constant 0 : i32
            %dma_start3A_269 = arith.constant 0 : i32
            %dma_start3A_270 = tpu.memref_slice %arg2[%dma_start3A_268, %dma_start3A_269] : memref<10000x128xf32, #tpu.memory_space<hbm>> -> memref<10000x128xf32, #tpu.memory_space<hbm>>
            tpu.enqueue_indirect_dma source(%dma_start3A_270 : memref<10000x128xf32, #tpu.memory_space<hbm>>) target(%arg12 : memref<64x128xf32, #tpu.memory_space<vmem>>) offsets(%dma_start3A_267 : memref<64xi32, #tpu.memory_space<vmem>>) semaphore(%arg17 : memref<!tpu.dma_semaphore, #tpu.memory_space<semaphore_mem>>)
          } else {
          }
        }
        %scan3A_100 = arith.constant 16 : i32
        %dma_wait3A = arith.constant 0 : i32
        %dma_wait3A_101 = arith.constant 0 : i32
        %dma_wait3A_102 = tpu.memref_slice %arg8[%dma_wait3A, %dma_wait3A_101] : memref<64x64xi32, #tpu.memory_space<vmem>> -> memref<1x64xi32, #tpu.memory_space<vmem>>
        %dma_wait3A_103 = tpu.memref_squeeze %dma_wait3A_102 : memref<1x64xi32, #tpu.memory_space<vmem>> -> memref<64xi32, #tpu.memory_space<vmem>>
        %dma_wait3A_104 = arith.constant 0 : i32
        %dma_wait3A_105 = arith.constant 0 : i32
        %dma_wait3A_106 = tpu.memref_slice %arg13[%dma_wait3A_104, %dma_wait3A_105] : memref<10240x128xf32, #tpu.memory_space<vmem_shared>> -> memref<10240x128xf32, #tpu.memory_space<vmem_shared>>
        tpu.wait_indirect_dma semaphore(%arg14 : memref<!tpu.dma_semaphore, #tpu.memory_space<semaphore_mem>>) src(%arg9 : memref<64x128xf32, #tpu.memory_space<vmem>>) dst(%dma_wait3A_106 : memref<10240x128xf32, #tpu.memory_space<vmem_shared>>)
        %dma_wait3A_107 = arith.constant 1 : i32
        %dma_wait3A_108 = arith.constant 0 : i32
        %dma_wait3A_109 = tpu.memref_slice %arg8[%dma_wait3A_107, %dma_wait3A_108] : memref<64x64xi32, #tpu.memory_space<vmem>> -> memref<1x64xi32, #tpu.memory_space<vmem>>
        %dma_wait3A_110 = tpu.memref_squeeze %dma_wait3A_109 : memref<1x64xi32, #tpu.memory_space<vmem>> -> memref<64xi32, #tpu.memory_space<vmem>>
        %dma_wait3A_111 = arith.constant 0 : i32
        %dma_wait3A_112 = arith.constant 0 : i32
        %dma_wait3A_113 = tpu.memref_slice %arg13[%dma_wait3A_111, %dma_wait3A_112] : memref<10240x128xf32, #tpu.memory_space<vmem_shared>> -> memref<10240x128xf32, #tpu.memory_space<vmem_shared>>
        tpu.wait_indirect_dma semaphore(%arg15 : memref<!tpu.dma_semaphore, #tpu.memory_space<semaphore_mem>>) src(%arg10 : memref<64x128xf32, #tpu.memory_space<vmem>>) dst(%dma_wait3A_113 : memref<10240x128xf32, #tpu.memory_space<vmem_shared>>)
        %dma_wait3A_114 = arith.constant 2 : i32
        %dma_wait3A_115 = arith.constant 0 : i32
        %dma_wait3A_116 = tpu.memref_slice %arg8[%dma_wait3A_114, %dma_wait3A_115] : memref<64x64xi32, #tpu.memory_space<vmem>> -> memref<1x64xi32, #tpu.memory_space<vmem>>
        %dma_wait3A_117 = tpu.memref_squeeze %dma_wait3A_116 : memref<1x64xi32, #tpu.memory_space<vmem>> -> memref<64xi32, #tpu.memory_space<vmem>>
        %dma_wait3A_118 = arith.constant 0 : i32
        %dma_wait3A_119 = arith.constant 0 : i32
        %dma_wait3A_120 = tpu.memref_slice %arg13[%dma_wait3A_118, %dma_wait3A_119] : memref<10240x128xf32, #tpu.memory_space<vmem_shared>> -> memref<10240x128xf32, #tpu.memory_space<vmem_shared>>
        tpu.wait_indirect_dma semaphore(%arg16 : memref<!tpu.dma_semaphore, #tpu.memory_space<semaphore_mem>>) src(%arg11 : memref<64x128xf32, #tpu.memory_space<vmem>>) dst(%dma_wait3A_120 : memref<10240x128xf32, #tpu.memory_space<vmem_shared>>)
        %dma_wait3A_121 = arith.constant 3 : i32
        %dma_wait3A_122 = arith.constant 0 : i32
        %dma_wait3A_123 = tpu.memref_slice %arg8[%dma_wait3A_121, %dma_wait3A_122] : memref<64x64xi32, #tpu.memory_space<vmem>> -> memref<1x64xi32, #tpu.memory_space<vmem>>
        %dma_wait3A_124 = tpu.memref_squeeze %dma_wait3A_123 : memref<1x64xi32, #tpu.memory_space<vmem>> -> memref<64xi32, #tpu.memory_space<vmem>>
        %dma_wait3A_125 = arith.constant 0 : i32
        %dma_wait3A_126 = arith.constant 0 : i32
        %dma_wait3A_127 = tpu.memref_slice %arg13[%dma_wait3A_125, %dma_wait3A_126] : memref<10240x128xf32, #tpu.memory_space<vmem_shared>> -> memref<10240x128xf32, #tpu.memory_space<vmem_shared>>
        tpu.wait_indirect_dma semaphore(%arg17 : memref<!tpu.dma_semaphore, #tpu.memory_space<semaphore_mem>>) src(%arg12 : memref<64x128xf32, #tpu.memory_space<vmem>>) dst(%dma_wait3A_127 : memref<10240x128xf32, #tpu.memory_space<vmem_shared>>)
      }
      %scan3A_61 = arith.constant 5 : i32
    } else {
    }
    %eq3A_47 = arith.constant 1 : i32
    %eq3A_48 = arith.cmpi eq, %arg0, %eq3A_47 : i32
    %convert_element_type3A_49 = arith.extui %eq3A_48 : i1 to i32
    %cond3A_50 = arith.constant 0 : i32
    %cond3A_51 = arith.cmpi ne, %convert_element_type3A_49, %cond3A_50 : i32
    scf.if %cond3A_51 {
      %scan3A_57 = arith.constant 0 : i32
      %scan3A_58 = arith.constant 5 : i32
      %scan3A_59 = arith.addi %scan3A_57, %scan3A_58 : i32
      %scan3A_60 = arith.constant 1 : i32
      scf.for %scan3A_62 = %scan3A_57 to %scan3A_59 step %scan3A_60  : i32 {
        %mul3A_63 = arith.constant 64 : i32
        %mul3A_64 = arith.muli %scan3A_62, %mul3A_63 : i32
        %add3A_65 = arith.addi %mul3A_44, %mul3A_64 : i32
        "tpu.region"() ({
          %run_scoped3A = tpu.sem_alloc : memref<!tpu.dma_semaphore, #tpu.memory_space<semaphore_mem>>
          %dma_start3A_128 = arith.constant 0 : i32
          %dma_start3A_129 = tpu.memref_slice %arg4[%add3A_65, %dma_start3A_128] : memref<5120x64xi32, #tpu.memory_space<hbm>> -> memref<64x64xi32, #tpu.memory_space<hbm>>
          %dma_start3A_130 = arith.constant 0 : i32
          %dma_start3A_131 = tpu.memref_slice %arg4[%add3A_65, %dma_start3A_130] : memref<5120x64xi32, #tpu.memory_space<hbm>> -> memref<64x64xi32, #tpu.memory_space<hbm>>
          tpu.enqueue_dma source(%dma_start3A_131 : memref<64x64xi32, #tpu.memory_space<hbm>>) target(%arg7 : memref<64x64xi32, #tpu.memory_space<vmem>>) target_semaphore(%run_scoped3A : memref<!tpu.dma_semaphore, #tpu.memory_space<semaphore_mem>>)
          %dma_wait3A_132 = arith.constant 0 : i32
          %dma_wait3A_133 = tpu.memref_slice %arg4[%add3A_65, %dma_wait3A_132] : memref<5120x64xi32, #tpu.memory_space<hbm>> -> memref<64x64xi32, #tpu.memory_space<hbm>>
          %dma_wait3A_134 = arith.constant 0 : i32
          %dma_wait3A_135 = tpu.memref_slice %arg4[%add3A_65, %dma_wait3A_134] : memref<5120x64xi32, #tpu.memory_space<hbm>> -> memref<64x64xi32, #tpu.memory_space<hbm>>
          tpu.wait_dma2 semaphore(%run_scoped3A : memref<!tpu.dma_semaphore, #tpu.memory_space<semaphore_mem>>) src(%dma_wait3A_135 : memref<64x64xi32, #tpu.memory_space<hbm>>) dst(%arg7 : memref<64x64xi32, #tpu.memory_space<vmem>>)
          tpu.yield
        }) : () -> ()
        %mul3A_66 = arith.constant 64 : i32
        %mul3A_67 = arith.muli %scan3A_62, %mul3A_66 : i32
        %add3A_68 = arith.addi %mul3A_44, %mul3A_67 : i32
        "tpu.region"() ({
          %run_scoped3A = tpu.sem_alloc : memref<!tpu.dma_semaphore, #tpu.memory_space<semaphore_mem>>
          %dma_start3A_128 = arith.constant 0 : i32
          %dma_start3A_129 = tpu.memref_slice %arg5[%add3A_68, %dma_start3A_128] : memref<5120x64xi32, #tpu.memory_space<hbm>> -> memref<64x64xi32, #tpu.memory_space<hbm>>
          %dma_start3A_130 = arith.constant 0 : i32
          %dma_start3A_131 = tpu.memref_slice %arg5[%add3A_68, %dma_start3A_130] : memref<5120x64xi32, #tpu.memory_space<hbm>> -> memref<64x64xi32, #tpu.memory_space<hbm>>
          tpu.enqueue_dma source(%dma_start3A_131 : memref<64x64xi32, #tpu.memory_space<hbm>>) target(%arg8 : memref<64x64xi32, #tpu.memory_space<vmem>>) target_semaphore(%run_scoped3A : memref<!tpu.dma_semaphore, #tpu.memory_space<semaphore_mem>>)
          %dma_wait3A_132 = arith.constant 0 : i32
          %dma_wait3A_133 = tpu.memref_slice %arg5[%add3A_68, %dma_wait3A_132] : memref<5120x64xi32, #tpu.memory_space<hbm>> -> memref<64x64xi32, #tpu.memory_space<hbm>>
          %dma_wait3A_134 = arith.constant 0 : i32
          %dma_wait3A_135 = tpu.memref_slice %arg5[%add3A_68, %dma_wait3A_134] : memref<5120x64xi32, #tpu.memory_space<hbm>> -> memref<64x64xi32, #tpu.memory_space<hbm>>
          tpu.wait_dma2 semaphore(%run_scoped3A : memref<!tpu.dma_semaphore, #tpu.memory_space<semaphore_mem>>) src(%dma_wait3A_135 : memref<64x64xi32, #tpu.memory_space<hbm>>) dst(%arg8 : memref<64x64xi32, #tpu.memory_space<vmem>>)
          tpu.yield
        }) : () -> ()
        %dma_start3A = arith.constant 0 : i32
        %dma_start3A_69 = arith.constant 0 : i32
        %dma_start3A_70 = tpu.memref_slice %arg7[%dma_start3A, %dma_start3A_69] : memref<64x64xi32, #tpu.memory_space<vmem>> -> memref<1x64xi32, #tpu.memory_space<vmem>>
        %dma_start3A_71 = tpu.memref_squeeze %dma_start3A_70 : memref<1x64xi32, #tpu.memory_space<vmem>> -> memref<64xi32, #tpu.memory_space<vmem>>
        %dma_start3A_72 = arith.constant 0 : i32
        %dma_start3A_73 = arith.constant 0 : i32
        %dma_start3A_74 = tpu.memref_slice %arg3[%dma_start3A_72, %dma_start3A_73] : memref<10000x128xf32, #tpu.memory_space<hbm>> -> memref<10000x128xf32, #tpu.memory_space<hbm>>
        tpu.enqueue_indirect_dma source(%dma_start3A_74 : memref<10000x128xf32, #tpu.memory_space<hbm>>) target(%arg9 : memref<64x128xf32, #tpu.memory_space<vmem>>) offsets(%dma_start3A_71 : memref<64xi32, #tpu.memory_space<vmem>>) semaphore(%arg14 : memref<!tpu.dma_semaphore, #tpu.memory_space<semaphore_mem>>)
        %dma_start3A_75 = arith.constant 1 : i32
        %dma_start3A_76 = arith.constant 0 : i32
        %dma_start3A_77 = tpu.memref_slice %arg7[%dma_start3A_75, %dma_start3A_76] : memref<64x64xi32, #tpu.memory_space<vmem>> -> memref<1x64xi32, #tpu.memory_space<vmem>>
        %dma_start3A_78 = tpu.memref_squeeze %dma_start3A_77 : memref<1x64xi32, #tpu.memory_space<vmem>> -> memref<64xi32, #tpu.memory_space<vmem>>
        %dma_start3A_79 = arith.constant 0 : i32
        %dma_start3A_80 = arith.constant 0 : i32
        %dma_start3A_81 = tpu.memref_slice %arg3[%dma_start3A_79, %dma_start3A_80] : memref<10000x128xf32, #tpu.memory_space<hbm>> -> memref<10000x128xf32, #tpu.memory_space<hbm>>
        tpu.enqueue_indirect_dma source(%dma_start3A_81 : memref<10000x128xf32, #tpu.memory_space<hbm>>) target(%arg10 : memref<64x128xf32, #tpu.memory_space<vmem>>) offsets(%dma_start3A_78 : memref<64xi32, #tpu.memory_space<vmem>>) semaphore(%arg15 : memref<!tpu.dma_semaphore, #tpu.memory_space<semaphore_mem>>)
        %dma_start3A_82 = arith.constant 2 : i32
        %dma_start3A_83 = arith.constant 0 : i32
        %dma_start3A_84 = tpu.memref_slice %arg7[%dma_start3A_82, %dma_start3A_83] : memref<64x64xi32, #tpu.memory_space<vmem>> -> memref<1x64xi32, #tpu.memory_space<vmem>>
        %dma_start3A_85 = tpu.memref_squeeze %dma_start3A_84 : memref<1x64xi32, #tpu.memory_space<vmem>> -> memref<64xi32, #tpu.memory_space<vmem>>
        %dma_start3A_86 = arith.constant 0 : i32
        %dma_start3A_87 = arith.constant 0 : i32
        %dma_start3A_88 = tpu.memref_slice %arg3[%dma_start3A_86, %dma_start3A_87] : memref<10000x128xf32, #tpu.memory_space<hbm>> -> memref<10000x128xf32, #tpu.memory_space<hbm>>
        tpu.enqueue_indirect_dma source(%dma_start3A_88 : memref<10000x128xf32, #tpu.memory_space<hbm>>) target(%arg11 : memref<64x128xf32, #tpu.memory_space<vmem>>) offsets(%dma_start3A_85 : memref<64xi32, #tpu.memory_space<vmem>>) semaphore(%arg16 : memref<!tpu.dma_semaphore, #tpu.memory_space<semaphore_mem>>)
        %dma_start3A_89 = arith.constant 3 : i32
        %dma_start3A_90 = arith.constant 0 : i32
        %dma_start3A_91 = tpu.memref_slice %arg7[%dma_start3A_89, %dma_start3A_90] : memref<64x64xi32, #tpu.memory_space<vmem>> -> memref<1x64xi32, #tpu.memory_space<vmem>>
        %dma_start3A_92 = tpu.memref_squeeze %dma_start3A_91 : memref<1x64xi32, #tpu.memory_space<vmem>> -> memref<64xi32, #tpu.memory_space<vmem>>
        %dma_start3A_93 = arith.constant 0 : i32
        %dma_start3A_94 = arith.constant 0 : i32
        %dma_start3A_95 = tpu.memref_slice %arg3[%dma_start3A_93, %dma_start3A_94] : memref<10000x128xf32, #tpu.memory_space<hbm>> -> memref<10000x128xf32, #tpu.memory_space<hbm>>
        tpu.enqueue_indirect_dma source(%dma_start3A_95 : memref<10000x128xf32, #tpu.memory_space<hbm>>) target(%arg12 : memref<64x128xf32, #tpu.memory_space<vmem>>) offsets(%dma_start3A_92 : memref<64xi32, #tpu.memory_space<vmem>>) semaphore(%arg17 : memref<!tpu.dma_semaphore, #tpu.memory_space<semaphore_mem>>)
        %scan3A_96 = arith.constant 0 : i32
        %scan3A_97 = arith.constant 16 : i32
        %scan3A_98 = arith.addi %scan3A_96, %scan3A_97 : i32
        %scan3A_99 = arith.constant 1 : i32
        scf.for %scan3A_128 = %scan3A_96 to %scan3A_98 step %scan3A_99  : i32 {
          %mul3A_129 = arith.constant 4 : i32
          %mul3A_130 = arith.muli %mul3A_129, %scan3A_128 : i32
          %add3A_131 = arith.constant 0 : i32
          %add3A_132 = arith.addi %mul3A_130, %add3A_131 : i32
          %dma_wait3A_133 = arith.constant 0 : i32
          %dma_wait3A_134 = tpu.memref_slice %arg7[%add3A_132, %dma_wait3A_133] : memref<64x64xi32, #tpu.memory_space<vmem>> -> memref<1x64xi32, #tpu.memory_space<vmem>>
          %dma_wait3A_135 = tpu.memref_squeeze %dma_wait3A_134 : memref<1x64xi32, #tpu.memory_space<vmem>> -> memref<64xi32, #tpu.memory_space<vmem>>
          %dma_wait3A_136 = arith.constant 0 : i32
          %dma_wait3A_137 = arith.constant 0 : i32
          %dma_wait3A_138 = tpu.memref_slice %arg3[%dma_wait3A_136, %dma_wait3A_137] : memref<10000x128xf32, #tpu.memory_space<hbm>> -> memref<10000x128xf32, #tpu.memory_space<hbm>>
          tpu.wait_indirect_dma semaphore(%arg14 : memref<!tpu.dma_semaphore, #tpu.memory_space<semaphore_mem>>) src(%dma_wait3A_138 : memref<10000x128xf32, #tpu.memory_space<hbm>>) dst(%arg9 : memref<64x128xf32, #tpu.memory_space<vmem>>)
          %dma_start3A_139 = arith.constant 0 : i32
          %dma_start3A_140 = tpu.memref_slice %arg8[%add3A_132, %dma_start3A_139] : memref<64x64xi32, #tpu.memory_space<vmem>> -> memref<1x64xi32, #tpu.memory_space<vmem>>
          %dma_start3A_141 = tpu.memref_squeeze %dma_start3A_140 : memref<1x64xi32, #tpu.memory_space<vmem>> -> memref<64xi32, #tpu.memory_space<vmem>>
          %dma_start3A_142 = arith.constant 0 : i32
          %dma_start3A_143 = arith.constant 0 : i32
          %dma_start3A_144 = tpu.memref_slice %arg13[%dma_start3A_142, %dma_start3A_143] : memref<10240x128xf32, #tpu.memory_space<vmem_shared>> -> memref<10240x128xf32, #tpu.memory_space<vmem_shared>>
          tpu.enqueue_indirect_dma source(%arg9 : memref<64x128xf32, #tpu.memory_space<vmem>>) target(%dma_start3A_144 : memref<10240x128xf32, #tpu.memory_space<vmem_shared>>) offsets(%dma_start3A_141 : memref<64xi32, #tpu.memory_space<vmem>>) semaphore(%arg14 : memref<!tpu.dma_semaphore, #tpu.memory_space<semaphore_mem>>) {add = true}
          %mul3A_145 = arith.constant 4 : i32
          %mul3A_146 = arith.muli %mul3A_145, %scan3A_128 : i32
          %add3A_147 = arith.constant 1 : i32
          %add3A_148 = arith.addi %mul3A_146, %add3A_147 : i32
          %dma_wait3A_149 = arith.constant 0 : i32
          %dma_wait3A_150 = tpu.memref_slice %arg7[%add3A_148, %dma_wait3A_149] : memref<64x64xi32, #tpu.memory_space<vmem>> -> memref<1x64xi32, #tpu.memory_space<vmem>>
          %dma_wait3A_151 = tpu.memref_squeeze %dma_wait3A_150 : memref<1x64xi32, #tpu.memory_space<vmem>> -> memref<64xi32, #tpu.memory_space<vmem>>
          %dma_wait3A_152 = arith.constant 0 : i32
          %dma_wait3A_153 = arith.constant 0 : i32
          %dma_wait3A_154 = tpu.memref_slice %arg3[%dma_wait3A_152, %dma_wait3A_153] : memref<10000x128xf32, #tpu.memory_space<hbm>> -> memref<10000x128xf32, #tpu.memory_space<hbm>>
          tpu.wait_indirect_dma semaphore(%arg15 : memref<!tpu.dma_semaphore, #tpu.memory_space<semaphore_mem>>) src(%dma_wait3A_154 : memref<10000x128xf32, #tpu.memory_space<hbm>>) dst(%arg10 : memref<64x128xf32, #tpu.memory_space<vmem>>)
          %dma_start3A_155 = arith.constant 0 : i32
          %dma_start3A_156 = tpu.memref_slice %arg8[%add3A_148, %dma_start3A_155] : memref<64x64xi32, #tpu.memory_space<vmem>> -> memref<1x64xi32, #tpu.memory_space<vmem>>
          %dma_start3A_157 = tpu.memref_squeeze %dma_start3A_156 : memref<1x64xi32, #tpu.memory_space<vmem>> -> memref<64xi32, #tpu.memory_space<vmem>>
          %dma_start3A_158 = arith.constant 0 : i32
          %dma_start3A_159 = arith.constant 0 : i32
          %dma_start3A_160 = tpu.memref_slice %arg13[%dma_start3A_158, %dma_start3A_159] : memref<10240x128xf32, #tpu.memory_space<vmem_shared>> -> memref<10240x128xf32, #tpu.memory_space<vmem_shared>>
          tpu.enqueue_indirect_dma source(%arg10 : memref<64x128xf32, #tpu.memory_space<vmem>>) target(%dma_start3A_160 : memref<10240x128xf32, #tpu.memory_space<vmem_shared>>) offsets(%dma_start3A_157 : memref<64xi32, #tpu.memory_space<vmem>>) semaphore(%arg15 : memref<!tpu.dma_semaphore, #tpu.memory_space<semaphore_mem>>) {add = true}
          %mul3A_161 = arith.constant 4 : i32
          %mul3A_162 = arith.muli %mul3A_161, %scan3A_128 : i32
          %add3A_163 = arith.constant 2 : i32
          %add3A_164 = arith.addi %mul3A_162, %add3A_163 : i32
          %dma_wait3A_165 = arith.constant 0 : i32
          %dma_wait3A_166 = tpu.memref_slice %arg7[%add3A_164, %dma_wait3A_165] : memref<64x64xi32, #tpu.memory_space<vmem>> -> memref<1x64xi32, #tpu.memory_space<vmem>>
          %dma_wait3A_167 = tpu.memref_squeeze %dma_wait3A_166 : memref<1x64xi32, #tpu.memory_space<vmem>> -> memref<64xi32, #tpu.memory_space<vmem>>
          %dma_wait3A_168 = arith.constant 0 : i32
          %dma_wait3A_169 = arith.constant 0 : i32
          %dma_wait3A_170 = tpu.memref_slice %arg3[%dma_wait3A_168, %dma_wait3A_169] : memref<10000x128xf32, #tpu.memory_space<hbm>> -> memref<10000x128xf32, #tpu.memory_space<hbm>>
          tpu.wait_indirect_dma semaphore(%arg16 : memref<!tpu.dma_semaphore, #tpu.memory_space<semaphore_mem>>) src(%dma_wait3A_170 : memref<10000x128xf32, #tpu.memory_space<hbm>>) dst(%arg11 : memref<64x128xf32, #tpu.memory_space<vmem>>)
          %dma_start3A_171 = arith.constant 0 : i32
          %dma_start3A_172 = tpu.memref_slice %arg8[%add3A_164, %dma_start3A_171] : memref<64x64xi32, #tpu.memory_space<vmem>> -> memref<1x64xi32, #tpu.memory_space<vmem>>
          %dma_start3A_173 = tpu.memref_squeeze %dma_start3A_172 : memref<1x64xi32, #tpu.memory_space<vmem>> -> memref<64xi32, #tpu.memory_space<vmem>>
          %dma_start3A_174 = arith.constant 0 : i32
          %dma_start3A_175 = arith.constant 0 : i32
          %dma_start3A_176 = tpu.memref_slice %arg13[%dma_start3A_174, %dma_start3A_175] : memref<10240x128xf32, #tpu.memory_space<vmem_shared>> -> memref<10240x128xf32, #tpu.memory_space<vmem_shared>>
          tpu.enqueue_indirect_dma source(%arg11 : memref<64x128xf32, #tpu.memory_space<vmem>>) target(%dma_start3A_176 : memref<10240x128xf32, #tpu.memory_space<vmem_shared>>) offsets(%dma_start3A_173 : memref<64xi32, #tpu.memory_space<vmem>>) semaphore(%arg16 : memref<!tpu.dma_semaphore, #tpu.memory_space<semaphore_mem>>) {add = true}
          %mul3A_177 = arith.constant 4 : i32
          %mul3A_178 = arith.muli %mul3A_177, %scan3A_128 : i32
          %add3A_179 = arith.constant 3 : i32
          %add3A_180 = arith.addi %mul3A_178, %add3A_179 : i32
          %dma_wait3A_181 = arith.constant 0 : i32
          %dma_wait3A_182 = tpu.memref_slice %arg7[%add3A_180, %dma_wait3A_181] : memref<64x64xi32, #tpu.memory_space<vmem>> -> memref<1x64xi32, #tpu.memory_space<vmem>>
          %dma_wait3A_183 = tpu.memref_squeeze %dma_wait3A_182 : memref<1x64xi32, #tpu.memory_space<vmem>> -> memref<64xi32, #tpu.memory_space<vmem>>
          %dma_wait3A_184 = arith.constant 0 : i32
          %dma_wait3A_185 = arith.constant 0 : i32
          %dma_wait3A_186 = tpu.memref_slice %arg3[%dma_wait3A_184, %dma_wait3A_185] : memref<10000x128xf32, #tpu.memory_space<hbm>> -> memref<10000x128xf32, #tpu.memory_space<hbm>>
          tpu.wait_indirect_dma semaphore(%arg17 : memref<!tpu.dma_semaphore, #tpu.memory_space<semaphore_mem>>) src(%dma_wait3A_186 : memref<10000x128xf32, #tpu.memory_space<hbm>>) dst(%arg12 : memref<64x128xf32, #tpu.memory_space<vmem>>)
          %dma_start3A_187 = arith.constant 0 : i32
          %dma_start3A_188 = tpu.memref_slice %arg8[%add3A_180, %dma_start3A_187] : memref<64x64xi32, #tpu.memory_space<vmem>> -> memref<1x64xi32, #tpu.memory_space<vmem>>
          %dma_start3A_189 = tpu.memref_squeeze %dma_start3A_188 : memref<1x64xi32, #tpu.memory_space<vmem>> -> memref<64xi32, #tpu.memory_space<vmem>>
          %dma_start3A_190 = arith.constant 0 : i32
          %dma_start3A_191 = arith.constant 0 : i32
          %dma_start3A_192 = tpu.memref_slice %arg13[%dma_start3A_190, %dma_start3A_191] : memref<10240x128xf32, #tpu.memory_space<vmem_shared>> -> memref<10240x128xf32, #tpu.memory_space<vmem_shared>>
          tpu.enqueue_indirect_dma source(%arg12 : memref<64x128xf32, #tpu.memory_space<vmem>>) target(%dma_start3A_192 : memref<10240x128xf32, #tpu.memory_space<vmem_shared>>) offsets(%dma_start3A_189 : memref<64xi32, #tpu.memory_space<vmem>>) semaphore(%arg17 : memref<!tpu.dma_semaphore, #tpu.memory_space<semaphore_mem>>) {add = true}
          %add3A_193 = arith.constant 1 : i32
          %add3A_194 = arith.addi %scan3A_128, %add3A_193 : i32
          %lt3A = arith.constant 16 : i32
          %lt3A_195 = arith.cmpi slt, %add3A_194, %lt3A : i32
          %convert_element_type3A_196 = arith.extui %lt3A_195 : i1 to i32
          %cond3A_197 = arith.constant 0 : i32
          %cond3A_198 = arith.cmpi ne, %convert_element_type3A_196, %cond3A_197 : i32
          scf.if %cond3A_198 {
            %mul3A_199 = arith.constant 4 : i32
            %mul3A_200 = arith.muli %mul3A_199, %scan3A_128 : i32
            %add3A_201 = arith.constant 0 : i32
            %add3A_202 = arith.addi %mul3A_200, %add3A_201 : i32
            %dma_wait3A_203 = arith.constant 0 : i32
            %dma_wait3A_204 = tpu.memref_slice %arg8[%add3A_202, %dma_wait3A_203] : memref<64x64xi32, #tpu.memory_space<vmem>> -> memref<1x64xi32, #tpu.memory_space<vmem>>
            %dma_wait3A_205 = tpu.memref_squeeze %dma_wait3A_204 : memref<1x64xi32, #tpu.memory_space<vmem>> -> memref<64xi32, #tpu.memory_space<vmem>>
            %dma_wait3A_206 = arith.constant 0 : i32
            %dma_wait3A_207 = arith.constant 0 : i32
            %dma_wait3A_208 = tpu.memref_slice %arg13[%dma_wait3A_206, %dma_wait3A_207] : memref<10240x128xf32, #tpu.memory_space<vmem_shared>> -> memref<10240x128xf32, #tpu.memory_space<vmem_shared>>
            tpu.wait_indirect_dma semaphore(%arg14 : memref<!tpu.dma_semaphore, #tpu.memory_space<semaphore_mem>>) src(%arg9 : memref<64x128xf32, #tpu.memory_space<vmem>>) dst(%dma_wait3A_208 : memref<10240x128xf32, #tpu.memory_space<vmem_shared>>)
            %add3A_209 = arith.constant 4 : i32
            %add3A_210 = arith.addi %add3A_202, %add3A_209 : i32
            %dma_start3A_211 = arith.constant 0 : i32
            %dma_start3A_212 = tpu.memref_slice %arg7[%add3A_210, %dma_start3A_211] : memref<64x64xi32, #tpu.memory_space<vmem>> -> memref<1x64xi32, #tpu.memory_space<vmem>>
            %dma_start3A_213 = tpu.memref_squeeze %dma_start3A_212 : memref<1x64xi32, #tpu.memory_space<vmem>> -> memref<64xi32, #tpu.memory_space<vmem>>
            %dma_start3A_214 = arith.constant 0 : i32
            %dma_start3A_215 = arith.constant 0 : i32
            %dma_start3A_216 = tpu.memref_slice %arg3[%dma_start3A_214, %dma_start3A_215] : memref<10000x128xf32, #tpu.memory_space<hbm>> -> memref<10000x128xf32, #tpu.memory_space<hbm>>
            tpu.enqueue_indirect_dma source(%dma_start3A_216 : memref<10000x128xf32, #tpu.memory_space<hbm>>) target(%arg9 : memref<64x128xf32, #tpu.memory_space<vmem>>) offsets(%dma_start3A_213 : memref<64xi32, #tpu.memory_space<vmem>>) semaphore(%arg14 : memref<!tpu.dma_semaphore, #tpu.memory_space<semaphore_mem>>)
            %mul3A_217 = arith.constant 4 : i32
            %mul3A_218 = arith.muli %mul3A_217, %scan3A_128 : i32
            %add3A_219 = arith.constant 1 : i32
            %add3A_220 = arith.addi %mul3A_218, %add3A_219 : i32
            %dma_wait3A_221 = arith.constant 0 : i32
            %dma_wait3A_222 = tpu.memref_slice %arg8[%add3A_220, %dma_wait3A_221] : memref<64x64xi32, #tpu.memory_space<vmem>> -> memref<1x64xi32, #tpu.memory_space<vmem>>
            %dma_wait3A_223 = tpu.memref_squeeze %dma_wait3A_222 : memref<1x64xi32, #tpu.memory_space<vmem>> -> memref<64xi32, #tpu.memory_space<vmem>>
            %dma_wait3A_224 = arith.constant 0 : i32
            %dma_wait3A_225 = arith.constant 0 : i32
            %dma_wait3A_226 = tpu.memref_slice %arg13[%dma_wait3A_224, %dma_wait3A_225] : memref<10240x128xf32, #tpu.memory_space<vmem_shared>> -> memref<10240x128xf32, #tpu.memory_space<vmem_shared>>
            tpu.wait_indirect_dma semaphore(%arg15 : memref<!tpu.dma_semaphore, #tpu.memory_space<semaphore_mem>>) src(%arg10 : memref<64x128xf32, #tpu.memory_space<vmem>>) dst(%dma_wait3A_226 : memref<10240x128xf32, #tpu.memory_space<vmem_shared>>)
            %add3A_227 = arith.constant 4 : i32
            %add3A_228 = arith.addi %add3A_220, %add3A_227 : i32
            %dma_start3A_229 = arith.constant 0 : i32
            %dma_start3A_230 = tpu.memref_slice %arg7[%add3A_228, %dma_start3A_229] : memref<64x64xi32, #tpu.memory_space<vmem>> -> memref<1x64xi32, #tpu.memory_space<vmem>>
            %dma_start3A_231 = tpu.memref_squeeze %dma_start3A_230 : memref<1x64xi32, #tpu.memory_space<vmem>> -> memref<64xi32, #tpu.memory_space<vmem>>
            %dma_start3A_232 = arith.constant 0 : i32
            %dma_start3A_233 = arith.constant 0 : i32
            %dma_start3A_234 = tpu.memref_slice %arg3[%dma_start3A_232, %dma_start3A_233] : memref<10000x128xf32, #tpu.memory_space<hbm>> -> memref<10000x128xf32, #tpu.memory_space<hbm>>
            tpu.enqueue_indirect_dma source(%dma_start3A_234 : memref<10000x128xf32, #tpu.memory_space<hbm>>) target(%arg10 : memref<64x128xf32, #tpu.memory_space<vmem>>) offsets(%dma_start3A_231 : memref<64xi32, #tpu.memory_space<vmem>>) semaphore(%arg15 : memref<!tpu.dma_semaphore, #tpu.memory_space<semaphore_mem>>)
            %mul3A_235 = arith.constant 4 : i32
            %mul3A_236 = arith.muli %mul3A_235, %scan3A_128 : i32
            %add3A_237 = arith.constant 2 : i32
            %add3A_238 = arith.addi %mul3A_236, %add3A_237 : i32
            %dma_wait3A_239 = arith.constant 0 : i32
            %dma_wait3A_240 = tpu.memref_slice %arg8[%add3A_238, %dma_wait3A_239] : memref<64x64xi32, #tpu.memory_space<vmem>> -> memref<1x64xi32, #tpu.memory_space<vmem>>
            %dma_wait3A_241 = tpu.memref_squeeze %dma_wait3A_240 : memref<1x64xi32, #tpu.memory_space<vmem>> -> memref<64xi32, #tpu.memory_space<vmem>>
            %dma_wait3A_242 = arith.constant 0 : i32
            %dma_wait3A_243 = arith.constant 0 : i32
            %dma_wait3A_244 = tpu.memref_slice %arg13[%dma_wait3A_242, %dma_wait3A_243] : memref<10240x128xf32, #tpu.memory_space<vmem_shared>> -> memref<10240x128xf32, #tpu.memory_space<vmem_shared>>
            tpu.wait_indirect_dma semaphore(%arg16 : memref<!tpu.dma_semaphore, #tpu.memory_space<semaphore_mem>>) src(%arg11 : memref<64x128xf32, #tpu.memory_space<vmem>>) dst(%dma_wait3A_244 : memref<10240x128xf32, #tpu.memory_space<vmem_shared>>)
            %add3A_245 = arith.constant 4 : i32
            %add3A_246 = arith.addi %add3A_238, %add3A_245 : i32
            %dma_start3A_247 = arith.constant 0 : i32
            %dma_start3A_248 = tpu.memref_slice %arg7[%add3A_246, %dma_start3A_247] : memref<64x64xi32, #tpu.memory_space<vmem>> -> memref<1x64xi32, #tpu.memory_space<vmem>>
            %dma_start3A_249 = tpu.memref_squeeze %dma_start3A_248 : memref<1x64xi32, #tpu.memory_space<vmem>> -> memref<64xi32, #tpu.memory_space<vmem>>
            %dma_start3A_250 = arith.constant 0 : i32
            %dma_start3A_251 = arith.constant 0 : i32
            %dma_start3A_252 = tpu.memref_slice %arg3[%dma_start3A_250, %dma_start3A_251] : memref<10000x128xf32, #tpu.memory_space<hbm>> -> memref<10000x128xf32, #tpu.memory_space<hbm>>
            tpu.enqueue_indirect_dma source(%dma_start3A_252 : memref<10000x128xf32, #tpu.memory_space<hbm>>) target(%arg11 : memref<64x128xf32, #tpu.memory_space<vmem>>) offsets(%dma_start3A_249 : memref<64xi32, #tpu.memory_space<vmem>>) semaphore(%arg16 : memref<!tpu.dma_semaphore, #tpu.memory_space<semaphore_mem>>)
            %mul3A_253 = arith.constant 4 : i32
            %mul3A_254 = arith.muli %mul3A_253, %scan3A_128 : i32
            %add3A_255 = arith.constant 3 : i32
            %add3A_256 = arith.addi %mul3A_254, %add3A_255 : i32
            %dma_wait3A_257 = arith.constant 0 : i32
            %dma_wait3A_258 = tpu.memref_slice %arg8[%add3A_256, %dma_wait3A_257] : memref<64x64xi32, #tpu.memory_space<vmem>> -> memref<1x64xi32, #tpu.memory_space<vmem>>
            %dma_wait3A_259 = tpu.memref_squeeze %dma_wait3A_258 : memref<1x64xi32, #tpu.memory_space<vmem>> -> memref<64xi32, #tpu.memory_space<vmem>>
            %dma_wait3A_260 = arith.constant 0 : i32
            %dma_wait3A_261 = arith.constant 0 : i32
            %dma_wait3A_262 = tpu.memref_slice %arg13[%dma_wait3A_260, %dma_wait3A_261] : memref<10240x128xf32, #tpu.memory_space<vmem_shared>> -> memref<10240x128xf32, #tpu.memory_space<vmem_shared>>
            tpu.wait_indirect_dma semaphore(%arg17 : memref<!tpu.dma_semaphore, #tpu.memory_space<semaphore_mem>>) src(%arg12 : memref<64x128xf32, #tpu.memory_space<vmem>>) dst(%dma_wait3A_262 : memref<10240x128xf32, #tpu.memory_space<vmem_shared>>)
            %add3A_263 = arith.constant 4 : i32
            %add3A_264 = arith.addi %add3A_256, %add3A_263 : i32
            %dma_start3A_265 = arith.constant 0 : i32
            %dma_start3A_266 = tpu.memref_slice %arg7[%add3A_264, %dma_start3A_265] : memref<64x64xi32, #tpu.memory_space<vmem>> -> memref<1x64xi32, #tpu.memory_space<vmem>>
            %dma_start3A_267 = tpu.memref_squeeze %dma_start3A_266 : memref<1x64xi32, #tpu.memory_space<vmem>> -> memref<64xi32, #tpu.memory_space<vmem>>
            %dma_start3A_268 = arith.constant 0 : i32
            %dma_start3A_269 = arith.constant 0 : i32
            %dma_start3A_270 = tpu.memref_slice %arg3[%dma_start3A_268, %dma_start3A_269] : memref<10000x128xf32, #tpu.memory_space<hbm>> -> memref<10000x128xf32, #tpu.memory_space<hbm>>
            tpu.enqueue_indirect_dma source(%dma_start3A_270 : memref<10000x128xf32, #tpu.memory_space<hbm>>) target(%arg12 : memref<64x128xf32, #tpu.memory_space<vmem>>) offsets(%dma_start3A_267 : memref<64xi32, #tpu.memory_space<vmem>>) semaphore(%arg17 : memref<!tpu.dma_semaphore, #tpu.memory_space<semaphore_mem>>)
          } else {
          }
        }
        %scan3A_100 = arith.constant 16 : i32
        %dma_wait3A = arith.constant 0 : i32
        %dma_wait3A_101 = arith.constant 0 : i32
        %dma_wait3A_102 = tpu.memref_slice %arg8[%dma_wait3A, %dma_wait3A_101] : memref<64x64xi32, #tpu.memory_space<vmem>> -> memref<1x64xi32, #tpu.memory_space<vmem>>
        %dma_wait3A_103 = tpu.memref_squeeze %dma_wait3A_102 : memref<1x64xi32, #tpu.memory_space<vmem>> -> memref<64xi32, #tpu.memory_space<vmem>>
        %dma_wait3A_104 = arith.constant 0 : i32
        %dma_wait3A_105 = arith.constant 0 : i32
        %dma_wait3A_106 = tpu.memref_slice %arg13[%dma_wait3A_104, %dma_wait3A_105] : memref<10240x128xf32, #tpu.memory_space<vmem_shared>> -> memref<10240x128xf32, #tpu.memory_space<vmem_shared>>
        tpu.wait_indirect_dma semaphore(%arg14 : memref<!tpu.dma_semaphore, #tpu.memory_space<semaphore_mem>>) src(%arg9 : memref<64x128xf32, #tpu.memory_space<vmem>>) dst(%dma_wait3A_106 : memref<10240x128xf32, #tpu.memory_space<vmem_shared>>)
        %dma_wait3A_107 = arith.constant 1 : i32
        %dma_wait3A_108 = arith.constant 0 : i32
        %dma_wait3A_109 = tpu.memref_slice %arg8[%dma_wait3A_107, %dma_wait3A_108] : memref<64x64xi32, #tpu.memory_space<vmem>> -> memref<1x64xi32, #tpu.memory_space<vmem>>
        %dma_wait3A_110 = tpu.memref_squeeze %dma_wait3A_109 : memref<1x64xi32, #tpu.memory_space<vmem>> -> memref<64xi32, #tpu.memory_space<vmem>>
        %dma_wait3A_111 = arith.constant 0 : i32
        %dma_wait3A_112 = arith.constant 0 : i32
        %dma_wait3A_113 = tpu.memref_slice %arg13[%dma_wait3A_111, %dma_wait3A_112] : memref<10240x128xf32, #tpu.memory_space<vmem_shared>> -> memref<10240x128xf32, #tpu.memory_space<vmem_shared>>
        tpu.wait_indirect_dma semaphore(%arg15 : memref<!tpu.dma_semaphore, #tpu.memory_space<semaphore_mem>>) src(%arg10 : memref<64x128xf32, #tpu.memory_space<vmem>>) dst(%dma_wait3A_113 : memref<10240x128xf32, #tpu.memory_space<vmem_shared>>)
        %dma_wait3A_114 = arith.constant 2 : i32
        %dma_wait3A_115 = arith.constant 0 : i32
        %dma_wait3A_116 = tpu.memref_slice %arg8[%dma_wait3A_114, %dma_wait3A_115] : memref<64x64xi32, #tpu.memory_space<vmem>> -> memref<1x64xi32, #tpu.memory_space<vmem>>
        %dma_wait3A_117 = tpu.memref_squeeze %dma_wait3A_116 : memref<1x64xi32, #tpu.memory_space<vmem>> -> memref<64xi32, #tpu.memory_space<vmem>>
        %dma_wait3A_118 = arith.constant 0 : i32
        %dma_wait3A_119 = arith.constant 0 : i32
        %dma_wait3A_120 = tpu.memref_slice %arg13[%dma_wait3A_118, %dma_wait3A_119] : memref<10240x128xf32, #tpu.memory_space<vmem_shared>> -> memref<10240x128xf32, #tpu.memory_space<vmem_shared>>
        tpu.wait_indirect_dma semaphore(%arg16 : memref<!tpu.dma_semaphore, #tpu.memory_space<semaphore_mem>>) src(%arg11 : memref<64x128xf32, #tpu.memory_space<vmem>>) dst(%dma_wait3A_120 : memref<10240x128xf32, #tpu.memory_space<vmem_shared>>)
        %dma_wait3A_121 = arith.constant 3 : i32
        %dma_wait3A_122 = arith.constant 0 : i32
        %dma_wait3A_123 = tpu.memref_slice %arg8[%dma_wait3A_121, %dma_wait3A_122] : memref<64x64xi32, #tpu.memory_space<vmem>> -> memref<1x64xi32, #tpu.memory_space<vmem>>
        %dma_wait3A_124 = tpu.memref_squeeze %dma_wait3A_123 : memref<1x64xi32, #tpu.memory_space<vmem>> -> memref<64xi32, #tpu.memory_space<vmem>>
        %dma_wait3A_125 = arith.constant 0 : i32
        %dma_wait3A_126 = arith.constant 0 : i32
        %dma_wait3A_127 = tpu.memref_slice %arg13[%dma_wait3A_125, %dma_wait3A_126] : memref<10240x128xf32, #tpu.memory_space<vmem_shared>> -> memref<10240x128xf32, #tpu.memory_space<vmem_shared>>
        tpu.wait_indirect_dma semaphore(%arg17 : memref<!tpu.dma_semaphore, #tpu.memory_space<semaphore_mem>>) src(%arg12 : memref<64x128xf32, #tpu.memory_space<vmem>>) dst(%dma_wait3A_127 : memref<10240x128xf32, #tpu.memory_space<vmem_shared>>)
      }
      %scan3A_61 = arith.constant 5 : i32
    } else {
    }
    %barrier3A_52 = arith.constant 0 : index
    tpu.barrier barrier_id(%barrier3A_52)
    %mul3A_53 = arith.constant 640 : i32
    %mul3A_54 = arith.muli %arg1, %mul3A_53 : i32
    %mul3A_55 = arith.constant 640 : i32
    %mul3A_56 = arith.muli %arg1, %mul3A_55 : i32
    "tpu.region"() ({
      %run_scoped3A = tpu.sem_alloc : memref<!tpu.dma_semaphore, #tpu.memory_space<semaphore_mem>>
      %dma_start3A = arith.constant 0 : i32
      %dma_start3A_57 = tpu.memref_slice %arg6[%arg0, %mul3A_56, %dma_start3A] : memref<2x10240x128xf32, #tpu.memory_space<hbm>> -> memref<1x640x128xf32, #tpu.memory_space<hbm>>
      %dma_start3A_58 = tpu.memref_squeeze %dma_start3A_57 : memref<1x640x128xf32, #tpu.memory_space<hbm>> -> memref<640x128xf32, #tpu.memory_space<hbm>>
      %dma_start3A_59 = arith.constant 0 : i32
      %dma_start3A_60 = tpu.memref_slice %arg13[%mul3A_54, %dma_start3A_59] : memref<10240x128xf32, #tpu.memory_space<vmem_shared>> -> memref<640x128xf32, #tpu.memory_space<vmem_shared>>
      tpu.enqueue_dma source(%dma_start3A_60 : memref<640x128xf32, #tpu.memory_space<vmem_shared>>) target(%dma_start3A_58 : memref<640x128xf32, #tpu.memory_space<hbm>>) target_semaphore(%run_scoped3A : memref<!tpu.dma_semaphore, #tpu.memory_space<semaphore_mem>>)
      %dma_wait3A = arith.constant 0 : i32
      %dma_wait3A_61 = tpu.memref_slice %arg6[%arg0, %mul3A_56, %dma_wait3A] : memref<2x10240x128xf32, #tpu.memory_space<hbm>> -> memref<1x640x128xf32, #tpu.memory_space<hbm>>
      %dma_wait3A_62 = tpu.memref_squeeze %dma_wait3A_61 : memref<1x640x128xf32, #tpu.memory_space<hbm>> -> memref<640x128xf32, #tpu.memory_space<hbm>>
      %dma_wait3A_63 = arith.constant 0 : i32
      %dma_wait3A_64 = tpu.memref_slice %arg13[%mul3A_54, %dma_wait3A_63] : memref<10240x128xf32, #tpu.memory_space<vmem_shared>> -> memref<640x128xf32, #tpu.memory_space<vmem_shared>>
      tpu.wait_dma2 semaphore(%run_scoped3A : memref<!tpu.dma_semaphore, #tpu.memory_space<semaphore_mem>>) src(%dma_wait3A_64 : memref<640x128xf32, #tpu.memory_space<vmem_shared>>) dst(%dma_wait3A_62 : memref<640x128xf32, #tpu.memory_space<hbm>>)
      tpu.yield
    }) : () -> ()
    return
  }
}

module attributes {stable_mosaic.version = 14 : i64} {
  func.func @_tc0_body(%arg0: i32, %arg1: memref<2x1000x128xf32, #tpu.memory_space<vmem>>, %arg2: memref<1000x1xf32, #tpu.memory_space<vmem>>, %arg3: memref<1000x128xf32, #tpu.memory_space<vmem>>, %arg4: memref<256x256xf32, #tpu.memory_space<vmem>>, %arg5: memref<1x256xf32, #tpu.memory_space<vmem>>, %arg6: memref<1x256xf32, #tpu.memory_space<vmem>>, %arg7: memref<1000x128xf32, #tpu.memory_space<vmem>>, %arg8: memref<1000x128xf32, #tpu.memory_space<vmem>>, %arg9: memref<1000x1xf32, #tpu.memory_space<vmem>>) attributes {dimension_semantics = [#tpu.dimension_semantics<arbitrary>], iteration_bounds = array<i64: 10>, scalar_prefetch = 0 : i64, scratch_operands = 0 : i64, tpu.core_type = #tpu.core_type<tc>, window_params = [{transform_indices = @transform_0, window_bounds = array<i64: 2, 1000, 128>}, {transform_indices = @transform_1, window_bounds = array<i64: 1000, 1>}, {transform_indices = @transform_2, window_bounds = array<i64: 1000, 128>}, {pipeline_mode = #tpu.pipeline_mode<synchronous>, transform_indices = @transform_3, window_bounds = array<i64: 256, 256>}, {pipeline_mode = #tpu.pipeline_mode<synchronous>, transform_indices = @transform_4, window_bounds = array<i64: 1, 256>}, {pipeline_mode = #tpu.pipeline_mode<synchronous>, transform_indices = @transform_5, window_bounds = array<i64: 1, 256>}, {transform_indices = @transform_6, window_bounds = array<i64: 1000, 128>}, {transform_indices = @transform_7, window_bounds = array<i64: 1000, 128>}, {transform_indices = @transform_8, window_bounds = array<i64: 1000, 1>}]} {
    %get3A = arith.constant 0 : index
    %get3A_0 = arith.constant 0 : index
    %get3A_1 = arith.constant 0 : index
    %get3A_2 = vector.load %arg1[%get3A, %get3A_0, %get3A_1] : memref<2x1000x128xf32, #tpu.memory_space<vmem>>, vector<1x1000x128xf32>
    %get3A_3 = vector.shape_cast %get3A_2 : vector<1x1000x128xf32> to vector<1000x128xf32>
    %get3A_4 = arith.constant 1 : index
    %get3A_5 = arith.constant 0 : index
    %get3A_6 = arith.constant 0 : index
    %get3A_7 = vector.load %arg1[%get3A_4, %get3A_5, %get3A_6] : memref<2x1000x128xf32, #tpu.memory_space<vmem>>, vector<1x1000x128xf32>
    %get3A_8 = vector.shape_cast %get3A_7 : vector<1x1000x128xf32> to vector<1000x128xf32>
    %add3A = arith.addf %get3A_3, %get3A_8 : vector<1000x128xf32>
    %get3A_9 = arith.constant 0 : index
    %get3A_10 = arith.constant 0 : index
    %get3A_11 = vector.load %arg2[%get3A_9, %get3A_10] : memref<1000x1xf32, #tpu.memory_space<vmem>>, vector<1000x1xf32>
    %max3A = arith.constant 1.000000e+00 : f32
    %max3A_12 = vector.broadcast %max3A : f32 to vector<1000x1xf32>
    %max3A_13 = arith.maximumf %get3A_11, %max3A_12 : vector<1000x1xf32>
    %div3A = arith.constant 1.000000e+00 : f32
    %div3A_14 = vector.broadcast %div3A : f32 to vector<1000x1xf32>
    %div3A_15 = arith.divf %div3A_14, %max3A_13 : vector<1000x1xf32>
    %mul3A = vector.broadcast %div3A_15 : vector<1000x1xf32> to vector<1000x128xf32>
    %mul3A_16 = arith.mulf %add3A, %mul3A : vector<1000x128xf32>
    %get3A_17 = arith.constant 0 : index
    %get3A_18 = arith.constant 0 : index
    %get3A_19 = vector.load %arg3[%get3A_17, %get3A_18] : memref<1000x128xf32, #tpu.memory_space<vmem>>, vector<1000x128xf32>
    %concatenate3A = tpu.concatenate %mul3A_16, %get3A_19 in 1 : vector<1000x128xf32>, vector<1000x128xf32> -> vector<1000x256xf32>
    %get3A_20 = arith.constant 0 : index
    %get3A_21 = arith.constant 0 : index
    %get3A_22 = vector.load %arg4[%get3A_20, %get3A_21] : memref<256x256xf32, #tpu.memory_space<vmem>>, vector<256x256xf32>
    %dot_general3A = arith.constant dense<0.000000e+00> : vector<1000x256xf32>
    %dot_general3A_23 = tpu.matmul %concatenate3A, %get3A_22, %dot_general3A {dimension_numbers = #tpu.dot_dimension_numbers<[1], [1], [0], [0], [0, 0, 1, 0], [], []>, precision = #tpu.contract_precision<fp32>, transpose_lhs_hint = false} : vector<1000x256xf32>, vector<256x256xf32>, vector<1000x256xf32> -> vector<1000x256xf32>
    %get3A_24 = arith.constant 0 : index
    %get3A_25 = arith.constant 0 : index
    %get3A_26 = vector.load %arg5[%get3A_24, %get3A_25] : memref<1x256xf32, #tpu.memory_space<vmem>>, vector<1x256xf32>
    %add3A_27 = vector.broadcast %get3A_26 : vector<1x256xf32> to vector<1000x256xf32>
    %add3A_28 = arith.addf %dot_general3A_23, %add3A_27 : vector<1000x256xf32>
    %get3A_29 = arith.constant 0 : index
    %get3A_30 = arith.constant 0 : index
    %get3A_31 = vector.load %arg6[%get3A_29, %get3A_30] : memref<1x256xf32, #tpu.memory_space<vmem>>, vector<1x256xf32>
    %gt3A = arith.constant 0.000000e+00 : f32
    %gt3A_32 = vector.broadcast %gt3A : f32 to vector<1000x256xf32>
    %gt3A_33 = arith.cmpf ogt, %add3A_28, %gt3A_32 : vector<1000x256xf32>
    %mul3A_34 = vector.broadcast %get3A_31 : vector<1x256xf32> to vector<1000x256xf32>
    %mul3A_35 = arith.mulf %mul3A_34, %add3A_28 : vector<1000x256xf32>
    %select_n3A = arith.select %gt3A_33, %add3A_28, %mul3A_35 : vector<1000x256xi1>, vector<1000x256xf32>
    %slice3A = vector.extract_strided_slice %select_n3A {offsets = [0, 0], sizes = [1000, 128], strides = [1, 1]} : vector<1000x256xf32> to vector<1000x128xf32>
    %swap3A = arith.constant 0 : index
    %swap3A_36 = arith.constant 0 : index
    %swap3A_37 = vector.load %arg7[%swap3A, %swap3A_36] : memref<1000x128xf32, #tpu.memory_space<vmem>>, vector<1000x128xf32>
    tpu.vector_store %arg7[%swap3A, %swap3A_36], %slice3A {strides = array<i32>} : memref<1000x128xf32, #tpu.memory_space<vmem>>, vector<1000x128xf32>,
    %slice3A_38 = vector.extract_strided_slice %select_n3A {offsets = [0, 128], sizes = [1000, 128], strides = [1, 1]} : vector<1000x256xf32> to vector<1000x128xf32>
    %swap3A_39 = arith.constant 0 : index
    %swap3A_40 = arith.constant 0 : index
    %swap3A_41 = vector.load %arg8[%swap3A_39, %swap3A_40] : memref<1000x128xf32, #tpu.memory_space<vmem>>, vector<1000x128xf32>
    tpu.vector_store %arg8[%swap3A_39, %swap3A_40], %slice3A_38 {strides = array<i32>} : memref<1000x128xf32, #tpu.memory_space<vmem>>, vector<1000x128xf32>,
    %swap3A_42 = arith.constant 0 : index
    %swap3A_43 = arith.constant 0 : index
    %swap3A_44 = vector.load %arg9[%swap3A_42, %swap3A_43] : memref<1000x1xf32, #tpu.memory_space<vmem>>, vector<1000x1xf32>
    tpu.vector_store %arg9[%swap3A_42, %swap3A_43], %div3A_15 {strides = array<i32>} : memref<1000x1xf32, #tpu.memory_space<vmem>>, vector<1000x1xf32>,
    return
  }
  func.func @transform_0(%arg0: i32) -> (i32, i32, i32) {
    %c0_i32 = arith.constant 0 : i32
    %c0_i32_0 = arith.constant 0 : i32
    %c0_i32_1 = arith.constant 0 : i32
    return %c0_i32, %arg0, %c0_i32_0 : i32, i32, i32
  }
  func.func @transform_1(%arg0: i32) -> (i32, i32) {
    %c0_i32 = arith.constant 0 : i32
    %c0_i32_0 = arith.constant 0 : i32
    return %arg0, %c0_i32 : i32, i32
  }
  func.func @transform_2(%arg0: i32) -> (i32, i32) {
    %c0_i32 = arith.constant 0 : i32
    %c0_i32_0 = arith.constant 0 : i32
    return %arg0, %c0_i32 : i32, i32
  }
  func.func @transform_3(%arg0: i32) -> (i32, i32) {
    %c0_i32 = arith.constant 0 : i32
    %c0_i32_0 = arith.constant 0 : i32
    %c0_i32_1 = arith.constant 0 : i32
    return %c0_i32, %c0_i32_0 : i32, i32
  }
  func.func @transform_4(%arg0: i32) -> (i32, i32) {
    %c0_i32 = arith.constant 0 : i32
    %c0_i32_0 = arith.constant 0 : i32
    %c0_i32_1 = arith.constant 0 : i32
    return %c0_i32, %c0_i32_0 : i32, i32
  }
  func.func @transform_5(%arg0: i32) -> (i32, i32) {
    %c0_i32 = arith.constant 0 : i32
    %c0_i32_0 = arith.constant 0 : i32
    %c0_i32_1 = arith.constant 0 : i32
    return %c0_i32, %c0_i32_0 : i32, i32
  }
  func.func @transform_6(%arg0: i32) -> (i32, i32) {
    %c0_i32 = arith.constant 0 : i32
    %c0_i32_0 = arith.constant 0 : i32
    return %arg0, %c0_i32 : i32, i32
  }
  func.func @transform_7(%arg0: i32) -> (i32, i32) {
    %c0_i32 = arith.constant 0 : i32
    %c0_i32_0 = arith.constant 0 : i32
    return %arg0, %c0_i32 : i32, i32
  }
  func.func @transform_8(%arg0: i32) -> (i32, i32) {
    %c0_i32 = arith.constant 0 : i32
    %c0_i32_0 = arith.constant 0 : i32
    return %arg0, %c0_i32 : i32, i32
  }
}

module attributes {stable_mosaic.version = 14 : i64} {
  func.func @_tc_mid_body(%arg0: i32, %arg1: memref<2x1000x128xf32, #tpu.memory_space<vmem>>, %arg2: memref<1000x128xf32, #tpu.memory_space<vmem>>, %arg3: memref<1000x128xf32, #tpu.memory_space<vmem>>, %arg4: memref<1000x1xf32, #tpu.memory_space<vmem>>, %arg5: memref<256x512xf32, #tpu.memory_space<vmem>>, %arg6: memref<1x256xf32, #tpu.memory_space<vmem>>, %arg7: memref<1x256xf32, #tpu.memory_space<vmem>>, %arg8: memref<1000x128xf32, #tpu.memory_space<vmem>>, %arg9: memref<1000x128xf32, #tpu.memory_space<vmem>>) attributes {dimension_semantics = [#tpu.dimension_semantics<arbitrary>], iteration_bounds = array<i64: 10>, scalar_prefetch = 0 : i64, scratch_operands = 0 : i64, tpu.core_type = #tpu.core_type<tc>, window_params = [{transform_indices = @transform_0, window_bounds = array<i64: 2, 1000, 128>}, {transform_indices = @transform_1, window_bounds = array<i64: 1000, 128>}, {transform_indices = @transform_2, window_bounds = array<i64: 1000, 128>}, {transform_indices = @transform_3, window_bounds = array<i64: 1000, 1>}, {pipeline_mode = #tpu.pipeline_mode<synchronous>, transform_indices = @transform_4, window_bounds = array<i64: 256, 512>}, {pipeline_mode = #tpu.pipeline_mode<synchronous>, transform_indices = @transform_5, window_bounds = array<i64: 1, 256>}, {pipeline_mode = #tpu.pipeline_mode<synchronous>, transform_indices = @transform_6, window_bounds = array<i64: 1, 256>}, {transform_indices = @transform_7, window_bounds = array<i64: 1000, 128>}, {transform_indices = @transform_8, window_bounds = array<i64: 1000, 128>}]} {
    %get3A = arith.constant 0 : index
    %get3A_0 = arith.constant 0 : index
    %get3A_1 = vector.load %arg4[%get3A, %get3A_0] : memref<1000x1xf32, #tpu.memory_space<vmem>>, vector<1000x1xf32>
    %get3A_2 = arith.constant 0 : index
    %get3A_3 = arith.constant 0 : index
    %get3A_4 = arith.constant 0 : index
    %get3A_5 = vector.load %arg1[%get3A_2, %get3A_3, %get3A_4] : memref<2x1000x128xf32, #tpu.memory_space<vmem>>, vector<1x1000x128xf32>
    %get3A_6 = vector.shape_cast %get3A_5 : vector<1x1000x128xf32> to vector<1000x128xf32>
    %mul3A = vector.broadcast %get3A_1 : vector<1000x1xf32> to vector<1000x128xf32>
    %mul3A_7 = arith.mulf %get3A_6, %mul3A : vector<1000x128xf32>
    %get3A_8 = arith.constant 1 : index
    %get3A_9 = arith.constant 0 : index
    %get3A_10 = arith.constant 0 : index
    %get3A_11 = vector.load %arg1[%get3A_8, %get3A_9, %get3A_10] : memref<2x1000x128xf32, #tpu.memory_space<vmem>>, vector<1x1000x128xf32>
    %get3A_12 = vector.shape_cast %get3A_11 : vector<1x1000x128xf32> to vector<1000x128xf32>
    %mul3A_13 = vector.broadcast %get3A_1 : vector<1000x1xf32> to vector<1000x128xf32>
    %mul3A_14 = arith.mulf %get3A_12, %mul3A_13 : vector<1000x128xf32>
    %get3A_15 = arith.constant 0 : index
    %get3A_16 = arith.constant 0 : index
    %get3A_17 = vector.load %arg2[%get3A_15, %get3A_16] : memref<1000x128xf32, #tpu.memory_space<vmem>>, vector<1000x128xf32>
    %get3A_18 = arith.constant 0 : index
    %get3A_19 = arith.constant 0 : index
    %get3A_20 = vector.load %arg3[%get3A_18, %get3A_19] : memref<1000x128xf32, #tpu.memory_space<vmem>>, vector<1000x128xf32>
    %concatenate3A = tpu.concatenate %mul3A_7, %mul3A_14, %get3A_17, %get3A_20 in 1 : vector<1000x128xf32>, vector<1000x128xf32>, vector<1000x128xf32>, vector<1000x128xf32> -> vector<1000x512xf32>
    %get3A_21 = arith.constant 0 : index
    %get3A_22 = arith.constant 0 : index
    %get3A_23 = vector.load %arg5[%get3A_21, %get3A_22] : memref<256x512xf32, #tpu.memory_space<vmem>>, vector<256x512xf32>
    %dot_general3A = arith.constant dense<0.000000e+00> : vector<1000x256xf32>
    %dot_general3A_24 = tpu.matmul %concatenate3A, %get3A_23, %dot_general3A {dimension_numbers = #tpu.dot_dimension_numbers<[1], [1], [0], [0], [0, 0, 1, 0], [], []>, precision = #tpu.contract_precision<fp32>, transpose_lhs_hint = false} : vector<1000x512xf32>, vector<256x512xf32>, vector<1000x256xf32> -> vector<1000x256xf32>
    %get3A_25 = arith.constant 0 : index
    %get3A_26 = arith.constant 0 : index
    %get3A_27 = vector.load %arg6[%get3A_25, %get3A_26] : memref<1x256xf32, #tpu.memory_space<vmem>>, vector<1x256xf32>
    %add3A = vector.broadcast %get3A_27 : vector<1x256xf32> to vector<1000x256xf32>
    %add3A_28 = arith.addf %dot_general3A_24, %add3A : vector<1000x256xf32>
    %get3A_29 = arith.constant 0 : index
    %get3A_30 = arith.constant 0 : index
    %get3A_31 = vector.load %arg7[%get3A_29, %get3A_30] : memref<1x256xf32, #tpu.memory_space<vmem>>, vector<1x256xf32>
    %gt3A = arith.constant 0.000000e+00 : f32
    %gt3A_32 = vector.broadcast %gt3A : f32 to vector<1000x256xf32>
    %gt3A_33 = arith.cmpf ogt, %add3A_28, %gt3A_32 : vector<1000x256xf32>
    %mul3A_34 = vector.broadcast %get3A_31 : vector<1x256xf32> to vector<1000x256xf32>
    %mul3A_35 = arith.mulf %mul3A_34, %add3A_28 : vector<1000x256xf32>
    %select_n3A = arith.select %gt3A_33, %add3A_28, %mul3A_35 : vector<1000x256xi1>, vector<1000x256xf32>
    %slice3A = vector.extract_strided_slice %select_n3A {offsets = [0, 0], sizes = [1000, 128], strides = [1, 1]} : vector<1000x256xf32> to vector<1000x128xf32>
    %swap3A = arith.constant 0 : index
    %swap3A_36 = arith.constant 0 : index
    %swap3A_37 = vector.load %arg8[%swap3A, %swap3A_36] : memref<1000x128xf32, #tpu.memory_space<vmem>>, vector<1000x128xf32>
    tpu.vector_store %arg8[%swap3A, %swap3A_36], %slice3A {strides = array<i32>} : memref<1000x128xf32, #tpu.memory_space<vmem>>, vector<1000x128xf32>,
    %slice3A_38 = vector.extract_strided_slice %select_n3A {offsets = [0, 128], sizes = [1000, 128], strides = [1, 1]} : vector<1000x256xf32> to vector<1000x128xf32>
    %swap3A_39 = arith.constant 0 : index
    %swap3A_40 = arith.constant 0 : index
    %swap3A_41 = vector.load %arg9[%swap3A_39, %swap3A_40] : memref<1000x128xf32, #tpu.memory_space<vmem>>, vector<1000x128xf32>
    tpu.vector_store %arg9[%swap3A_39, %swap3A_40], %slice3A_38 {strides = array<i32>} : memref<1000x128xf32, #tpu.memory_space<vmem>>, vector<1000x128xf32>,
    return
  }
  func.func @transform_0(%arg0: i32) -> (i32, i32, i32) {
    %c0_i32 = arith.constant 0 : i32
    %c0_i32_0 = arith.constant 0 : i32
    %c0_i32_1 = arith.constant 0 : i32
    return %c0_i32, %arg0, %c0_i32_0 : i32, i32, i32
  }
  func.func @transform_1(%arg0: i32) -> (i32, i32) {
    %c0_i32 = arith.constant 0 : i32
    %c0_i32_0 = arith.constant 0 : i32
    return %arg0, %c0_i32 : i32, i32
  }
  func.func @transform_2(%arg0: i32) -> (i32, i32) {
    %c0_i32 = arith.constant 0 : i32
    %c0_i32_0 = arith.constant 0 : i32
    return %arg0, %c0_i32 : i32, i32
  }
  func.func @transform_3(%arg0: i32) -> (i32, i32) {
    %c0_i32 = arith.constant 0 : i32
    %c0_i32_0 = arith.constant 0 : i32
    return %arg0, %c0_i32 : i32, i32
  }
  func.func @transform_4(%arg0: i32) -> (i32, i32) {
    %c0_i32 = arith.constant 0 : i32
    %c0_i32_0 = arith.constant 0 : i32
    %c0_i32_1 = arith.constant 0 : i32
    return %c0_i32, %c0_i32_0 : i32, i32
  }
  func.func @transform_5(%arg0: i32) -> (i32, i32) {
    %c0_i32 = arith.constant 0 : i32
    %c0_i32_0 = arith.constant 0 : i32
    %c0_i32_1 = arith.constant 0 : i32
    return %c0_i32, %c0_i32_0 : i32, i32
  }
  func.func @transform_6(%arg0: i32) -> (i32, i32) {
    %c0_i32 = arith.constant 0 : i32
    %c0_i32_0 = arith.constant 0 : i32
    %c0_i32_1 = arith.constant 0 : i32
    return %c0_i32, %c0_i32_0 : i32, i32
  }
  func.func @transform_7(%arg0: i32) -> (i32, i32) {
    %c0_i32 = arith.constant 0 : i32
    %c0_i32_0 = arith.constant 0 : i32
    return %arg0, %c0_i32 : i32, i32
  }
  func.func @transform_8(%arg0: i32) -> (i32, i32) {
    %c0_i32 = arith.constant 0 : i32
    %c0_i32_0 = arith.constant 0 : i32
    return %arg0, %c0_i32 : i32, i32
  }
}

module attributes {stable_mosaic.version = 14 : i64} {
  func.func @_tc_last_body(%arg0: i32, %arg1: memref<2x1000x128xf32, #tpu.memory_space<vmem>>, %arg2: memref<1000x128xf32, #tpu.memory_space<vmem>>, %arg3: memref<1000x128xf32, #tpu.memory_space<vmem>>, %arg4: memref<1000x1xf32, #tpu.memory_space<vmem>>, %arg5: memref<256x512xf32, #tpu.memory_space<vmem>>, %arg6: memref<1x256xf32, #tpu.memory_space<vmem>>, %arg7: memref<1x256xf32, #tpu.memory_space<vmem>>, %arg8: memref<1000x256xf32, #tpu.memory_space<vmem>>) attributes {dimension_semantics = [#tpu.dimension_semantics<arbitrary>], iteration_bounds = array<i64: 10>, scalar_prefetch = 0 : i64, scratch_operands = 0 : i64, tpu.core_type = #tpu.core_type<tc>, window_params = [{transform_indices = @transform_0, window_bounds = array<i64: 2, 1000, 128>}, {transform_indices = @transform_1, window_bounds = array<i64: 1000, 128>}, {transform_indices = @transform_2, window_bounds = array<i64: 1000, 128>}, {transform_indices = @transform_3, window_bounds = array<i64: 1000, 1>}, {pipeline_mode = #tpu.pipeline_mode<synchronous>, transform_indices = @transform_4, window_bounds = array<i64: 256, 512>}, {pipeline_mode = #tpu.pipeline_mode<synchronous>, transform_indices = @transform_5, window_bounds = array<i64: 1, 256>}, {pipeline_mode = #tpu.pipeline_mode<synchronous>, transform_indices = @transform_6, window_bounds = array<i64: 1, 256>}, {transform_indices = @transform_7, window_bounds = array<i64: 1000, 256>}]} {
    %get3A = arith.constant 0 : index
    %get3A_0 = arith.constant 0 : index
    %get3A_1 = vector.load %arg4[%get3A, %get3A_0] : memref<1000x1xf32, #tpu.memory_space<vmem>>, vector<1000x1xf32>
    %get3A_2 = arith.constant 0 : index
    %get3A_3 = arith.constant 0 : index
    %get3A_4 = arith.constant 0 : index
    %get3A_5 = vector.load %arg1[%get3A_2, %get3A_3, %get3A_4] : memref<2x1000x128xf32, #tpu.memory_space<vmem>>, vector<1x1000x128xf32>
    %get3A_6 = vector.shape_cast %get3A_5 : vector<1x1000x128xf32> to vector<1000x128xf32>
    %mul3A = vector.broadcast %get3A_1 : vector<1000x1xf32> to vector<1000x128xf32>
    %mul3A_7 = arith.mulf %get3A_6, %mul3A : vector<1000x128xf32>
    %get3A_8 = arith.constant 1 : index
    %get3A_9 = arith.constant 0 : index
    %get3A_10 = arith.constant 0 : index
    %get3A_11 = vector.load %arg1[%get3A_8, %get3A_9, %get3A_10] : memref<2x1000x128xf32, #tpu.memory_space<vmem>>, vector<1x1000x128xf32>
    %get3A_12 = vector.shape_cast %get3A_11 : vector<1x1000x128xf32> to vector<1000x128xf32>
    %mul3A_13 = vector.broadcast %get3A_1 : vector<1000x1xf32> to vector<1000x128xf32>
    %mul3A_14 = arith.mulf %get3A_12, %mul3A_13 : vector<1000x128xf32>
    %get3A_15 = arith.constant 0 : index
    %get3A_16 = arith.constant 0 : index
    %get3A_17 = vector.load %arg2[%get3A_15, %get3A_16] : memref<1000x128xf32, #tpu.memory_space<vmem>>, vector<1000x128xf32>
    %get3A_18 = arith.constant 0 : index
    %get3A_19 = arith.constant 0 : index
    %get3A_20 = vector.load %arg3[%get3A_18, %get3A_19] : memref<1000x128xf32, #tpu.memory_space<vmem>>, vector<1000x128xf32>
    %concatenate3A = tpu.concatenate %mul3A_7, %mul3A_14, %get3A_17, %get3A_20 in 1 : vector<1000x128xf32>, vector<1000x128xf32>, vector<1000x128xf32>, vector<1000x128xf32> -> vector<1000x512xf32>
    %get3A_21 = arith.constant 0 : index
    %get3A_22 = arith.constant 0 : index
    %get3A_23 = vector.load %arg5[%get3A_21, %get3A_22] : memref<256x512xf32, #tpu.memory_space<vmem>>, vector<256x512xf32>
    %dot_general3A = arith.constant dense<0.000000e+00> : vector<1000x256xf32>
    %dot_general3A_24 = tpu.matmul %concatenate3A, %get3A_23, %dot_general3A {dimension_numbers = #tpu.dot_dimension_numbers<[1], [1], [0], [0], [0, 0, 1, 0], [], []>, precision = #tpu.contract_precision<fp32>, transpose_lhs_hint = false} : vector<1000x512xf32>, vector<256x512xf32>, vector<1000x256xf32> -> vector<1000x256xf32>
    %get3A_25 = arith.constant 0 : index
    %get3A_26 = arith.constant 0 : index
    %get3A_27 = vector.load %arg6[%get3A_25, %get3A_26] : memref<1x256xf32, #tpu.memory_space<vmem>>, vector<1x256xf32>
    %add3A = vector.broadcast %get3A_27 : vector<1x256xf32> to vector<1000x256xf32>
    %add3A_28 = arith.addf %dot_general3A_24, %add3A : vector<1000x256xf32>
    %get3A_29 = arith.constant 0 : index
    %get3A_30 = arith.constant 0 : index
    %get3A_31 = vector.load %arg7[%get3A_29, %get3A_30] : memref<1x256xf32, #tpu.memory_space<vmem>>, vector<1x256xf32>
    %gt3A = arith.constant 0.000000e+00 : f32
    %gt3A_32 = vector.broadcast %gt3A : f32 to vector<1000x256xf32>
    %gt3A_33 = arith.cmpf ogt, %add3A_28, %gt3A_32 : vector<1000x256xf32>
    %mul3A_34 = vector.broadcast %get3A_31 : vector<1x256xf32> to vector<1000x256xf32>
    %mul3A_35 = arith.mulf %mul3A_34, %add3A_28 : vector<1000x256xf32>
    %select_n3A = arith.select %gt3A_33, %add3A_28, %mul3A_35 : vector<1000x256xi1>, vector<1000x256xf32>
    %swap3A = arith.constant 0 : index
    %swap3A_36 = arith.constant 0 : index
    %swap3A_37 = vector.load %arg8[%swap3A, %swap3A_36] : memref<1000x256xf32, #tpu.memory_space<vmem>>, vector<1000x256xf32>
    tpu.vector_store %arg8[%swap3A, %swap3A_36], %select_n3A {strides = array<i32>} : memref<1000x256xf32, #tpu.memory_space<vmem>>, vector<1000x256xf32>,
    return
  }
  func.func @transform_0(%arg0: i32) -> (i32, i32, i32) {
    %c0_i32 = arith.constant 0 : i32
    %c0_i32_0 = arith.constant 0 : i32
    %c0_i32_1 = arith.constant 0 : i32
    return %c0_i32, %arg0, %c0_i32_0 : i32, i32, i32
  }
  func.func @transform_1(%arg0: i32) -> (i32, i32) {
    %c0_i32 = arith.constant 0 : i32
    %c0_i32_0 = arith.constant 0 : i32
    return %arg0, %c0_i32 : i32, i32
  }
  func.func @transform_2(%arg0: i32) -> (i32, i32) {
    %c0_i32 = arith.constant 0 : i32
    %c0_i32_0 = arith.constant 0 : i32
    return %arg0, %c0_i32 : i32, i32
  }
  func.func @transform_3(%arg0: i32) -> (i32, i32) {
    %c0_i32 = arith.constant 0 : i32
    %c0_i32_0 = arith.constant 0 : i32
    return %arg0, %c0_i32 : i32, i32
  }
  func.func @transform_4(%arg0: i32) -> (i32, i32) {
    %c0_i32 = arith.constant 0 : i32
    %c0_i32_0 = arith.constant 0 : i32
    %c0_i32_1 = arith.constant 0 : i32
    return %c0_i32, %c0_i32_0 : i32, i32
  }
  func.func @transform_5(%arg0: i32) -> (i32, i32) {
    %c0_i32 = arith.constant 0 : i32
    %c0_i32_0 = arith.constant 0 : i32
    %c0_i32_1 = arith.constant 0 : i32
    return %c0_i32, %c0_i32_0 : i32, i32
  }
  func.func @transform_6(%arg0: i32) -> (i32, i32) {
    %c0_i32 = arith.constant 0 : i32
    %c0_i32_0 = arith.constant 0 : i32
    %c0_i32_1 = arith.constant 0 : i32
    return %c0_i32, %c0_i32_0 : i32, i32
  }
  func.func @transform_7(%arg0: i32) -> (i32, i32) {
    %c0_i32 = arith.constant 0 : i32
    %c0_i32_0 = arith.constant 0 : i32
    return %arg0, %c0_i32 : i32, i32
  }
}

</mosaic_0001>

<sc_bundles>
// kernel: kernel.11.cloned.1.call-start
scs
__scs_entry_jumppad:
0x0: {  	(pc) =	sbr.rel $0x88, $3  }
0x1: {  	(tag) =	ssettag $0x0;
	lr =	simm.s32 $0x1  }
0x2: {  	[smem:$0x3F93] =	sst lr;
	_ =	strace $0xD0000000  }
0x3: {  	_ = 	snop  }
0x4: {  	_ = 	snop  }
0x5: {  	_ = 	snop  }
0x6: {  	_ = 	snop  }
0x7: {  	_ = 	snop  }
__scs_overlays_trampoline_lowered:
0x8: {  	[smem:$0x3FA2] =	sst s0  }
0x9: {  	[smem:$0x3FA3] =	sst s1  }
0xa: {  	[smem:$0x3FA4] =	sst s2  }
0xb: {  	[smem:$0x3FA5] =	sst s3  }
0xc: {  	[smem:$0x3FA6] =	sst s4  }
0xd: {  	[smem:$0x3FA7] =	sst s5  }
0xe: {  	[smem:$0x3FA8] =	sst s6  }
0xf: {  	[smem:$0x3FA9] =	sst s7  }
0x10: {  	[smem:$0x3FAA] =	sst s8  }
0x11: {  	[smem:$0x3FAB] =	sst s9;
	s0 =	simm.s32 @!p0 $0x0  }
0x12: {  	s1 =	sld [smem:$0x3F91];
	s0 =	simm.s32 @p0 $0x1  }
0x13: {  	[smem:$0x3FAC] =	sst s0;
	s0 =	simm.s32 @!p1 $0x0  }
0x14: {  	s2 =	sld [smem:$0x3F90];
	s0 =	simm.s32 @p1 $0x1  }
0x15: {  	[smem:$0x3FAD] =	sst s0;
	s0 =	simm.s32 @!p2 $0x0  }
0x16: {  	s3 =	sld [smem:$0x3FDB];
	s0 =	simm.s32 @p2 $0x1  }
0x17: {  	s4 =	simm.s32 $0x1BF5;
	[smem:$0x3FAF] =	sst s0  }
0x18: {  	s0 =	sld [smem:$0x3F92];
	_ =	swait.ge [sflag:s4], $0x0  }
0x19: {  	s7 =	sld [smem:$0x3F93]  }
0x1a: {  	s8 =	sadd.s32 $0xFFFFE003, lr  }
0x1b: {  	s9 =	sadd.s32 $0xFFFFFEF7, lr;
	s5 =	simm.s32 $0xFFFFFFFF;
	p2 =	slt.u32 s8, $0xFFFFF086  }
0x1c: {  	p1 =	slt.u32 s9, $0xF7A;
	s5 =	simm.s32 @!p2 $0x0  }
0x1d: {  	s5 =	simm.s32 @p1 $0x1;
	p0 =	seq.s32 s7, s2  }
0x1e: {  	s7 =	smul.u32 @!p0 $0xF7A, s2;
	p2 =	seq.s32 @!p0 s5, $0x0  }
0x1f: {  	s9 =	smul.u32 $0xF7A, s1;
	s8 =	simm.s32 @!p0 $0x1BF5;
	p2 =	por !p2, p0  }
0x20: {  	[sflag:s8] =	ssyncset.s32 @!p0 $0xFFFFF086;
	s6 =	sadd.s32 @!p0 s3, s7;
	s7 =	simm.s32 @!p0 $0x108  }
0x21: {  	s3 =	sadd.s32 s3, s9;
	s6 =	sadd.s32 @!p0 $0x88, s6;
	s7 =	simm.s32 @p2 $0x1082  }
0x22: {  	[simem:s7], [sflag:s8] =	dma.local @!p0 [hbm:s6], $0xF7A  }
0x23: {  	s9 =	sor.u32 $0xD0000000, s2;
	s6 =	simm.s32 $0x108;
	_ =	swait.ge @!p0 [sflag:s8], $0x0  }
0x24: {  	s3 =	sadd.s32 $0x88, s3;
	s6 =	simm.s32 @!p1 $0x1082;
	[sflag:s4] =	ssyncset.s32 $0xFFFFF086  }
0x25: {  	[simem:s6], [sflag:s4] =	dma.local [hbm:s3], $0xF7A  }
0x26: {  	[smem:$0x3F93] =	sst s1;
	(tag) =	ssettag s2;
	_ =	strace s9  }
0x27: {  	s1 =	sld [smem:$0x3FA3]  }
0x28: {  	s2 =	sld [smem:$0x3FA4]  }
0x29: {  	s4 =	sld [smem:$0x3FA6]  }
0x2a: {  	p0 =	seq.s32 s5, $0x0;
	s5 =	sld [smem:$0x3FA7]  }
0x2b: {  	s6 =	sld [smem:$0x3FA8]  }
0x2c: {  	s7 =	sld [smem:$0x3FA9]  }
0x2d: {  	s3 =	simm.s32 $0x108;
	s8 =	sld [smem:$0x3FAA]  }
0x2e: {  	s3 =	simm.s32 @!p0 $0x1082;
	s9 =	sld [smem:$0x3FAB]  }
0x2f: {  	lr =	sadd.s32 s0, s3;
	s0 =	sld [smem:$0x3FA2]  }
0x30: {  	s3 =	sld [smem:$0x3FA5]  }
0x31: {  	[smem:$0x3FAE] =	sst s10  }
0x32: {  	s10 =	sld [smem:$0x3FAC];
	_ =	sdelay $0x3  }
0x33: {  	p0 =	seq.s32 s10, $0x1;
	s10 =	sld [smem:$0x3FAE];
	_ =	sdelay $0x3  }
0x34: {  	[smem:$0x3FAE] =	sst s10  }
0x35: {  	s10 =	sld [smem:$0x3FAD];
	_ =	sdelay $0x3  }
0x36: {  	p1 =	seq.s32 s10, $0x1;
	s10 =	sld [smem:$0x3FAE];
	_ =	sdelay $0x3  }
0x37: {  	[smem:$0x3FAE] =	sst s10  }
0x38: {  	s10 =	sld [smem:$0x3FAF]  }
0x39: {  	_ = 	snop;
	(pc) =	sbr.ind lr, $3  }
0x3a: {  	_ = 	snop  }
0x3b: {  	_ = 	snop  }
0x3c: {  	p2 =	seq.s32 s10, $0x1;
	s10 =	sld [smem:$0x3FAE]  }
0x3d: {  	_ =	shalt  }
0x3e: {  	_ =	shalt  }
0x3f: {  	_ =	shalt  }
0x40: {  	_ =	shalt  }
0x41: {  	_ =	shalt  }
0x42: {  	_ =	shalt  }
0x43: {  	_ =	shalt  }
0x44: {  	_ =	shalt  }
0x45: {  	_ =	shalt  }
0x46: {  	_ =	shalt  }
0x47: {  	_ =	shalt  }
0x48: {  	_ =	shalt  }
0x49: {  	_ =	shalt  }
0x4a: {  	_ =	shalt  }
0x4b: {  	_ =	shalt  }
0x4c: {  	_ =	shalt  }
0x4d: {  	_ =	shalt  }
0x4e: {  	_ =	shalt  }
0x4f: {  	_ =	shalt  }
0x50: {  	_ =	shalt  }
0x51: {  	_ =	shalt  }
0x52: {  	_ =	shalt  }
0x53: {  	_ =	shalt  }
0x54: {  	_ =	shalt  }
0x55: {  	_ =	shalt  }
0x56: {  	_ =	shalt  }
0x57: {  	_ =	shalt  }
0x58: {  	_ =	shalt  }
0x59: {  	_ =	shalt  }
0x5a: {  	_ =	shalt  }
0x5b: {  	_ =	shalt  }
0x5c: {  	_ =	shalt  }
0x5d: {  	_ =	shalt  }
0x5e: {  	_ =	shalt  }
0x5f: {  	_ =	shalt  }
0x60: {  	_ =	shalt  }
0x61: {  	_ =	shalt  }
0x62: {  	_ =	shalt  }
0x63: {  	_ =	shalt  }
0x64: {  	_ =	shalt  }
0x65: {  	_ =	shalt  }
0x66: {  	_ =	shalt  }
0x67: {  	_ =	shalt  }
0x68: {  	_ =	shalt  }
0x69: {  	_ =	shalt  }
0x6a: {  	_ =	shalt  }
0x6b: {  	_ =	shalt  }
0x6c: {  	_ =	shalt  }
0x6d: {  	_ =	shalt  }
0x6e: {  	_ =	shalt  }
0x6f: {  	_ =	shalt  }
0x70: {  	_ =	shalt  }
0x71: {  	_ =	shalt  }
0x72: {  	_ =	shalt  }
0x73: {  	_ =	shalt  }
0x74: {  	_ =	shalt  }
0x75: {  	_ =	shalt  }
0x76: {  	_ =	shalt  }
0x77: {  	_ =	shalt  }
0x78: {  	_ =	shalt  }
0x79: {  	_ =	shalt  }
0x7a: {  	_ =	shalt  }
0x7b: {  	_ =	shalt  }
0x7c: {  	_ =	shalt  }
0x7d: {  	_ =	shalt  }
0x7e: {  	_ =	shalt  }
0x7f: {  	_ =	shalt  }
0x80: {  	_ =	shalt  }
0x81: {  	_ =	shalt  }
0x82: {  	_ =	shalt  }
0x83: {  	_ =	shalt  }
0x84: {  	_ =	shalt  }
0x85: {  	_ =	shalt  }
0x86: {  	_ =	shalt  }
0x87: {  	_ =	shalt  }
.Lfunc_end0:
.L_simem_size_0:
called_computation.1_lowered:
.L_overlay_start_0:
0x88: {  	s2 =	sld [smem:$0x3FD9]  }
0x89: {  	s3 =	sld [smem:$0x3FFE];
	_ =	sdelay $0x1  }
0x8a: {  	s1 =	srdreg.scid  }
0x8b: {  	s0 =	sand.u32 $0x1, s1  }
0x8c: {  	s17 =	sshll.u32 s0, $0xA;
	s2 =	sadd.s32 s3, s2  }
0x8d: {  	s2 =	sadd.s32 s2, s17  }
0x8e: {  	[smem:$0x3FBA] =	sst s2  }
0x8f: {  	_ = 	snop  }
0x90: {  	s2 =	sld [smem:$0x3FD0];
	(tm) =	ssettm $0x1  }
0x91: {  	s18 =	sld [smem:$0x3FFB];
	_ =	sdelay $0x3  }
0x92: {  	_ =	strace s18  }
0x93: {  	s3 =	sld [smem:$0x3FFC];
	_ =	sdelay $0x3  }
0x94: {  	_ =	strace s3  }
0x95: {  	s3 =	sld [smem:$0x3FFD];
	_ =	sdelay $0x3  }
0x96: {  	_ =	strace s3  }
0x97: {  	_ =	strace $0x8FFFFFFF  }
0x98: {  	s19 =	sld [smem:$0x3FDB];
	_ =	sdelay $0x1  }
0x99: {  	s4 =	simm.s32 $_scs_section_size  }
0x9a: {  	s5 =	simm.s32 $_size__tile_overlayer_lowered;
	s6 =	simm.s32 $_tile_overlayer_lowered  }
0x9b: {  	s22 =	simm.s32 $0x1BFF;
	s21 =	sshll.u32 s6, $0x1;
	s3 =	sadd.s32 s4, s19  }
0x9c: {  	s7 =	simm.s32 $0x0;
	s20 =	sshll.u32 s5, $0x1;
	s5 =	sadd.s32 s21, s3  }
0x9d: {  	[timem:s7], [sflag:s22] =	dma.local [hbm:s5], s20  }
0x9e: {  	_ =	swait.ge [sflag:s22], s20  }
0x9f: {  	s4 =	ssub.s32 $0x0, s20;
	[sflag:s22] =	ssyncset.done $0x0  }
0xa0: {  	[sflag:s22] =	ssyncadd.s32 s4;
	_ =	sdelay $0x1  }
0xa1: {  	s23 =	simm.s32 $0x1B8B  }
0xa2: {  	_ =	swait.ge [sflag:s23], $0x1  }
0xa3: {  	[sflag:s23] =	ssyncset.done $0x0  }
0xa4: {  	s25 =	simm.s32 $0x1B8E;
	s24 =	sld [smem:$0x3FFE];
	[sflag:s23] =	ssyncadd.s32 $0xFFFFFFFF  }
0xa5: {  	s26 =	simm.s32 $execute0_lowered;
	[smem:$0x3FD2] =	sst s25  }
0xa6: {  	s5 =	sshll.u32 s26, $0x1;
	_ =	strace $0x80000049;
	[dreg:$0x1] =	wrdreg $0xFFFFFFFF  }
0xa7: {  	s28 =	simm.s32 $_size_execute0_lowered;
	s3 =	sadd.s32 s3, s5;
	[dreg:$0x0] =	wrdreg $0x0  }
0xa8: {  	s5 =	sshll.u32 s28, $0x1;
	[dreg:$0x2] =	wrdreg s3  }
0xa9: {  	[dreg:$0x3] =	wrdreg s5  }
0xaa: {  	[dreg:$0x4] =	wrdreg $0xC0  }
0xab: {  	_ =	task [dreg:s7], $0x5FFFF  }
0xac: {  	[dreg:$0x1] =	wrdreg $0xFFFFFFFF  }
0xad: {  	[dreg:$0x0] =	wrdreg $0x60  }
0xae: {  	[dreg:$0x2] =	wrdreg s2  }
0xaf: {  	[dreg:$0x3] =	wrdreg s24  }
0xb0: {  	[dreg:$0x4] =	wrdreg $0xC0000  }
0xb1: {  	[dreg:$0x5] =	wrdreg $0x9  }
0xb2: {  	_ =	task.clear_ibuf [dreg:s7], $0x6FFFF;
	_ =	strace $0x90000049  }
0xb3: {  	s29 =	simm.s32 $0x9;
	_ =	strace $0x8000004B  }
0xb4: {  	_ =	swait.ge [sflag:s29], $0x1  }
0xb5: {  	[sflag:s29] =	ssyncadd.s32 $0xFFFFFFFF  }
0xb6: {  	_ =	strace $0x9000004B  }
0xb7: {  	_ =	sfence  }
0xb8: {  	s30 =	sld [smem:$0x0];
	_ =	sdelay $0x2  }
0xb9: {  	s31 =	sshll.u32 s1, $0xD;
	s1 =	sshrl.u32 s1, $0x2  }
0xba: {  	s3 =	sand.u32 $0x4000, s31;
	s1 =	sadd.s32 s1, s30  }
0xbb: {  	s0 =	sor.u32 s3, s0;
	s1 =	sshll.u32 s1, $0x11  }
0xbc: {  	s0 =	sor.u32 s1, s0  }
0xbd: {  	s0 =	sadd.s32 $0x8F2B, s0  }
0xbe: {  	[sflag:s0] =	ssyncadd.remote.s32 $0x1  }
0xbf: {  	_ =	sfence.sel $0xFFFF  }
0xc0: {  	[dreg:$0x0] =	wrdreg $0xFFFFFFFF;
	(pc) =	sbr.abs _section_cstart, $3  }
0xc1: {  	[dreg:$0x1] =	wrdreg $0xFFFFFFFF  }
0xc2: {  	_ =	task.clear_ibuf [dreg:s7], $0x2FFFF;
	_ =	strace $0x9FFFFFFF  }
0xc3: {  	(tm) =	ssettm $0x7FFFFFFF  }
tec
execute0_lowered:
.L_overlay_start_1:
0x0: {  	(tag) =	ssettag $0x1  }
0x1: {  	s1 =	rddreg [dreg:$0x0]  }
0x2: {  	s0 =	rddreg [dreg:$0x1]  }
0x3: {  	s2 =	rddreg [dreg:$0x2];
	s3 =	srdreg.scid  }
0x4: {  	s5 =	simm.s32 $0x0;
	s11 =	stileid.u32;
	s28 =	simm.s32 $0x100  }
0x5: {  	s29 =	simm.s32 $0x8000;
	s30 =	simm.s32 $0x180;
	s8 =	smul.u32 $0x14000, s11  }
0x6: {  	s31 =	simm.s32 $0xA000;
	s3 =	sand.u32 $0x1, s3;
	s9 =	smul.u32 $0x50000, s11  }
0x7: {  	s12 =	simm.s32 $0x3F00;
	s13 =	simm.s32 $0x3F80;
	s4 =	smul.u32 $0x140000, s3  }
0x8: {  	s14 =	simm.s32 $0x0;
	[smem:$0x7FF] =	sst s5;
	s15 =	sshrl.u32 s9, $0x2  }
0x9: {  	s5 =	sadd.s32 $0x2DA00, s0;
	s4 =	sadd.s32 s8, s4;
	s8 =	sadd.s32 s15, s2  }
0xa: {  	s6 =	sadd.s32 $0x19A00, s0;
	s7 =	sadd.s32 $0x5A00, s0;
	s17 =	sadd.s32 $0x2000, s8  }
0xb: {  	_ =	strace $0x8000004A;
	s18 =	sadd.s32 $0x4000, s8;
	[dreg:$0x4] =	wrdreg s17  }
0xc: {  	s10 =	ssub.s32 $0x2, s3;
	s19 =	sadd.s32 $0x6000, s8;
	[dreg:$0x5] =	wrdreg s18  }
0xd: {  	p0 =	seq.s32 s3, $0x1;
	s20 =	sadd.s32 $0x8000, s8;
	[dreg:$0x6] =	wrdreg s19  }
0xe: {  	s3 =	simm.s32 $0x2;
	s21 =	sadd.s32 $0xA000, s8;
	[dreg:$0x7] =	wrdreg s20  }
0xf: {  	s16 =	sshrl.u32 s10, $0x1;
	s22 =	sadd.s32 $0xC000, s8;
	[dreg:$0x8] =	wrdreg s21  }
0x10: {  	s9 =	simm.s32 $0x4;
	s23 =	sadd.s32 $0xE000, s8;
	[dreg:$0x9] =	wrdreg s22  }
0x11: {  	s4 =	sshrl.u32 s4, $0x3;
	s24 =	sadd.s32 $0x10000, s8;
	[dreg:$0xa] =	wrdreg s23  }
0x12: {  	s25 =	sadd.s32 $0x12000, s8;
	s0 =	sadd.s32 s4, s0;
	[dreg:$0xb] =	wrdreg s24  }
0x13: {  	s4 =	ssub.s32 s10, s16;
	[dreg:$0xc] =	wrdreg s25;
	s18 =	smul.u32 $0xA000, s11  }
.Ltmp0:
0x14: {  	s21 =	simm.s32 $0x4000;
	s22 =	simm.s32 $0x5;
	(pc) =	sbr.rel .LBB2_1-.Ltmp0, $4  }
0x15: {  	s23 =	simm.s32 $0x2000;
	s24 =	simm.s32 $0x40;
	s25 =	simm.s32 $0x80  }
0x16: {  	s10 =	simm.s32 $0x3E00;
	s11 =	simm.s32 $0x3E80;
	s0 =	sadd.s32 $0x7BE00, s0  }
0x17: {  	s26 =	smax.u32 s4, $0x1;
	s4 =	simm.s32 $0x3;
	[dreg:$0xd] =	wrdreg s0  }
0x18: {  	v0 =	vimm.f32 $0.0e+00;
	[dreg:$0xe] =	wrdreg s26;
	s26 =	simm.s32 $0x6000;
	s0 =	simm.s32 $0x1  }
.LBB2_10:
0x19: {  	s15 =	stileid.u32  }
0x1a: {  	[bflag:$0x0] =	sbarrier.arrive $0xFFFF;
	s15 =	sshll.u32 s15, $0x6  }
0x1b: {  	s16 =	sshrl.u32 s8, $0x3;
	s17 =	rddreg [dreg:$0xd];
	s15 =	sor.u32 $0x1C05, s15  }
0x1c: {  	[hbm:s17], [sflag:s15] =	dma.local [spmem:s16], $0x2800  }
0x1d: {  	_ =	swait.ge [sflag:s22], $0x2800  }
0x1e: {  	s14 =	sadd.s32 $0x1, s14;
	s20 =	rddreg [dreg:$0xe]  }
0x1f: {  	p1 =	sne.s32 s14, s20  }
.Ltmp1:
0x20: {  	_ = 	snop;
	(pc) =	sbr.rel @!p1 .LBB2_11-.Ltmp1, $3  }
0x21: {  	_ =	sdelay $0x1  }
0x22: {  	[sflag:s22] =	ssyncset.done $0x0  }
0x23: {  	[sflag:s22] =	ssyncadd.s32 $0xFFFFD800  }
.LBB2_1:
0x24: {  	s16 =	simm.s32 $0x0  }
0x25: {  	s15 =	sand.u32 $0x7E00, s16  }
0x26: {  	s16 =	sand.u32 $0x70, s16;
	s17 =	sshrl.u32 s15, $0x2  }
0x27: {  	s15 =	simm.s32 $0x40;
	s17 =	sor.u32 s16, s17;
	s16 =	simm.s32 $0x0  }
.LBB2_2:
0x28: {  	p1 =	sne.s32 s15, $0x7FC0  }
0x29: {  	[tilespmem:s17+$0x4000] =	vst v0;
	s16 =	sadd.s32 $0x10, s16;
	s17 =	smov.u32 s15;
	s15 =	sadd.s32 $0x40, s15  }
.Ltmp2:
0x2a: {  	(pc) =	sbr.rel @p1 .LBB2_2-.Ltmp2, $4  }
0x2b: {  	_ = 	snop  }
0x2c: {  	s17 =	sand.u32 $0x7E00, s17  }
0x2d: {  	s19 =	sand.u32 $0x70, s16;
	s17 =	sshrl.u32 s17, $0x2  }
0x2e: {  	s17 =	sor.u32 s19, s17  }
0x2f: {  	[tilespmem:s17+$0x4000] =	vst v0  }
0x30: {  	[spmem:s8] =	stream.linear.scatter [tilespmem:s21], [sflag:$0x5], $0x2000, $0x38;
	v63 =	vld [tilespmem:$0x0]  }
0x31: {  	_ =	swait.ge [sflag:s22], $0x2000  }
0x32: {  	[sflag:s22] =	ssyncset.done $0x0  }
0x33: {  	s15 =	rddreg [dreg:$0x4];
	[sflag:s22] =	ssyncadd.s32 $0xFFFFE000  }
0x34: {  	[spmem:s15] =	stream.linear.scatter [tilespmem:s21], [sflag:$0x5], $0x2000, $0x38;
	v63 =	vld [tilespmem:$0x0]  }
0x35: {  	_ =	swait.ge [sflag:s22], $0x2000  }
0x36: {  	[sflag:s22] =	ssyncset.done $0x0  }
0x37: {  	s16 =	rddreg [dreg:$0x5];
	[sflag:s22] =	ssyncadd.s32 $0xFFFFE000  }
0x38: {  	[spmem:s16] =	stream.linear.scatter [tilespmem:s21], [sflag:$0x5], $0x2000, $0x38;
	v63 =	vld [tilespmem:$0x0]  }
0x39: {  	_ =	swait.ge [sflag:s22], $0x2000  }
0x3a: {  	[sflag:s22] =	ssyncset.done $0x0  }
0x3b: {  	s17 =	rddreg [dreg:$0x6];
	[sflag:s22] =	ssyncadd.s32 $0xFFFFE000  }
0x3c: {  	[spmem:s17] =	stream.linear.scatter [tilespmem:s21], [sflag:$0x5], $0x2000, $0x38;
	v63 =	vld [tilespmem:$0x0]  }
0x3d: {  	_ =	swait.ge [sflag:s22], $0x2000  }
0x3e: {  	[sflag:s22] =	ssyncset.done $0x0  }
0x3f: {  	s19 =	rddreg [dreg:$0x7];
	[sflag:s22] =	ssyncadd.s32 $0xFFFFE000  }
0x40: {  	[spmem:s19] =	stream.linear.scatter [tilespmem:s21], [sflag:$0x5], $0x2000, $0x38;
	v63 =	vld [tilespmem:$0x0]  }
0x41: {  	_ =	swait.ge [sflag:s22], $0x2000  }
0x42: {  	[sflag:s22] =	ssyncset.done $0x0  }
0x43: {  	s20 =	rddreg [dreg:$0x8];
	[sflag:s22] =	ssyncadd.s32 $0xFFFFE000  }
0x44: {  	[spmem:s20] =	stream.linear.scatter [tilespmem:s21], [sflag:$0x5], $0x2000, $0x38;
	v63 =	vld [tilespmem:$0x0]  }
0x45: {  	_ =	swait.ge [sflag:s22], $0x2000  }
0x46: {  	[sflag:s22] =	ssyncset.done $0x0  }
0x47: {  	s16 =	rddreg [dreg:$0x9];
	[sflag:s22] =	ssyncadd.s32 $0xFFFFE000  }
0x48: {  	[spmem:s16] =	stream.linear.scatter [tilespmem:s21], [sflag:$0x5], $0x2000, $0x38;
	v63 =	vld [tilespmem:$0x0]  }
0x49: {  	_ =	swait.ge [sflag:s22], $0x2000  }
0x4a: {  	[sflag:s22] =	ssyncset.done $0x0  }
0x4b: {  	s17 =	rddreg [dreg:$0xa];
	[sflag:s22] =	ssyncadd.s32 $0xFFFFE000  }
0x4c: {  	[spmem:s17] =	stream.linear.scatter [tilespmem:s21], [sflag:$0x5], $0x2000, $0x38;
	v63 =	vld [tilespmem:$0x0]  }
0x4d: {  	_ =	swait.ge [sflag:s22], $0x2000  }
0x4e: {  	[sflag:s22] =	ssyncset.done $0x0  }
0x4f: {  	s19 =	rddreg [dreg:$0xb];
	[sflag:s22] =	ssyncadd.s32 $0xFFFFE000  }
0x50: {  	[spmem:s19] =	stream.linear.scatter [tilespmem:s21], [sflag:$0x5], $0x2000, $0x38;
	v63 =	vld [tilespmem:$0x0]  }
0x51: {  	_ =	swait.ge [sflag:s22], $0x2000  }
0x52: {  	[sflag:s22] =	ssyncset.done $0x0  }
0x53: {  	s20 =	rddreg [dreg:$0xc];
	[sflag:s22] =	ssyncadd.s32 $0xFFFFE000  }
0x54: {  	[spmem:s20] =	stream.linear.scatter [tilespmem:s21], [sflag:$0x5], $0x2000, $0x38;
	v63 =	vld [tilespmem:$0x0]  }
.Ltmp3:
0x55: {  	_ =	swait.ge [sflag:s22], $0x2000;
	(pc) =	sbr.rel @!p0 .LBB2_4-.Ltmp3, $4  }
0x56: {  	[sflag:s22] =	ssyncset.done $0x0  }
0x57: {  	[sflag:s22] =	ssyncadd.s32 $0xFFFFE000  }
0x58: {  	[bflag:$0x0] =	sbarrier.arrive $0xFFFF  }
0x59: {  	s15 =	simm.s32 $0x0;
	s16 =	simm.s32 $0x0;
	s17 =	simm.s32 $0x0  }
.LBB2_7:
0x5a: {  	s16 =	sshll.u32 s17, $0xD  }
0x5b: {  	s16 =	sadd.s32 s18, s16  }
0x5c: {  	s16 =	sshrl.u32 s16, $0x3  }
0x5d: {  	s19 =	sadd.s32 s6, s16  }
0x5e: {  	[tilespmem:s15], [sflag:$0x5] =	stream.linear.gather [hbm4b:s19+s15], $0x2000, $0x38;
	v63 =	vld [tilespmem:$0x0]  }
0x5f: {  	_ =	swait.ge [sflag:s22], $0x2000  }
0x60: {  	[sflag:s22] =	ssyncset.done $0x0  }
0x61: {  	s16 =	sadd.s32 s7, s16;
	[sflag:s22] =	ssyncadd.s32 $0xFFFFE000  }
0x62: {  	[tilespmem:s23], [sflag:$0x5] =	stream.linear.gather [hbm4b:s16+s15], $0x2000, $0x38;
	v63 =	vld [tilespmem:$0x0]  }
0x63: {  	_ =	swait.ge [sflag:s22], $0x2000  }
0x64: {  	[sflag:s22] =	ssyncset.done $0x0  }
0x65: {  	[sflag:s22] =	ssyncadd.s32 $0xFFFFE000  }
0x66: {  	[tilespmem:s21], [sflag:$0x1] =	stream.indirect.gather [hbm4b:s5+s24], $0x80, s15, s24, $0xb8;
	v63 =	vld [tilespmem:$0x0]  }
0x67: {  	_ = 	snop  }
0x68: {  	[tilespmem:s26], [sflag:$0x2] =	stream.indirect.gather [hbm4b:s5+s24], $0x80, s25, s24, $0xb8;
	v63 =	vld [tilespmem:$0x0]  }
0x69: {  	_ = 	snop  }
0x6a: {  	[tilespmem:s29], [sflag:$0x3] =	stream.indirect.gather [hbm4b:s5+s24], $0x80, s28, s24, $0xb8;
	v63 =	vld [tilespmem:$0x0]  }
0x6b: {  	_ = 	snop  }
0x6c: {  	[tilespmem:s31], [sflag:$0x4] =	stream.indirect.gather [hbm4b:s5+s24], $0x80, s30, s24, $0xb8;
	v63 =	vld [tilespmem:$0x0]  }
0x6d: {  	_ =	swait.ge [sflag:s0], $0x2000  }
0x6e: {  	[sflag:s0] =	ssyncset.done $0x0  }
0x6f: {  	s20 =	simm.s32 $0x2000;
	[sflag:s0] =	ssyncadd.s32 $0xFFFFE000  }
0x70: {  	[spmem:s2] =	stream.indirect.scatter.add.f32 [tilespmem:s21], [sflag:$0x1], $0x80, s20, s24, $0xb8;
	v63 =	vld [tilespmem:$0x0]  }
0x71: {  	_ =	swait.ge [sflag:s3], $0x2000  }
0x72: {  	[sflag:s3] =	ssyncset.done $0x0  }
0x73: {  	s19 =	simm.s32 $0x2080;
	[sflag:s3] =	ssyncadd.s32 $0xFFFFE000  }
0x74: {  	[spmem:s2] =	stream.indirect.scatter.add.f32 [tilespmem:s26], [sflag:$0x2], $0x80, s19, s24, $0xb8;
	v63 =	vld [tilespmem:$0x0]  }
0x75: {  	_ =	swait.ge [sflag:s4], $0x2000  }
0x76: {  	[sflag:s4] =	ssyncset.done $0x0  }
0x77: {  	s20 =	simm.s32 $0x2100;
	[sflag:s4] =	ssyncadd.s32 $0xFFFFE000  }
0x78: {  	[spmem:s2] =	stream.indirect.scatter.add.f32 [tilespmem:s29], [sflag:$0x3], $0x80, s20, s24, $0xb8;
	v63 =	vld [tilespmem:$0x0]  }
0x79: {  	_ =	swait.ge [sflag:s9], $0x2000  }
0x7a: {  	[sflag:s9] =	ssyncset.done $0x0  }
0x7b: {  	s19 =	simm.s32 $0x2180;
	[sflag:s9] =	ssyncadd.s32 $0xFFFFE000  }
0x7c: {  	[spmem:s2] =	stream.indirect.scatter.add.f32 [tilespmem:s31], [sflag:$0x4], $0x80, s19, s24, $0xb8;
	v63 =	vld [tilespmem:$0x0]  }
0x7d: {  	_ =	swait.ge [sflag:s0], $0x2000  }
0x7e: {  	[sflag:s0] =	ssyncset.done $0x0  }
0x7f: {  	s20 =	simm.s32 $0x200;
	[sflag:s0] =	ssyncadd.s32 $0xFFFFE000  }
0x80: {  	[tilespmem:s21], [sflag:$0x1] =	stream.indirect.gather [hbm4b:s5+s24], $0x80, s20, s24, $0xb8;
	v63 =	vld [tilespmem:$0x0]  }
0x81: {  	_ =	swait.ge [sflag:s3], $0x2000  }
0x82: {  	[sflag:s3] =	ssyncset.done $0x0  }
0x83: {  	s19 =	simm.s32 $0x280;
	[sflag:s3] =	ssyncadd.s32 $0xFFFFE000  }
0x84: {  	[tilespmem:s26], [sflag:$0x2] =	stream.indirect.gather [hbm4b:s5+s24], $0x80, s19, s24, $0xb8;
	v63 =	vld [tilespmem:$0x0]  }
0x85: {  	_ =	swait.ge [sflag:s4], $0x2000  }
0x86: {  	[sflag:s4] =	ssyncset.done $0x0  }
0x87: {  	s20 =	simm.s32 $0x300;
	[sflag:s4] =	ssyncadd.s32 $0xFFFFE000  }
0x88: {  	[tilespmem:s29], [sflag:$0x3] =	stream.indirect.gather [hbm4b:s5+s24], $0x80, s20, s24, $0xb8;
	v63 =	vld [tilespmem:$0x0]  }
0x89: {  	_ =	swait.ge [sflag:s9], $0x2000  }
0x8a: {  	[sflag:s9] =	ssyncset.done $0x0  }
0x8b: {  	s16 =	simm.s32 $0x800;
	s19 =	simm.s32 $0x380;
	[sflag:s9] =	ssyncadd.s32 $0xFFFFE000  }
.LBB2_8:
0x8c: {  	[tilespmem:s31], [sflag:$0x4] =	stream.indirect.gather [hbm4b:s5+s24], $0x80, s19, s24, $0xb8;
	v63 =	vld [tilespmem:$0x0]  }
0x8d: {  	s19 =	smov.u32 s16  }
0x8e: {  	p1 =	sne.s32 s16, $0x7000;
	s16 =	sadd.s32 $0x800, s16;
	_ =	swait.ge [sflag:s0], $0x2000  }
0x8f: {  	s19 =	sshra.s32 s19, $0x2;
	[sflag:s0] =	ssyncset.done $0x0  }
0x90: {  	s20 =	sadd.s32 $0x2000, s19;
	[sflag:s0] =	ssyncadd.s32 $0xFFFFE000  }
0x91: {  	[spmem:s2] =	stream.indirect.scatter.add.f32 [tilespmem:s21], [sflag:$0x1], $0x80, s20, s24, $0xb8;
	v63 =	vld [tilespmem:$0x0]  }
0x92: {  	_ =	swait.ge [sflag:s3], $0x2000  }
0x93: {  	[sflag:s3] =	ssyncset.done $0x0  }
0x94: {  	s20 =	sadd.s32 $0x2080, s19;
	[sflag:s3] =	ssyncadd.s32 $0xFFFFE000  }
0x95: {  	[spmem:s2] =	stream.indirect.scatter.add.f32 [tilespmem:s26], [sflag:$0x2], $0x80, s20, s24, $0xb8;
	v63 =	vld [tilespmem:$0x0]  }
0x96: {  	_ =	swait.ge [sflag:s4], $0x2000  }
0x97: {  	[sflag:s4] =	ssyncset.done $0x0  }
0x98: {  	s20 =	sadd.s32 $0x2100, s19;
	[sflag:s4] =	ssyncadd.s32 $0xFFFFE000  }
0x99: {  	[spmem:s2] =	stream.indirect.scatter.add.f32 [tilespmem:s29], [sflag:$0x3], $0x80, s20, s24, $0xb8;
	v63 =	vld [tilespmem:$0x0]  }
0x9a: {  	_ =	swait.ge [sflag:s9], $0x2000  }
0x9b: {  	[sflag:s9] =	ssyncset.done $0x0  }
0x9c: {  	s20 =	sadd.s32 $0x2180, s19;
	[sflag:s9] =	ssyncadd.s32 $0xFFFFE000  }
0x9d: {  	[spmem:s2] =	stream.indirect.scatter.add.f32 [tilespmem:s31], [sflag:$0x4], $0x80, s20, s24, $0xb8;
	v63 =	vld [tilespmem:$0x0]  }
0x9e: {  	_ =	swait.ge [sflag:s0], $0x2000  }
0x9f: {  	[sflag:s0] =	ssyncset.done $0x0  }
0xa0: {  	s20 =	sadd.s32 $0x200, s19;
	[sflag:s0] =	ssyncadd.s32 $0xFFFFE000  }
0xa1: {  	[tilespmem:s21], [sflag:$0x1] =	stream.indirect.gather [hbm4b:s5+s24], $0x80, s20, s24, $0xb8;
	v63 =	vld [tilespmem:$0x0]  }
0xa2: {  	_ =	swait.ge [sflag:s3], $0x2000  }
0xa3: {  	[sflag:s3] =	ssyncset.done $0x0  }
0xa4: {  	s20 =	sadd.s32 $0x280, s19;
	[sflag:s3] =	ssyncadd.s32 $0xFFFFE000  }
0xa5: {  	[tilespmem:s26], [sflag:$0x2] =	stream.indirect.gather [hbm4b:s5+s24], $0x80, s20, s24, $0xb8;
	v63 =	vld [tilespmem:$0x0]  }
0xa6: {  	_ =	swait.ge [sflag:s4], $0x2000  }
0xa7: {  	[sflag:s4] =	ssyncset.done $0x0  }
.Ltmp4:
0xa8: {  	s20 =	sadd.s32 $0x300, s19;
	[sflag:s4] =	ssyncadd.s32 $0xFFFFE000;
	(pc) =	sbr.rel @p1 .LBB2_8-.Ltmp4, $4  }
0xa9: {  	[tilespmem:s29], [sflag:$0x3] =	stream.indirect.gather [hbm4b:s5+s24], $0x80, s20, s24, $0xb8;
	v63 =	vld [tilespmem:$0x0]  }
0xaa: {  	_ =	swait.ge [sflag:s9], $0x2000  }
0xab: {  	[sflag:s9] =	ssyncset.done $0x0  }
0xac: {  	s19 =	sadd.s32 $0x380, s19;
	[sflag:s9] =	ssyncadd.s32 $0xFFFFE000  }
0xad: {  	[tilespmem:s31], [sflag:$0x4] =	stream.indirect.gather [hbm4b:s5+s24], $0x80, s19, s24, $0xb8;
	v63 =	vld [tilespmem:$0x0]  }
0xae: {  	_ =	swait.ge [sflag:s0], $0x2000  }
0xaf: {  	[sflag:s0] =	ssyncset.done $0x0  }
0xb0: {  	[sflag:s0] =	ssyncadd.s32 $0xFFFFE000  }
0xb1: {  	[spmem:s2] =	stream.indirect.scatter.add.f32 [tilespmem:s21], [sflag:$0x1], $0x80, s10, s24, $0xb8;
	v63 =	vld [tilespmem:$0x0]  }
0xb2: {  	_ =	swait.ge [sflag:s3], $0x2000  }
0xb3: {  	[sflag:s3] =	ssyncset.done $0x0  }
0xb4: {  	[sflag:s3] =	ssyncadd.s32 $0xFFFFE000  }
0xb5: {  	[spmem:s2] =	stream.indirect.scatter.add.f32 [tilespmem:s26], [sflag:$0x2], $0x80, s11, s24, $0xb8;
	v63 =	vld [tilespmem:$0x0]  }
0xb6: {  	_ =	swait.ge [sflag:s4], $0x2000  }
0xb7: {  	[sflag:s4] =	ssyncset.done $0x0  }
0xb8: {  	[sflag:s4] =	ssyncadd.s32 $0xFFFFE000  }
0xb9: {  	[spmem:s2] =	stream.indirect.scatter.add.f32 [tilespmem:s29], [sflag:$0x3], $0x80, s12, s24, $0xb8;
	v63 =	vld [tilespmem:$0x0]  }
0xba: {  	_ =	swait.ge [sflag:s9], $0x2000  }
0xbb: {  	[sflag:s9] =	ssyncset.done $0x0  }
0xbc: {  	[sflag:s9] =	ssyncadd.s32 $0xFFFFE000  }
0xbd: {  	[spmem:s2] =	stream.indirect.scatter.add.f32 [tilespmem:s31], [sflag:$0x4], $0x80, s13, s24, $0xb8;
	v63 =	vld [tilespmem:$0x0]  }
0xbe: {  	_ =	swait.ge [sflag:s0], $0x2000  }
0xbf: {  	[sflag:s0] =	ssyncset.done $0x0  }
0xc0: {  	[sflag:s0] =	ssyncadd.s32 $0xFFFFE000  }
0xc1: {  	_ =	swait.ge [sflag:s3], $0x2000  }
0xc2: {  	[sflag:s3] =	ssyncset.done $0x0  }
0xc3: {  	s17 =	sadd.s32 $0x1, s17;
	[sflag:s3] =	ssyncadd.s32 $0xFFFFE000  }
0xc4: {  	p1 =	sne.s32 s17, $0x5;
	_ =	swait.ge [sflag:s4], $0x2000  }
.Ltmp5:
0xc5: {  	[sflag:s4] =	ssyncset.done $0x0;
	(pc) =	sbr.rel @p1 .LBB2_7-.Ltmp5, $4  }
.Ltmp6:
0xc6: {  	[sflag:s4] =	ssyncadd.s32 $0xFFFFE000;
	(pc) =	sbr.rel @!p1 .LBB2_10-.Ltmp6, $4  }
0xc7: {  	_ =	swait.ge [sflag:s9], $0x2000  }
0xc8: {  	[sflag:s9] =	ssyncset.done $0x0  }
0xc9: {  	[sflag:s9] =	ssyncadd.s32 $0xFFFFE000  }
0xca: {  	_ = 	snop  }
.LBB2_4:
0xcb: {  	s17 =	sshll.u32 s16, $0xD  }
0xcc: {  	s17 =	sadd.s32 s18, s17  }
0xcd: {  	s17 =	sshrl.u32 s17, $0x3  }
0xce: {  	s19 =	sadd.s32 s6, s17  }
0xcf: {  	[tilespmem:s15], [sflag:$0x5] =	stream.linear.gather [hbm4b:s19+s15], $0x2000, $0x38;
	v63 =	vld [tilespmem:$0x0]  }
0xd0: {  	_ =	swait.ge [sflag:s22], $0x2000  }
0xd1: {  	[sflag:s22] =	ssyncset.done $0x0  }
0xd2: {  	s17 =	sadd.s32 s7, s17;
	[sflag:s22] =	ssyncadd.s32 $0xFFFFE000  }
0xd3: {  	[tilespmem:s23], [sflag:$0x5] =	stream.linear.gather [hbm4b:s17+s15], $0x2000, $0x38;
	v63 =	vld [tilespmem:$0x0]  }
0xd4: {  	_ =	swait.ge [sflag:s22], $0x2000  }
0xd5: {  	[sflag:s22] =	ssyncset.done $0x0  }
0xd6: {  	[sflag:s22] =	ssyncadd.s32 $0xFFFFE000  }
0xd7: {  	[tilespmem:s21], [sflag:$0x1] =	stream.indirect.gather [hbm4b:s1+s24], $0x80, s15, s24, $0xb8;
	v63 =	vld [tilespmem:$0x0]  }
0xd8: {  	_ = 	snop  }
0xd9: {  	[tilespmem:s26], [sflag:$0x2] =	stream.indirect.gather [hbm4b:s1+s24], $0x80, s25, s24, $0xb8;
	v63 =	vld [tilespmem:$0x0]  }
0xda: {  	_ = 	snop  }
0xdb: {  	[tilespmem:s29], [sflag:$0x3] =	stream.indirect.gather [hbm4b:s1+s24], $0x80, s28, s24, $0xb8;
	v63 =	vld [tilespmem:$0x0]  }
0xdc: {  	_ = 	snop  }
0xdd: {  	[tilespmem:s31], [sflag:$0x4] =	stream.indirect.gather [hbm4b:s1+s24], $0x80, s30, s24, $0xb8;
	v63 =	vld [tilespmem:$0x0]  }
0xde: {  	_ =	swait.ge [sflag:s0], $0x2000  }
0xdf: {  	[sflag:s0] =	ssyncset.done $0x0  }
0xe0: {  	s20 =	simm.s32 $0x2000;
	[sflag:s0] =	ssyncadd.s32 $0xFFFFE000  }
0xe1: {  	[spmem:s2] =	stream.indirect.scatter.add.f32 [tilespmem:s21], [sflag:$0x1], $0x80, s20, s24, $0xb8;
	v63 =	vld [tilespmem:$0x0]  }
0xe2: {  	_ =	swait.ge [sflag:s3], $0x2000  }
0xe3: {  	[sflag:s3] =	ssyncset.done $0x0  }
0xe4: {  	s19 =	simm.s32 $0x2080;
	[sflag:s3] =	ssyncadd.s32 $0xFFFFE000  }
0xe5: {  	[spmem:s2] =	stream.indirect.scatter.add.f32 [tilespmem:s26], [sflag:$0x2], $0x80, s19, s24, $0xb8;
	v63 =	vld [tilespmem:$0x0]  }
0xe6: {  	_ =	swait.ge [sflag:s4], $0x2000  }
0xe7: {  	[sflag:s4] =	ssyncset.done $0x0  }
0xe8: {  	s20 =	simm.s32 $0x2100;
	[sflag:s4] =	ssyncadd.s32 $0xFFFFE000  }
0xe9: {  	[spmem:s2] =	stream.indirect.scatter.add.f32 [tilespmem:s29], [sflag:$0x3], $0x80, s20, s24, $0xb8;
	v63 =	vld [tilespmem:$0x0]  }
0xea: {  	_ =	swait.ge [sflag:s9], $0x2000  }
0xeb: {  	[sflag:s9] =	ssyncset.done $0x0  }
0xec: {  	s19 =	simm.s32 $0x2180;
	[sflag:s9] =	ssyncadd.s32 $0xFFFFE000  }
0xed: {  	[spmem:s2] =	stream.indirect.scatter.add.f32 [tilespmem:s31], [sflag:$0x4], $0x80, s19, s24, $0xb8;
	v63 =	vld [tilespmem:$0x0]  }
0xee: {  	_ =	swait.ge [sflag:s0], $0x2000  }
0xef: {  	[sflag:s0] =	ssyncset.done $0x0  }
0xf0: {  	s20 =	simm.s32 $0x200;
	[sflag:s0] =	ssyncadd.s32 $0xFFFFE000  }
0xf1: {  	[tilespmem:s21], [sflag:$0x1] =	stream.indirect.gather [hbm4b:s1+s24], $0x80, s20, s24, $0xb8;
	v63 =	vld [tilespmem:$0x0]  }
0xf2: {  	_ =	swait.ge [sflag:s3], $0x2000  }
0xf3: {  	[sflag:s3] =	ssyncset.done $0x0  }
0xf4: {  	s19 =	simm.s32 $0x280;
	[sflag:s3] =	ssyncadd.s32 $0xFFFFE000  }
0xf5: {  	[tilespmem:s26], [sflag:$0x2] =	stream.indirect.gather [hbm4b:s1+s24], $0x80, s19, s24, $0xb8;
	v63 =	vld [tilespmem:$0x0]  }
0xf6: {  	_ =	swait.ge [sflag:s4], $0x2000  }
0xf7: {  	[sflag:s4] =	ssyncset.done $0x0  }
0xf8: {  	s20 =	simm.s32 $0x300;
	[sflag:s4] =	ssyncadd.s32 $0xFFFFE000  }
0xf9: {  	[tilespmem:s29], [sflag:$0x3] =	stream.indirect.gather [hbm4b:s1+s24], $0x80, s20, s24, $0xb8;
	v63 =	vld [tilespmem:$0x0]  }
0xfa: {  	_ =	swait.ge [sflag:s9], $0x2000  }
0xfb: {  	[sflag:s9] =	ssyncset.done $0x0  }
0xfc: {  	s17 =	simm.s32 $0x800;
	s19 =	simm.s32 $0x380;
	[sflag:s9] =	ssyncadd.s32 $0xFFFFE000  }
.LBB2_5:
0xfd: {  	[tilespmem:s31], [sflag:$0x4] =	stream.indirect.gather [hbm4b:s1+s24], $0x80, s19, s24, $0xb8;
	v63 =	vld [tilespmem:$0x0]  }
0xfe: {  	s19 =	smov.u32 s17  }
0xff: {  	p1 =	sne.s32 s17, $0x7000;
	s17 =	sadd.s32 $0x800, s17;
	_ =	swait.ge [sflag:s0], $0x2000  }
0x100: {  	s19 =	sshra.s32 s19, $0x2;
	[sflag:s0] =	ssyncset.done $0x0  }
0x101: {  	s20 =	sadd.s32 $0x2000, s19;
	[sflag:s0] =	ssyncadd.s32 $0xFFFFE000  }
0x102: {  	[spmem:s2] =	stream.indirect.scatter.add.f32 [tilespmem:s21], [sflag:$0x1], $0x80, s20, s24, $0xb8;
	v63 =	vld [tilespmem:$0x0]  }
0x103: {  	_ =	swait.ge [sflag:s3], $0x2000  }
0x104: {  	[sflag:s3] =	ssyncset.done $0x0  }
0x105: {  	s20 =	sadd.s32 $0x2080, s19;
	[sflag:s3] =	ssyncadd.s32 $0xFFFFE000  }
0x106: {  	[spmem:s2] =	stream.indirect.scatter.add.f32 [tilespmem:s26], [sflag:$0x2], $0x80, s20, s24, $0xb8;
	v63 =	vld [tilespmem:$0x0]  }
0x107: {  	_ =	swait.ge [sflag:s4], $0x2000  }
0x108: {  	[sflag:s4] =	ssyncset.done $0x0  }
0x109: {  	s20 =	sadd.s32 $0x2100, s19;
	[sflag:s4] =	ssyncadd.s32 $0xFFFFE000  }
0x10a: {  	[spmem:s2] =	stream.indirect.scatter.add.f32 [tilespmem:s29], [sflag:$0x3], $0x80, s20, s24, $0xb8;
	v63 =	vld [tilespmem:$0x0]  }
0x10b: {  	_ =	swait.ge [sflag:s9], $0x2000  }
0x10c: {  	[sflag:s9] =	ssyncset.done $0x0  }
0x10d: {  	s20 =	sadd.s32 $0x2180, s19;
	[sflag:s9] =	ssyncadd.s32 $0xFFFFE000  }
0x10e: {  	[spmem:s2] =	stream.indirect.scatter.add.f32 [tilespmem:s31], [sflag:$0x4], $0x80, s20, s24, $0xb8;
	v63 =	vld [tilespmem:$0x0]  }
0x10f: {  	_ =	swait.ge [sflag:s0], $0x2000  }
0x110: {  	[sflag:s0] =	ssyncset.done $0x0  }
0x111: {  	s20 =	sadd.s32 $0x200, s19;
	[sflag:s0] =	ssyncadd.s32 $0xFFFFE000  }
0x112: {  	[tilespmem:s21], [sflag:$0x1] =	stream.indirect.gather [hbm4b:s1+s24], $0x80, s20, s24, $0xb8;
	v63 =	vld [tilespmem:$0x0]  }
0x113: {  	_ =	swait.ge [sflag:s3], $0x2000  }
0x114: {  	[sflag:s3] =	ssyncset.done $0x0  }
0x115: {  	s20 =	sadd.s32 $0x280, s19;
	[sflag:s3] =	ssyncadd.s32 $0xFFFFE000  }
0x116: {  	[tilespmem:s26], [sflag:$0x2] =	stream.indirect.gather [hbm4b:s1+s24], $0x80, s20, s24, $0xb8;
	v63 =	vld [tilespmem:$0x0]  }
0x117: {  	_ =	swait.ge [sflag:s4], $0x2000  }
0x118: {  	[sflag:s4] =	ssyncset.done $0x0  }
.Ltmp7:
0x119: {  	s20 =	sadd.s32 $0x300, s19;
	[sflag:s4] =	ssyncadd.s32 $0xFFFFE000;
	(pc) =	sbr.rel @p1 .LBB2_5-.Ltmp7, $4  }
0x11a: {  	[tilespmem:s29], [sflag:$0x3] =	stream.indirect.gather [hbm4b:s1+s24], $0x80, s20, s24, $0xb8;
	v63 =	vld [tilespmem:$0x0]  }
0x11b: {  	_ =	swait.ge [sflag:s9], $0x2000  }
0x11c: {  	[sflag:s9] =	ssyncset.done $0x0  }
0x11d: {  	s19 =	sadd.s32 $0x380, s19;
	[sflag:s9] =	ssyncadd.s32 $0xFFFFE000  }
0x11e: {  	[tilespmem:s31], [sflag:$0x4] =	stream.indirect.gather [hbm4b:s1+s24], $0x80, s19, s24, $0xb8;
	v63 =	vld [tilespmem:$0x0]  }
0x11f: {  	_ =	swait.ge [sflag:s0], $0x2000  }
0x120: {  	[sflag:s0] =	ssyncset.done $0x0  }
0x121: {  	[sflag:s0] =	ssyncadd.s32 $0xFFFFE000  }
0x122: {  	[spmem:s2] =	stream.indirect.scatter.add.f32 [tilespmem:s21], [sflag:$0x1], $0x80, s10, s24, $0xb8;
	v63 =	vld [tilespmem:$0x0]  }
0x123: {  	_ =	swait.ge [sflag:s3], $0x2000  }
0x124: {  	[sflag:s3] =	ssyncset.done $0x0  }
0x125: {  	[sflag:s3] =	ssyncadd.s32 $0xFFFFE000  }
0x126: {  	[spmem:s2] =	stream.indirect.scatter.add.f32 [tilespmem:s26], [sflag:$0x2], $0x80, s11, s24, $0xb8;
	v63 =	vld [tilespmem:$0x0]  }
0x127: {  	_ =	swait.ge [sflag:s4], $0x2000  }
0x128: {  	[sflag:s4] =	ssyncset.done $0x0  }
0x129: {  	[sflag:s4] =	ssyncadd.s32 $0xFFFFE000  }
0x12a: {  	[spmem:s2] =	stream.indirect.scatter.add.f32 [tilespmem:s29], [sflag:$0x3], $0x80, s12, s24, $0xb8;
	v63 =	vld [tilespmem:$0x0]  }
0x12b: {  	_ =	swait.ge [sflag:s9], $0x2000  }
0x12c: {  	[sflag:s9] =	ssyncset.done $0x0  }
0x12d: {  	[sflag:s9] =	ssyncadd.s32 $0xFFFFE000  }
0x12e: {  	[spmem:s2] =	stream.indirect.scatter.add.f32 [tilespmem:s31], [sflag:$0x4], $0x80, s13, s24, $0xb8;
	v63 =	vld [tilespmem:$0x0]  }
0x12f: {  	_ =	swait.ge [sflag:s0], $0x2000  }
0x130: {  	[sflag:s0] =	ssyncset.done $0x0  }
0x131: {  	[sflag:s0] =	ssyncadd.s32 $0xFFFFE000  }
0x132: {  	_ =	swait.ge [sflag:s3], $0x2000  }
0x133: {  	[sflag:s3] =	ssyncset.done $0x0  }
0x134: {  	s16 =	sadd.s32 $0x1, s16;
	[sflag:s3] =	ssyncadd.s32 $0xFFFFE000  }
0x135: {  	p1 =	seq.s32 s16, $0x5;
	_ =	swait.ge [sflag:s4], $0x2000  }
.Ltmp8:
0x136: {  	[sflag:s4] =	ssyncset.done $0x0;
	(pc) =	sbr.rel @!p1 .LBB2_4-.Ltmp8, $4  }
.Ltmp9:
0x137: {  	[sflag:s4] =	ssyncadd.s32 $0xFFFFE000;
	(pc) =	sbr.rel @p1 .LBB2_10-.Ltmp9, $4  }
0x138: {  	_ =	swait.ge [sflag:s9], $0x2000  }
0x139: {  	[sflag:s9] =	ssyncset.done $0x0  }
0x13a: {  	[sflag:s9] =	ssyncadd.s32 $0xFFFFE000  }
0x13b: {  	_ = 	snop  }
.LBB2_11:
0x13c: {  	_ =	sfence.sel $0x180000  }
0x13d: {  	[bflag:$0x0] =	sbarrier.arrive $0xFFFF  }
0x13e: {  	_ =	strace $0x9000004A  }
0x13f: {  	s0 =	stileid.u32;
	[bflag:$0x2] =	sbarrier.arrive $0xFFFF  }
0x140: {  	p0 =	sne.s32 s0, $0x0;
	s0 =	rddreg [dreg:$0x3]  }
0x141: {  	s0 =	sadd.s32 @!p0 $0x100000, s0  }
0x142: {  	[sflag:s0] =	ssyncadd.tile.s32 @!p0 $0x1;
	_ =	shalt  }
.Lfunc_end2:
_tile_overlayer_lowered:
.L_overlay_start_2:
0x143: {  	(tag) =	ssettag $0x2  }
0x144: {  	s0 =	rddreg [dreg:$0x0];
	s2 =	stileid.u32  }
0x145: {  	s1 =	rddreg [dreg:$0x1];
	p0 =	sne.s32 s2, $0x0  }
0x146: {  	s3 =	rddreg [dreg:$0x2];
	[bflag:$0x3] =	sbarrier.arrive $0xFFFF;
	s2 =	simm.s32 @!p0 $0x1C05  }
0x147: {  	[timem:s3], [sflag:s2] =	dma.local @!p0 [hbm:s0], s1  }
0x148: {  	s0 =	simm.s32 @!p0 $0x5  }
0x149: {  	_ =	swait.ge @!p0 [sflag:s0], s1  }
0x14a: {  	s1 =	ssub.s32 @!p0 $0x0, s1;
	[sflag:s0] =	ssyncset.done @!p0 $0x0  }
0x14b: {  	[sflag:s0] =	ssyncadd.s32 @!p0 s1  }
0x14c: {  	[bflag:$0x3] =	sbarrier.arrive $0xFFFF  }
0x14d: {  	_ =	shalt  }

// kernel: kernel.14.cloned.1.call-start
scs
__scs_entry_jumppad:
0x0: {  	(pc) =	sbr.rel $0x88, $3  }
0x1: {  	(tag) =	ssettag $0x0;
	lr =	simm.s32 $0x1  }
0x2: {  	[smem:$0x3F93] =	sst lr;
	_ =	strace $0xD0000000  }
0x3: {  	_ = 	snop  }
0x4: {  	_ = 	snop  }
0x5: {  	_ = 	snop  }
0x6: {  	_ = 	snop  }
0x7: {  	_ = 	snop  }
__scs_overlays_trampoline_lowered:
0x8: {  	[smem:$0x3FA2] =	sst s0  }
0x9: {  	[smem:$0x3FA3] =	sst s1  }
0xa: {  	[smem:$0x3FA4] =	sst s2  }
0xb: {  	[smem:$0x3FA5] =	sst s3  }
0xc: {  	[smem:$0x3FA6] =	sst s4  }
0xd: {  	[smem:$0x3FA7] =	sst s5  }
0xe: {  	[smem:$0x3FA8] =	sst s6  }
0xf: {  	[smem:$0x3FA9] =	sst s7  }
0x10: {  	[smem:$0x3FAA] =	sst s8  }
0x11: {  	[smem:$0x3FAB] =	sst s9;
	s0 =	simm.s32 @!p0 $0x0  }
0x12: {  	s1 =	sld [smem:$0x3F91];
	s0 =	simm.s32 @p0 $0x1  }
0x13: {  	[smem:$0x3FAC] =	sst s0;
	s0 =	simm.s32 @!p1 $0x0  }
0x14: {  	s2 =	sld [smem:$0x3F90];
	s0 =	simm.s32 @p1 $0x1  }
0x15: {  	[smem:$0x3FAD] =	sst s0;
	s0 =	simm.s32 @!p2 $0x0  }
0x16: {  	s3 =	sld [smem:$0x3FDB];
	s0 =	simm.s32 @p2 $0x1  }
0x17: {  	s4 =	simm.s32 $0x1BF5;
	[smem:$0x3FAF] =	sst s0  }
0x18: {  	s0 =	sld [smem:$0x3F92];
	_ =	swait.ge [sflag:s4], $0x0  }
0x19: {  	s7 =	sld [smem:$0x3F93]  }
0x1a: {  	s8 =	sadd.s32 $0xFFFFE003, lr  }
0x1b: {  	s9 =	sadd.s32 $0xFFFFFEF7, lr;
	s5 =	simm.s32 $0xFFFFFFFF;
	p2 =	slt.u32 s8, $0xFFFFF086  }
0x1c: {  	p1 =	slt.u32 s9, $0xF7A;
	s5 =	simm.s32 @!p2 $0x0  }
0x1d: {  	s5 =	simm.s32 @p1 $0x1;
	p0 =	seq.s32 s7, s2  }
0x1e: {  	s7 =	smul.u32 @!p0 $0xF7A, s2;
	p2 =	seq.s32 @!p0 s5, $0x0  }
0x1f: {  	s9 =	smul.u32 $0xF7A, s1;
	s8 =	simm.s32 @!p0 $0x1BF5;
	p2 =	por !p2, p0  }
0x20: {  	[sflag:s8] =	ssyncset.s32 @!p0 $0xFFFFF086;
	s6 =	sadd.s32 @!p0 s3, s7;
	s7 =	simm.s32 @!p0 $0x108  }
0x21: {  	s3 =	sadd.s32 s3, s9;
	s6 =	sadd.s32 @!p0 $0x88, s6;
	s7 =	simm.s32 @p2 $0x1082  }
0x22: {  	[simem:s7], [sflag:s8] =	dma.local @!p0 [hbm:s6], $0xF7A  }
0x23: {  	s9 =	sor.u32 $0xD0000000, s2;
	s6 =	simm.s32 $0x108;
	_ =	swait.ge @!p0 [sflag:s8], $0x0  }
0x24: {  	s3 =	sadd.s32 $0x88, s3;
	s6 =	simm.s32 @!p1 $0x1082;
	[sflag:s4] =	ssyncset.s32 $0xFFFFF086  }
0x25: {  	[simem:s6], [sflag:s4] =	dma.local [hbm:s3], $0xF7A  }
0x26: {  	[smem:$0x3F93] =	sst s1;
	(tag) =	ssettag s2;
	_ =	strace s9  }
0x27: {  	s1 =	sld [smem:$0x3FA3]  }
0x28: {  	s2 =	sld [smem:$0x3FA4]  }
0x29: {  	s4 =	sld [smem:$0x3FA6]  }
0x2a: {  	p0 =	seq.s32 s5, $0x0;
	s5 =	sld [smem:$0x3FA7]  }
0x2b: {  	s6 =	sld [smem:$0x3FA8]  }
0x2c: {  	s7 =	sld [smem:$0x3FA9]  }
0x2d: {  	s3 =	simm.s32 $0x108;
	s8 =	sld [smem:$0x3FAA]  }
0x2e: {  	s3 =	simm.s32 @!p0 $0x1082;
	s9 =	sld [smem:$0x3FAB]  }
0x2f: {  	lr =	sadd.s32 s0, s3;
	s0 =	sld [smem:$0x3FA2]  }
0x30: {  	s3 =	sld [smem:$0x3FA5]  }
0x31: {  	[smem:$0x3FAE] =	sst s10  }
0x32: {  	s10 =	sld [smem:$0x3FAC];
	_ =	sdelay $0x3  }
0x33: {  	p0 =	seq.s32 s10, $0x1;
	s10 =	sld [smem:$0x3FAE];
	_ =	sdelay $0x3  }
0x34: {  	[smem:$0x3FAE] =	sst s10  }
0x35: {  	s10 =	sld [smem:$0x3FAD];
	_ =	sdelay $0x3  }
0x36: {  	p1 =	seq.s32 s10, $0x1;
	s10 =	sld [smem:$0x3FAE];
	_ =	sdelay $0x3  }
0x37: {  	[smem:$0x3FAE] =	sst s10  }
0x38: {  	s10 =	sld [smem:$0x3FAF]  }
0x39: {  	_ = 	snop;
	(pc) =	sbr.ind lr, $3  }
0x3a: {  	_ = 	snop  }
0x3b: {  	_ = 	snop  }
0x3c: {  	p2 =	seq.s32 s10, $0x1;
	s10 =	sld [smem:$0x3FAE]  }
0x3d: {  	_ =	shalt  }
0x3e: {  	_ =	shalt  }
0x3f: {  	_ =	shalt  }
0x40: {  	_ =	shalt  }
0x41: {  	_ =	shalt  }
0x42: {  	_ =	shalt  }
0x43: {  	_ =	shalt  }
0x44: {  	_ =	shalt  }
0x45: {  	_ =	shalt  }
0x46: {  	_ =	shalt  }
0x47: {  	_ =	shalt  }
0x48: {  	_ =	shalt  }
0x49: {  	_ =	shalt  }
0x4a: {  	_ =	shalt  }
0x4b: {  	_ =	shalt  }
0x4c: {  	_ =	shalt  }
0x4d: {  	_ =	shalt  }
0x4e: {  	_ =	shalt  }
0x4f: {  	_ =	shalt  }
0x50: {  	_ =	shalt  }
0x51: {  	_ =	shalt  }
0x52: {  	_ =	shalt  }
0x53: {  	_ =	shalt  }
0x54: {  	_ =	shalt  }
0x55: {  	_ =	shalt  }
0x56: {  	_ =	shalt  }
0x57: {  	_ =	shalt  }
0x58: {  	_ =	shalt  }
0x59: {  	_ =	shalt  }
0x5a: {  	_ =	shalt  }
0x5b: {  	_ =	shalt  }
0x5c: {  	_ =	shalt  }
0x5d: {  	_ =	shalt  }
0x5e: {  	_ =	shalt  }
0x5f: {  	_ =	shalt  }
0x60: {  	_ =	shalt  }
0x61: {  	_ =	shalt  }
0x62: {  	_ =	shalt  }
0x63: {  	_ =	shalt  }
0x64: {  	_ =	shalt  }
0x65: {  	_ =	shalt  }
0x66: {  	_ =	shalt  }
0x67: {  	_ =	shalt  }
0x68: {  	_ =	shalt  }
0x69: {  	_ =	shalt  }
0x6a: {  	_ =	shalt  }
0x6b: {  	_ =	shalt  }
0x6c: {  	_ =	shalt  }
0x6d: {  	_ =	shalt  }
0x6e: {  	_ =	shalt  }
0x6f: {  	_ =	shalt  }
0x70: {  	_ =	shalt  }
0x71: {  	_ =	shalt  }
0x72: {  	_ =	shalt  }
0x73: {  	_ =	shalt  }
0x74: {  	_ =	shalt  }
0x75: {  	_ =	shalt  }
0x76: {  	_ =	shalt  }
0x77: {  	_ =	shalt  }
0x78: {  	_ =	shalt  }
0x79: {  	_ =	shalt  }
0x7a: {  	_ =	shalt  }
0x7b: {  	_ =	shalt  }
0x7c: {  	_ =	shalt  }
0x7d: {  	_ =	shalt  }
0x7e: {  	_ =	shalt  }
0x7f: {  	_ =	shalt  }
0x80: {  	_ =	shalt  }
0x81: {  	_ =	shalt  }
0x82: {  	_ =	shalt  }
0x83: {  	_ =	shalt  }
0x84: {  	_ =	shalt  }
0x85: {  	_ =	shalt  }
0x86: {  	_ =	shalt  }
0x87: {  	_ =	shalt  }
.Lfunc_end0:
.L_simem_size_0:
called_computation.2_lowered:
.L_overlay_start_0:
0x88: {  	s2 =	sld [smem:$0x3FD9]  }
0x89: {  	s3 =	sld [smem:$0x3FFE];
	_ =	sdelay $0x1  }
0x8a: {  	s1 =	srdreg.scid  }
0x8b: {  	s0 =	sand.u32 $0x1, s1  }
0x8c: {  	s17 =	sshll.u32 s0, $0xA;
	s2 =	sadd.s32 s3, s2  }
0x8d: {  	s2 =	sadd.s32 s2, s17  }
0x8e: {  	[smem:$0x3FBA] =	sst s2  }
0x8f: {  	_ = 	snop  }
0x90: {  	s2 =	sld [smem:$0x3FD0];
	(tm) =	ssettm $0x1  }
0x91: {  	s18 =	sld [smem:$0x3FFB];
	_ =	sdelay $0x3  }
0x92: {  	_ =	strace s18  }
0x93: {  	s3 =	sld [smem:$0x3FFC];
	_ =	sdelay $0x3  }
0x94: {  	_ =	strace s3  }
0x95: {  	s3 =	sld [smem:$0x3FFD];
	_ =	sdelay $0x3  }
0x96: {  	_ =	strace s3  }
0x97: {  	_ =	strace $0x8FFFFFFF  }
0x98: {  	s19 =	sld [smem:$0x3FDB];
	_ =	sdelay $0x1  }
0x99: {  	s4 =	simm.s32 $_scs_section_size  }
0x9a: {  	s5 =	simm.s32 $_size__tile_overlayer_lowered;
	s6 =	simm.s32 $_tile_overlayer_lowered  }
0x9b: {  	s22 =	simm.s32 $0x1BFF;
	s21 =	sshll.u32 s6, $0x1;
	s3 =	sadd.s32 s4, s19  }
0x9c: {  	s7 =	simm.s32 $0x0;
	s20 =	sshll.u32 s5, $0x1;
	s5 =	sadd.s32 s21, s3  }
0x9d: {  	[timem:s7], [sflag:s22] =	dma.local [hbm:s5], s20  }
0x9e: {  	_ =	swait.ge [sflag:s22], s20  }
0x9f: {  	s4 =	ssub.s32 $0x0, s20;
	[sflag:s22] =	ssyncset.done $0x0  }
0xa0: {  	[sflag:s22] =	ssyncadd.s32 s4;
	_ =	sdelay $0x1  }
0xa1: {  	s23 =	simm.s32 $0x1B8B  }
0xa2: {  	_ =	swait.ge [sflag:s23], $0x1  }
0xa3: {  	[sflag:s23] =	ssyncset.done $0x0  }
0xa4: {  	s25 =	simm.s32 $0x1B8E;
	s24 =	sld [smem:$0x3FFE];
	[sflag:s23] =	ssyncadd.s32 $0xFFFFFFFF  }
0xa5: {  	s26 =	simm.s32 $execute0_lowered;
	[smem:$0x3FD2] =	sst s25  }
0xa6: {  	s5 =	sshll.u32 s26, $0x1;
	_ =	strace $0x8000004C;
	[dreg:$0x1] =	wrdreg $0xFFFFFFFF  }
0xa7: {  	s28 =	simm.s32 $_size_execute0_lowered;
	s3 =	sadd.s32 s3, s5;
	[dreg:$0x0] =	wrdreg $0x0  }
0xa8: {  	s5 =	sshll.u32 s28, $0x1;
	[dreg:$0x2] =	wrdreg s3  }
0xa9: {  	[dreg:$0x3] =	wrdreg s5  }
0xaa: {  	[dreg:$0x4] =	wrdreg $0xC0  }
0xab: {  	_ =	task [dreg:s7], $0x5FFFF  }
0xac: {  	[dreg:$0x1] =	wrdreg $0xFFFFFFFF  }
0xad: {  	[dreg:$0x0] =	wrdreg $0x60  }
0xae: {  	[dreg:$0x2] =	wrdreg s2  }
0xaf: {  	[dreg:$0x3] =	wrdreg s24  }
0xb0: {  	[dreg:$0x4] =	wrdreg $0xC0000  }
0xb1: {  	[dreg:$0x5] =	wrdreg $0x9  }
0xb2: {  	_ =	task.clear_ibuf [dreg:s7], $0x6FFFF;
	_ =	strace $0x9000004C  }
0xb3: {  	s29 =	simm.s32 $0x9;
	_ =	strace $0x8000004E  }
0xb4: {  	_ =	swait.ge [sflag:s29], $0x1  }
0xb5: {  	[sflag:s29] =	ssyncadd.s32 $0xFFFFFFFF  }
0xb6: {  	_ =	strace $0x9000004E  }
0xb7: {  	_ =	sfence  }
0xb8: {  	s30 =	sld [smem:$0x0];
	_ =	sdelay $0x2  }
0xb9: {  	s31 =	sshll.u32 s1, $0xD;
	s1 =	sshrl.u32 s1, $0x2  }
0xba: {  	s3 =	sand.u32 $0x4000, s31;
	s1 =	sadd.s32 s1, s30  }
0xbb: {  	s0 =	sor.u32 s3, s0;
	s1 =	sshll.u32 s1, $0x11  }
0xbc: {  	s0 =	sor.u32 s1, s0  }
0xbd: {  	s0 =	sadd.s32 $0x8F2B, s0  }
0xbe: {  	[sflag:s0] =	ssyncadd.remote.s32 $0x1  }
0xbf: {  	_ =	sfence.sel $0xFFFF  }
0xc0: {  	[dreg:$0x0] =	wrdreg $0xFFFFFFFF;
	(pc) =	sbr.abs _section_cstart, $3  }
0xc1: {  	[dreg:$0x1] =	wrdreg $0xFFFFFFFF  }
0xc2: {  	_ =	task.clear_ibuf [dreg:s7], $0x2FFFF;
	_ =	strace $0x9FFFFFFF  }
0xc3: {  	(tm) =	ssettm $0x7FFFFFFF  }
tec
execute0_lowered:
.L_overlay_start_1:
0x0: {  	(tag) =	ssettag $0x1  }
0x1: {  	s1 =	rddreg [dreg:$0x0]  }
0x2: {  	s0 =	rddreg [dreg:$0x1]  }
0x3: {  	s2 =	rddreg [dreg:$0x2];
	s3 =	srdreg.scid  }
0x4: {  	s5 =	simm.s32 $0x0;
	s11 =	stileid.u32;
	s28 =	simm.s32 $0x100  }
0x5: {  	s29 =	simm.s32 $0x8000;
	s30 =	simm.s32 $0x180;
	s8 =	smul.u32 $0x14000, s11  }
0x6: {  	s31 =	simm.s32 $0xA000;
	s3 =	sand.u32 $0x1, s3;
	s9 =	smul.u32 $0x50000, s11  }
0x7: {  	s12 =	simm.s32 $0x3F00;
	s13 =	simm.s32 $0x3F80;
	s4 =	smul.u32 $0x140000, s3  }
0x8: {  	s14 =	simm.s32 $0x0;
	[smem:$0x7FF] =	sst s5;
	s15 =	sshrl.u32 s9, $0x2  }
0x9: {  	s5 =	sadd.s32 $0x2DA00, s0;
	s4 =	sadd.s32 s8, s4;
	s8 =	sadd.s32 s15, s2  }
0xa: {  	s6 =	sadd.s32 $0x19A00, s0;
	s7 =	sadd.s32 $0x5A00, s0;
	s17 =	sadd.s32 $0x2000, s8  }
0xb: {  	_ =	strace $0x8000004D;
	s18 =	sadd.s32 $0x4000, s8;
	[dreg:$0x4] =	wrdreg s17  }
0xc: {  	s10 =	ssub.s32 $0x2, s3;
	s19 =	sadd.s32 $0x6000, s8;
	[dreg:$0x5] =	wrdreg s18  }
0xd: {  	p0 =	seq.s32 s3, $0x1;
	s20 =	sadd.s32 $0x8000, s8;
	[dreg:$0x6] =	wrdreg s19  }
0xe: {  	s3 =	simm.s32 $0x2;
	s21 =	sadd.s32 $0xA000, s8;
	[dreg:$0x7] =	wrdreg s20  }
0xf: {  	s16 =	sshrl.u32 s10, $0x1;
	s22 =	sadd.s32 $0xC000, s8;
	[dreg:$0x8] =	wrdreg s21  }
0x10: {  	s9 =	simm.s32 $0x4;
	s23 =	sadd.s32 $0xE000, s8;
	[dreg:$0x9] =	wrdreg s22  }
0x11: {  	s4 =	sshrl.u32 s4, $0x3;
	s24 =	sadd.s32 $0x10000, s8;
	[dreg:$0xa] =	wrdreg s23  }
0x12: {  	s25 =	sadd.s32 $0x12000, s8;
	s0 =	sadd.s32 s4, s0;
	[dreg:$0xb] =	wrdreg s24  }
0x13: {  	s4 =	ssub.s32 s10, s16;
	[dreg:$0xc] =	wrdreg s25;
	s18 =	smul.u32 $0xA000, s11  }
.Ltmp0:
0x14: {  	s21 =	simm.s32 $0x4000;
	s22 =	simm.s32 $0x5;
	(pc) =	sbr.rel .LBB2_1-.Ltmp0, $4  }
0x15: {  	s23 =	simm.s32 $0x2000;
	s24 =	simm.s32 $0x40;
	s25 =	simm.s32 $0x80  }
0x16: {  	s10 =	simm.s32 $0x3E00;
	s11 =	simm.s32 $0x3E80;
	s0 =	sadd.s32 $0x7BE00, s0  }
0x17: {  	s26 =	smax.u32 s4, $0x1;
	s4 =	simm.s32 $0x3;
	[dreg:$0xd] =	wrdreg s0  }
0x18: {  	v0 =	vimm.f32 $0.0e+00;
	[dreg:$0xe] =	wrdreg s26;
	s26 =	simm.s32 $0x6000;
	s0 =	simm.s32 $0x1  }
.LBB2_10:
0x19: {  	s15 =	stileid.u32  }
0x1a: {  	[bflag:$0x0] =	sbarrier.arrive $0xFFFF;
	s15 =	sshll.u32 s15, $0x6  }
0x1b: {  	s16 =	sshrl.u32 s8, $0x3;
	s17 =	rddreg [dreg:$0xd];
	s15 =	sor.u32 $0x1C05, s15  }
0x1c: {  	[hbm:s17], [sflag:s15] =	dma.local [spmem:s16], $0x2800  }
0x1d: {  	_ =	swait.ge [sflag:s22], $0x2800  }
0x1e: {  	s14 =	sadd.s32 $0x1, s14;
	s20 =	rddreg [dreg:$0xe]  }
0x1f: {  	p1 =	sne.s32 s14, s20  }
.Ltmp1:
0x20: {  	_ = 	snop;
	(pc) =	sbr.rel @!p1 .LBB2_11-.Ltmp1, $3  }
0x21: {  	_ =	sdelay $0x1  }
0x22: {  	[sflag:s22] =	ssyncset.done $0x0  }
0x23: {  	[sflag:s22] =	ssyncadd.s32 $0xFFFFD800  }
.LBB2_1:
0x24: {  	s16 =	simm.s32 $0x0  }
0x25: {  	s15 =	sand.u32 $0x7E00, s16  }
0x26: {  	s16 =	sand.u32 $0x70, s16;
	s17 =	sshrl.u32 s15, $0x2  }
0x27: {  	s15 =	simm.s32 $0x40;
	s17 =	sor.u32 s16, s17;
	s16 =	simm.s32 $0x0  }
.LBB2_2:
0x28: {  	p1 =	sne.s32 s15, $0x7FC0  }
0x29: {  	[tilespmem:s17+$0x4000] =	vst v0;
	s16 =	sadd.s32 $0x10, s16;
	s17 =	smov.u32 s15;
	s15 =	sadd.s32 $0x40, s15  }
.Ltmp2:
0x2a: {  	(pc) =	sbr.rel @p1 .LBB2_2-.Ltmp2, $4  }
0x2b: {  	_ = 	snop  }
0x2c: {  	s17 =	sand.u32 $0x7E00, s17  }
0x2d: {  	s19 =	sand.u32 $0x70, s16;
	s17 =	sshrl.u32 s17, $0x2  }
0x2e: {  	s17 =	sor.u32 s19, s17  }
0x2f: {  	[tilespmem:s17+$0x4000] =	vst v0  }
0x30: {  	[spmem:s8] =	stream.linear.scatter [tilespmem:s21], [sflag:$0x5], $0x2000, $0x38;
	v63 =	vld [tilespmem:$0x0]  }
0x31: {  	_ =	swait.ge [sflag:s22], $0x2000  }
0x32: {  	[sflag:s22] =	ssyncset.done $0x0  }
0x33: {  	s15 =	rddreg [dreg:$0x4];
	[sflag:s22] =	ssyncadd.s32 $0xFFFFE000  }
0x34: {  	[spmem:s15] =	stream.linear.scatter [tilespmem:s21], [sflag:$0x5], $0x2000, $0x38;
	v63 =	vld [tilespmem:$0x0]  }
0x35: {  	_ =	swait.ge [sflag:s22], $0x2000  }
0x36: {  	[sflag:s22] =	ssyncset.done $0x0  }
0x37: {  	s16 =	rddreg [dreg:$0x5];
	[sflag:s22] =	ssyncadd.s32 $0xFFFFE000  }
0x38: {  	[spmem:s16] =	stream.linear.scatter [tilespmem:s21], [sflag:$0x5], $0x2000, $0x38;
	v63 =	vld [tilespmem:$0x0]  }
0x39: {  	_ =	swait.ge [sflag:s22], $0x2000  }
0x3a: {  	[sflag:s22] =	ssyncset.done $0x0  }
0x3b: {  	s17 =	rddreg [dreg:$0x6];
	[sflag:s22] =	ssyncadd.s32 $0xFFFFE000  }
0x3c: {  	[spmem:s17] =	stream.linear.scatter [tilespmem:s21], [sflag:$0x5], $0x2000, $0x38;
	v63 =	vld [tilespmem:$0x0]  }
0x3d: {  	_ =	swait.ge [sflag:s22], $0x2000  }
0x3e: {  	[sflag:s22] =	ssyncset.done $0x0  }
0x3f: {  	s19 =	rddreg [dreg:$0x7];
	[sflag:s22] =	ssyncadd.s32 $0xFFFFE000  }
0x40: {  	[spmem:s19] =	stream.linear.scatter [tilespmem:s21], [sflag:$0x5], $0x2000, $0x38;
	v63 =	vld [tilespmem:$0x0]  }
0x41: {  	_ =	swait.ge [sflag:s22], $0x2000  }
0x42: {  	[sflag:s22] =	ssyncset.done $0x0  }
0x43: {  	s20 =	rddreg [dreg:$0x8];
	[sflag:s22] =	ssyncadd.s32 $0xFFFFE000  }
0x44: {  	[spmem:s20] =	stream.linear.scatter [tilespmem:s21], [sflag:$0x5], $0x2000, $0x38;
	v63 =	vld [tilespmem:$0x0]  }
0x45: {  	_ =	swait.ge [sflag:s22], $0x2000  }
0x46: {  	[sflag:s22] =	ssyncset.done $0x0  }
0x47: {  	s16 =	rddreg [dreg:$0x9];
	[sflag:s22] =	ssyncadd.s32 $0xFFFFE000  }
0x48: {  	[spmem:s16] =	stream.linear.scatter [tilespmem:s21], [sflag:$0x5], $0x2000, $0x38;
	v63 =	vld [tilespmem:$0x0]  }
0x49: {  	_ =	swait.ge [sflag:s22], $0x2000  }
0x4a: {  	[sflag:s22] =	ssyncset.done $0x0  }
0x4b: {  	s17 =	rddreg [dreg:$0xa];
	[sflag:s22] =	ssyncadd.s32 $0xFFFFE000  }
0x4c: {  	[spmem:s17] =	stream.linear.scatter [tilespmem:s21], [sflag:$0x5], $0x2000, $0x38;
	v63 =	vld [tilespmem:$0x0]  }
0x4d: {  	_ =	swait.ge [sflag:s22], $0x2000  }
0x4e: {  	[sflag:s22] =	ssyncset.done $0x0  }
0x4f: {  	s19 =	rddreg [dreg:$0xb];
	[sflag:s22] =	ssyncadd.s32 $0xFFFFE000  }
0x50: {  	[spmem:s19] =	stream.linear.scatter [tilespmem:s21], [sflag:$0x5], $0x2000, $0x38;
	v63 =	vld [tilespmem:$0x0]  }
0x51: {  	_ =	swait.ge [sflag:s22], $0x2000  }
0x52: {  	[sflag:s22] =	ssyncset.done $0x0  }
0x53: {  	s20 =	rddreg [dreg:$0xc];
	[sflag:s22] =	ssyncadd.s32 $0xFFFFE000  }
0x54: {  	[spmem:s20] =	stream.linear.scatter [tilespmem:s21], [sflag:$0x5], $0x2000, $0x38;
	v63 =	vld [tilespmem:$0x0]  }
.Ltmp3:
0x55: {  	_ =	swait.ge [sflag:s22], $0x2000;
	(pc) =	sbr.rel @!p0 .LBB2_4-.Ltmp3, $4  }
0x56: {  	[sflag:s22] =	ssyncset.done $0x0  }
0x57: {  	[sflag:s22] =	ssyncadd.s32 $0xFFFFE000  }
0x58: {  	[bflag:$0x0] =	sbarrier.arrive $0xFFFF  }
0x59: {  	s15 =	simm.s32 $0x0;
	s16 =	simm.s32 $0x0;
	s17 =	simm.s32 $0x0  }
.LBB2_7:
0x5a: {  	s16 =	sshll.u32 s17, $0xD  }
0x5b: {  	s16 =	sadd.s32 s18, s16  }
0x5c: {  	s16 =	sshrl.u32 s16, $0x3  }
0x5d: {  	s19 =	sadd.s32 s6, s16  }
0x5e: {  	[tilespmem:s15], [sflag:$0x5] =	stream.linear.gather [hbm4b:s19+s15], $0x2000, $0x38;
	v63 =	vld [tilespmem:$0x0]  }
0x5f: {  	_ =	swait.ge [sflag:s22], $0x2000  }
0x60: {  	[sflag:s22] =	ssyncset.done $0x0  }
0x61: {  	s16 =	sadd.s32 s7, s16;
	[sflag:s22] =	ssyncadd.s32 $0xFFFFE000  }
0x62: {  	[tilespmem:s23], [sflag:$0x5] =	stream.linear.gather [hbm4b:s16+s15], $0x2000, $0x38;
	v63 =	vld [tilespmem:$0x0]  }
0x63: {  	_ =	swait.ge [sflag:s22], $0x2000  }
0x64: {  	[sflag:s22] =	ssyncset.done $0x0  }
0x65: {  	[sflag:s22] =	ssyncadd.s32 $0xFFFFE000  }
0x66: {  	[tilespmem:s21], [sflag:$0x1] =	stream.indirect.gather [hbm4b:s5+s24], $0x80, s15, s24, $0xb8;
	v63 =	vld [tilespmem:$0x0]  }
0x67: {  	_ = 	snop  }
0x68: {  	[tilespmem:s26], [sflag:$0x2] =	stream.indirect.gather [hbm4b:s5+s24], $0x80, s25, s24, $0xb8;
	v63 =	vld [tilespmem:$0x0]  }
0x69: {  	_ = 	snop  }
0x6a: {  	[tilespmem:s29], [sflag:$0x3] =	stream.indirect.gather [hbm4b:s5+s24], $0x80, s28, s24, $0xb8;
	v63 =	vld [tilespmem:$0x0]  }
0x6b: {  	_ = 	snop  }
0x6c: {  	[tilespmem:s31], [sflag:$0x4] =	stream.indirect.gather [hbm4b:s5+s24], $0x80, s30, s24, $0xb8;
	v63 =	vld [tilespmem:$0x0]  }
0x6d: {  	_ =	swait.ge [sflag:s0], $0x2000  }
0x6e: {  	[sflag:s0] =	ssyncset.done $0x0  }
0x6f: {  	s20 =	simm.s32 $0x2000;
	[sflag:s0] =	ssyncadd.s32 $0xFFFFE000  }
0x70: {  	[spmem:s2] =	stream.indirect.scatter.add.f32 [tilespmem:s21], [sflag:$0x1], $0x80, s20, s24, $0xb8;
	v63 =	vld [tilespmem:$0x0]  }
0x71: {  	_ =	swait.ge [sflag:s3], $0x2000  }
0x72: {  	[sflag:s3] =	ssyncset.done $0x0  }
0x73: {  	s19 =	simm.s32 $0x2080;
	[sflag:s3] =	ssyncadd.s32 $0xFFFFE000  }
0x74: {  	[spmem:s2] =	stream.indirect.scatter.add.f32 [tilespmem:s26], [sflag:$0x2], $0x80, s19, s24, $0xb8;
	v63 =	vld [tilespmem:$0x0]  }
0x75: {  	_ =	swait.ge [sflag:s4], $0x2000  }
0x76: {  	[sflag:s4] =	ssyncset.done $0x0  }
0x77: {  	s20 =	simm.s32 $0x2100;
	[sflag:s4] =	ssyncadd.s32 $0xFFFFE000  }
0x78: {  	[spmem:s2] =	stream.indirect.scatter.add.f32 [tilespmem:s29], [sflag:$0x3], $0x80, s20, s24, $0xb8;
	v63 =	vld [tilespmem:$0x0]  }
0x79: {  	_ =	swait.ge [sflag:s9], $0x2000  }
0x7a: {  	[sflag:s9] =	ssyncset.done $0x0  }
0x7b: {  	s19 =	simm.s32 $0x2180;
	[sflag:s9] =	ssyncadd.s32 $0xFFFFE000  }
0x7c: {  	[spmem:s2] =	stream.indirect.scatter.add.f32 [tilespmem:s31], [sflag:$0x4], $0x80, s19, s24, $0xb8;
	v63 =	vld [tilespmem:$0x0]  }
0x7d: {  	_ =	swait.ge [sflag:s0], $0x2000  }
0x7e: {  	[sflag:s0] =	ssyncset.done $0x0  }
0x7f: {  	s20 =	simm.s32 $0x200;
	[sflag:s0] =	ssyncadd.s32 $0xFFFFE000  }
0x80: {  	[tilespmem:s21], [sflag:$0x1] =	stream.indirect.gather [hbm4b:s5+s24], $0x80, s20, s24, $0xb8;
	v63 =	vld [tilespmem:$0x0]  }
0x81: {  	_ =	swait.ge [sflag:s3], $0x2000  }
0x82: {  	[sflag:s3] =	ssyncset.done $0x0  }
0x83: {  	s19 =	simm.s32 $0x280;
	[sflag:s3] =	ssyncadd.s32 $0xFFFFE000  }
0x84: {  	[tilespmem:s26], [sflag:$0x2] =	stream.indirect.gather [hbm4b:s5+s24], $0x80, s19, s24, $0xb8;
	v63 =	vld [tilespmem:$0x0]  }
0x85: {  	_ =	swait.ge [sflag:s4], $0x2000  }
0x86: {  	[sflag:s4] =	ssyncset.done $0x0  }
0x87: {  	s20 =	simm.s32 $0x300;
	[sflag:s4] =	ssyncadd.s32 $0xFFFFE000  }
0x88: {  	[tilespmem:s29], [sflag:$0x3] =	stream.indirect.gather [hbm4b:s5+s24], $0x80, s20, s24, $0xb8;
	v63 =	vld [tilespmem:$0x0]  }
0x89: {  	_ =	swait.ge [sflag:s9], $0x2000  }
0x8a: {  	[sflag:s9] =	ssyncset.done $0x0  }
0x8b: {  	s16 =	simm.s32 $0x800;
	s19 =	simm.s32 $0x380;
	[sflag:s9] =	ssyncadd.s32 $0xFFFFE000  }
.LBB2_8:
0x8c: {  	[tilespmem:s31], [sflag:$0x4] =	stream.indirect.gather [hbm4b:s5+s24], $0x80, s19, s24, $0xb8;
	v63 =	vld [tilespmem:$0x0]  }
0x8d: {  	s19 =	smov.u32 s16  }
0x8e: {  	p1 =	sne.s32 s16, $0x7000;
	s16 =	sadd.s32 $0x800, s16;
	_ =	swait.ge [sflag:s0], $0x2000  }
0x8f: {  	s19 =	sshra.s32 s19, $0x2;
	[sflag:s0] =	ssyncset.done $0x0  }
0x90: {  	s20 =	sadd.s32 $0x2000, s19;
	[sflag:s0] =	ssyncadd.s32 $0xFFFFE000  }
0x91: {  	[spmem:s2] =	stream.indirect.scatter.add.f32 [tilespmem:s21], [sflag:$0x1], $0x80, s20, s24, $0xb8;
	v63 =	vld [tilespmem:$0x0]  }
0x92: {  	_ =	swait.ge [sflag:s3], $0x2000  }
0x93: {  	[sflag:s3] =	ssyncset.done $0x0  }
0x94: {  	s20 =	sadd.s32 $0x2080, s19;
	[sflag:s3] =	ssyncadd.s32 $0xFFFFE000  }
0x95: {  	[spmem:s2] =	stream.indirect.scatter.add.f32 [tilespmem:s26], [sflag:$0x2], $0x80, s20, s24, $0xb8;
	v63 =	vld [tilespmem:$0x0]  }
0x96: {  	_ =	swait.ge [sflag:s4], $0x2000  }
0x97: {  	[sflag:s4] =	ssyncset.done $0x0  }
0x98: {  	s20 =	sadd.s32 $0x2100, s19;
	[sflag:s4] =	ssyncadd.s32 $0xFFFFE000  }
0x99: {  	[spmem:s2] =	stream.indirect.scatter.add.f32 [tilespmem:s29], [sflag:$0x3], $0x80, s20, s24, $0xb8;
	v63 =	vld [tilespmem:$0x0]  }
0x9a: {  	_ =	swait.ge [sflag:s9], $0x2000  }
0x9b: {  	[sflag:s9] =	ssyncset.done $0x0  }
0x9c: {  	s20 =	sadd.s32 $0x2180, s19;
	[sflag:s9] =	ssyncadd.s32 $0xFFFFE000  }
0x9d: {  	[spmem:s2] =	stream.indirect.scatter.add.f32 [tilespmem:s31], [sflag:$0x4], $0x80, s20, s24, $0xb8;
	v63 =	vld [tilespmem:$0x0]  }
0x9e: {  	_ =	swait.ge [sflag:s0], $0x2000  }
0x9f: {  	[sflag:s0] =	ssyncset.done $0x0  }
0xa0: {  	s20 =	sadd.s32 $0x200, s19;
	[sflag:s0] =	ssyncadd.s32 $0xFFFFE000  }
0xa1: {  	[tilespmem:s21], [sflag:$0x1] =	stream.indirect.gather [hbm4b:s5+s24], $0x80, s20, s24, $0xb8;
	v63 =	vld [tilespmem:$0x0]  }
0xa2: {  	_ =	swait.ge [sflag:s3], $0x2000  }
0xa3: {  	[sflag:s3] =	ssyncset.done $0x0  }
0xa4: {  	s20 =	sadd.s32 $0x280, s19;
	[sflag:s3] =	ssyncadd.s32 $0xFFFFE000  }
0xa5: {  	[tilespmem:s26], [sflag:$0x2] =	stream.indirect.gather [hbm4b:s5+s24], $0x80, s20, s24, $0xb8;
	v63 =	vld [tilespmem:$0x0]  }
0xa6: {  	_ =	swait.ge [sflag:s4], $0x2000  }
0xa7: {  	[sflag:s4] =	ssyncset.done $0x0  }
.Ltmp4:
0xa8: {  	s20 =	sadd.s32 $0x300, s19;
	[sflag:s4] =	ssyncadd.s32 $0xFFFFE000;
	(pc) =	sbr.rel @p1 .LBB2_8-.Ltmp4, $4  }
0xa9: {  	[tilespmem:s29], [sflag:$0x3] =	stream.indirect.gather [hbm4b:s5+s24], $0x80, s20, s24, $0xb8;
	v63 =	vld [tilespmem:$0x0]  }
0xaa: {  	_ =	swait.ge [sflag:s9], $0x2000  }
0xab: {  	[sflag:s9] =	ssyncset.done $0x0  }
0xac: {  	s19 =	sadd.s32 $0x380, s19;
	[sflag:s9] =	ssyncadd.s32 $0xFFFFE000  }
0xad: {  	[tilespmem:s31], [sflag:$0x4] =	stream.indirect.gather [hbm4b:s5+s24], $0x80, s19, s24, $0xb8;
	v63 =	vld [tilespmem:$0x0]  }
0xae: {  	_ =	swait.ge [sflag:s0], $0x2000  }
0xaf: {  	[sflag:s0] =	ssyncset.done $0x0  }
0xb0: {  	[sflag:s0] =	ssyncadd.s32 $0xFFFFE000  }
0xb1: {  	[spmem:s2] =	stream.indirect.scatter.add.f32 [tilespmem:s21], [sflag:$0x1], $0x80, s10, s24, $0xb8;
	v63 =	vld [tilespmem:$0x0]  }
0xb2: {  	_ =	swait.ge [sflag:s3], $0x2000  }
0xb3: {  	[sflag:s3] =	ssyncset.done $0x0  }
0xb4: {  	[sflag:s3] =	ssyncadd.s32 $0xFFFFE000  }
0xb5: {  	[spmem:s2] =	stream.indirect.scatter.add.f32 [tilespmem:s26], [sflag:$0x2], $0x80, s11, s24, $0xb8;
	v63 =	vld [tilespmem:$0x0]  }
0xb6: {  	_ =	swait.ge [sflag:s4], $0x2000  }
0xb7: {  	[sflag:s4] =	ssyncset.done $0x0  }
0xb8: {  	[sflag:s4] =	ssyncadd.s32 $0xFFFFE000  }
0xb9: {  	[spmem:s2] =	stream.indirect.scatter.add.f32 [tilespmem:s29], [sflag:$0x3], $0x80, s12, s24, $0xb8;
	v63 =	vld [tilespmem:$0x0]  }
0xba: {  	_ =	swait.ge [sflag:s9], $0x2000  }
0xbb: {  	[sflag:s9] =	ssyncset.done $0x0  }
0xbc: {  	[sflag:s9] =	ssyncadd.s32 $0xFFFFE000  }
0xbd: {  	[spmem:s2] =	stream.indirect.scatter.add.f32 [tilespmem:s31], [sflag:$0x4], $0x80, s13, s24, $0xb8;
	v63 =	vld [tilespmem:$0x0]  }
0xbe: {  	_ =	swait.ge [sflag:s0], $0x2000  }
0xbf: {  	[sflag:s0] =	ssyncset.done $0x0  }
0xc0: {  	[sflag:s0] =	ssyncadd.s32 $0xFFFFE000  }
0xc1: {  	_ =	swait.ge [sflag:s3], $0x2000  }
0xc2: {  	[sflag:s3] =	ssyncset.done $0x0  }
0xc3: {  	s17 =	sadd.s32 $0x1, s17;
	[sflag:s3] =	ssyncadd.s32 $0xFFFFE000  }
0xc4: {  	p1 =	sne.s32 s17, $0x5;
	_ =	swait.ge [sflag:s4], $0x2000  }
.Ltmp5:
0xc5: {  	[sflag:s4] =	ssyncset.done $0x0;
	(pc) =	sbr.rel @p1 .LBB2_7-.Ltmp5, $4  }
.Ltmp6:
0xc6: {  	[sflag:s4] =	ssyncadd.s32 $0xFFFFE000;
	(pc) =	sbr.rel @!p1 .LBB2_10-.Ltmp6, $4  }
0xc7: {  	_ =	swait.ge [sflag:s9], $0x2000  }
0xc8: {  	[sflag:s9] =	ssyncset.done $0x0  }
0xc9: {  	[sflag:s9] =	ssyncadd.s32 $0xFFFFE000  }
0xca: {  	_ = 	snop  }
.LBB2_4:
0xcb: {  	s17 =	sshll.u32 s16, $0xD  }
0xcc: {  	s17 =	sadd.s32 s18, s17  }
0xcd: {  	s17 =	sshrl.u32 s17, $0x3  }
0xce: {  	s19 =	sadd.s32 s6, s17  }
0xcf: {  	[tilespmem:s15], [sflag:$0x5] =	stream.linear.gather [hbm4b:s19+s15], $0x2000, $0x38;
	v63 =	vld [tilespmem:$0x0]  }
0xd0: {  	_ =	swait.ge [sflag:s22], $0x2000  }
0xd1: {  	[sflag:s22] =	ssyncset.done $0x0  }
0xd2: {  	s17 =	sadd.s32 s7, s17;
	[sflag:s22] =	ssyncadd.s32 $0xFFFFE000  }
0xd3: {  	[tilespmem:s23], [sflag:$0x5] =	stream.linear.gather [hbm4b:s17+s15], $0x2000, $0x38;
	v63 =	vld [tilespmem:$0x0]  }
0xd4: {  	_ =	swait.ge [sflag:s22], $0x2000  }
0xd5: {  	[sflag:s22] =	ssyncset.done $0x0  }
0xd6: {  	[sflag:s22] =	ssyncadd.s32 $0xFFFFE000  }
0xd7: {  	[tilespmem:s21], [sflag:$0x1] =	stream.indirect.gather [hbm4b:s1+s24], $0x80, s15, s24, $0xb8;
	v63 =	vld [tilespmem:$0x0]  }
0xd8: {  	_ = 	snop  }
0xd9: {  	[tilespmem:s26], [sflag:$0x2] =	stream.indirect.gather [hbm4b:s1+s24], $0x80, s25, s24, $0xb8;
	v63 =	vld [tilespmem:$0x0]  }
0xda: {  	_ = 	snop  }
0xdb: {  	[tilespmem:s29], [sflag:$0x3] =	stream.indirect.gather [hbm4b:s1+s24], $0x80, s28, s24, $0xb8;
	v63 =	vld [tilespmem:$0x0]  }
0xdc: {  	_ = 	snop  }
0xdd: {  	[tilespmem:s31], [sflag:$0x4] =	stream.indirect.gather [hbm4b:s1+s24], $0x80, s30, s24, $0xb8;
	v63 =	vld [tilespmem:$0x0]  }
0xde: {  	_ =	swait.ge [sflag:s0], $0x2000  }
0xdf: {  	[sflag:s0] =	ssyncset.done $0x0  }
0xe0: {  	s20 =	simm.s32 $0x2000;
	[sflag:s0] =	ssyncadd.s32 $0xFFFFE000  }
0xe1: {  	[spmem:s2] =	stream.indirect.scatter.add.f32 [tilespmem:s21], [sflag:$0x1], $0x80, s20, s24, $0xb8;
	v63 =	vld [tilespmem:$0x0]  }
0xe2: {  	_ =	swait.ge [sflag:s3], $0x2000  }
0xe3: {  	[sflag:s3] =	ssyncset.done $0x0  }
0xe4: {  	s19 =	simm.s32 $0x2080;
	[sflag:s3] =	ssyncadd.s32 $0xFFFFE000  }
0xe5: {  	[spmem:s2] =	stream.indirect.scatter.add.f32 [tilespmem:s26], [sflag:$0x2], $0x80, s19, s24, $0xb8;
	v63 =	vld [tilespmem:$0x0]  }
0xe6: {  	_ =	swait.ge [sflag:s4], $0x2000  }
0xe7: {  	[sflag:s4] =	ssyncset.done $0x0  }
0xe8: {  	s20 =	simm.s32 $0x2100;
	[sflag:s4] =	ssyncadd.s32 $0xFFFFE000  }
0xe9: {  	[spmem:s2] =	stream.indirect.scatter.add.f32 [tilespmem:s29], [sflag:$0x3], $0x80, s20, s24, $0xb8;
	v63 =	vld [tilespmem:$0x0]  }
0xea: {  	_ =	swait.ge [sflag:s9], $0x2000  }
0xeb: {  	[sflag:s9] =	ssyncset.done $0x0  }
0xec: {  	s19 =	simm.s32 $0x2180;
	[sflag:s9] =	ssyncadd.s32 $0xFFFFE000  }
0xed: {  	[spmem:s2] =	stream.indirect.scatter.add.f32 [tilespmem:s31], [sflag:$0x4], $0x80, s19, s24, $0xb8;
	v63 =	vld [tilespmem:$0x0]  }
0xee: {  	_ =	swait.ge [sflag:s0], $0x2000  }
0xef: {  	[sflag:s0] =	ssyncset.done $0x0  }
0xf0: {  	s20 =	simm.s32 $0x200;
	[sflag:s0] =	ssyncadd.s32 $0xFFFFE000  }
0xf1: {  	[tilespmem:s21], [sflag:$0x1] =	stream.indirect.gather [hbm4b:s1+s24], $0x80, s20, s24, $0xb8;
	v63 =	vld [tilespmem:$0x0]  }
0xf2: {  	_ =	swait.ge [sflag:s3], $0x2000  }
0xf3: {  	[sflag:s3] =	ssyncset.done $0x0  }
0xf4: {  	s19 =	simm.s32 $0x280;
	[sflag:s3] =	ssyncadd.s32 $0xFFFFE000  }
0xf5: {  	[tilespmem:s26], [sflag:$0x2] =	stream.indirect.gather [hbm4b:s1+s24], $0x80, s19, s24, $0xb8;
	v63 =	vld [tilespmem:$0x0]  }
0xf6: {  	_ =	swait.ge [sflag:s4], $0x2000  }
0xf7: {  	[sflag:s4] =	ssyncset.done $0x0  }
0xf8: {  	s20 =	simm.s32 $0x300;
	[sflag:s4] =	ssyncadd.s32 $0xFFFFE000  }
0xf9: {  	[tilespmem:s29], [sflag:$0x3] =	stream.indirect.gather [hbm4b:s1+s24], $0x80, s20, s24, $0xb8;
	v63 =	vld [tilespmem:$0x0]  }
0xfa: {  	_ =	swait.ge [sflag:s9], $0x2000  }
0xfb: {  	[sflag:s9] =	ssyncset.done $0x0  }
0xfc: {  	s17 =	simm.s32 $0x800;
	s19 =	simm.s32 $0x380;
	[sflag:s9] =	ssyncadd.s32 $0xFFFFE000  }
.LBB2_5:
0xfd: {  	[tilespmem:s31], [sflag:$0x4] =	stream.indirect.gather [hbm4b:s1+s24], $0x80, s19, s24, $0xb8;
	v63 =	vld [tilespmem:$0x0]  }
0xfe: {  	s19 =	smov.u32 s17  }
0xff: {  	p1 =	sne.s32 s17, $0x7000;
	s17 =	sadd.s32 $0x800, s17;
	_ =	swait.ge [sflag:s0], $0x2000  }
0x100: {  	s19 =	sshra.s32 s19, $0x2;
	[sflag:s0] =	ssyncset.done $0x0  }
0x101: {  	s20 =	sadd.s32 $0x2000, s19;
	[sflag:s0] =	ssyncadd.s32 $0xFFFFE000  }
0x102: {  	[spmem:s2] =	stream.indirect.scatter.add.f32 [tilespmem:s21], [sflag:$0x1], $0x80, s20, s24, $0xb8;
	v63 =	vld [tilespmem:$0x0]  }
0x103: {  	_ =	swait.ge [sflag:s3], $0x2000  }
0x104: {  	[sflag:s3] =	ssyncset.done $0x0  }
0x105: {  	s20 =	sadd.s32 $0x2080, s19;
	[sflag:s3] =	ssyncadd.s32 $0xFFFFE000  }
0x106: {  	[spmem:s2] =	stream.indirect.scatter.add.f32 [tilespmem:s26], [sflag:$0x2], $0x80, s20, s24, $0xb8;
	v63 =	vld [tilespmem:$0x0]  }
0x107: {  	_ =	swait.ge [sflag:s4], $0x2000  }
0x108: {  	[sflag:s4] =	ssyncset.done $0x0  }
0x109: {  	s20 =	sadd.s32 $0x2100, s19;
	[sflag:s4] =	ssyncadd.s32 $0xFFFFE000  }
0x10a: {  	[spmem:s2] =	stream.indirect.scatter.add.f32 [tilespmem:s29], [sflag:$0x3], $0x80, s20, s24, $0xb8;
	v63 =	vld [tilespmem:$0x0]  }
0x10b: {  	_ =	swait.ge [sflag:s9], $0x2000  }
0x10c: {  	[sflag:s9] =	ssyncset.done $0x0  }
0x10d: {  	s20 =	sadd.s32 $0x2180, s19;
	[sflag:s9] =	ssyncadd.s32 $0xFFFFE000  }
0x10e: {  	[spmem:s2] =	stream.indirect.scatter.add.f32 [tilespmem:s31], [sflag:$0x4], $0x80, s20, s24, $0xb8;
	v63 =	vld [tilespmem:$0x0]  }
0x10f: {  	_ =	swait.ge [sflag:s0], $0x2000  }
0x110: {  	[sflag:s0] =	ssyncset.done $0x0  }
0x111: {  	s20 =	sadd.s32 $0x200, s19;
	[sflag:s0] =	ssyncadd.s32 $0xFFFFE000  }
0x112: {  	[tilespmem:s21], [sflag:$0x1] =	stream.indirect.gather [hbm4b:s1+s24], $0x80, s20, s24, $0xb8;
	v63 =	vld [tilespmem:$0x0]  }
0x113: {  	_ =	swait.ge [sflag:s3], $0x2000  }
0x114: {  	[sflag:s3] =	ssyncset.done $0x0  }
0x115: {  	s20 =	sadd.s32 $0x280, s19;
	[sflag:s3] =	ssyncadd.s32 $0xFFFFE000  }
0x116: {  	[tilespmem:s26], [sflag:$0x2] =	stream.indirect.gather [hbm4b:s1+s24], $0x80, s20, s24, $0xb8;
	v63 =	vld [tilespmem:$0x0]  }
0x117: {  	_ =	swait.ge [sflag:s4], $0x2000  }
0x118: {  	[sflag:s4] =	ssyncset.done $0x0  }
.Ltmp7:
0x119: {  	s20 =	sadd.s32 $0x300, s19;
	[sflag:s4] =	ssyncadd.s32 $0xFFFFE000;
	(pc) =	sbr.rel @p1 .LBB2_5-.Ltmp7, $4  }
0x11a: {  	[tilespmem:s29], [sflag:$0x3] =	stream.indirect.gather [hbm4b:s1+s24], $0x80, s20, s24, $0xb8;
	v63 =	vld [tilespmem:$0x0]  }
0x11b: {  	_ =	swait.ge [sflag:s9], $0x2000  }
0x11c: {  	[sflag:s9] =	ssyncset.done $0x0  }
0x11d: {  	s19 =	sadd.s32 $0x380, s19;
	[sflag:s9] =	ssyncadd.s32 $0xFFFFE000  }
0x11e: {  	[tilespmem:s31], [sflag:$0x4] =	stream.indirect.gather [hbm4b:s1+s24], $0x80, s19, s24, $0xb8;
	v63 =	vld [tilespmem:$0x0]  }
0x11f: {  	_ =	swait.ge [sflag:s0], $0x2000  }
0x120: {  	[sflag:s0] =	ssyncset.done $0x0  }
0x121: {  	[sflag:s0] =	ssyncadd.s32 $0xFFFFE000  }
0x122: {  	[spmem:s2] =	stream.indirect.scatter.add.f32 [tilespmem:s21], [sflag:$0x1], $0x80, s10, s24, $0xb8;
	v63 =	vld [tilespmem:$0x0]  }
0x123: {  	_ =	swait.ge [sflag:s3], $0x2000  }
0x124: {  	[sflag:s3] =	ssyncset.done $0x0  }
0x125: {  	[sflag:s3] =	ssyncadd.s32 $0xFFFFE000  }
0x126: {  	[spmem:s2] =	stream.indirect.scatter.add.f32 [tilespmem:s26], [sflag:$0x2], $0x80, s11, s24, $0xb8;
	v63 =	vld [tilespmem:$0x0]  }
0x127: {  	_ =	swait.ge [sflag:s4], $0x2000  }
0x128: {  	[sflag:s4] =	ssyncset.done $0x0  }
0x129: {  	[sflag:s4] =	ssyncadd.s32 $0xFFFFE000  }
0x12a: {  	[spmem:s2] =	stream.indirect.scatter.add.f32 [tilespmem:s29], [sflag:$0x3], $0x80, s12, s24, $0xb8;
	v63 =	vld [tilespmem:$0x0]  }
0x12b: {  	_ =	swait.ge [sflag:s9], $0x2000  }
0x12c: {  	[sflag:s9] =	ssyncset.done $0x0  }
0x12d: {  	[sflag:s9] =	ssyncadd.s32 $0xFFFFE000  }
0x12e: {  	[spmem:s2] =	stream.indirect.scatter.add.f32 [tilespmem:s31], [sflag:$0x4], $0x80, s13, s24, $0xb8;
	v63 =	vld [tilespmem:$0x0]  }
0x12f: {  	_ =	swait.ge [sflag:s0], $0x2000  }
0x130: {  	[sflag:s0] =	ssyncset.done $0x0  }
0x131: {  	[sflag:s0] =	ssyncadd.s32 $0xFFFFE000  }
0x132: {  	_ =	swait.ge [sflag:s3], $0x2000  }
0x133: {  	[sflag:s3] =	ssyncset.done $0x0  }
0x134: {  	s16 =	sadd.s32 $0x1, s16;
	[sflag:s3] =	ssyncadd.s32 $0xFFFFE000  }
0x135: {  	p1 =	seq.s32 s16, $0x5;
	_ =	swait.ge [sflag:s4], $0x2000  }
.Ltmp8:
0x136: {  	[sflag:s4] =	ssyncset.done $0x0;
	(pc) =	sbr.rel @!p1 .LBB2_4-.Ltmp8, $4  }
.Ltmp9:
0x137: {  	[sflag:s4] =	ssyncadd.s32 $0xFFFFE000;
	(pc) =	sbr.rel @p1 .LBB2_10-.Ltmp9, $4  }
0x138: {  	_ =	swait.ge [sflag:s9], $0x2000  }
0x139: {  	[sflag:s9] =	ssyncset.done $0x0  }
0x13a: {  	[sflag:s9] =	ssyncadd.s32 $0xFFFFE000  }
0x13b: {  	_ = 	snop  }
.LBB2_11:
0x13c: {  	_ =	sfence.sel $0x180000  }
0x13d: {  	[bflag:$0x0] =	sbarrier.arrive $0xFFFF  }
0x13e: {  	_ =	strace $0x9000004D  }
0x13f: {  	s0 =	stileid.u32;
	[bflag:$0x2] =	sbarrier.arrive $0xFFFF  }
0x140: {  	p0 =	sne.s32 s0, $0x0;
	s0 =	rddreg [dreg:$0x3]  }
0x141: {  	s0 =	sadd.s32 @!p0 $0x100000, s0  }
0x142: {  	[sflag:s0] =	ssyncadd.tile.s32 @!p0 $0x1;
	_ =	shalt  }
.Lfunc_end2:
_tile_overlayer_lowered:
.L_overlay_start_2:
0x143: {  	(tag) =	ssettag $0x2  }
0x144: {  	s0 =	rddreg [dreg:$0x0];
	s2 =	stileid.u32  }
0x145: {  	s1 =	rddreg [dreg:$0x1];
	p0 =	sne.s32 s2, $0x0  }
0x146: {  	s3 =	rddreg [dreg:$0x2];
	[bflag:$0x3] =	sbarrier.arrive $0xFFFF;
	s2 =	simm.s32 @!p0 $0x1C05  }
0x147: {  	[timem:s3], [sflag:s2] =	dma.local @!p0 [hbm:s0], s1  }
0x148: {  	s0 =	simm.s32 @!p0 $0x5  }
0x149: {  	_ =	swait.ge @!p0 [sflag:s0], s1  }
0x14a: {  	s1 =	ssub.s32 @!p0 $0x0, s1;
	[sflag:s0] =	ssyncset.done @!p0 $0x0  }
0x14b: {  	[sflag:s0] =	ssyncadd.s32 @!p0 s1  }
0x14c: {  	[bflag:$0x3] =	sbarrier.arrive $0xFFFF  }
0x14d: {  	_ =	shalt  }

// kernel: kernel.8.cloned.1.call-start
scs
__scs_entry_jumppad:
0x0: {  	(pc) =	sbr.rel $0x88, $3  }
0x1: {  	(tag) =	ssettag $0x0;
	lr =	simm.s32 $0x1  }
0x2: {  	[smem:$0x3F93] =	sst lr;
	_ =	strace $0xD0000000  }
0x3: {  	_ = 	snop  }
0x4: {  	_ = 	snop  }
0x5: {  	_ = 	snop  }
0x6: {  	_ = 	snop  }
0x7: {  	_ = 	snop  }
__scs_overlays_trampoline_lowered:
0x8: {  	[smem:$0x3FA2] =	sst s0  }
0x9: {  	[smem:$0x3FA3] =	sst s1  }
0xa: {  	[smem:$0x3FA4] =	sst s2  }
0xb: {  	[smem:$0x3FA5] =	sst s3  }
0xc: {  	[smem:$0x3FA6] =	sst s4  }
0xd: {  	[smem:$0x3FA7] =	sst s5  }
0xe: {  	[smem:$0x3FA8] =	sst s6  }
0xf: {  	[smem:$0x3FA9] =	sst s7  }
0x10: {  	[smem:$0x3FAA] =	sst s8  }
0x11: {  	[smem:$0x3FAB] =	sst s9;
	s0 =	simm.s32 @!p0 $0x0  }
0x12: {  	s1 =	sld [smem:$0x3F91];
	s0 =	simm.s32 @p0 $0x1  }
0x13: {  	[smem:$0x3FAC] =	sst s0;
	s0 =	simm.s32 @!p1 $0x0  }
0x14: {  	s2 =	sld [smem:$0x3F90];
	s0 =	simm.s32 @p1 $0x1  }
0x15: {  	[smem:$0x3FAD] =	sst s0;
	s0 =	simm.s32 @!p2 $0x0  }
0x16: {  	s3 =	sld [smem:$0x3FDB];
	s0 =	simm.s32 @p2 $0x1  }
0x17: {  	s4 =	simm.s32 $0x1BF5;
	[smem:$0x3FAF] =	sst s0  }
0x18: {  	s0 =	sld [smem:$0x3F92];
	_ =	swait.ge [sflag:s4], $0x0  }
0x19: {  	s7 =	sld [smem:$0x3F93]  }
0x1a: {  	s8 =	sadd.s32 $0xFFFFE003, lr  }
0x1b: {  	s9 =	sadd.s32 $0xFFFFFEF7, lr;
	s5 =	simm.s32 $0xFFFFFFFF;
	p2 =	slt.u32 s8, $0xFFFFF086  }
0x1c: {  	p1 =	slt.u32 s9, $0xF7A;
	s5 =	simm.s32 @!p2 $0x0  }
0x1d: {  	s5 =	simm.s32 @p1 $0x1;
	p0 =	seq.s32 s7, s2  }
0x1e: {  	s7 =	smul.u32 @!p0 $0xF7A, s2;
	p2 =	seq.s32 @!p0 s5, $0x0  }
0x1f: {  	s9 =	smul.u32 $0xF7A, s1;
	s8 =	simm.s32 @!p0 $0x1BF5;
	p2 =	por !p2, p0  }
0x20: {  	[sflag:s8] =	ssyncset.s32 @!p0 $0xFFFFF086;
	s6 =	sadd.s32 @!p0 s3, s7;
	s7 =	simm.s32 @!p0 $0x108  }
0x21: {  	s3 =	sadd.s32 s3, s9;
	s6 =	sadd.s32 @!p0 $0x88, s6;
	s7 =	simm.s32 @p2 $0x1082  }
0x22: {  	[simem:s7], [sflag:s8] =	dma.local @!p0 [hbm:s6], $0xF7A  }
0x23: {  	s9 =	sor.u32 $0xD0000000, s2;
	s6 =	simm.s32 $0x108;
	_ =	swait.ge @!p0 [sflag:s8], $0x0  }
0x24: {  	s3 =	sadd.s32 $0x88, s3;
	s6 =	simm.s32 @!p1 $0x1082;
	[sflag:s4] =	ssyncset.s32 $0xFFFFF086  }
0x25: {  	[simem:s6], [sflag:s4] =	dma.local [hbm:s3], $0xF7A  }
0x26: {  	[smem:$0x3F93] =	sst s1;
	(tag) =	ssettag s2;
	_ =	strace s9  }
0x27: {  	s1 =	sld [smem:$0x3FA3]  }
0x28: {  	s2 =	sld [smem:$0x3FA4]  }
0x29: {  	s4 =	sld [smem:$0x3FA6]  }
0x2a: {  	p0 =	seq.s32 s5, $0x0;
	s5 =	sld [smem:$0x3FA7]  }
0x2b: {  	s6 =	sld [smem:$0x3FA8]  }
0x2c: {  	s7 =	sld [smem:$0x3FA9]  }
0x2d: {  	s3 =	simm.s32 $0x108;
	s8 =	sld [smem:$0x3FAA]  }
0x2e: {  	s3 =	simm.s32 @!p0 $0x1082;
	s9 =	sld [smem:$0x3FAB]  }
0x2f: {  	lr =	sadd.s32 s0, s3;
	s0 =	sld [smem:$0x3FA2]  }
0x30: {  	s3 =	sld [smem:$0x3FA5]  }
0x31: {  	[smem:$0x3FAE] =	sst s10  }
0x32: {  	s10 =	sld [smem:$0x3FAC];
	_ =	sdelay $0x3  }
0x33: {  	p0 =	seq.s32 s10, $0x1;
	s10 =	sld [smem:$0x3FAE];
	_ =	sdelay $0x3  }
0x34: {  	[smem:$0x3FAE] =	sst s10  }
0x35: {  	s10 =	sld [smem:$0x3FAD];
	_ =	sdelay $0x3  }
0x36: {  	p1 =	seq.s32 s10, $0x1;
	s10 =	sld [smem:$0x3FAE];
	_ =	sdelay $0x3  }
0x37: {  	[smem:$0x3FAE] =	sst s10  }
0x38: {  	s10 =	sld [smem:$0x3FAF]  }
0x39: {  	_ = 	snop;
	(pc) =	sbr.ind lr, $3  }
0x3a: {  	_ = 	snop  }
0x3b: {  	_ = 	snop  }
0x3c: {  	p2 =	seq.s32 s10, $0x1;
	s10 =	sld [smem:$0x3FAE]  }
0x3d: {  	_ =	shalt  }
0x3e: {  	_ =	shalt  }
0x3f: {  	_ =	shalt  }
0x40: {  	_ =	shalt  }
0x41: {  	_ =	shalt  }
0x42: {  	_ =	shalt  }
0x43: {  	_ =	shalt  }
0x44: {  	_ =	shalt  }
0x45: {  	_ =	shalt  }
0x46: {  	_ =	shalt  }
0x47: {  	_ =	shalt  }
0x48: {  	_ =	shalt  }
0x49: {  	_ =	shalt  }
0x4a: {  	_ =	shalt  }
0x4b: {  	_ =	shalt  }
0x4c: {  	_ =	shalt  }
0x4d: {  	_ =	shalt  }
0x4e: {  	_ =	shalt  }
0x4f: {  	_ =	shalt  }
0x50: {  	_ =	shalt  }
0x51: {  	_ =	shalt  }
0x52: {  	_ =	shalt  }
0x53: {  	_ =	shalt  }
0x54: {  	_ =	shalt  }
0x55: {  	_ =	shalt  }
0x56: {  	_ =	shalt  }
0x57: {  	_ =	shalt  }
0x58: {  	_ =	shalt  }
0x59: {  	_ =	shalt  }
0x5a: {  	_ =	shalt  }
0x5b: {  	_ =	shalt  }
0x5c: {  	_ =	shalt  }
0x5d: {  	_ =	shalt  }
0x5e: {  	_ =	shalt  }
0x5f: {  	_ =	shalt  }
0x60: {  	_ =	shalt  }
0x61: {  	_ =	shalt  }
0x62: {  	_ =	shalt  }
0x63: {  	_ =	shalt  }
0x64: {  	_ =	shalt  }
0x65: {  	_ =	shalt  }
0x66: {  	_ =	shalt  }
0x67: {  	_ =	shalt  }
0x68: {  	_ =	shalt  }
0x69: {  	_ =	shalt  }
0x6a: {  	_ =	shalt  }
0x6b: {  	_ =	shalt  }
0x6c: {  	_ =	shalt  }
0x6d: {  	_ =	shalt  }
0x6e: {  	_ =	shalt  }
0x6f: {  	_ =	shalt  }
0x70: {  	_ =	shalt  }
0x71: {  	_ =	shalt  }
0x72: {  	_ =	shalt  }
0x73: {  	_ =	shalt  }
0x74: {  	_ =	shalt  }
0x75: {  	_ =	shalt  }
0x76: {  	_ =	shalt  }
0x77: {  	_ =	shalt  }
0x78: {  	_ =	shalt  }
0x79: {  	_ =	shalt  }
0x7a: {  	_ =	shalt  }
0x7b: {  	_ =	shalt  }
0x7c: {  	_ =	shalt  }
0x7d: {  	_ =	shalt  }
0x7e: {  	_ =	shalt  }
0x7f: {  	_ =	shalt  }
0x80: {  	_ =	shalt  }
0x81: {  	_ =	shalt  }
0x82: {  	_ =	shalt  }
0x83: {  	_ =	shalt  }
0x84: {  	_ =	shalt  }
0x85: {  	_ =	shalt  }
0x86: {  	_ =	shalt  }
0x87: {  	_ =	shalt  }
.Lfunc_end0:
.L_simem_size_0:
called_computation_lowered:
.L_overlay_start_0:
0x88: {  	s2 =	sld [smem:$0x3FD9]  }
0x89: {  	s3 =	sld [smem:$0x3FFE];
	_ =	sdelay $0x1  }
0x8a: {  	s1 =	srdreg.scid  }
0x8b: {  	s0 =	sand.u32 $0x1, s1  }
0x8c: {  	s17 =	sshll.u32 s0, $0xA;
	s2 =	sadd.s32 s3, s2  }
0x8d: {  	s2 =	sadd.s32 s2, s17  }
0x8e: {  	[smem:$0x3FBA] =	sst s2  }
0x8f: {  	_ = 	snop  }
0x90: {  	s2 =	sld [smem:$0x3FC9]  }
0x91: {  	s18 =	sld [smem:$0x3FD0];
	(tm) =	ssettm $0x1  }
0x92: {  	s4 =	sld [smem:$0x3FFB];
	_ =	sdelay $0x3  }
0x93: {  	_ =	strace s4  }
0x94: {  	s4 =	sld [smem:$0x3FFC];
	_ =	sdelay $0x3  }
0x95: {  	_ =	strace s4  }
0x96: {  	s4 =	sld [smem:$0x3FFD];
	_ =	sdelay $0x3  }
0x97: {  	_ =	strace s4  }
0x98: {  	_ =	strace $0x8FFFFFFF  }
0x99: {  	s19 =	sld [smem:$0x3FDB];
	_ =	sdelay $0x1  }
0x9a: {  	s5 =	simm.s32 $_scs_section_size  }
0x9b: {  	s6 =	simm.s32 $_size__tile_overlayer_lowered;
	s7 =	simm.s32 $_tile_overlayer_lowered  }
0x9c: {  	s22 =	simm.s32 $0x1BFF;
	s21 =	sshll.u32 s7, $0x1;
	s4 =	sadd.s32 s5, s19  }
0x9d: {  	s8 =	simm.s32 $0x0;
	s20 =	sshll.u32 s6, $0x1;
	s6 =	sadd.s32 s21, s4  }
0x9e: {  	[timem:s8], [sflag:s22] =	dma.local [hbm:s6], s20  }
0x9f: {  	_ =	swait.ge [sflag:s22], s20  }
0xa0: {  	s5 =	ssub.s32 $0x0, s20;
	[sflag:s22] =	ssyncset.done $0x0  }
0xa1: {  	[sflag:s22] =	ssyncadd.s32 s5;
	_ =	sdelay $0x1  }
0xa2: {  	s23 =	simm.s32 $0x1B8B  }
0xa3: {  	_ =	swait.ge [sflag:s23], $0x1  }
0xa4: {  	[sflag:s23] =	ssyncset.done $0x0  }
0xa5: {  	s25 =	simm.s32 $0x1B8E;
	s24 =	sld [smem:$0x3FFE];
	[sflag:s23] =	ssyncadd.s32 $0xFFFFFFFF  }
0xa6: {  	s26 =	simm.s32 $execute0_lowered;
	[smem:$0x3FD2] =	sst s25  }
0xa7: {  	s6 =	sshll.u32 s26, $0x1;
	_ =	strace $0x80000046;
	[dreg:$0x1] =	wrdreg $0xFFFFFFFF  }
0xa8: {  	s28 =	simm.s32 $_size_execute0_lowered;
	s4 =	sadd.s32 s4, s6;
	[dreg:$0x0] =	wrdreg $0x0  }
0xa9: {  	s6 =	sshll.u32 s28, $0x1;
	[dreg:$0x2] =	wrdreg s4  }
0xaa: {  	[dreg:$0x3] =	wrdreg s6  }
0xab: {  	[dreg:$0x4] =	wrdreg $0xC0  }
0xac: {  	_ =	task [dreg:s8], $0x5FFFF  }
0xad: {  	[dreg:$0x1] =	wrdreg $0xFFFFFFFF  }
0xae: {  	[dreg:$0x0] =	wrdreg $0x60  }
0xaf: {  	[dreg:$0x2] =	wrdreg s2  }
0xb0: {  	[dreg:$0x3] =	wrdreg s24  }
0xb1: {  	[dreg:$0x4] =	wrdreg s18  }
0xb2: {  	[dreg:$0x5] =	wrdreg $0xA3000  }
0xb3: {  	[dreg:$0x6] =	wrdreg $0x1E3000  }
0xb4: {  	[dreg:$0x7] =	wrdreg $0x9  }
0xb5: {  	_ =	task.clear_ibuf [dreg:s8], $0x8FFFF;
	_ =	strace $0x90000046  }
0xb6: {  	s29 =	simm.s32 $0x9;
	_ =	strace $0x80000048  }
0xb7: {  	_ =	swait.ge [sflag:s29], $0x1  }
0xb8: {  	[sflag:s29] =	ssyncadd.s32 $0xFFFFFFFF  }
0xb9: {  	_ =	strace $0x90000048  }
0xba: {  	_ =	sfence  }
0xbb: {  	s30 =	sld [smem:$0x0];
	_ =	sdelay $0x2  }
0xbc: {  	s31 =	sshll.u32 s1, $0xD;
	s1 =	sshrl.u32 s1, $0x2  }
0xbd: {  	s3 =	sand.u32 $0x4000, s31;
	s1 =	sadd.s32 s1, s30  }
0xbe: {  	s0 =	sor.u32 s3, s0;
	s1 =	sshll.u32 s1, $0x11  }
0xbf: {  	s0 =	sor.u32 s1, s0  }
0xc0: {  	s0 =	sadd.s32 $0x8F2B, s0  }
0xc1: {  	[sflag:s0] =	ssyncadd.remote.s32 $0x1  }
0xc2: {  	_ =	sfence.sel $0xFFFF  }
0xc3: {  	[dreg:$0x0] =	wrdreg $0xFFFFFFFF;
	(pc) =	sbr.abs _section_cstart, $3  }
0xc4: {  	[dreg:$0x1] =	wrdreg $0xFFFFFFFF  }
0xc5: {  	_ =	task.clear_ibuf [dreg:s8], $0x2FFFF;
	_ =	strace $0x9FFFFFFF  }
0xc6: {  	(tm) =	ssettm $0x7FFFFFFF  }
0xc7: {  	_ =	shalt  }
tec
execute0_lowered:
.L_overlay_start_1:
0x0: {  	(tag) =	ssettag $0x1  }
0x1: {  	s0 =	rddreg [dreg:$0x0]  }
0x2: {  	s1 =	rddreg [dreg:$0x1]  }
0x3: {  	s2 =	rddreg [dreg:$0x2]  }
0x4: {  	s3 =	rddreg [dreg:$0x3]  }
0x5: {  	s5 =	srdreg.scid;
	s12 =	stileid.u32  }
0x6: {  	s4 =	rddreg [dreg:$0x4];
	s6 =	simm.s32 $0x0;
	s9 =	smul.u32 $0x14000, s12  }
0x7: {  	s28 =	simm.s32 $0x40;
	s29 =	simm.s32 $0x80;
	s10 =	smul.u32 $0x50000, s12  }
0x8: {  	s30 =	simm.s32 $0x4000;
	s31 =	simm.s32 $0x100;
	s19 =	smul.u32 $0xA00, s12  }
0x9: {  	s5 =	sand.u32 $0x1, s5;
	[smem:$0x7FF] =	sst s6;
	s22 =	smul.u32 $0x500, s12  }
0xa: {  	s6 =	sadd.s32 $0x19A00, s1;
	s7 =	sadd.s32 $0x5A00, s1;
	s8 =	smul.u32 $0x140000, s5  }
0xb: {  	_ =	strace $0x80000047;
	s25 =	ssub.s32 $0x2, s5;
	s24 =	sshll.u32 s5, $0x4  }
0xc: {  	s5 =	sshll.u32 s5, $0x7;
	s10 =	sshrl.u32 s10, $0x2;
	s11 =	sshrl.u32 s25, $0x1  }
0xd: {  	s5 =	sor.u32 s5, s22;
	s8 =	sadd.s32 s9, s8;
	s20 =	sadd.s32 s10, s3  }
0xe: {  	s26 =	ssub.s32 s25, s11;
	s13 =	sadd.s32 $0x2000, s20;
	[dreg:$0x6] =	wrdreg s20  }
0xf: {  	s9 =	sshrl.u32 s19, $0x2;
	s14 =	sadd.s32 $0x4000, s20;
	[dreg:$0x7] =	wrdreg s13  }
0x10: {  	s11 =	sor.u32 s12, s24;
	s15 =	sadd.s32 $0x6000, s20;
	[dreg:$0x8] =	wrdreg s14  }
0x11: {  	s5 =	sshrl.u32 s5, $0x3;
	s16 =	sadd.s32 $0x8000, s20;
	[dreg:$0x9] =	wrdreg s15  }
0x12: {  	s24 =	simm.s32 $0x6;
	s17 =	sadd.s32 $0xA000, s20;
	[dreg:$0xa] =	wrdreg s16  }
0x13: {  	s12 =	simm.s32 $0x4;
	s18 =	sadd.s32 $0xC000, s20;
	[dreg:$0xb] =	wrdreg s17  }
0x14: {  	s8 =	sshrl.u32 s8, $0x3;
	s10 =	sadd.s32 $0xE000, s20;
	[dreg:$0xc] =	wrdreg s18  }
0x15: {  	s21 =	sadd.s32 $0x10000, s20;
	s23 =	sadd.s32 $0x12000, s20;
	[dreg:$0xd] =	wrdreg s10  }
0x16: {  	s9 =	sadd.s32 s9, s4;
	s19 =	smul.u32 $0x5000, s11;
	[dreg:$0xe] =	wrdreg s21  }
0x17: {  	s25 =	sadd.s32 s2, s5;
	s26 =	smax.u32 s26, $0x1;
	[dreg:$0xf] =	wrdreg s23  }
0x18: {  	s2 =	simm.s32 $0x8000;
	s5 =	simm.s32 $0x1;
	[dreg:$0x10] =	wrdreg s9  }
0x19: {  	s11 =	simm.s32 $0x3;
	s1 =	sadd.s32 s8, s1;
	[dreg:$0x12] =	wrdreg s25  }
0x1a: {  	[dreg:$0x13] =	wrdreg s26;
	s23 =	simm.s32 $0x2000;
	s26 =	simm.s32 $0x1000  }
0x1b: {  	s25 =	simm.s32 $0x180;
	s9 =	simm.s32 $0xA000;
	s10 =	simm.s32 $0x2  }
0x1c: {  	s13 =	simm.s32 $0x1E00;
	s14 =	simm.s32 $0x1E80;
	s15 =	simm.s32 $0x1F00  }
0x1d: {  	s16 =	simm.s32 $0x1F80;
	s17 =	simm.s32 $0x5;
	s1 =	sadd.s32 $0x2DA00, s1  }
0x1e: {  	v0 =	vimm.f32 $0.0e+00;
	v1 =	vimm.f32 $1.000000000e+00;
	s18 =	simm.s32 $0x0;
	[dreg:$0x11] =	wrdreg s1;
	s1 =	simm.s32 $0x6000  }
.LBB2_1:
0x1f: {  	s22 =	simm.s32 $0x0  }
0x20: {  	s8 =	sand.u32 $0x7E00, s22  }
0x21: {  	[dreg:$0x14] =	wrdreg s18;
	s18 =	sand.u32 $0x70, s22;
	s21 =	sshrl.u32 s8, $0x2  }
0x22: {  	s8 =	simm.s32 $0x40;
	s21 =	sor.u32 s18, s21;
	s18 =	simm.s32 $0x0  }
.LBB2_2:
0x23: {  	p0 =	sne.s32 s8, $0x7FC0  }
0x24: {  	[tilespmem:s21+$0x2000] =	vst v0;
	s18 =	sadd.s32 $0x10, s18;
	s21 =	smov.u32 s8;
	s8 =	sadd.s32 $0x40, s8  }
.Ltmp0:
0x25: {  	(pc) =	sbr.rel @p0 .LBB2_2-.Ltmp0, $4  }
0x26: {  	_ = 	snop  }
0x27: {  	s21 =	sand.u32 $0x7E00, s21  }
0x28: {  	s22 =	sand.u32 $0x70, s18;
	s21 =	sshrl.u32 s21, $0x2  }
0x29: {  	s21 =	sor.u32 s22, s21  }
0x2a: {  	[tilespmem:s21+$0x2000] =	vst v0  }
0x2b: {  	[spmem:s20] =	stream.linear.scatter [tilespmem:s23], [sflag:$0x6], $0x2000, $0x38;
	[tilespmem:$0x1E580] =	vst v63  }
0x2c: {  	_ =	swait.ge [sflag:s24], $0x2000  }
0x2d: {  	[sflag:s24] =	ssyncset.done $0x0  }
0x2e: {  	s8 =	rddreg [dreg:$0x7];
	[sflag:s24] =	ssyncadd.s32 $0xFFFFE000  }
0x2f: {  	[spmem:s8] =	stream.linear.scatter [tilespmem:s23], [sflag:$0x6], $0x2000, $0x38;
	[tilespmem:$0x1E580] =	vst v63  }
0x30: {  	_ =	swait.ge [sflag:s24], $0x2000  }
0x31: {  	[sflag:s24] =	ssyncset.done $0x0  }
0x32: {  	s22 =	rddreg [dreg:$0x8];
	[sflag:s24] =	ssyncadd.s32 $0xFFFFE000  }
0x33: {  	[spmem:s22] =	stream.linear.scatter [tilespmem:s23], [sflag:$0x6], $0x2000, $0x38;
	[tilespmem:$0x1E580] =	vst v63  }
0x34: {  	_ =	swait.ge [sflag:s24], $0x2000  }
0x35: {  	[sflag:s24] =	ssyncset.done $0x0  }
0x36: {  	s18 =	rddreg [dreg:$0x9];
	[sflag:s24] =	ssyncadd.s32 $0xFFFFE000  }
0x37: {  	[spmem:s18] =	stream.linear.scatter [tilespmem:s23], [sflag:$0x6], $0x2000, $0x38;
	[tilespmem:$0x1E580] =	vst v63  }
0x38: {  	_ =	swait.ge [sflag:s24], $0x2000  }
0x39: {  	[sflag:s24] =	ssyncset.done $0x0  }
0x3a: {  	s20 =	rddreg [dreg:$0xa];
	[sflag:s24] =	ssyncadd.s32 $0xFFFFE000  }
0x3b: {  	[spmem:s20] =	stream.linear.scatter [tilespmem:s23], [sflag:$0x6], $0x2000, $0x38;
	[tilespmem:$0x1E580] =	vst v63  }
0x3c: {  	_ =	swait.ge [sflag:s24], $0x2000  }
0x3d: {  	[sflag:s24] =	ssyncset.done $0x0  }
0x3e: {  	s21 =	rddreg [dreg:$0xb];
	[sflag:s24] =	ssyncadd.s32 $0xFFFFE000  }
0x3f: {  	[spmem:s21] =	stream.linear.scatter [tilespmem:s23], [sflag:$0x6], $0x2000, $0x38;
	[tilespmem:$0x1E580] =	vst v63  }
0x40: {  	_ =	swait.ge [sflag:s24], $0x2000  }
0x41: {  	[sflag:s24] =	ssyncset.done $0x0  }
0x42: {  	s22 =	rddreg [dreg:$0xc];
	[sflag:s24] =	ssyncadd.s32 $0xFFFFE000  }
0x43: {  	[spmem:s22] =	stream.linear.scatter [tilespmem:s23], [sflag:$0x6], $0x2000, $0x38;
	[tilespmem:$0x1E580] =	vst v63  }
0x44: {  	_ =	swait.ge [sflag:s24], $0x2000  }
0x45: {  	[sflag:s24] =	ssyncset.done $0x0  }
0x46: {  	s18 =	rddreg [dreg:$0xd];
	[sflag:s24] =	ssyncadd.s32 $0xFFFFE000  }
0x47: {  	[spmem:s18] =	stream.linear.scatter [tilespmem:s23], [sflag:$0x6], $0x2000, $0x38;
	[tilespmem:$0x1E580] =	vst v63  }
0x48: {  	_ =	swait.ge [sflag:s24], $0x2000  }
0x49: {  	[sflag:s24] =	ssyncset.done $0x0  }
0x4a: {  	s20 =	rddreg [dreg:$0xe];
	[sflag:s24] =	ssyncadd.s32 $0xFFFFE000  }
0x4b: {  	[spmem:s20] =	stream.linear.scatter [tilespmem:s23], [sflag:$0x6], $0x2000, $0x38;
	[tilespmem:$0x1E580] =	vst v63  }
0x4c: {  	_ =	swait.ge [sflag:s24], $0x2000  }
0x4d: {  	[sflag:s24] =	ssyncset.done $0x0  }
0x4e: {  	s21 =	rddreg [dreg:$0xf];
	[sflag:s24] =	ssyncadd.s32 $0xFFFFE000  }
0x4f: {  	[spmem:s21] =	stream.linear.scatter [tilespmem:s23], [sflag:$0x6], $0x2000, $0x38;
	[tilespmem:$0x1E580] =	vst v63  }
0x50: {  	_ =	swait.ge [sflag:s24], $0x2000  }
0x51: {  	[sflag:s24] =	ssyncset.done $0x0  }
0x52: {  	[sflag:s24] =	ssyncadd.s32 $0xFFFFE000  }
0x53: {  	[tilespmem:$0xA080] =	vst v0  }
0x54: {  	[tilespmem:$0xA090] =	vst v0  }
0x55: {  	[tilespmem:$0xA0A0] =	vst v0  }
0x56: {  	[tilespmem:$0xA0B0] =	vst v0  }
0x57: {  	[tilespmem:$0xA0C0] =	vst v0  }
0x58: {  	[tilespmem:$0xA0D0] =	vst v0  }
0x59: {  	[tilespmem:$0xA0E0] =	vst v0  }
0x5a: {  	[tilespmem:$0xA0F0] =	vst v0  }
0x5b: {  	[tilespmem:$0xA100] =	vst v0  }
0x5c: {  	[tilespmem:$0xA110] =	vst v0  }
0x5d: {  	[tilespmem:$0xA120] =	vst v0  }
0x5e: {  	[tilespmem:$0xA130] =	vst v0  }
0x5f: {  	[tilespmem:$0xA140] =	vst v0  }
0x60: {  	[tilespmem:$0xA150] =	vst v0  }
0x61: {  	[tilespmem:$0xA160] =	vst v0  }
0x62: {  	[tilespmem:$0xA170] =	vst v0  }
0x63: {  	[tilespmem:$0xA180] =	vst v0  }
0x64: {  	[tilespmem:$0xA190] =	vst v0  }
0x65: {  	[tilespmem:$0xA1A0] =	vst v0  }
0x66: {  	[tilespmem:$0xA1B0] =	vst v0  }
0x67: {  	[tilespmem:$0xA1C0] =	vst v0  }
0x68: {  	[tilespmem:$0xA1D0] =	vst v0  }
0x69: {  	[tilespmem:$0xA1E0] =	vst v0  }
0x6a: {  	[tilespmem:$0xA1F0] =	vst v0  }
0x6b: {  	[tilespmem:$0xA200] =	vst v0  }
0x6c: {  	[tilespmem:$0xA210] =	vst v0  }
0x6d: {  	[tilespmem:$0xA220] =	vst v0  }
0x6e: {  	[tilespmem:$0xA230] =	vst v0  }
0x6f: {  	[tilespmem:$0xA240] =	vst v0  }
0x70: {  	[tilespmem:$0xA250] =	vst v0  }
0x71: {  	[tilespmem:$0xA260] =	vst v0  }
0x72: {  	[tilespmem:$0xA270] =	vst v0  }
0x73: {  	[tilespmem:$0xA280] =	vst v0  }
0x74: {  	[tilespmem:$0xA290] =	vst v0  }
0x75: {  	[tilespmem:$0xA2A0] =	vst v0  }
0x76: {  	[tilespmem:$0xA2B0] =	vst v0  }
0x77: {  	[tilespmem:$0xA2C0] =	vst v0  }
0x78: {  	[tilespmem:$0xA2D0] =	vst v0  }
0x79: {  	[tilespmem:$0xA2E0] =	vst v0  }
0x7a: {  	s18 =	simm.s32 $0xA080;
	s22 =	rddreg [dreg:$0x10];
	[tilespmem:$0xA2F0] =	vst v0  }
0x7b: {  	[spmem:s22] =	stream.linear.scatter [tilespmem:s18], [sflag:$0x6], $0x280, $0x38;
	[tilespmem:$0x1E580] =	vst v63  }
0x7c: {  	_ =	swait.ge [sflag:s24], $0x280  }
0x7d: {  	[sflag:s24] =	ssyncset.done $0x0  }
0x7e: {  	[sflag:s24] =	ssyncadd.s32 $0xFFFFFD80  }
0x7f: {  	[tilespmem:$0xA000] =	vst v1  }
0x80: {  	[tilespmem:$0xA010] =	vst v1  }
0x81: {  	[tilespmem:$0xA020] =	vst v1  }
0x82: {  	[tilespmem:$0xA030] =	vst v1  }
0x83: {  	s21 =	simm.s32 $0x0;
	s22 =	simm.s32 $0x0;
	[bflag:$0x0] =	sbarrier.arrive $0xFFFF  }
.LBB2_4:
0x84: {  	s8 =	sshll.u32 s22, $0xC  }
0x85: {  	s8 =	sadd.s32 s19, s8  }
0x86: {  	s8 =	sshrl.u32 s8, $0x3  }
0x87: {  	s18 =	sadd.s32 s6, s8  }
0x88: {  	[tilespmem:s21], [sflag:$0x6] =	stream.linear.gather [hbm4b:s18+s21], $0x1000, $0x38;
	[tilespmem:$0x1E580] =	vst v63  }
0x89: {  	_ =	swait.ge [sflag:s24], $0x1000  }
0x8a: {  	[sflag:s24] =	ssyncset.done $0x0  }
0x8b: {  	s8 =	sadd.s32 s7, s8;
	[sflag:s24] =	ssyncadd.s32 $0xFFFFF000  }
0x8c: {  	[tilespmem:s26], [sflag:$0x6] =	stream.linear.gather [hbm4b:s8+s21], $0x1000, $0x38;
	[tilespmem:$0x1E580] =	vst v63  }
0x8d: {  	_ =	swait.ge [sflag:s24], $0x1000  }
0x8e: {  	[sflag:s24] =	ssyncset.done $0x0  }
0x8f: {  	[sflag:s24] =	ssyncadd.s32 $0xFFFFF000  }
0x90: {  	[tilespmem:s23], [sflag:$0x1] =	stream.indirect.gather [hbm4b:s0+s28], $0x80, s21, s28, $0xb8;
	[tilespmem:$0x1E580] =	vst v63  }
0x91: {  	_ = 	snop  }
0x92: {  	[tilespmem:s30], [sflag:$0x2] =	stream.indirect.gather [hbm4b:s0+s28], $0x80, s29, s28, $0xb8;
	[tilespmem:$0x1E580] =	vst v63  }
0x93: {  	_ = 	snop  }
0x94: {  	[tilespmem:s1], [sflag:$0x3] =	stream.indirect.gather [hbm4b:s0+s28], $0x80, s31, s28, $0xb8;
	[tilespmem:$0x1E580] =	vst v63  }
0x95: {  	_ = 	snop  }
0x96: {  	[tilespmem:s2], [sflag:$0x4] =	stream.indirect.gather [hbm4b:s0+s28], $0x80, s25, s28, $0xb8;
	[tilespmem:$0x1E580] =	vst v63  }
0x97: {  	_ =	swait.ge [sflag:s5], $0x2000  }
0x98: {  	[sflag:s5] =	ssyncset.done $0x0  }
0x99: {  	s20 =	simm.s32 $0x1000;
	[sflag:s5] =	ssyncadd.s32 $0xFFFFE000  }
0x9a: {  	[spmem:s3] =	stream.indirect.scatter.add.f32 [tilespmem:s23], [sflag:$0x1], $0x80, s20, s28, $0xb8;
	[tilespmem:$0x1E580] =	vst v63  }
0x9b: {  	_ = 	snop  }
0x9c: {  	[spmem:s4] =	stream.indirect.scatter.add.f32 [tilespmem:s9], [sflag:$0x5], $0x1, s20, s28, $0xb8;
	[tilespmem:$0x1E580] =	vst v63  }
0x9d: {  	_ =	swait.ge [sflag:s10], $0x2000  }
0x9e: {  	[sflag:s10] =	ssyncset.done $0x0  }
0x9f: {  	s18 =	simm.s32 $0x1080;
	[sflag:s10] =	ssyncadd.s32 $0xFFFFE000  }
0xa0: {  	[spmem:s3] =	stream.indirect.scatter.add.f32 [tilespmem:s30], [sflag:$0x2], $0x80, s18, s28, $0xb8;
	[tilespmem:$0x1E580] =	vst v63  }
0xa1: {  	_ = 	snop  }
0xa2: {  	[spmem:s4] =	stream.indirect.scatter.add.f32 [tilespmem:s9], [sflag:$0x5], $0x1, s18, s28, $0xb8;
	[tilespmem:$0x1E580] =	vst v63  }
0xa3: {  	_ =	swait.ge [sflag:s11], $0x2000  }
0xa4: {  	[sflag:s11] =	ssyncset.done $0x0  }
0xa5: {  	s20 =	simm.s32 $0x1100;
	[sflag:s11] =	ssyncadd.s32 $0xFFFFE000  }
0xa6: {  	[spmem:s3] =	stream.indirect.scatter.add.f32 [tilespmem:s1], [sflag:$0x3], $0x80, s20, s28, $0xb8;
	[tilespmem:$0x1E580] =	vst v63  }
0xa7: {  	_ = 	snop  }
0xa8: {  	[spmem:s4] =	stream.indirect.scatter.add.f32 [tilespmem:s9], [sflag:$0x5], $0x1, s20, s28, $0xb8;
	[tilespmem:$0x1E580] =	vst v63  }
0xa9: {  	_ =	swait.ge [sflag:s12], $0x2000  }
0xaa: {  	[sflag:s12] =	ssyncset.done $0x0  }
0xab: {  	s18 =	simm.s32 $0x1180;
	[sflag:s12] =	ssyncadd.s32 $0xFFFFE000  }
0xac: {  	[spmem:s3] =	stream.indirect.scatter.add.f32 [tilespmem:s2], [sflag:$0x4], $0x80, s18, s28, $0xb8;
	[tilespmem:$0x1E580] =	vst v63  }
0xad: {  	_ = 	snop  }
0xae: {  	[spmem:s4] =	stream.indirect.scatter.add.f32 [tilespmem:s9], [sflag:$0x5], $0x1, s18, s28, $0xb8;
	[tilespmem:$0x1E580] =	vst v63  }
0xaf: {  	_ =	swait.ge [sflag:s5], $0x2000  }
0xb0: {  	[sflag:s5] =	ssyncset.done $0x0  }
0xb1: {  	s20 =	simm.s32 $0x200;
	[sflag:s5] =	ssyncadd.s32 $0xFFFFE000  }
0xb2: {  	[tilespmem:s23], [sflag:$0x1] =	stream.indirect.gather [hbm4b:s0+s28], $0x80, s20, s28, $0xb8;
	[tilespmem:$0x1E580] =	vst v63  }
0xb3: {  	_ =	swait.ge [sflag:s10], $0x2000  }
0xb4: {  	[sflag:s10] =	ssyncset.done $0x0  }
0xb5: {  	s18 =	simm.s32 $0x280;
	[sflag:s10] =	ssyncadd.s32 $0xFFFFE000  }
0xb6: {  	[tilespmem:s30], [sflag:$0x2] =	stream.indirect.gather [hbm4b:s0+s28], $0x80, s18, s28, $0xb8;
	[tilespmem:$0x1E580] =	vst v63  }
0xb7: {  	_ =	swait.ge [sflag:s11], $0x2000  }
0xb8: {  	[sflag:s11] =	ssyncset.done $0x0  }
0xb9: {  	s20 =	simm.s32 $0x300;
	[sflag:s11] =	ssyncadd.s32 $0xFFFFE000  }
0xba: {  	[tilespmem:s1], [sflag:$0x3] =	stream.indirect.gather [hbm4b:s0+s28], $0x80, s20, s28, $0xb8;
	[tilespmem:$0x1E580] =	vst v63  }
0xbb: {  	_ =	swait.ge [sflag:s12], $0x2000  }
0xbc: {  	[sflag:s12] =	ssyncset.done $0x0  }
0xbd: {  	s8 =	simm.s32 $0x380;
	s18 =	simm.s32 $0x800;
	[sflag:s12] =	ssyncadd.s32 $0xFFFFE000  }
.LBB2_5:
0xbe: {  	[tilespmem:s2], [sflag:$0x4] =	stream.indirect.gather [hbm4b:s0+s28], $0x80, s8, s28, $0xb8;
	[tilespmem:$0x1E580] =	vst v63  }
0xbf: {  	s8 =	smov.u32 s18  }
0xc0: {  	p0 =	sne.s32 s18, $0x3000;
	s18 =	sadd.s32 $0x800, s18;
	_ =	swait.ge [sflag:s5], $0x2000  }
0xc1: {  	s8 =	sshra.s32 s8, $0x2;
	[sflag:s5] =	ssyncset.done $0x0  }
0xc2: {  	s20 =	sadd.s32 $0x1000, s8;
	[sflag:s5] =	ssyncadd.s32 $0xFFFFE000  }
0xc3: {  	[spmem:s3] =	stream.indirect.scatter.add.f32 [tilespmem:s23], [sflag:$0x1], $0x80, s20, s28, $0xb8;
	[tilespmem:$0x1E580] =	vst v63  }
0xc4: {  	_ = 	snop  }
0xc5: {  	[spmem:s4] =	stream.indirect.scatter.add.f32 [tilespmem:s9], [sflag:$0x5], $0x1, s20, s28, $0xb8;
	[tilespmem:$0x1E580] =	vst v63  }
0xc6: {  	_ =	swait.ge [sflag:s10], $0x2000  }
0xc7: {  	[sflag:s10] =	ssyncset.done $0x0  }
0xc8: {  	s20 =	sadd.s32 $0x1080, s8;
	[sflag:s10] =	ssyncadd.s32 $0xFFFFE000  }
0xc9: {  	[spmem:s3] =	stream.indirect.scatter.add.f32 [tilespmem:s30], [sflag:$0x2], $0x80, s20, s28, $0xb8;
	[tilespmem:$0x1E580] =	vst v63  }
0xca: {  	_ = 	snop  }
0xcb: {  	[spmem:s4] =	stream.indirect.scatter.add.f32 [tilespmem:s9], [sflag:$0x5], $0x1, s20, s28, $0xb8;
	[tilespmem:$0x1E580] =	vst v63  }
0xcc: {  	_ =	swait.ge [sflag:s11], $0x2000  }
0xcd: {  	[sflag:s11] =	ssyncset.done $0x0  }
0xce: {  	s20 =	sadd.s32 $0x1100, s8;
	[sflag:s11] =	ssyncadd.s32 $0xFFFFE000  }
0xcf: {  	[spmem:s3] =	stream.indirect.scatter.add.f32 [tilespmem:s1], [sflag:$0x3], $0x80, s20, s28, $0xb8;
	[tilespmem:$0x1E580] =	vst v63  }
0xd0: {  	_ = 	snop  }
0xd1: {  	[spmem:s4] =	stream.indirect.scatter.add.f32 [tilespmem:s9], [sflag:$0x5], $0x1, s20, s28, $0xb8;
	[tilespmem:$0x1E580] =	vst v63  }
0xd2: {  	_ =	swait.ge [sflag:s12], $0x2000  }
0xd3: {  	[sflag:s12] =	ssyncset.done $0x0  }
0xd4: {  	s20 =	sadd.s32 $0x1180, s8;
	[sflag:s12] =	ssyncadd.s32 $0xFFFFE000  }
0xd5: {  	[spmem:s3] =	stream.indirect.scatter.add.f32 [tilespmem:s2], [sflag:$0x4], $0x80, s20, s28, $0xb8;
	[tilespmem:$0x1E580] =	vst v63  }
0xd6: {  	_ = 	snop  }
0xd7: {  	[spmem:s4] =	stream.indirect.scatter.add.f32 [tilespmem:s9], [sflag:$0x5], $0x1, s20, s28, $0xb8;
	[tilespmem:$0x1E580] =	vst v63  }
0xd8: {  	_ =	swait.ge [sflag:s5], $0x2000  }
0xd9: {  	[sflag:s5] =	ssyncset.done $0x0  }
0xda: {  	s20 =	sadd.s32 $0x200, s8;
	[sflag:s5] =	ssyncadd.s32 $0xFFFFE000  }
0xdb: {  	[tilespmem:s23], [sflag:$0x1] =	stream.indirect.gather [hbm4b:s0+s28], $0x80, s20, s28, $0xb8;
	[tilespmem:$0x1E580] =	vst v63  }
0xdc: {  	_ =	swait.ge [sflag:s10], $0x2000  }
0xdd: {  	[sflag:s10] =	ssyncset.done $0x0  }
0xde: {  	s20 =	sadd.s32 $0x280, s8;
	[sflag:s10] =	ssyncadd.s32 $0xFFFFE000  }
0xdf: {  	[tilespmem:s30], [sflag:$0x2] =	stream.indirect.gather [hbm4b:s0+s28], $0x80, s20, s28, $0xb8;
	[tilespmem:$0x1E580] =	vst v63  }
0xe0: {  	_ =	swait.ge [sflag:s11], $0x2000  }
0xe1: {  	[sflag:s11] =	ssyncset.done $0x0  }
.Ltmp1:
0xe2: {  	s20 =	sadd.s32 $0x300, s8;
	[sflag:s11] =	ssyncadd.s32 $0xFFFFE000;
	(pc) =	sbr.rel @p0 .LBB2_5-.Ltmp1, $4  }
0xe3: {  	[tilespmem:s1], [sflag:$0x3] =	stream.indirect.gather [hbm4b:s0+s28], $0x80, s20, s28, $0xb8;
	[tilespmem:$0x1E580] =	vst v63  }
0xe4: {  	_ =	swait.ge [sflag:s12], $0x2000  }
0xe5: {  	[sflag:s12] =	ssyncset.done $0x0  }
0xe6: {  	s8 =	sadd.s32 $0x380, s8;
	[sflag:s12] =	ssyncadd.s32 $0xFFFFE000  }
0xe7: {  	[tilespmem:s2], [sflag:$0x4] =	stream.indirect.gather [hbm4b:s0+s28], $0x80, s8, s28, $0xb8;
	[tilespmem:$0x1E580] =	vst v63  }
0xe8: {  	_ =	swait.ge [sflag:s5], $0x2000  }
0xe9: {  	[sflag:s5] =	ssyncset.done $0x0  }
0xea: {  	[sflag:s5] =	ssyncadd.s32 $0xFFFFE000  }
0xeb: {  	[spmem:s3] =	stream.indirect.scatter.add.f32 [tilespmem:s23], [sflag:$0x1], $0x80, s13, s28, $0xb8;
	[tilespmem:$0x1E580] =	vst v63  }
0xec: {  	_ = 	snop  }
0xed: {  	[spmem:s4] =	stream.indirect.scatter.add.f32 [tilespmem:s9], [sflag:$0x5], $0x1, s13, s28, $0xb8;
	[tilespmem:$0x1E580] =	vst v63  }
0xee: {  	_ =	swait.ge [sflag:s10], $0x2000  }
0xef: {  	[sflag:s10] =	ssyncset.done $0x0  }
0xf0: {  	[sflag:s10] =	ssyncadd.s32 $0xFFFFE000  }
0xf1: {  	[spmem:s3] =	stream.indirect.scatter.add.f32 [tilespmem:s30], [sflag:$0x2], $0x80, s14, s28, $0xb8;
	[tilespmem:$0x1E580] =	vst v63  }
0xf2: {  	_ = 	snop  }
0xf3: {  	[spmem:s4] =	stream.indirect.scatter.add.f32 [tilespmem:s9], [sflag:$0x5], $0x1, s14, s28, $0xb8;
	[tilespmem:$0x1E580] =	vst v63  }
0xf4: {  	_ =	swait.ge [sflag:s11], $0x2000  }
0xf5: {  	[sflag:s11] =	ssyncset.done $0x0  }
0xf6: {  	[sflag:s11] =	ssyncadd.s32 $0xFFFFE000  }
0xf7: {  	[spmem:s3] =	stream.indirect.scatter.add.f32 [tilespmem:s1], [sflag:$0x3], $0x80, s15, s28, $0xb8;
	[tilespmem:$0x1E580] =	vst v63  }
0xf8: {  	_ = 	snop  }
0xf9: {  	[spmem:s4] =	stream.indirect.scatter.add.f32 [tilespmem:s9], [sflag:$0x5], $0x1, s15, s28, $0xb8;
	[tilespmem:$0x1E580] =	vst v63  }
0xfa: {  	_ =	swait.ge [sflag:s12], $0x2000  }
0xfb: {  	[sflag:s12] =	ssyncset.done $0x0  }
0xfc: {  	[sflag:s12] =	ssyncadd.s32 $0xFFFFE000  }
0xfd: {  	[spmem:s3] =	stream.indirect.scatter.add.f32 [tilespmem:s2], [sflag:$0x4], $0x80, s16, s28, $0xb8;
	[tilespmem:$0x1E580] =	vst v63  }
0xfe: {  	_ = 	snop  }
0xff: {  	[spmem:s4] =	stream.indirect.scatter.add.f32 [tilespmem:s9], [sflag:$0x5], $0x1, s16, s28, $0xb8;
	[tilespmem:$0x1E580] =	vst v63  }
0x100: {  	_ =	swait.ge [sflag:s5], $0x2000  }
0x101: {  	[sflag:s5] =	ssyncset.done $0x0  }
0x102: {  	[sflag:s5] =	ssyncadd.s32 $0xFFFFE000  }
0x103: {  	_ =	swait.ge [sflag:s10], $0x2000  }
0x104: {  	[sflag:s10] =	ssyncset.done $0x0  }
0x105: {  	[sflag:s10] =	ssyncadd.s32 $0xFFFFE000  }
0x106: {  	_ =	swait.ge [sflag:s11], $0x2000  }
0x107: {  	[sflag:s11] =	ssyncset.done $0x0  }
0x108: {  	[sflag:s11] =	ssyncadd.s32 $0xFFFFE000  }
0x109: {  	_ =	swait.ge [sflag:s12], $0x2000  }
0x10a: {  	[sflag:s12] =	ssyncset.done $0x0  }
0x10b: {  	[sflag:s12] =	ssyncadd.s32 $0xFFFFE000  }
0x10c: {  	_ =	swait.ge [sflag:s17], $0x40  }
0x10d: {  	[sflag:s17] =	ssyncset.done $0x0  }
0x10e: {  	[sflag:s17] =	ssyncadd.s32 $0xFFFFFFC0  }
0x10f: {  	_ =	swait.ge [sflag:s17], $0x40  }
0x110: {  	[sflag:s17] =	ssyncset.done $0x0  }
0x111: {  	[sflag:s17] =	ssyncadd.s32 $0xFFFFFFC0  }
0x112: {  	_ =	swait.ge [sflag:s17], $0x40  }
0x113: {  	[sflag:s17] =	ssyncset.done $0x0  }
0x114: {  	[sflag:s17] =	ssyncadd.s32 $0xFFFFFFC0  }
0x115: {  	_ =	swait.ge [sflag:s17], $0x40  }
0x116: {  	[sflag:s17] =	ssyncset.done $0x0  }
0x117: {  	[sflag:s17] =	ssyncadd.s32 $0xFFFFFFC0  }
0x118: {  	_ =	swait.ge [sflag:s17], $0x40  }
0x119: {  	[sflag:s17] =	ssyncset.done $0x0  }
0x11a: {  	[sflag:s17] =	ssyncadd.s32 $0xFFFFFFC0  }
0x11b: {  	_ =	swait.ge [sflag:s17], $0x40  }
0x11c: {  	[sflag:s17] =	ssyncset.done $0x0  }
0x11d: {  	[sflag:s17] =	ssyncadd.s32 $0xFFFFFFC0  }
0x11e: {  	_ =	swait.ge [sflag:s17], $0x40  }
0x11f: {  	[sflag:s17] =	ssyncset.done $0x0  }
0x120: {  	[sflag:s17] =	ssyncadd.s32 $0xFFFFFFC0  }
0x121: {  	_ =	swait.ge [sflag:s17], $0x40  }
0x122: {  	[sflag:s17] =	ssyncset.done $0x0  }
0x123: {  	[sflag:s17] =	ssyncadd.s32 $0xFFFFFFC0  }
0x124: {  	_ =	swait.ge [sflag:s17], $0x40  }
0x125: {  	[sflag:s17] =	ssyncset.done $0x0  }
0x126: {  	[sflag:s17] =	ssyncadd.s32 $0xFFFFFFC0  }
0x127: {  	_ =	swait.ge [sflag:s17], $0x40  }
0x128: {  	[sflag:s17] =	ssyncset.done $0x0  }
0x129: {  	[sflag:s17] =	ssyncadd.s32 $0xFFFFFFC0  }
0x12a: {  	_ =	swait.ge [sflag:s17], $0x40  }
0x12b: {  	[sflag:s17] =	ssyncset.done $0x0  }
0x12c: {  	[sflag:s17] =	ssyncadd.s32 $0xFFFFFFC0  }
0x12d: {  	_ =	swait.ge [sflag:s17], $0x40  }
0x12e: {  	[sflag:s17] =	ssyncset.done $0x0  }
0x12f: {  	[sflag:s17] =	ssyncadd.s32 $0xFFFFFFC0  }
0x130: {  	_ =	swait.ge [sflag:s17], $0x40  }
0x131: {  	[sflag:s17] =	ssyncset.done $0x0  }
0x132: {  	[sflag:s17] =	ssyncadd.s32 $0xFFFFFFC0  }
0x133: {  	_ =	swait.ge [sflag:s17], $0x40  }
0x134: {  	[sflag:s17] =	ssyncset.done $0x0  }
0x135: {  	[sflag:s17] =	ssyncadd.s32 $0xFFFFFFC0  }
0x136: {  	_ =	swait.ge [sflag:s17], $0x40  }
0x137: {  	[sflag:s17] =	ssyncset.done $0x0  }
0x138: {  	[sflag:s17] =	ssyncadd.s32 $0xFFFFFFC0  }
0x139: {  	_ =	swait.ge [sflag:s17], $0x40  }
0x13a: {  	[sflag:s17] =	ssyncset.done $0x0  }
0x13b: {  	[sflag:s17] =	ssyncadd.s32 $0xFFFFFFC0  }
0x13c: {  	_ =	swait.ge [sflag:s17], $0x40  }
0x13d: {  	[sflag:s17] =	ssyncset.done $0x0  }
0x13e: {  	[sflag:s17] =	ssyncadd.s32 $0xFFFFFFC0  }
0x13f: {  	_ =	swait.ge [sflag:s17], $0x40  }
0x140: {  	[sflag:s17] =	ssyncset.done $0x0  }
0x141: {  	[sflag:s17] =	ssyncadd.s32 $0xFFFFFFC0  }
0x142: {  	_ =	swait.ge [sflag:s17], $0x40  }
0x143: {  	[sflag:s17] =	ssyncset.done $0x0  }
0x144: {  	[sflag:s17] =	ssyncadd.s32 $0xFFFFFFC0  }
0x145: {  	_ =	swait.ge [sflag:s17], $0x40  }
0x146: {  	[sflag:s17] =	ssyncset.done $0x0  }
0x147: {  	[sflag:s17] =	ssyncadd.s32 $0xFFFFFFC0  }
0x148: {  	_ =	swait.ge [sflag:s17], $0x40  }
0x149: {  	[sflag:s17] =	ssyncset.done $0x0  }
0x14a: {  	[sflag:s17] =	ssyncadd.s32 $0xFFFFFFC0  }
0x14b: {  	_ =	swait.ge [sflag:s17], $0x40  }
0x14c: {  	[sflag:s17] =	ssyncset.done $0x0  }
0x14d: {  	[sflag:s17] =	ssyncadd.s32 $0xFFFFFFC0  }
0x14e: {  	_ =	swait.ge [sflag:s17], $0x40  }
0x14f: {  	[sflag:s17] =	ssyncset.done $0x0  }
0x150: {  	[sflag:s17] =	ssyncadd.s32 $0xFFFFFFC0  }
0x151: {  	_ =	swait.ge [sflag:s17], $0x40  }
0x152: {  	[sflag:s17] =	ssyncset.done $0x0  }
0x153: {  	[sflag:s17] =	ssyncadd.s32 $0xFFFFFFC0  }
0x154: {  	_ =	swait.ge [sflag:s17], $0x40  }
0x155: {  	[sflag:s17] =	ssyncset.done $0x0  }
0x156: {  	[sflag:s17] =	ssyncadd.s32 $0xFFFFFFC0  }
0x157: {  	_ =	swait.ge [sflag:s17], $0x40  }
0x158: {  	[sflag:s17] =	ssyncset.done $0x0  }
0x159: {  	[sflag:s17] =	ssyncadd.s32 $0xFFFFFFC0  }
0x15a: {  	_ =	swait.ge [sflag:s17], $0x40  }
0x15b: {  	[sflag:s17] =	ssyncset.done $0x0  }
0x15c: {  	[sflag:s17] =	ssyncadd.s32 $0xFFFFFFC0  }
0x15d: {  	_ =	swait.ge [sflag:s17], $0x40  }
0x15e: {  	[sflag:s17] =	ssyncset.done $0x0  }
0x15f: {  	[sflag:s17] =	ssyncadd.s32 $0xFFFFFFC0  }
0x160: {  	_ =	swait.ge [sflag:s17], $0x40  }
0x161: {  	[sflag:s17] =	ssyncset.done $0x0  }
0x162: {  	[sflag:s17] =	ssyncadd.s32 $0xFFFFFFC0  }
0x163: {  	_ =	swait.ge [sflag:s17], $0x40  }
0x164: {  	[sflag:s17] =	ssyncset.done $0x0  }
0x165: {  	s22 =	sadd.s32 $0x1, s22;
	[sflag:s17] =	ssyncadd.s32 $0xFFFFFFC0  }
0x166: {  	p0 =	sne.s32 s22, $0x5;
	_ =	swait.ge [sflag:s17], $0x40  }
.Ltmp2:
0x167: {  	[sflag:s17] =	ssyncset.done $0x0;
	(pc) =	sbr.rel @p0 .LBB2_4-.Ltmp2, $4  }
0x168: {  	[sflag:s17] =	ssyncadd.s32 $0xFFFFFFC0  }
0x169: {  	_ =	swait.ge [sflag:s17], $0x40  }
0x16a: {  	[sflag:s17] =	ssyncset.done $0x0  }
0x16b: {  	[sflag:s17] =	ssyncadd.s32 $0xFFFFFFC0  }
0x16c: {  	s8 =	stileid.u32;
	[bflag:$0x0] =	sbarrier.arrive $0xFFFF  }
0x16d: {  	s8 =	sshll.u32 s8, $0x6;
	s20 =	rddreg [dreg:$0x6]  }
0x16e: {  	s21 =	rddreg [dreg:$0x11];
	s8 =	sor.u32 $0x1C06, s8;
	s18 =	sshrl.u32 s20, $0x3  }
0x16f: {  	[hbm:s21], [sflag:s8] =	dma.local [spmem:s18], $0x2800  }
0x170: {  	_ =	swait.ge [sflag:s24], $0x2800  }
0x171: {  	s26 =	rddreg [dreg:$0x10]  }
0x172: {  	s22 =	simm.s32 $0x20;
	[sflag:s24] =	ssyncset.done $0x0;
	s21 =	rddreg [dreg:$0x12]  }
0x173: {  	[sflag:s24] =	ssyncadd.s32 $0xFFFFD800;
	s18 =	sshrl.u32 s26, $0x3;
	s26 =	simm.s32 $0x10  }
0x174: {  	[hbm:s21@s22], [sflag:s8] =	dma.strided [spmem:s18@s26], $0x50, s5, $0x10   }
0x175: {  	_ =	swait.ge [sflag:s24], $0x50  }
0x176: {  	s21 =	rddreg [dreg:$0x14]  }
0x177: {  	s22 =	rddreg [dreg:$0x13];
	s18 =	sadd.s32 $0x1, s21  }
0x178: {  	p0 =	sne.s32 s18, s22  }
.Ltmp3:
0x179: {  	_ = 	snop;
	(pc) =	sbr.rel @p0 .LBB2_1-.Ltmp3, $3  }
0x17a: {  	_ =	sdelay $0x1  }
0x17b: {  	[sflag:s24] =	ssyncset.done $0x0  }
0x17c: {  	s26 =	simm.s32 $0x1000;
	[sflag:s24] =	ssyncadd.s32 $0xFFFFFFB0  }
0x17d: {  	_ =	sfence.sel $0x180000  }
0x17e: {  	[bflag:$0x0] =	sbarrier.arrive $0xFFFF  }
0x17f: {  	_ =	strace $0x90000047  }
0x180: {  	s0 =	stileid.u32;
	[bflag:$0x2] =	sbarrier.arrive $0xFFFF  }
0x181: {  	p0 =	sne.s32 s0, $0x0;
	s0 =	rddreg [dreg:$0x5]  }
0x182: {  	s0 =	sadd.s32 @!p0 $0x100000, s0  }
0x183: {  	[sflag:s0] =	ssyncadd.tile.s32 @!p0 $0x1;
	_ =	shalt  }
.Lfunc_end2:
_tile_overlayer_lowered:
.L_overlay_start_2:
0x184: {  	(tag) =	ssettag $0x2  }
0x185: {  	s0 =	rddreg [dreg:$0x0];
	s2 =	stileid.u32  }
0x186: {  	s1 =	rddreg [dreg:$0x1];
	p0 =	sne.s32 s2, $0x0  }
0x187: {  	s3 =	rddreg [dreg:$0x2];
	[bflag:$0x3] =	sbarrier.arrive $0xFFFF;
	s2 =	simm.s32 @!p0 $0x1C06  }
0x188: {  	[timem:s3], [sflag:s2] =	dma.local @!p0 [hbm:s0], s1  }
0x189: {  	s0 =	simm.s32 @!p0 $0x6  }
0x18a: {  	_ =	swait.ge @!p0 [sflag:s0], s1  }
0x18b: {  	s1 =	ssub.s32 @!p0 $0x0, s1;
	[sflag:s0] =	ssyncset.done @!p0 $0x0  }
0x18c: {  	[sflag:s0] =	ssyncadd.s32 @!p0 s1  }
0x18d: {  	[bflag:$0x3] =	sbarrier.arrive $0xFFFF  }
0x18e: {  	_ =	shalt  }

</sc_bundles>
